<compile_context>
chip_gen: v7x
topology: tpu7x:2x2x1
jax: 0.10.2.dev20260603
libtpu: 0.0.44.dev20260713+nightly
codegen_flags: <defaults>
</compile_context>

<pallas_src>
import functools

import jax
import jax.numpy as jnp
from jax import lax
from jax.experimental import pallas as pl
from jax.experimental.pallas import tpu as pltpu
from jax.experimental.pallas import tpu_sc as plsc

N = 10000
E = 320000
C = 8
IN = 128
H = 256
OUT = 128
G = 16

NPAD = 10240
EPAD = 327680
BN = 512
NB = NPAD // BN
CH = 128
NTILE = 16
RPT = NPAD // NTILE

_SC_MESH = dict(core_axis_name="c", subcore_axis_name="s")


def _zero_buf(buf, d):
    def zrow(r, _):
        for j in range(d // 16):
            buf[r, pl.ds(j * 16, 16)] = jnp.zeros((16,), jnp.float32)
        return 0

    lax.fori_loop(0, CH, zrow, 0)


def _zero_acc(buf, acc_sh, sid):
    base_r = sid * RPT
    for j in range(RPT // CH):
        pltpu.sync_copy(buf, acc_sh.at[pl.ds(base_r + j * CH, CH)])


def _make_deg_kernel():
    ept = EPAD // 2 // NTILE
    nchunk = ept // CH

    @functools.partial(
        pl.kernel,
        mesh=plsc.VectorSubcoreMesh(**_SC_MESH),
        out_type=jax.ShapeDtypeStruct((2 * NPAD, 128), jnp.float32),
        scratch_types=[
            pltpu.VMEM((EPAD // 2 // NTILE,), jnp.int32),
            pltpu.VMEM((CH, 128), jnp.float32),
            pltpu.VMEM_SHARED((NPAD, 128), jnp.float32),
        ],
    )
    def deg_kernel(col_hbm, out_hbm, idxc, vbuf, deg_sh):
        cid = lax.axis_index("c")
        sid = lax.axis_index("s")
        _zero_buf(vbuf, 128)
        _zero_acc(vbuf, deg_sh, sid)

        def orow(r, _):
            for j in range(128 // 16):
                vbuf[r, pl.ds(j * 16, 16)] = jnp.full((16,), 1.0, jnp.float32)
            return 0

        lax.fori_loop(0, CH, orow, 0)
        ebase = cid * (EPAD // 2) + sid * ept
        pltpu.sync_copy(col_hbm.at[pl.ds(ebase, ept)], idxc)
        plsc.subcore_barrier()

        def chunk(g, _):
            pltpu.sync_copy(vbuf, deg_sh.at[idxc.at[pl.ds(g * CH, CH)]],
                            add=True)
            return 0

        lax.fori_loop(0, nchunk, chunk, 0)
        plsc.subcore_barrier()
        base_r = sid * RPT
        pltpu.sync_copy(
            deg_sh.at[pl.ds(base_r, RPT)],
            out_hbm.at[pl.ds(cid * NPAD + base_r, RPT)],
        )

    return deg_kernel


def _make_agg_kernel(edge_split):
    ept = EPAD // NTILE // (2 if edge_split else 1)
    nchunk = ept // CH

    @functools.partial(
        pl.kernel,
        mesh=plsc.VectorSubcoreMesh(**_SC_MESH),
        out_type=jax.ShapeDtypeStruct((2 * NPAD, 128), jnp.float32),
        scratch_types=(
            [pltpu.VMEM((CH,), jnp.int32)] * 8
            + [pltpu.VMEM((CH, 128), jnp.float32)] * 2
            + [pltpu.VMEM_SHARED((NPAD, 128), jnp.float32)]
            + [pltpu.SemaphoreType.DMA] * 10
        ),
    )
    def agg_kernel(row_hbm, col_hbm, y_hbm, out_hbm,
                   ir0, ir1, ir2, ir3, ic0, ic1, ic2, ic3, buf0, buf1,
                   acc_sh, g0s, g1s, r0s, r1s, r2s, r3s, c0s, c1s, c2s, c3s):
        cid = lax.axis_index("c")
        sid = lax.axis_index("s")
        _zero_buf(buf0, 128)
        _zero_acc(buf0, acc_sh, sid)
        plsc.subcore_barrier()

        if edge_split:
            rbase = cid * (EPAD // 2) + sid * ept
            cbase = rbase
        else:
            rbase = cid * EPAD + sid * ept
            cbase = sid * ept

        idxr = (ir0, ir1, ir2, ir3)
        idxc = (ic0, ic1, ic2, ic3)
        buf = (buf0, buf1)
        gsem = (g0s, g1s)
        rsem = (r0s, r1s, r2s, r3s)
        csem = (c0s, c1s, c2s, c3s)

        def idx_load(g, s):
            return (pltpu.make_async_copy(
                        row_hbm.at[pl.ds(rbase + g * CH, CH)],
                        idxr[s], rsem[s]),
                    pltpu.make_async_copy(
                        col_hbm.at[pl.ds(cbase + g * CH, CH)],
                        idxc[s], csem[s]))

        def idx_start(g, s):
            a, b = idx_load(g, s)
            a.start()
            b.start()

        def idx_wait(g, s):
            a, b = idx_load(g, s)
            a.wait()
            b.wait()

        def gather(s, bs):
            return pltpu.make_async_copy(y_hbm.at[idxr[s]], buf[bs], gsem[bs])

        idx_start(0, 0)
        idx_wait(0, 0)
        gather(0, 0).start()
        idx_start(1, 1)

        def quad(i, _):
            q = 4 * i
            for k in range(4):
                g = q + k
                is_ = k
                bs = k % 2

                def stage_a(g=g, s=(k + 2) % 4):
                    idx_start(g + 2, s)

                def stage_b(g=g, s=(k + 1) % 4, nb=(k + 1) % 2):
                    idx_wait(g + 1, s)
                    gather(s, nb).start()

                if k < 2:
                    stage_a()
                else:
                    pl.when(g + 2 < nchunk)(stage_a)
                if k < 3:
                    stage_b()
                else:
                    pl.when(g + 1 < nchunk)(stage_b)
                gather(is_, bs).wait()
                pltpu.sync_copy(buf[bs], acc_sh.at[idxc[is_]], add=True)
            return 0

        lax.fori_loop(0, nchunk // 4, quad, 0)
        plsc.subcore_barrier()
        base_r = sid * RPT
        pltpu.sync_copy(
            acc_sh.at[pl.ds(base_r, RPT)],
            out_hbm.at[pl.ds(cid * NPAD + base_r, RPT)],
        )

    return agg_kernel


def _prep_body(degc_ref, xf_ref, dis_ref, y_ref):
    deg = degc_ref[0] + degc_ref[1] + 1.0
    dis = lax.rsqrt(deg)
    dis_ref[...] = dis
    y_ref[...] = dis * xf_ref[...]


def _prep_tc(degc, xfp):
    return pl.pallas_call(
        _prep_body,
        out_shape=(
            jax.ShapeDtypeStruct((NPAD, 1), jnp.float32),
            jax.ShapeDtypeStruct((NPAD, IN), jnp.float32),
        ),
    )(degc, xfp)


def _layer_body(acc_ref, yp_ref, dis_ref, lab_ref, bat_ref, W_ref, b_ref,
                yn_ref, pooled_ref, *, split, last):
    i = pl.program_id(0)
    dis = dis_ref[...]
    if split:
        agg = jnp.concatenate(
            [acc_ref[0] + yp_ref[0], acc_ref[1] + yp_ref[1]], axis=1) * dis
    else:
        agg = (acc_ref[0] + acc_ref[1] + yp_ref[...]) * dis
    lab = lab_ref[0]
    aggh = agg.astype(jnp.bfloat16)
    x2 = jnp.zeros((BN, H), jnp.float32)
    for c in range(C):
        v = jnp.dot(aggh, W_ref[c].astype(jnp.bfloat16),
                    preferred_element_type=jnp.float32) + b_ref[c]
        x2 = jnp.where(lab == c, v, x2)
    bat = bat_ref[0]
    oh = (lax.broadcasted_iota(jnp.int32, (G, BN), 0) == bat
          ).astype(jnp.float32)

    @pl.when(i == 0)
    def _():
        pooled_ref[...] = jnp.zeros((G, H), jnp.float32)

    pooled_ref[...] += jnp.dot(oh, x2, preferred_element_type=jnp.float32)
    if not last:
        yn = x2 * dis
        yn_ref[0] = yn[:, : H // 2]
        yn_ref[1] = yn[:, H // 2 :]


def _common_specs(W, b3, split):
    yp_spec = (pl.BlockSpec((2, BN, 128), lambda i: (0, i, 0)) if split
               else pl.BlockSpec((BN, 128), lambda i: (i, 0)))
    return [
        pl.BlockSpec((2, BN, 128), lambda i: (0, i, 0)),
        yp_spec,
        pl.BlockSpec((BN, 1), lambda i: (i, 0)),
        pl.BlockSpec((1, BN, 1), lambda i: (i, 0, 0)),
        pl.BlockSpec((1, 1, BN), lambda i: (i, 0, 0)),
        pl.BlockSpec(W.shape, lambda i: (0, 0, 0)),
        pl.BlockSpec(b3.shape, lambda i: (0, 0, 0)),
    ]


def _layer_tc(acc, yp, dis, lab3, bat3, W, b3, split):
    out_specs = (
        pl.BlockSpec((2, BN, H // 2), lambda i: (0, i, 0)),
        pl.BlockSpec((G, H), lambda i: (0, 0)),
    )
    out_shape = (
        jax.ShapeDtypeStruct((2, NPAD, H // 2), jnp.float32),
        jax.ShapeDtypeStruct((G, H), jnp.float32),
    )
    return pl.pallas_call(
        functools.partial(_layer_body, split=split, last=False),
        grid=(NB,), in_specs=_common_specs(W, b3, split),
        out_specs=out_specs, out_shape=out_shape,
    )(acc, yp, dis, lab3, bat3, W, b3)


def _last_body(acc_ref, yp_ref, dis_ref, lab_ref, bat_ref, W_ref, b_ref,
               p0_ref, p1_ref, M1_ref, mb1_ref, M2_ref, mb2_ref,
               out_ref, pooled_ref):
    _layer_body(acc_ref, yp_ref, dis_ref, lab_ref, bat_ref, W_ref, b_ref,
                None, pooled_ref, split=True, last=True)
    i = pl.program_id(0)

    @pl.when(i == NB - 1)
    def _():
        h = jnp.concatenate([p0_ref[...], p1_ref[...], pooled_ref[...]], axis=1)
        hh = jnp.maximum(
            jnp.dot(h, M1_ref[...], preferred_element_type=jnp.float32)
            + mb1_ref[...], 0.0)
        out_ref[...] = (jnp.dot(hh, M2_ref[...], preferred_element_type=jnp.float32)
                        + mb2_ref[...])


def _last_tc(acc, yp, dis, lab3, bat3, W, b3, p0, p1, M1, mb1, M2, mb2):
    in_specs = _common_specs(W, b3, True) + [
        pl.BlockSpec((G, H), lambda i: (0, 0)),
        pl.BlockSpec((G, H), lambda i: (0, 0)),
        pl.BlockSpec(M1.shape, lambda i: (0, 0)),
        pl.BlockSpec((1, H), lambda i: (0, 0)),
        pl.BlockSpec(M2.shape, lambda i: (0, 0)),
        pl.BlockSpec((1, OUT), lambda i: (0, 0)),
    ]
    out_specs = (
        pl.BlockSpec((G, OUT), lambda i: (0, 0)),
        pl.BlockSpec((G, H), lambda i: (0, 0)),
    )
    out_shape = (
        jax.ShapeDtypeStruct((G, OUT), jnp.float32),
        jax.ShapeDtypeStruct((G, H), jnp.float32),
    )
    out, _ = pl.pallas_call(
        _last_body,
        grid=(NB,), in_specs=in_specs, out_specs=out_specs, out_shape=out_shape,
    )(acc, yp, dis, lab3, bat3, W, b3, p0, p1, M1, mb1, M2, mb2)
    return out


_deg_kernel = _make_deg_kernel()
_agg_e = _make_agg_kernel(edge_split=True)
_agg_f = _make_agg_kernel(edge_split=False)


def kernel(x_feat, clustering_labels, edge_index, batch,
           W0, b0, W1, b1, W2, b2, M1, mb1, M2, mb2):
    row = edge_index[0].astype(jnp.int32)
    col = edge_index[1].astype(jnp.int32)
    padi = (jnp.arange(EPAD - E, dtype=jnp.int32) % (NPAD - N)) + N
    rowp1 = jnp.concatenate([row, padi])
    rowp = jnp.concatenate([rowp1, rowp1 + NPAD])
    colp = jnp.concatenate([col, padi])
    xfp = jnp.pad(x_feat, ((0, NPAD - N), (0, 0)))
    lab3 = jnp.pad(clustering_labels.astype(jnp.int32),
                   (0, NPAD - N)).reshape(NB, BN, 1)
    bat3 = jnp.pad(batch.astype(jnp.int32), (0, NPAD - N),
                   constant_values=-1).reshape(NB, 1, BN)

    degc = _deg_kernel(colp).reshape(2, NPAD, 128)[:, :, 0:1]
    dis, y0 = _prep_tc(degc, xfp)

    acc0 = _agg_e(rowp, colp, y0).reshape(2, NPAD, 128)
    y1, p0 = _layer_tc(acc0, y0, dis, lab3, bat3,
                       W0, b0.reshape(C, 1, H), split=False)
    acc1 = _agg_f(rowp, colp, y1.reshape(2 * NPAD, H // 2)).reshape(2, NPAD, 128)
    y2, p1 = _layer_tc(acc1, y1, dis, lab3, bat3,
                       W1, b1.reshape(C, 1, H), split=True)
    acc2 = _agg_f(rowp, colp, y2.reshape(2 * NPAD, H // 2)).reshape(2, NPAD, 128)
    out = _last_tc(acc2, y2, dis, lab3, bat3,
                   W2, b2.reshape(C, 1, H), p0, p1,
                   M1, mb1.reshape(1, H), M2, mb2.reshape(1, OUT))
    return out

# --- scband reference (transcript-rebuilt; emitter-appended) ---
"""Pipeline reference for scband-partition-enhanced-gcn-31482110280434 (READ-ONLY COPY).

The authoritative reference and input builder live on the scoring server;
editing this copy changes nothing except your own understanding.
"""

import jax, jax.numpy as jnp
import numpy as np

N = 10000
E = 320000
C = 8
L = 3
IN = 128
H = 256
OUT = 128
G = 16


def setup_inputs(seed: int = 0) -> dict:
    key = jax.random.key(seed)
    ks = jax.random.split(key, 12)
    x_feat = jax.random.normal(ks[0], (N, IN), dtype=jnp.float32)
    clustering_labels = jax.random.randint(ks[1], (N,), 0, C)
    edge_index = jax.random.randint(ks[2], (2, E), 0, N)
    batch = jnp.sort(jax.random.randint(ks[3], (N,), 0, G))
    W0 = jax.random.normal(ks[4], (C, IN, H), dtype=jnp.float32) / np.sqrt(IN)
    b0 = jnp.zeros((C, H), dtype=jnp.float32)
    W1 = jax.random.normal(ks[5], (C, H, H), dtype=jnp.float32) / np.sqrt(H)
    b1 = jnp.zeros((C, H), dtype=jnp.float32)
    W2 = jax.random.normal(ks[6], (C, H, H), dtype=jnp.float32) / np.sqrt(H)
    b2 = jnp.zeros((C, H), dtype=jnp.float32)
    M1 = jax.random.normal(ks[7], (L * H, H), dtype=jnp.float32) / np.sqrt(L * H)
    mb1 = jnp.zeros((H,), dtype=jnp.float32)
    M2 = jax.random.normal(ks[8], (H, OUT), dtype=jnp.float32) / np.sqrt(H)
    mb2 = jnp.zeros((OUT,), dtype=jnp.float32)
    return {"x_feat": x_feat, "clustering_labels": clustering_labels,
            "edge_index": edge_index, "batch": batch,
            "W0": W0, "b0": b0, "W1": W1, "b1": b1, "W2": W2, "b2": b2,
            "M1": M1, "mb1": mb1, "M2": M2, "mb2": mb2}


def gcn_norm(edge_index, num_nodes):
    # add self loops (improved=False -> fill_value=1.0), then symmetric normalization
    row = jnp.concatenate([edge_index[0], jnp.arange(num_nodes)])
    col = jnp.concatenate([edge_index[1], jnp.arange(num_nodes)])
    w = jnp.ones(row.shape[0], dtype=jnp.float32)
    deg = jax.ops.segment_sum(w, col, num_segments=num_nodes)
    dis = jnp.where(deg > 0, 1.0 / jnp.sqrt(deg), 0.0)
    norm = dis[row] * w * dis[col]
    return row, col, norm


def conv_apply(x, row, col, norm, W, b, num_nodes):
    # GCNConv: x = lin(x); propagate (scatter-add of norm-weighted src msgs to dst); + bias
    xl = x @ W
    out = jax.ops.segment_sum(norm[:, None] * xl[row], col, num_segments=num_nodes)
    return out + b


def reference(x_feat, clustering_labels, edge_index, batch,
              W0, b0, W1, b1, W2, b2, M1, mb1, M2, mb2):
    # data.x = [labels | features]; model uses x = cat(features, zeros(H-IN))
    x = jnp.concatenate([x_feat, jnp.zeros((N, H - IN), dtype=x_feat.dtype)], axis=1)
    row, col, norm = gcn_norm(edge_index, N)
    Ws = [W0, W1, W2]
    bs = [b0, b1, b2]
    pooled = []
    for t in range(L):
        x2 = jnp.zeros((N, H), dtype=x.dtype)
        for c in range(C):
            mask = clustering_labels == c
            inp = x[:, :IN] if t == 0 else x
            out = conv_apply(inp, row, col, norm, Ws[t][c], bs[t][c], N)
            # x2[mask, :] = out[mask, :]
            x2 = jnp.where(mask[:, None], out, x2)
        x = x2
        pooled.append(jax.ops.segment_sum(x, batch, num_segments=G))
    h = jnp.concatenate(pooled, axis=1)
    # pool MLP: Linear -> ReLU -> Linear (batch-norm at init is identity in eval)
    h = jax.nn.relu(h @ M1 + mb1)
    return h @ M2 + mb2

if __name__ == "__main__":
    import jax
    _d = setup_inputs()
    print(jax.jit(kernel)(*tuple(_d.values())))

</pallas_src>

<mosaic_0001>
#map = affine_map<(d0, d1) -> (0)>
#map1 = affine_map<(d0, d1) -> (0, 0)>
module attributes {stable_mosaic.version = 14 : i64} {
  func.func @agg_kernel(%arg0: i32, %arg1: i32, %arg2: memref<655360xi32, #tpu.memory_space<hbm>>, %arg3: memref<327680xi32, #tpu.memory_space<hbm>>, %arg4: memref<20480x128xf32, #tpu.memory_space<hbm>>, %arg5: memref<20480x128xf32, #tpu.memory_space<hbm>>, %arg6: memref<128xi32, #tpu.memory_space<vmem>>, %arg7: memref<128xi32, #tpu.memory_space<vmem>>, %arg8: memref<128xi32, #tpu.memory_space<vmem>>, %arg9: memref<128xi32, #tpu.memory_space<vmem>>, %arg10: memref<128xi32, #tpu.memory_space<vmem>>, %arg11: memref<128xi32, #tpu.memory_space<vmem>>, %arg12: memref<128xi32, #tpu.memory_space<vmem>>, %arg13: memref<128xi32, #tpu.memory_space<vmem>>, %arg14: memref<128x128xf32, #tpu.memory_space<vmem>>, %arg15: memref<128x128xf32, #tpu.memory_space<vmem>>, %arg16: memref<10240x128xf32, #tpu.memory_space<vmem_shared>>, %arg17: memref<!tpu.dma_semaphore, #tpu.memory_space<semaphore_mem>>, %arg18: memref<!tpu.dma_semaphore, #tpu.memory_space<semaphore_mem>>, %arg19: memref<!tpu.dma_semaphore, #tpu.memory_space<semaphore_mem>>, %arg20: memref<!tpu.dma_semaphore, #tpu.memory_space<semaphore_mem>>, %arg21: memref<!tpu.dma_semaphore, #tpu.memory_space<semaphore_mem>>, %arg22: memref<!tpu.dma_semaphore, #tpu.memory_space<semaphore_mem>>, %arg23: memref<!tpu.dma_semaphore, #tpu.memory_space<semaphore_mem>>, %arg24: memref<!tpu.dma_semaphore, #tpu.memory_space<semaphore_mem>>, %arg25: memref<!tpu.dma_semaphore, #tpu.memory_space<semaphore_mem>>, %arg26: memref<!tpu.dma_semaphore, #tpu.memory_space<semaphore_mem>>) attributes {dimension_semantics = [#tpu.dimension_semantics<core_parallel>, #tpu.dimension_semantics<subcore_parallel>], iteration_bounds = array<i64: 2, 16>, scalar_prefetch = 0 : i64, scratch_operands = 21 : i64, tpu.core_type = #tpu.core_type<sc_vector_subcore>, window_params = [{transform_indices = #map}, {transform_indices = #map}, {transform_indices = #map1}, {transform_indices = #map1}]} {
    %scan3A = arith.constant 0 : i32
    %scan3A_0 = arith.constant 0 : i32
    %scan3A_1 = arith.constant 128 : i32
    %scan3A_2 = arith.addi %scan3A_0, %scan3A_1 : i32
    %scan3A_3 = arith.constant 1 : i32
    %scan3A_4 = scf.for %scan3A_61 = %scan3A_0 to %scan3A_2 step %scan3A_3 iter_args(%scan3A_62 = %scan3A) -> (i32)  : i32 {
      %broadcast_in_dim3A = arith.constant 0.000000e+00 : f32
      %broadcast_in_dim3A_63 = vector.broadcast %broadcast_in_dim3A : f32 to vector<16xf32>
      %swap3A = arith.index_cast %scan3A_61 : i32 to index
      %swap3A_64 = arith.constant 0 : index
      %swap3A_65 = tpu.vector_load %arg14[%swap3A, %swap3A_64] {strides = array<i32>} : memref<128x128xf32, #tpu.memory_space<vmem>>, vector<1x16xf32>,
      %swap3A_66 = vector.shape_cast %swap3A_65 : vector<1x16xf32> to vector<16xf32>
      %swap3A_67 = vector.shape_cast %broadcast_in_dim3A_63 : vector<16xf32> to vector<1x16xf32>
      tpu.vector_store %arg14[%swap3A, %swap3A_64], %swap3A_67 {strides = array<i32>} : memref<128x128xf32, #tpu.memory_space<vmem>>, vector<1x16xf32>,
      %broadcast_in_dim3A_68 = arith.constant 0.000000e+00 : f32
      %broadcast_in_dim3A_69 = vector.broadcast %broadcast_in_dim3A_68 : f32 to vector<16xf32>
      %swap3A_70 = arith.index_cast %scan3A_61 : i32 to index
      %swap3A_71 = arith.constant 16 : index
      %swap3A_72 = tpu.vector_load %arg14[%swap3A_70, %swap3A_71] {strides = array<i32>} : memref<128x128xf32, #tpu.memory_space<vmem>>, vector<1x16xf32>,
      %swap3A_73 = vector.shape_cast %swap3A_72 : vector<1x16xf32> to vector<16xf32>
      %swap3A_74 = vector.shape_cast %broadcast_in_dim3A_69 : vector<16xf32> to vector<1x16xf32>
      tpu.vector_store %arg14[%swap3A_70, %swap3A_71], %swap3A_74 {strides = array<i32>} : memref<128x128xf32, #tpu.memory_space<vmem>>, vector<1x16xf32>,
      %broadcast_in_dim3A_75 = arith.constant 0.000000e+00 : f32
      %broadcast_in_dim3A_76 = vector.broadcast %broadcast_in_dim3A_75 : f32 to vector<16xf32>
      %swap3A_77 = arith.index_cast %scan3A_61 : i32 to index
      %swap3A_78 = arith.constant 32 : index
      %swap3A_79 = tpu.vector_load %arg14[%swap3A_77, %swap3A_78] {strides = array<i32>} : memref<128x128xf32, #tpu.memory_space<vmem>>, vector<1x16xf32>,
      %swap3A_80 = vector.shape_cast %swap3A_79 : vector<1x16xf32> to vector<16xf32>
      %swap3A_81 = vector.shape_cast %broadcast_in_dim3A_76 : vector<16xf32> to vector<1x16xf32>
      tpu.vector_store %arg14[%swap3A_77, %swap3A_78], %swap3A_81 {strides = array<i32>} : memref<128x128xf32, #tpu.memory_space<vmem>>, vector<1x16xf32>,
      %broadcast_in_dim3A_82 = arith.constant 0.000000e+00 : f32
      %broadcast_in_dim3A_83 = vector.broadcast %broadcast_in_dim3A_82 : f32 to vector<16xf32>
      %swap3A_84 = arith.index_cast %scan3A_61 : i32 to index
      %swap3A_85 = arith.constant 48 : index
      %swap3A_86 = tpu.vector_load %arg14[%swap3A_84, %swap3A_85] {strides = array<i32>} : memref<128x128xf32, #tpu.memory_space<vmem>>, vector<1x16xf32>,
      %swap3A_87 = vector.shape_cast %swap3A_86 : vector<1x16xf32> to vector<16xf32>
      %swap3A_88 = vector.shape_cast %broadcast_in_dim3A_83 : vector<16xf32> to vector<1x16xf32>
      tpu.vector_store %arg14[%swap3A_84, %swap3A_85], %swap3A_88 {strides = array<i32>} : memref<128x128xf32, #tpu.memory_space<vmem>>, vector<1x16xf32>,
      %broadcast_in_dim3A_89 = arith.constant 0.000000e+00 : f32
      %broadcast_in_dim3A_90 = vector.broadcast %broadcast_in_dim3A_89 : f32 to vector<16xf32>
      %swap3A_91 = arith.index_cast %scan3A_61 : i32 to index
      %swap3A_92 = arith.constant 64 : index
      %swap3A_93 = tpu.vector_load %arg14[%swap3A_91, %swap3A_92] {strides = array<i32>} : memref<128x128xf32, #tpu.memory_space<vmem>>, vector<1x16xf32>,
      %swap3A_94 = vector.shape_cast %swap3A_93 : vector<1x16xf32> to vector<16xf32>
      %swap3A_95 = vector.shape_cast %broadcast_in_dim3A_90 : vector<16xf32> to vector<1x16xf32>
      tpu.vector_store %arg14[%swap3A_91, %swap3A_92], %swap3A_95 {strides = array<i32>} : memref<128x128xf32, #tpu.memory_space<vmem>>, vector<1x16xf32>,
      %broadcast_in_dim3A_96 = arith.constant 0.000000e+00 : f32
      %broadcast_in_dim3A_97 = vector.broadcast %broadcast_in_dim3A_96 : f32 to vector<16xf32>
      %swap3A_98 = arith.index_cast %scan3A_61 : i32 to index
      %swap3A_99 = arith.constant 80 : index
      %swap3A_100 = tpu.vector_load %arg14[%swap3A_98, %swap3A_99] {strides = array<i32>} : memref<128x128xf32, #tpu.memory_space<vmem>>, vector<1x16xf32>,
      %swap3A_101 = vector.shape_cast %swap3A_100 : vector<1x16xf32> to vector<16xf32>
      %swap3A_102 = vector.shape_cast %broadcast_in_dim3A_97 : vector<16xf32> to vector<1x16xf32>
      tpu.vector_store %arg14[%swap3A_98, %swap3A_99], %swap3A_102 {strides = array<i32>} : memref<128x128xf32, #tpu.memory_space<vmem>>, vector<1x16xf32>,
      %broadcast_in_dim3A_103 = arith.constant 0.000000e+00 : f32
      %broadcast_in_dim3A_104 = vector.broadcast %broadcast_in_dim3A_103 : f32 to vector<16xf32>
      %swap3A_105 = arith.index_cast %scan3A_61 : i32 to index
      %swap3A_106 = arith.constant 96 : index
      %swap3A_107 = tpu.vector_load %arg14[%swap3A_105, %swap3A_106] {strides = array<i32>} : memref<128x128xf32, #tpu.memory_space<vmem>>, vector<1x16xf32>,
      %swap3A_108 = vector.shape_cast %swap3A_107 : vector<1x16xf32> to vector<16xf32>
      %swap3A_109 = vector.shape_cast %broadcast_in_dim3A_104 : vector<16xf32> to vector<1x16xf32>
      tpu.vector_store %arg14[%swap3A_105, %swap3A_106], %swap3A_109 {strides = array<i32>} : memref<128x128xf32, #tpu.memory_space<vmem>>, vector<1x16xf32>,
      %broadcast_in_dim3A_110 = arith.constant 0.000000e+00 : f32
      %broadcast_in_dim3A_111 = vector.broadcast %broadcast_in_dim3A_110 : f32 to vector<16xf32>
      %swap3A_112 = arith.index_cast %scan3A_61 : i32 to index
      %swap3A_113 = arith.constant 112 : index
      %swap3A_114 = tpu.vector_load %arg14[%swap3A_112, %swap3A_113] {strides = array<i32>} : memref<128x128xf32, #tpu.memory_space<vmem>>, vector<1x16xf32>,
      %swap3A_115 = vector.shape_cast %swap3A_114 : vector<1x16xf32> to vector<16xf32>
      %swap3A_116 = vector.shape_cast %broadcast_in_dim3A_111 : vector<16xf32> to vector<1x16xf32>
      tpu.vector_store %arg14[%swap3A_112, %swap3A_113], %swap3A_116 {strides = array<i32>} : memref<128x128xf32, #tpu.memory_space<vmem>>, vector<1x16xf32>,
      %scan3A_117 = arith.constant 0 : i32
      scf.yield %scan3A_117 : i32
    }
    %scan3A_5 = arith.constant 128 : i32
    %mul3A = arith.constant 640 : i32
    %mul3A_6 = arith.muli %arg1, %mul3A : i32
    %add3A = arith.constant 0 : i32
    %add3A_7 = arith.addi %mul3A_6, %add3A : i32
    "tpu.region"() ({
      %run_scoped3A = tpu.sem_alloc : memref<!tpu.dma_semaphore, #tpu.memory_space<semaphore_mem>>
      %dma_start3A_61 = arith.constant 0 : i32
      %dma_start3A_62 = tpu.memref_slice %arg16[%add3A_7, %dma_start3A_61] : memref<10240x128xf32, #tpu.memory_space<vmem_shared>> -> memref<128x128xf32, #tpu.memory_space<vmem_shared>>
      %dma_start3A_63 = arith.constant 0 : i32
      %dma_start3A_64 = tpu.memref_slice %arg16[%add3A_7, %dma_start3A_63] : memref<10240x128xf32, #tpu.memory_space<vmem_shared>> -> memref<128x128xf32, #tpu.memory_space<vmem_shared>>
      tpu.enqueue_dma source(%arg14 : memref<128x128xf32, #tpu.memory_space<vmem>>) target(%dma_start3A_64 : memref<128x128xf32, #tpu.memory_space<vmem_shared>>) target_semaphore(%run_scoped3A : memref<!tpu.dma_semaphore, #tpu.memory_space<semaphore_mem>>)
      %dma_wait3A_65 = arith.constant 0 : i32
      %dma_wait3A_66 = tpu.memref_slice %arg16[%add3A_7, %dma_wait3A_65] : memref<10240x128xf32, #tpu.memory_space<vmem_shared>> -> memref<128x128xf32, #tpu.memory_space<vmem_shared>>
      %dma_wait3A_67 = arith.constant 0 : i32
      %dma_wait3A_68 = tpu.memref_slice %arg16[%add3A_7, %dma_wait3A_67] : memref<10240x128xf32, #tpu.memory_space<vmem_shared>> -> memref<128x128xf32, #tpu.memory_space<vmem_shared>>
      tpu.wait_dma2 semaphore(%run_scoped3A : memref<!tpu.dma_semaphore, #tpu.memory_space<semaphore_mem>>) src(%arg14 : memref<128x128xf32, #tpu.memory_space<vmem>>) dst(%dma_wait3A_68 : memref<128x128xf32, #tpu.memory_space<vmem_shared>>)
      tpu.yield
    }) : () -> ()
    %add3A_8 = arith.constant 128 : i32
    %add3A_9 = arith.addi %mul3A_6, %add3A_8 : i32
    "tpu.region"() ({
      %run_scoped3A = tpu.sem_alloc : memref<!tpu.dma_semaphore, #tpu.memory_space<semaphore_mem>>
      %dma_start3A_61 = arith.constant 0 : i32
      %dma_start3A_62 = tpu.memref_slice %arg16[%add3A_9, %dma_start3A_61] : memref<10240x128xf32, #tpu.memory_space<vmem_shared>> -> memref<128x128xf32, #tpu.memory_space<vmem_shared>>
      %dma_start3A_63 = arith.constant 0 : i32
      %dma_start3A_64 = tpu.memref_slice %arg16[%add3A_9, %dma_start3A_63] : memref<10240x128xf32, #tpu.memory_space<vmem_shared>> -> memref<128x128xf32, #tpu.memory_space<vmem_shared>>
      tpu.enqueue_dma source(%arg14 : memref<128x128xf32, #tpu.memory_space<vmem>>) target(%dma_start3A_64 : memref<128x128xf32, #tpu.memory_space<vmem_shared>>) target_semaphore(%run_scoped3A : memref<!tpu.dma_semaphore, #tpu.memory_space<semaphore_mem>>)
      %dma_wait3A_65 = arith.constant 0 : i32
      %dma_wait3A_66 = tpu.memref_slice %arg16[%add3A_9, %dma_wait3A_65] : memref<10240x128xf32, #tpu.memory_space<vmem_shared>> -> memref<128x128xf32, #tpu.memory_space<vmem_shared>>
      %dma_wait3A_67 = arith.constant 0 : i32
      %dma_wait3A_68 = tpu.memref_slice %arg16[%add3A_9, %dma_wait3A_67] : memref<10240x128xf32, #tpu.memory_space<vmem_shared>> -> memref<128x128xf32, #tpu.memory_space<vmem_shared>>
      tpu.wait_dma2 semaphore(%run_scoped3A : memref<!tpu.dma_semaphore, #tpu.memory_space<semaphore_mem>>) src(%arg14 : memref<128x128xf32, #tpu.memory_space<vmem>>) dst(%dma_wait3A_68 : memref<128x128xf32, #tpu.memory_space<vmem_shared>>)
      tpu.yield
    }) : () -> ()
    %add3A_10 = arith.constant 256 : i32
    %add3A_11 = arith.addi %mul3A_6, %add3A_10 : i32
    "tpu.region"() ({
      %run_scoped3A = tpu.sem_alloc : memref<!tpu.dma_semaphore, #tpu.memory_space<semaphore_mem>>
      %dma_start3A_61 = arith.constant 0 : i32
      %dma_start3A_62 = tpu.memref_slice %arg16[%add3A_11, %dma_start3A_61] : memref<10240x128xf32, #tpu.memory_space<vmem_shared>> -> memref<128x128xf32, #tpu.memory_space<vmem_shared>>
      %dma_start3A_63 = arith.constant 0 : i32
      %dma_start3A_64 = tpu.memref_slice %arg16[%add3A_11, %dma_start3A_63] : memref<10240x128xf32, #tpu.memory_space<vmem_shared>> -> memref<128x128xf32, #tpu.memory_space<vmem_shared>>
      tpu.enqueue_dma source(%arg14 : memref<128x128xf32, #tpu.memory_space<vmem>>) target(%dma_start3A_64 : memref<128x128xf32, #tpu.memory_space<vmem_shared>>) target_semaphore(%run_scoped3A : memref<!tpu.dma_semaphore, #tpu.memory_space<semaphore_mem>>)
      %dma_wait3A_65 = arith.constant 0 : i32
      %dma_wait3A_66 = tpu.memref_slice %arg16[%add3A_11, %dma_wait3A_65] : memref<10240x128xf32, #tpu.memory_space<vmem_shared>> -> memref<128x128xf32, #tpu.memory_space<vmem_shared>>
      %dma_wait3A_67 = arith.constant 0 : i32
      %dma_wait3A_68 = tpu.memref_slice %arg16[%add3A_11, %dma_wait3A_67] : memref<10240x128xf32, #tpu.memory_space<vmem_shared>> -> memref<128x128xf32, #tpu.memory_space<vmem_shared>>
      tpu.wait_dma2 semaphore(%run_scoped3A : memref<!tpu.dma_semaphore, #tpu.memory_space<semaphore_mem>>) src(%arg14 : memref<128x128xf32, #tpu.memory_space<vmem>>) dst(%dma_wait3A_68 : memref<128x128xf32, #tpu.memory_space<vmem_shared>>)
      tpu.yield
    }) : () -> ()
    %add3A_12 = arith.constant 384 : i32
    %add3A_13 = arith.addi %mul3A_6, %add3A_12 : i32
    "tpu.region"() ({
      %run_scoped3A = tpu.sem_alloc : memref<!tpu.dma_semaphore, #tpu.memory_space<semaphore_mem>>
      %dma_start3A_61 = arith.constant 0 : i32
      %dma_start3A_62 = tpu.memref_slice %arg16[%add3A_13, %dma_start3A_61] : memref<10240x128xf32, #tpu.memory_space<vmem_shared>> -> memref<128x128xf32, #tpu.memory_space<vmem_shared>>
      %dma_start3A_63 = arith.constant 0 : i32
      %dma_start3A_64 = tpu.memref_slice %arg16[%add3A_13, %dma_start3A_63] : memref<10240x128xf32, #tpu.memory_space<vmem_shared>> -> memref<128x128xf32, #tpu.memory_space<vmem_shared>>
      tpu.enqueue_dma source(%arg14 : memref<128x128xf32, #tpu.memory_space<vmem>>) target(%dma_start3A_64 : memref<128x128xf32, #tpu.memory_space<vmem_shared>>) target_semaphore(%run_scoped3A : memref<!tpu.dma_semaphore, #tpu.memory_space<semaphore_mem>>)
      %dma_wait3A_65 = arith.constant 0 : i32
      %dma_wait3A_66 = tpu.memref_slice %arg16[%add3A_13, %dma_wait3A_65] : memref<10240x128xf32, #tpu.memory_space<vmem_shared>> -> memref<128x128xf32, #tpu.memory_space<vmem_shared>>
      %dma_wait3A_67 = arith.constant 0 : i32
      %dma_wait3A_68 = tpu.memref_slice %arg16[%add3A_13, %dma_wait3A_67] : memref<10240x128xf32, #tpu.memory_space<vmem_shared>> -> memref<128x128xf32, #tpu.memory_space<vmem_shared>>
      tpu.wait_dma2 semaphore(%run_scoped3A : memref<!tpu.dma_semaphore, #tpu.memory_space<semaphore_mem>>) src(%arg14 : memref<128x128xf32, #tpu.memory_space<vmem>>) dst(%dma_wait3A_68 : memref<128x128xf32, #tpu.memory_space<vmem_shared>>)
      tpu.yield
    }) : () -> ()
    %add3A_14 = arith.constant 512 : i32
    %add3A_15 = arith.addi %mul3A_6, %add3A_14 : i32
    "tpu.region"() ({
      %run_scoped3A = tpu.sem_alloc : memref<!tpu.dma_semaphore, #tpu.memory_space<semaphore_mem>>
      %dma_start3A_61 = arith.constant 0 : i32
      %dma_start3A_62 = tpu.memref_slice %arg16[%add3A_15, %dma_start3A_61] : memref<10240x128xf32, #tpu.memory_space<vmem_shared>> -> memref<128x128xf32, #tpu.memory_space<vmem_shared>>
      %dma_start3A_63 = arith.constant 0 : i32
      %dma_start3A_64 = tpu.memref_slice %arg16[%add3A_15, %dma_start3A_63] : memref<10240x128xf32, #tpu.memory_space<vmem_shared>> -> memref<128x128xf32, #tpu.memory_space<vmem_shared>>
      tpu.enqueue_dma source(%arg14 : memref<128x128xf32, #tpu.memory_space<vmem>>) target(%dma_start3A_64 : memref<128x128xf32, #tpu.memory_space<vmem_shared>>) target_semaphore(%run_scoped3A : memref<!tpu.dma_semaphore, #tpu.memory_space<semaphore_mem>>)
      %dma_wait3A_65 = arith.constant 0 : i32
      %dma_wait3A_66 = tpu.memref_slice %arg16[%add3A_15, %dma_wait3A_65] : memref<10240x128xf32, #tpu.memory_space<vmem_shared>> -> memref<128x128xf32, #tpu.memory_space<vmem_shared>>
      %dma_wait3A_67 = arith.constant 0 : i32
      %dma_wait3A_68 = tpu.memref_slice %arg16[%add3A_15, %dma_wait3A_67] : memref<10240x128xf32, #tpu.memory_space<vmem_shared>> -> memref<128x128xf32, #tpu.memory_space<vmem_shared>>
      tpu.wait_dma2 semaphore(%run_scoped3A : memref<!tpu.dma_semaphore, #tpu.memory_space<semaphore_mem>>) src(%arg14 : memref<128x128xf32, #tpu.memory_space<vmem>>) dst(%dma_wait3A_68 : memref<128x128xf32, #tpu.memory_space<vmem_shared>>)
      tpu.yield
    }) : () -> ()
    %barrier3A = arith.constant 0 : index
    tpu.barrier barrier_id(%barrier3A)
    %mul3A_16 = arith.constant 327680 : i32
    %mul3A_17 = arith.muli %arg0, %mul3A_16 : i32
    %mul3A_18 = arith.constant 20480 : i32
    %mul3A_19 = arith.muli %arg1, %mul3A_18 : i32
    %add3A_20 = arith.addi %mul3A_17, %mul3A_19 : i32
    %mul3A_21 = arith.constant 20480 : i32
    %mul3A_22 = arith.muli %arg1, %mul3A_21 : i32
    %add3A_23 = arith.constant 0 : i32
    %add3A_24 = arith.addi %add3A_20, %add3A_23 : i32
    %add3A_25 = arith.constant 0 : i32
    %add3A_26 = arith.addi %mul3A_22, %add3A_25 : i32
    %dma_start3A = tpu.memref_slice %arg2[%add3A_24] : memref<655360xi32, #tpu.memory_space<hbm>> -> memref<128xi32, #tpu.memory_space<hbm>>
    %dma_start3A_27 = tpu.memref_slice %arg2[%add3A_24] : memref<655360xi32, #tpu.memory_space<hbm>> -> memref<128xi32, #tpu.memory_space<hbm>>
    tpu.enqueue_dma source(%dma_start3A_27 : memref<128xi32, #tpu.memory_space<hbm>>) target(%arg6 : memref<128xi32, #tpu.memory_space<vmem>>) target_semaphore(%arg19 : memref<!tpu.dma_semaphore, #tpu.memory_space<semaphore_mem>>)
    %dma_start3A_28 = tpu.memref_slice %arg3[%add3A_26] : memref<327680xi32, #tpu.memory_space<hbm>> -> memref<128xi32, #tpu.memory_space<hbm>>
    %dma_start3A_29 = tpu.memref_slice %arg3[%add3A_26] : memref<327680xi32, #tpu.memory_space<hbm>> -> memref<128xi32, #tpu.memory_space<hbm>>
    tpu.enqueue_dma source(%dma_start3A_29 : memref<128xi32, #tpu.memory_space<hbm>>) target(%arg10 : memref<128xi32, #tpu.memory_space<vmem>>) target_semaphore(%arg23 : memref<!tpu.dma_semaphore, #tpu.memory_space<semaphore_mem>>)
    %add3A_30 = arith.constant 0 : i32
    %add3A_31 = arith.addi %add3A_20, %add3A_30 : i32
    %add3A_32 = arith.constant 0 : i32
    %add3A_33 = arith.addi %mul3A_22, %add3A_32 : i32
    %dma_wait3A = tpu.memref_slice %arg2[%add3A_31] : memref<655360xi32, #tpu.memory_space<hbm>> -> memref<128xi32, #tpu.memory_space<hbm>>
    %dma_wait3A_34 = tpu.memref_slice %arg2[%add3A_31] : memref<655360xi32, #tpu.memory_space<hbm>> -> memref<128xi32, #tpu.memory_space<hbm>>
    tpu.wait_dma2 semaphore(%arg19 : memref<!tpu.dma_semaphore, #tpu.memory_space<semaphore_mem>>) src(%dma_wait3A_34 : memref<128xi32, #tpu.memory_space<hbm>>) dst(%arg6 : memref<128xi32, #tpu.memory_space<vmem>>)
    %dma_wait3A_35 = tpu.memref_slice %arg3[%add3A_33] : memref<327680xi32, #tpu.memory_space<hbm>> -> memref<128xi32, #tpu.memory_space<hbm>>
    %dma_wait3A_36 = tpu.memref_slice %arg3[%add3A_33] : memref<327680xi32, #tpu.memory_space<hbm>> -> memref<128xi32, #tpu.memory_space<hbm>>
    tpu.wait_dma2 semaphore(%arg23 : memref<!tpu.dma_semaphore, #tpu.memory_space<semaphore_mem>>) src(%dma_wait3A_36 : memref<128xi32, #tpu.memory_space<hbm>>) dst(%arg10 : memref<128xi32, #tpu.memory_space<vmem>>)
    %dma_start3A_37 = arith.constant 0 : i32
    %dma_start3A_38 = arith.constant 0 : i32
    %dma_start3A_39 = tpu.memref_slice %arg4[%dma_start3A_37, %dma_start3A_38] : memref<20480x128xf32, #tpu.memory_space<hbm>> -> memref<20480x128xf32, #tpu.memory_space<hbm>>
    tpu.enqueue_indirect_dma source(%dma_start3A_39 : memref<20480x128xf32, #tpu.memory_space<hbm>>) target(%arg14 : memref<128x128xf32, #tpu.memory_space<vmem>>) offsets(%arg6 : memref<128xi32, #tpu.memory_space<vmem>>) semaphore(%arg17 : memref<!tpu.dma_semaphore, #tpu.memory_space<semaphore_mem>>)
    %add3A_40 = arith.constant 128 : i32
    %add3A_41 = arith.addi %add3A_20, %add3A_40 : i32
    %add3A_42 = arith.constant 128 : i32
    %add3A_43 = arith.addi %mul3A_22, %add3A_42 : i32
    %dma_start3A_44 = tpu.memref_slice %arg2[%add3A_41] : memref<655360xi32, #tpu.memory_space<hbm>> -> memref<128xi32, #tpu.memory_space<hbm>>
    %dma_start3A_45 = tpu.memref_slice %arg2[%add3A_41] : memref<655360xi32, #tpu.memory_space<hbm>> -> memref<128xi32, #tpu.memory_space<hbm>>
    tpu.enqueue_dma source(%dma_start3A_45 : memref<128xi32, #tpu.memory_space<hbm>>) target(%arg7 : memref<128xi32, #tpu.memory_space<vmem>>) target_semaphore(%arg20 : memref<!tpu.dma_semaphore, #tpu.memory_space<semaphore_mem>>)
    %dma_start3A_46 = tpu.memref_slice %arg3[%add3A_43] : memref<327680xi32, #tpu.memory_space<hbm>> -> memref<128xi32, #tpu.memory_space<hbm>>
    %dma_start3A_47 = tpu.memref_slice %arg3[%add3A_43] : memref<327680xi32, #tpu.memory_space<hbm>> -> memref<128xi32, #tpu.memory_space<hbm>>
    tpu.enqueue_dma source(%dma_start3A_47 : memref<128xi32, #tpu.memory_space<hbm>>) target(%arg11 : memref<128xi32, #tpu.memory_space<vmem>>) target_semaphore(%arg24 : memref<!tpu.dma_semaphore, #tpu.memory_space<semaphore_mem>>)
    %scan3A_48 = arith.constant 0 : i32
    %scan3A_49 = arith.constant 0 : i32
    %scan3A_50 = arith.constant 40 : i32
    %scan3A_51 = arith.addi %scan3A_49, %scan3A_50 : i32
    %scan3A_52 = arith.constant 1 : i32
    %scan3A_53 = scf.for %scan3A_61 = %scan3A_49 to %scan3A_51 step %scan3A_52 iter_args(%scan3A_62 = %scan3A_48) -> (i32)  : i32 {
      %mul3A_63 = arith.constant 4 : i32
      %mul3A_64 = arith.muli %mul3A_63, %scan3A_61 : i32
      %add3A_65 = arith.constant 0 : i32
      %add3A_66 = arith.addi %mul3A_64, %add3A_65 : i32
      %add3A_67 = arith.constant 2 : i32
      %add3A_68 = arith.addi %add3A_66, %add3A_67 : i32
      %mul3A_69 = arith.constant 128 : i32
      %mul3A_70 = arith.muli %add3A_68, %mul3A_69 : i32
      %add3A_71 = arith.addi %add3A_20, %mul3A_70 : i32
      %mul3A_72 = arith.constant 128 : i32
      %mul3A_73 = arith.muli %add3A_68, %mul3A_72 : i32
      %add3A_74 = arith.addi %mul3A_22, %mul3A_73 : i32
      %dma_start3A_75 = tpu.memref_slice %arg2[%add3A_71] : memref<655360xi32, #tpu.memory_space<hbm>> -> memref<128xi32, #tpu.memory_space<hbm>>
      %dma_start3A_76 = tpu.memref_slice %arg2[%add3A_71] : memref<655360xi32, #tpu.memory_space<hbm>> -> memref<128xi32, #tpu.memory_space<hbm>>
      tpu.enqueue_dma source(%dma_start3A_76 : memref<128xi32, #tpu.memory_space<hbm>>) target(%arg8 : memref<128xi32, #tpu.memory_space<vmem>>) target_semaphore(%arg21 : memref<!tpu.dma_semaphore, #tpu.memory_space<semaphore_mem>>)
      %dma_start3A_77 = tpu.memref_slice %arg3[%add3A_74] : memref<327680xi32, #tpu.memory_space<hbm>> -> memref<128xi32, #tpu.memory_space<hbm>>
      %dma_start3A_78 = tpu.memref_slice %arg3[%add3A_74] : memref<327680xi32, #tpu.memory_space<hbm>> -> memref<128xi32, #tpu.memory_space<hbm>>
      tpu.enqueue_dma source(%dma_start3A_78 : memref<128xi32, #tpu.memory_space<hbm>>) target(%arg12 : memref<128xi32, #tpu.memory_space<vmem>>) target_semaphore(%arg25 : memref<!tpu.dma_semaphore, #tpu.memory_space<semaphore_mem>>)
      %add3A_79 = arith.constant 1 : i32
      %add3A_80 = arith.addi %add3A_66, %add3A_79 : i32
      %mul3A_81 = arith.constant 128 : i32
      %mul3A_82 = arith.muli %add3A_80, %mul3A_81 : i32
      %add3A_83 = arith.addi %add3A_20, %mul3A_82 : i32
      %mul3A_84 = arith.constant 128 : i32
      %mul3A_85 = arith.muli %add3A_80, %mul3A_84 : i32
      %add3A_86 = arith.addi %mul3A_22, %mul3A_85 : i32
      %dma_wait3A_87 = tpu.memref_slice %arg2[%add3A_83] : memref<655360xi32, #tpu.memory_space<hbm>> -> memref<128xi32, #tpu.memory_space<hbm>>
      %dma_wait3A_88 = tpu.memref_slice %arg2[%add3A_83] : memref<655360xi32, #tpu.memory_space<hbm>> -> memref<128xi32, #tpu.memory_space<hbm>>
      tpu.wait_dma2 semaphore(%arg20 : memref<!tpu.dma_semaphore, #tpu.memory_space<semaphore_mem>>) src(%dma_wait3A_88 : memref<128xi32, #tpu.memory_space<hbm>>) dst(%arg7 : memref<128xi32, #tpu.memory_space<vmem>>)
      %dma_wait3A_89 = tpu.memref_slice %arg3[%add3A_86] : memref<327680xi32, #tpu.memory_space<hbm>> -> memref<128xi32, #tpu.memory_space<hbm>>
      %dma_wait3A_90 = tpu.memref_slice %arg3[%add3A_86] : memref<327680xi32, #tpu.memory_space<hbm>> -> memref<128xi32, #tpu.memory_space<hbm>>
      tpu.wait_dma2 semaphore(%arg24 : memref<!tpu.dma_semaphore, #tpu.memory_space<semaphore_mem>>) src(%dma_wait3A_90 : memref<128xi32, #tpu.memory_space<hbm>>) dst(%arg11 : memref<128xi32, #tpu.memory_space<vmem>>)
      %dma_start3A_91 = arith.constant 0 : i32
      %dma_start3A_92 = arith.constant 0 : i32
      %dma_start3A_93 = tpu.memref_slice %arg4[%dma_start3A_91, %dma_start3A_92] : memref<20480x128xf32, #tpu.memory_space<hbm>> -> memref<20480x128xf32, #tpu.memory_space<hbm>>
      tpu.enqueue_indirect_dma source(%dma_start3A_93 : memref<20480x128xf32, #tpu.memory_space<hbm>>) target(%arg15 : memref<128x128xf32, #tpu.memory_space<vmem>>) offsets(%arg7 : memref<128xi32, #tpu.memory_space<vmem>>) semaphore(%arg18 : memref<!tpu.dma_semaphore, #tpu.memory_space<semaphore_mem>>)
      %dma_wait3A_94 = arith.constant 0 : i32
      %dma_wait3A_95 = arith.constant 0 : i32
      %dma_wait3A_96 = tpu.memref_slice %arg4[%dma_wait3A_94, %dma_wait3A_95] : memref<20480x128xf32, #tpu.memory_space<hbm>> -> memref<20480x128xf32, #tpu.memory_space<hbm>>
      tpu.wait_indirect_dma semaphore(%arg17 : memref<!tpu.dma_semaphore, #tpu.memory_space<semaphore_mem>>) src(%dma_wait3A_96 : memref<20480x128xf32, #tpu.memory_space<hbm>>) dst(%arg14 : memref<128x128xf32, #tpu.memory_space<vmem>>)
      "tpu.region"() ({
        %run_scoped3A = tpu.sem_alloc : memref<!tpu.dma_semaphore, #tpu.memory_space<semaphore_mem>>
        %dma_start3A_173 = arith.constant 0 : i32
        %dma_start3A_174 = arith.constant 0 : i32
        %dma_start3A_175 = tpu.memref_slice %arg16[%dma_start3A_173, %dma_start3A_174] : memref<10240x128xf32, #tpu.memory_space<vmem_shared>> -> memref<10240x128xf32, #tpu.memory_space<vmem_shared>>
        tpu.enqueue_indirect_dma source(%arg14 : memref<128x128xf32, #tpu.memory_space<vmem>>) target(%dma_start3A_175 : memref<10240x128xf32, #tpu.memory_space<vmem_shared>>) offsets(%arg10 : memref<128xi32, #tpu.memory_space<vmem>>) semaphore(%run_scoped3A : memref<!tpu.dma_semaphore, #tpu.memory_space<semaphore_mem>>) {add = true}
        %dma_wait3A_176 = arith.constant 0 : i32
        %dma_wait3A_177 = arith.constant 0 : i32
        %dma_wait3A_178 = tpu.memref_slice %arg16[%dma_wait3A_176, %dma_wait3A_177] : memref<10240x128xf32, #tpu.memory_space<vmem_shared>> -> memref<10240x128xf32, #tpu.memory_space<vmem_shared>>
        tpu.wait_indirect_dma semaphore(%run_scoped3A : memref<!tpu.dma_semaphore, #tpu.memory_space<semaphore_mem>>) src(%arg14 : memref<128x128xf32, #tpu.memory_space<vmem>>) dst(%dma_wait3A_178 : memref<10240x128xf32, #tpu.memory_space<vmem_shared>>)
        tpu.yield
      }) : () -> ()
      %add3A_97 = arith.constant 1 : i32
      %add3A_98 = arith.addi %mul3A_64, %add3A_97 : i32
      %add3A_99 = arith.constant 2 : i32
      %add3A_100 = arith.addi %add3A_98, %add3A_99 : i32
      %mul3A_101 = arith.constant 128 : i32
      %mul3A_102 = arith.muli %add3A_100, %mul3A_101 : i32
      %add3A_103 = arith.addi %add3A_20, %mul3A_102 : i32
      %mul3A_104 = arith.constant 128 : i32
      %mul3A_105 = arith.muli %add3A_100, %mul3A_104 : i32
      %add3A_106 = arith.addi %mul3A_22, %mul3A_105 : i32
      %dma_start3A_107 = tpu.memref_slice %arg2[%add3A_103] : memref<655360xi32, #tpu.memory_space<hbm>> -> memref<128xi32, #tpu.memory_space<hbm>>
      %dma_start3A_108 = tpu.memref_slice %arg2[%add3A_103] : memref<655360xi32, #tpu.memory_space<hbm>> -> memref<128xi32, #tpu.memory_space<hbm>>
      tpu.enqueue_dma source(%dma_start3A_108 : memref<128xi32, #tpu.memory_space<hbm>>) target(%arg9 : memref<128xi32, #tpu.memory_space<vmem>>) target_semaphore(%arg22 : memref<!tpu.dma_semaphore, #tpu.memory_space<semaphore_mem>>)
      %dma_start3A_109 = tpu.memref_slice %arg3[%add3A_106] : memref<327680xi32, #tpu.memory_space<hbm>> -> memref<128xi32, #tpu.memory_space<hbm>>
      %dma_start3A_110 = tpu.memref_slice %arg3[%add3A_106] : memref<327680xi32, #tpu.memory_space<hbm>> -> memref<128xi32, #tpu.memory_space<hbm>>
      tpu.enqueue_dma source(%dma_start3A_110 : memref<128xi32, #tpu.memory_space<hbm>>) target(%arg13 : memref<128xi32, #tpu.memory_space<vmem>>) target_semaphore(%arg26 : memref<!tpu.dma_semaphore, #tpu.memory_space<semaphore_mem>>)
      %add3A_111 = arith.constant 1 : i32
      %add3A_112 = arith.addi %add3A_98, %add3A_111 : i32
      %mul3A_113 = arith.constant 128 : i32
      %mul3A_114 = arith.muli %add3A_112, %mul3A_113 : i32
      %add3A_115 = arith.addi %add3A_20, %mul3A_114 : i32
      %mul3A_116 = arith.constant 128 : i32
      %mul3A_117 = arith.muli %add3A_112, %mul3A_116 : i32
      %add3A_118 = arith.addi %mul3A_22, %mul3A_117 : i32
      %dma_wait3A_119 = tpu.memref_slice %arg2[%add3A_115] : memref<655360xi32, #tpu.memory_space<hbm>> -> memref<128xi32, #tpu.memory_space<hbm>>
      %dma_wait3A_120 = tpu.memref_slice %arg2[%add3A_115] : memref<655360xi32, #tpu.memory_space<hbm>> -> memref<128xi32, #tpu.memory_space<hbm>>
      tpu.wait_dma2 semaphore(%arg21 : memref<!tpu.dma_semaphore, #tpu.memory_space<semaphore_mem>>) src(%dma_wait3A_120 : memref<128xi32, #tpu.memory_space<hbm>>) dst(%arg8 : memref<128xi32, #tpu.memory_space<vmem>>)
      %dma_wait3A_121 = tpu.memref_slice %arg3[%add3A_118] : memref<327680xi32, #tpu.memory_space<hbm>> -> memref<128xi32, #tpu.memory_space<hbm>>
      %dma_wait3A_122 = tpu.memref_slice %arg3[%add3A_118] : memref<327680xi32, #tpu.memory_space<hbm>> -> memref<128xi32, #tpu.memory_space<hbm>>
      tpu.wait_dma2 semaphore(%arg25 : memref<!tpu.dma_semaphore, #tpu.memory_space<semaphore_mem>>) src(%dma_wait3A_122 : memref<128xi32, #tpu.memory_space<hbm>>) dst(%arg12 : memref<128xi32, #tpu.memory_space<vmem>>)
      %dma_start3A_123 = arith.constant 0 : i32
      %dma_start3A_124 = arith.constant 0 : i32
      %dma_start3A_125 = tpu.memref_slice %arg4[%dma_start3A_123, %dma_start3A_124] : memref<20480x128xf32, #tpu.memory_space<hbm>> -> memref<20480x128xf32, #tpu.memory_space<hbm>>
      tpu.enqueue_indirect_dma source(%dma_start3A_125 : memref<20480x128xf32, #tpu.memory_space<hbm>>) target(%arg14 : memref<128x128xf32, #tpu.memory_space<vmem>>) offsets(%arg8 : memref<128xi32, #tpu.memory_space<vmem>>) semaphore(%arg17 : memref<!tpu.dma_semaphore, #tpu.memory_space<semaphore_mem>>)
      %dma_wait3A_126 = arith.constant 0 : i32
      %dma_wait3A_127 = arith.constant 0 : i32
      %dma_wait3A_128 = tpu.memref_slice %arg4[%dma_wait3A_126, %dma_wait3A_127] : memref<20480x128xf32, #tpu.memory_space<hbm>> -> memref<20480x128xf32, #tpu.memory_space<hbm>>
      tpu.wait_indirect_dma semaphore(%arg18 : memref<!tpu.dma_semaphore, #tpu.memory_space<semaphore_mem>>) src(%dma_wait3A_128 : memref<20480x128xf32, #tpu.memory_space<hbm>>) dst(%arg15 : memref<128x128xf32, #tpu.memory_space<vmem>>)
      "tpu.region"() ({
        %run_scoped3A = tpu.sem_alloc : memref<!tpu.dma_semaphore, #tpu.memory_space<semaphore_mem>>
        %dma_start3A_173 = arith.constant 0 : i32
        %dma_start3A_174 = arith.constant 0 : i32
        %dma_start3A_175 = tpu.memref_slice %arg16[%dma_start3A_173, %dma_start3A_174] : memref<10240x128xf32, #tpu.memory_space<vmem_shared>> -> memref<10240x128xf32, #tpu.memory_space<vmem_shared>>
        tpu.enqueue_indirect_dma source(%arg15 : memref<128x128xf32, #tpu.memory_space<vmem>>) target(%dma_start3A_175 : memref<10240x128xf32, #tpu.memory_space<vmem_shared>>) offsets(%arg11 : memref<128xi32, #tpu.memory_space<vmem>>) semaphore(%run_scoped3A : memref<!tpu.dma_semaphore, #tpu.memory_space<semaphore_mem>>) {add = true}
        %dma_wait3A_176 = arith.constant 0 : i32
        %dma_wait3A_177 = arith.constant 0 : i32
        %dma_wait3A_178 = tpu.memref_slice %arg16[%dma_wait3A_176, %dma_wait3A_177] : memref<10240x128xf32, #tpu.memory_space<vmem_shared>> -> memref<10240x128xf32, #tpu.memory_space<vmem_shared>>
        tpu.wait_indirect_dma semaphore(%run_scoped3A : memref<!tpu.dma_semaphore, #tpu.memory_space<semaphore_mem>>) src(%arg15 : memref<128x128xf32, #tpu.memory_space<vmem>>) dst(%dma_wait3A_178 : memref<10240x128xf32, #tpu.memory_space<vmem_shared>>)
        tpu.yield
      }) : () -> ()
      %add3A_129 = arith.constant 2 : i32
      %add3A_130 = arith.addi %mul3A_64, %add3A_129 : i32
      %add3A_131 = arith.constant 2 : i32
      %add3A_132 = arith.addi %add3A_130, %add3A_131 : i32
      %lt3A = arith.constant 160 : i32
      %lt3A_133 = arith.cmpi slt, %add3A_132, %lt3A : i32
      %convert_element_type3A = arith.extui %lt3A_133 : i1 to i32
      %cond3A = arith.constant 0 : i32
      %cond3A_134 = arith.cmpi ne, %convert_element_type3A, %cond3A : i32
      scf.if %cond3A_134 {
        %add3A_173 = arith.constant 2 : i32
        %add3A_174 = arith.addi %add3A_130, %add3A_173 : i32
        %mul3A_175 = arith.constant 128 : i32
        %mul3A_176 = arith.muli %add3A_174, %mul3A_175 : i32
        %add3A_177 = arith.addi %add3A_20, %mul3A_176 : i32
        %mul3A_178 = arith.constant 128 : i32
        %mul3A_179 = arith.muli %add3A_174, %mul3A_178 : i32
        %add3A_180 = arith.addi %mul3A_22, %mul3A_179 : i32
        %dma_start3A_181 = tpu.memref_slice %arg2[%add3A_177] : memref<655360xi32, #tpu.memory_space<hbm>> -> memref<128xi32, #tpu.memory_space<hbm>>
        %dma_start3A_182 = tpu.memref_slice %arg2[%add3A_177] : memref<655360xi32, #tpu.memory_space<hbm>> -> memref<128xi32, #tpu.memory_space<hbm>>
        tpu.enqueue_dma source(%dma_start3A_182 : memref<128xi32, #tpu.memory_space<hbm>>) target(%arg6 : memref<128xi32, #tpu.memory_space<vmem>>) target_semaphore(%arg19 : memref<!tpu.dma_semaphore, #tpu.memory_space<semaphore_mem>>)
        %dma_start3A_183 = tpu.memref_slice %arg3[%add3A_180] : memref<327680xi32, #tpu.memory_space<hbm>> -> memref<128xi32, #tpu.memory_space<hbm>>
        %dma_start3A_184 = tpu.memref_slice %arg3[%add3A_180] : memref<327680xi32, #tpu.memory_space<hbm>> -> memref<128xi32, #tpu.memory_space<hbm>>
        tpu.enqueue_dma source(%dma_start3A_184 : memref<128xi32, #tpu.memory_space<hbm>>) target(%arg10 : memref<128xi32, #tpu.memory_space<vmem>>) target_semaphore(%arg23 : memref<!tpu.dma_semaphore, #tpu.memory_space<semaphore_mem>>)
      } else {
      }
      %add3A_135 = arith.constant 1 : i32
      %add3A_136 = arith.addi %add3A_130, %add3A_135 : i32
      %mul3A_137 = arith.constant 128 : i32
      %mul3A_138 = arith.muli %add3A_136, %mul3A_137 : i32
      %add3A_139 = arith.addi %add3A_20, %mul3A_138 : i32
      %mul3A_140 = arith.constant 128 : i32
      %mul3A_141 = arith.muli %add3A_136, %mul3A_140 : i32
      %add3A_142 = arith.addi %mul3A_22, %mul3A_141 : i32
      %dma_wait3A_143 = tpu.memref_slice %arg2[%add3A_139] : memref<655360xi32, #tpu.memory_space<hbm>> -> memref<128xi32, #tpu.memory_space<hbm>>
      %dma_wait3A_144 = tpu.memref_slice %arg2[%add3A_139] : memref<655360xi32, #tpu.memory_space<hbm>> -> memref<128xi32, #tpu.memory_space<hbm>>
      tpu.wait_dma2 semaphore(%arg22 : memref<!tpu.dma_semaphore, #tpu.memory_space<semaphore_mem>>) src(%dma_wait3A_144 : memref<128xi32, #tpu.memory_space<hbm>>) dst(%arg9 : memref<128xi32, #tpu.memory_space<vmem>>)
      %dma_wait3A_145 = tpu.memref_slice %arg3[%add3A_142] : memref<327680xi32, #tpu.memory_space<hbm>> -> memref<128xi32, #tpu.memory_space<hbm>>
      %dma_wait3A_146 = tpu.memref_slice %arg3[%add3A_142] : memref<327680xi32, #tpu.memory_space<hbm>> -> memref<128xi32, #tpu.memory_space<hbm>>
      tpu.wait_dma2 semaphore(%arg26 : memref<!tpu.dma_semaphore, #tpu.memory_space<semaphore_mem>>) src(%dma_wait3A_146 : memref<128xi32, #tpu.memory_space<hbm>>) dst(%arg13 : memref<128xi32, #tpu.memory_space<vmem>>)
      %dma_start3A_147 = arith.constant 0 : i32
      %dma_start3A_148 = arith.constant 0 : i32
      %dma_start3A_149 = tpu.memref_slice %arg4[%dma_start3A_147, %dma_start3A_148] : memref<20480x128xf32, #tpu.memory_space<hbm>> -> memref<20480x128xf32, #tpu.memory_space<hbm>>
      tpu.enqueue_indirect_dma source(%dma_start3A_149 : memref<20480x128xf32, #tpu.memory_space<hbm>>) target(%arg15 : memref<128x128xf32, #tpu.memory_space<vmem>>) offsets(%arg9 : memref<128xi32, #tpu.memory_space<vmem>>) semaphore(%arg18 : memref<!tpu.dma_semaphore, #tpu.memory_space<semaphore_mem>>)
      %dma_wait3A_150 = arith.constant 0 : i32
      %dma_wait3A_151 = arith.constant 0 : i32
      %dma_wait3A_152 = tpu.memref_slice %arg4[%dma_wait3A_150, %dma_wait3A_151] : memref<20480x128xf32, #tpu.memory_space<hbm>> -> memref<20480x128xf32, #tpu.memory_space<hbm>>
      tpu.wait_indirect_dma semaphore(%arg17 : memref<!tpu.dma_semaphore, #tpu.memory_space<semaphore_mem>>) src(%dma_wait3A_152 : memref<20480x128xf32, #tpu.memory_space<hbm>>) dst(%arg14 : memref<128x128xf32, #tpu.memory_space<vmem>>)
      "tpu.region"() ({
        %run_scoped3A = tpu.sem_alloc : memref<!tpu.dma_semaphore, #tpu.memory_space<semaphore_mem>>
        %dma_start3A_173 = arith.constant 0 : i32
        %dma_start3A_174 = arith.constant 0 : i32
        %dma_start3A_175 = tpu.memref_slice %arg16[%dma_start3A_173, %dma_start3A_174] : memref<10240x128xf32, #tpu.memory_space<vmem_shared>> -> memref<10240x128xf32, #tpu.memory_space<vmem_shared>>
        tpu.enqueue_indirect_dma source(%arg14 : memref<128x128xf32, #tpu.memory_space<vmem>>) target(%dma_start3A_175 : memref<10240x128xf32, #tpu.memory_space<vmem_shared>>) offsets(%arg12 : memref<128xi32, #tpu.memory_space<vmem>>) semaphore(%run_scoped3A : memref<!tpu.dma_semaphore, #tpu.memory_space<semaphore_mem>>) {add = true}
        %dma_wait3A_176 = arith.constant 0 : i32
        %dma_wait3A_177 = arith.constant 0 : i32
        %dma_wait3A_178 = tpu.memref_slice %arg16[%dma_wait3A_176, %dma_wait3A_177] : memref<10240x128xf32, #tpu.memory_space<vmem_shared>> -> memref<10240x128xf32, #tpu.memory_space<vmem_shared>>
        tpu.wait_indirect_dma semaphore(%run_scoped3A : memref<!tpu.dma_semaphore, #tpu.memory_space<semaphore_mem>>) src(%arg14 : memref<128x128xf32, #tpu.memory_space<vmem>>) dst(%dma_wait3A_178 : memref<10240x128xf32, #tpu.memory_space<vmem_shared>>)
        tpu.yield
      }) : () -> ()
      %add3A_153 = arith.constant 3 : i32
      %add3A_154 = arith.addi %mul3A_64, %add3A_153 : i32
      %add3A_155 = arith.constant 2 : i32
      %add3A_156 = arith.addi %add3A_154, %add3A_155 : i32
      %lt3A_157 = arith.constant 160 : i32
      %lt3A_158 = arith.cmpi slt, %add3A_156, %lt3A_157 : i32
      %convert_element_type3A_159 = arith.extui %lt3A_158 : i1 to i32
      %cond3A_160 = arith.constant 0 : i32
      %cond3A_161 = arith.cmpi ne, %convert_element_type3A_159, %cond3A_160 : i32
      scf.if %cond3A_161 {
        %add3A_173 = arith.constant 2 : i32
        %add3A_174 = arith.addi %add3A_154, %add3A_173 : i32
        %mul3A_175 = arith.constant 128 : i32
        %mul3A_176 = arith.muli %add3A_174, %mul3A_175 : i32
        %add3A_177 = arith.addi %add3A_20, %mul3A_176 : i32
        %mul3A_178 = arith.constant 128 : i32
        %mul3A_179 = arith.muli %add3A_174, %mul3A_178 : i32
        %add3A_180 = arith.addi %mul3A_22, %mul3A_179 : i32
        %dma_start3A_181 = tpu.memref_slice %arg2[%add3A_177] : memref<655360xi32, #tpu.memory_space<hbm>> -> memref<128xi32, #tpu.memory_space<hbm>>
        %dma_start3A_182 = tpu.memref_slice %arg2[%add3A_177] : memref<655360xi32, #tpu.memory_space<hbm>> -> memref<128xi32, #tpu.memory_space<hbm>>
        tpu.enqueue_dma source(%dma_start3A_182 : memref<128xi32, #tpu.memory_space<hbm>>) target(%arg7 : memref<128xi32, #tpu.memory_space<vmem>>) target_semaphore(%arg20 : memref<!tpu.dma_semaphore, #tpu.memory_space<semaphore_mem>>)
        %dma_start3A_183 = tpu.memref_slice %arg3[%add3A_180] : memref<327680xi32, #tpu.memory_space<hbm>> -> memref<128xi32, #tpu.memory_space<hbm>>
        %dma_start3A_184 = tpu.memref_slice %arg3[%add3A_180] : memref<327680xi32, #tpu.memory_space<hbm>> -> memref<128xi32, #tpu.memory_space<hbm>>
        tpu.enqueue_dma source(%dma_start3A_184 : memref<128xi32, #tpu.memory_space<hbm>>) target(%arg11 : memref<128xi32, #tpu.memory_space<vmem>>) target_semaphore(%arg24 : memref<!tpu.dma_semaphore, #tpu.memory_space<semaphore_mem>>)
      } else {
      }
      %add3A_162 = arith.constant 1 : i32
      %add3A_163 = arith.addi %add3A_154, %add3A_162 : i32
      %lt3A_164 = arith.constant 160 : i32
      %lt3A_165 = arith.cmpi slt, %add3A_163, %lt3A_164 : i32
      %convert_element_type3A_166 = arith.extui %lt3A_165 : i1 to i32
      %cond3A_167 = arith.constant 0 : i32
      %cond3A_168 = arith.cmpi ne, %convert_element_type3A_166, %cond3A_167 : i32
      scf.if %cond3A_168 {
        %add3A_173 = arith.constant 1 : i32
        %add3A_174 = arith.addi %add3A_154, %add3A_173 : i32
        %mul3A_175 = arith.constant 128 : i32
        %mul3A_176 = arith.muli %add3A_174, %mul3A_175 : i32
        %add3A_177 = arith.addi %add3A_20, %mul3A_176 : i32
        %mul3A_178 = arith.constant 128 : i32
        %mul3A_179 = arith.muli %add3A_174, %mul3A_178 : i32
        %add3A_180 = arith.addi %mul3A_22, %mul3A_179 : i32
        %dma_wait3A_181 = tpu.memref_slice %arg2[%add3A_177] : memref<655360xi32, #tpu.memory_space<hbm>> -> memref<128xi32, #tpu.memory_space<hbm>>
        %dma_wait3A_182 = tpu.memref_slice %arg2[%add3A_177] : memref<655360xi32, #tpu.memory_space<hbm>> -> memref<128xi32, #tpu.memory_space<hbm>>
        tpu.wait_dma2 semaphore(%arg19 : memref<!tpu.dma_semaphore, #tpu.memory_space<semaphore_mem>>) src(%dma_wait3A_182 : memref<128xi32, #tpu.memory_space<hbm>>) dst(%arg6 : memref<128xi32, #tpu.memory_space<vmem>>)
        %dma_wait3A_183 = tpu.memref_slice %arg3[%add3A_180] : memref<327680xi32, #tpu.memory_space<hbm>> -> memref<128xi32, #tpu.memory_space<hbm>>
        %dma_wait3A_184 = tpu.memref_slice %arg3[%add3A_180] : memref<327680xi32, #tpu.memory_space<hbm>> -> memref<128xi32, #tpu.memory_space<hbm>>
        tpu.wait_dma2 semaphore(%arg23 : memref<!tpu.dma_semaphore, #tpu.memory_space<semaphore_mem>>) src(%dma_wait3A_184 : memref<128xi32, #tpu.memory_space<hbm>>) dst(%arg10 : memref<128xi32, #tpu.memory_space<vmem>>)
        %dma_start3A_185 = arith.constant 0 : i32
        %dma_start3A_186 = arith.constant 0 : i32
        %dma_start3A_187 = tpu.memref_slice %arg4[%dma_start3A_185, %dma_start3A_186] : memref<20480x128xf32, #tpu.memory_space<hbm>> -> memref<20480x128xf32, #tpu.memory_space<hbm>>
        tpu.enqueue_indirect_dma source(%dma_start3A_187 : memref<20480x128xf32, #tpu.memory_space<hbm>>) target(%arg14 : memref<128x128xf32, #tpu.memory_space<vmem>>) offsets(%arg6 : memref<128xi32, #tpu.memory_space<vmem>>) semaphore(%arg17 : memref<!tpu.dma_semaphore, #tpu.memory_space<semaphore_mem>>)
      } else {
      }
      %dma_wait3A_169 = arith.constant 0 : i32
      %dma_wait3A_170 = arith.constant 0 : i32
      %dma_wait3A_171 = tpu.memref_slice %arg4[%dma_wait3A_169, %dma_wait3A_170] : memref<20480x128xf32, #tpu.memory_space<hbm>> -> memref<20480x128xf32, #tpu.memory_space<hbm>>
      tpu.wait_indirect_dma semaphore(%arg18 : memref<!tpu.dma_semaphore, #tpu.memory_space<semaphore_mem>>) src(%dma_wait3A_171 : memref<20480x128xf32, #tpu.memory_space<hbm>>) dst(%arg15 : memref<128x128xf32, #tpu.memory_space<vmem>>)
      "tpu.region"() ({
        %run_scoped3A = tpu.sem_alloc : memref<!tpu.dma_semaphore, #tpu.memory_space<semaphore_mem>>
        %dma_start3A_173 = arith.constant 0 : i32
        %dma_start3A_174 = arith.constant 0 : i32
        %dma_start3A_175 = tpu.memref_slice %arg16[%dma_start3A_173, %dma_start3A_174] : memref<10240x128xf32, #tpu.memory_space<vmem_shared>> -> memref<10240x128xf32, #tpu.memory_space<vmem_shared>>
        tpu.enqueue_indirect_dma source(%arg15 : memref<128x128xf32, #tpu.memory_space<vmem>>) target(%dma_start3A_175 : memref<10240x128xf32, #tpu.memory_space<vmem_shared>>) offsets(%arg13 : memref<128xi32, #tpu.memory_space<vmem>>) semaphore(%run_scoped3A : memref<!tpu.dma_semaphore, #tpu.memory_space<semaphore_mem>>) {add = true}
        %dma_wait3A_176 = arith.constant 0 : i32
        %dma_wait3A_177 = arith.constant 0 : i32
        %dma_wait3A_178 = tpu.memref_slice %arg16[%dma_wait3A_176, %dma_wait3A_177] : memref<10240x128xf32, #tpu.memory_space<vmem_shared>> -> memref<10240x128xf32, #tpu.memory_space<vmem_shared>>
        tpu.wait_indirect_dma semaphore(%run_scoped3A : memref<!tpu.dma_semaphore, #tpu.memory_space<semaphore_mem>>) src(%arg15 : memref<128x128xf32, #tpu.memory_space<vmem>>) dst(%dma_wait3A_178 : memref<10240x128xf32, #tpu.memory_space<vmem_shared>>)
        tpu.yield
      }) : () -> ()
      %scan3A_172 = arith.constant 0 : i32
      scf.yield %scan3A_172 : i32
    }
    %scan3A_54 = arith.constant 40 : i32
    %barrier3A_55 = arith.constant 0 : index
    tpu.barrier barrier_id(%barrier3A_55)
    %mul3A_56 = arith.constant 640 : i32
    %mul3A_57 = arith.muli %arg1, %mul3A_56 : i32
    %mul3A_58 = arith.constant 10240 : i32
    %mul3A_59 = arith.muli %arg0, %mul3A_58 : i32
    %add3A_60 = arith.addi %mul3A_59, %mul3A_57 : i32
    "tpu.region"() ({
      %run_scoped3A = tpu.sem_alloc : memref<!tpu.dma_semaphore, #tpu.memory_space<semaphore_mem>>
      %dma_start3A_61 = arith.constant 0 : i32
      %dma_start3A_62 = tpu.memref_slice %arg5[%add3A_60, %dma_start3A_61] : memref<20480x128xf32, #tpu.memory_space<hbm>> -> memref<640x128xf32, #tpu.memory_space<hbm>>
      %dma_start3A_63 = arith.constant 0 : i32
      %dma_start3A_64 = tpu.memref_slice %arg16[%mul3A_57, %dma_start3A_63] : memref<10240x128xf32, #tpu.memory_space<vmem_shared>> -> memref<640x128xf32, #tpu.memory_space<vmem_shared>>
      tpu.enqueue_dma source(%dma_start3A_64 : memref<640x128xf32, #tpu.memory_space<vmem_shared>>) target(%dma_start3A_62 : memref<640x128xf32, #tpu.memory_space<hbm>>) target_semaphore(%run_scoped3A : memref<!tpu.dma_semaphore, #tpu.memory_space<semaphore_mem>>)
      %dma_wait3A_65 = arith.constant 0 : i32
      %dma_wait3A_66 = tpu.memref_slice %arg5[%add3A_60, %dma_wait3A_65] : memref<20480x128xf32, #tpu.memory_space<hbm>> -> memref<640x128xf32, #tpu.memory_space<hbm>>
      %dma_wait3A_67 = arith.constant 0 : i32
      %dma_wait3A_68 = tpu.memref_slice %arg16[%mul3A_57, %dma_wait3A_67] : memref<10240x128xf32, #tpu.memory_space<vmem_shared>> -> memref<640x128xf32, #tpu.memory_space<vmem_shared>>
      tpu.wait_dma2 semaphore(%run_scoped3A : memref<!tpu.dma_semaphore, #tpu.memory_space<semaphore_mem>>) src(%dma_wait3A_68 : memref<640x128xf32, #tpu.memory_space<vmem_shared>>) dst(%dma_wait3A_66 : memref<640x128xf32, #tpu.memory_space<hbm>>)
      tpu.yield
    }) : () -> ()
    return
  }
}

#map = affine_map<(d0, d1) -> (0)>
#map1 = affine_map<(d0, d1) -> (0, 0)>
module attributes {stable_mosaic.version = 14 : i64} {
  func.func @deg_kernel(%arg0: i32, %arg1: i32, %arg2: memref<327680xi32, #tpu.memory_space<hbm>>, %arg3: memref<20480x128xf32, #tpu.memory_space<hbm>>, %arg4: memref<10240xi32, #tpu.memory_space<vmem>>, %arg5: memref<128x128xf32, #tpu.memory_space<vmem>>, %arg6: memref<10240x128xf32, #tpu.memory_space<vmem_shared>>) attributes {dimension_semantics = [#tpu.dimension_semantics<core_parallel>, #tpu.dimension_semantics<subcore_parallel>], iteration_bounds = array<i64: 2, 16>, scalar_prefetch = 0 : i64, scratch_operands = 3 : i64, tpu.core_type = #tpu.core_type<sc_vector_subcore>, window_params = [{transform_indices = #map}, {transform_indices = #map1}]} {
    %scan3A = arith.constant 0 : i32
    %scan3A_0 = arith.constant 0 : i32
    %scan3A_1 = arith.constant 128 : i32
    %scan3A_2 = arith.addi %scan3A_0, %scan3A_1 : i32
    %scan3A_3 = arith.constant 1 : i32
    %scan3A_4 = scf.for %scan3A_41 = %scan3A_0 to %scan3A_2 step %scan3A_3 iter_args(%scan3A_42 = %scan3A) -> (i32)  : i32 {
      %broadcast_in_dim3A = arith.constant 0.000000e+00 : f32
      %broadcast_in_dim3A_43 = vector.broadcast %broadcast_in_dim3A : f32 to vector<16xf32>
      %swap3A = arith.index_cast %scan3A_41 : i32 to index
      %swap3A_44 = arith.constant 0 : index
      %swap3A_45 = tpu.vector_load %arg5[%swap3A, %swap3A_44] {strides = array<i32>} : memref<128x128xf32, #tpu.memory_space<vmem>>, vector<1x16xf32>,
      %swap3A_46 = vector.shape_cast %swap3A_45 : vector<1x16xf32> to vector<16xf32>
      %swap3A_47 = vector.shape_cast %broadcast_in_dim3A_43 : vector<16xf32> to vector<1x16xf32>
      tpu.vector_store %arg5[%swap3A, %swap3A_44], %swap3A_47 {strides = array<i32>} : memref<128x128xf32, #tpu.memory_space<vmem>>, vector<1x16xf32>,
      %broadcast_in_dim3A_48 = arith.constant 0.000000e+00 : f32
      %broadcast_in_dim3A_49 = vector.broadcast %broadcast_in_dim3A_48 : f32 to vector<16xf32>
      %swap3A_50 = arith.index_cast %scan3A_41 : i32 to index
      %swap3A_51 = arith.constant 16 : index
      %swap3A_52 = tpu.vector_load %arg5[%swap3A_50, %swap3A_51] {strides = array<i32>} : memref<128x128xf32, #tpu.memory_space<vmem>>, vector<1x16xf32>,
      %swap3A_53 = vector.shape_cast %swap3A_52 : vector<1x16xf32> to vector<16xf32>
      %swap3A_54 = vector.shape_cast %broadcast_in_dim3A_49 : vector<16xf32> to vector<1x16xf32>
      tpu.vector_store %arg5[%swap3A_50, %swap3A_51], %swap3A_54 {strides = array<i32>} : memref<128x128xf32, #tpu.memory_space<vmem>>, vector<1x16xf32>,
      %broadcast_in_dim3A_55 = arith.constant 0.000000e+00 : f32
      %broadcast_in_dim3A_56 = vector.broadcast %broadcast_in_dim3A_55 : f32 to vector<16xf32>
      %swap3A_57 = arith.index_cast %scan3A_41 : i32 to index
      %swap3A_58 = arith.constant 32 : index
      %swap3A_59 = tpu.vector_load %arg5[%swap3A_57, %swap3A_58] {strides = array<i32>} : memref<128x128xf32, #tpu.memory_space<vmem>>, vector<1x16xf32>,
      %swap3A_60 = vector.shape_cast %swap3A_59 : vector<1x16xf32> to vector<16xf32>
      %swap3A_61 = vector.shape_cast %broadcast_in_dim3A_56 : vector<16xf32> to vector<1x16xf32>
      tpu.vector_store %arg5[%swap3A_57, %swap3A_58], %swap3A_61 {strides = array<i32>} : memref<128x128xf32, #tpu.memory_space<vmem>>, vector<1x16xf32>,
      %broadcast_in_dim3A_62 = arith.constant 0.000000e+00 : f32
      %broadcast_in_dim3A_63 = vector.broadcast %broadcast_in_dim3A_62 : f32 to vector<16xf32>
      %swap3A_64 = arith.index_cast %scan3A_41 : i32 to index
      %swap3A_65 = arith.constant 48 : index
      %swap3A_66 = tpu.vector_load %arg5[%swap3A_64, %swap3A_65] {strides = array<i32>} : memref<128x128xf32, #tpu.memory_space<vmem>>, vector<1x16xf32>,
      %swap3A_67 = vector.shape_cast %swap3A_66 : vector<1x16xf32> to vector<16xf32>
      %swap3A_68 = vector.shape_cast %broadcast_in_dim3A_63 : vector<16xf32> to vector<1x16xf32>
      tpu.vector_store %arg5[%swap3A_64, %swap3A_65], %swap3A_68 {strides = array<i32>} : memref<128x128xf32, #tpu.memory_space<vmem>>, vector<1x16xf32>,
      %broadcast_in_dim3A_69 = arith.constant 0.000000e+00 : f32
      %broadcast_in_dim3A_70 = vector.broadcast %broadcast_in_dim3A_69 : f32 to vector<16xf32>
      %swap3A_71 = arith.index_cast %scan3A_41 : i32 to index
      %swap3A_72 = arith.constant 64 : index
      %swap3A_73 = tpu.vector_load %arg5[%swap3A_71, %swap3A_72] {strides = array<i32>} : memref<128x128xf32, #tpu.memory_space<vmem>>, vector<1x16xf32>,
      %swap3A_74 = vector.shape_cast %swap3A_73 : vector<1x16xf32> to vector<16xf32>
      %swap3A_75 = vector.shape_cast %broadcast_in_dim3A_70 : vector<16xf32> to vector<1x16xf32>
      tpu.vector_store %arg5[%swap3A_71, %swap3A_72], %swap3A_75 {strides = array<i32>} : memref<128x128xf32, #tpu.memory_space<vmem>>, vector<1x16xf32>,
      %broadcast_in_dim3A_76 = arith.constant 0.000000e+00 : f32
      %broadcast_in_dim3A_77 = vector.broadcast %broadcast_in_dim3A_76 : f32 to vector<16xf32>
      %swap3A_78 = arith.index_cast %scan3A_41 : i32 to index
      %swap3A_79 = arith.constant 80 : index
      %swap3A_80 = tpu.vector_load %arg5[%swap3A_78, %swap3A_79] {strides = array<i32>} : memref<128x128xf32, #tpu.memory_space<vmem>>, vector<1x16xf32>,
      %swap3A_81 = vector.shape_cast %swap3A_80 : vector<1x16xf32> to vector<16xf32>
      %swap3A_82 = vector.shape_cast %broadcast_in_dim3A_77 : vector<16xf32> to vector<1x16xf32>
      tpu.vector_store %arg5[%swap3A_78, %swap3A_79], %swap3A_82 {strides = array<i32>} : memref<128x128xf32, #tpu.memory_space<vmem>>, vector<1x16xf32>,
      %broadcast_in_dim3A_83 = arith.constant 0.000000e+00 : f32
      %broadcast_in_dim3A_84 = vector.broadcast %broadcast_in_dim3A_83 : f32 to vector<16xf32>
      %swap3A_85 = arith.index_cast %scan3A_41 : i32 to index
      %swap3A_86 = arith.constant 96 : index
      %swap3A_87 = tpu.vector_load %arg5[%swap3A_85, %swap3A_86] {strides = array<i32>} : memref<128x128xf32, #tpu.memory_space<vmem>>, vector<1x16xf32>,
      %swap3A_88 = vector.shape_cast %swap3A_87 : vector<1x16xf32> to vector<16xf32>
      %swap3A_89 = vector.shape_cast %broadcast_in_dim3A_84 : vector<16xf32> to vector<1x16xf32>
      tpu.vector_store %arg5[%swap3A_85, %swap3A_86], %swap3A_89 {strides = array<i32>} : memref<128x128xf32, #tpu.memory_space<vmem>>, vector<1x16xf32>,
      %broadcast_in_dim3A_90 = arith.constant 0.000000e+00 : f32
      %broadcast_in_dim3A_91 = vector.broadcast %broadcast_in_dim3A_90 : f32 to vector<16xf32>
      %swap3A_92 = arith.index_cast %scan3A_41 : i32 to index
      %swap3A_93 = arith.constant 112 : index
      %swap3A_94 = tpu.vector_load %arg5[%swap3A_92, %swap3A_93] {strides = array<i32>} : memref<128x128xf32, #tpu.memory_space<vmem>>, vector<1x16xf32>,
      %swap3A_95 = vector.shape_cast %swap3A_94 : vector<1x16xf32> to vector<16xf32>
      %swap3A_96 = vector.shape_cast %broadcast_in_dim3A_91 : vector<16xf32> to vector<1x16xf32>
      tpu.vector_store %arg5[%swap3A_92, %swap3A_93], %swap3A_96 {strides = array<i32>} : memref<128x128xf32, #tpu.memory_space<vmem>>, vector<1x16xf32>,
      %scan3A_97 = arith.constant 0 : i32
      scf.yield %scan3A_97 : i32
    }
    %scan3A_5 = arith.constant 128 : i32
    %mul3A = arith.constant 640 : i32
    %mul3A_6 = arith.muli %arg1, %mul3A : i32
    %add3A = arith.constant 0 : i32
    %add3A_7 = arith.addi %mul3A_6, %add3A : i32
    "tpu.region"() ({
      %run_scoped3A = tpu.sem_alloc : memref<!tpu.dma_semaphore, #tpu.memory_space<semaphore_mem>>
      %dma_start3A = arith.constant 0 : i32
      %dma_start3A_41 = tpu.memref_slice %arg6[%add3A_7, %dma_start3A] : memref<10240x128xf32, #tpu.memory_space<vmem_shared>> -> memref<128x128xf32, #tpu.memory_space<vmem_shared>>
      %dma_start3A_42 = arith.constant 0 : i32
      %dma_start3A_43 = tpu.memref_slice %arg6[%add3A_7, %dma_start3A_42] : memref<10240x128xf32, #tpu.memory_space<vmem_shared>> -> memref<128x128xf32, #tpu.memory_space<vmem_shared>>
      tpu.enqueue_dma source(%arg5 : memref<128x128xf32, #tpu.memory_space<vmem>>) target(%dma_start3A_43 : memref<128x128xf32, #tpu.memory_space<vmem_shared>>) target_semaphore(%run_scoped3A : memref<!tpu.dma_semaphore, #tpu.memory_space<semaphore_mem>>)
      %dma_wait3A = arith.constant 0 : i32
      %dma_wait3A_44 = tpu.memref_slice %arg6[%add3A_7, %dma_wait3A] : memref<10240x128xf32, #tpu.memory_space<vmem_shared>> -> memref<128x128xf32, #tpu.memory_space<vmem_shared>>
      %dma_wait3A_45 = arith.constant 0 : i32
      %dma_wait3A_46 = tpu.memref_slice %arg6[%add3A_7, %dma_wait3A_45] : memref<10240x128xf32, #tpu.memory_space<vmem_shared>> -> memref<128x128xf32, #tpu.memory_space<vmem_shared>>
      tpu.wait_dma2 semaphore(%run_scoped3A : memref<!tpu.dma_semaphore, #tpu.memory_space<semaphore_mem>>) src(%arg5 : memref<128x128xf32, #tpu.memory_space<vmem>>) dst(%dma_wait3A_46 : memref<128x128xf32, #tpu.memory_space<vmem_shared>>)
      tpu.yield
    }) : () -> ()
    %add3A_8 = arith.constant 128 : i32
    %add3A_9 = arith.addi %mul3A_6, %add3A_8 : i32
    "tpu.region"() ({
      %run_scoped3A = tpu.sem_alloc : memref<!tpu.dma_semaphore, #tpu.memory_space<semaphore_mem>>
      %dma_start3A = arith.constant 0 : i32
      %dma_start3A_41 = tpu.memref_slice %arg6[%add3A_9, %dma_start3A] : memref<10240x128xf32, #tpu.memory_space<vmem_shared>> -> memref<128x128xf32, #tpu.memory_space<vmem_shared>>
      %dma_start3A_42 = arith.constant 0 : i32
      %dma_start3A_43 = tpu.memref_slice %arg6[%add3A_9, %dma_start3A_42] : memref<10240x128xf32, #tpu.memory_space<vmem_shared>> -> memref<128x128xf32, #tpu.memory_space<vmem_shared>>
      tpu.enqueue_dma source(%arg5 : memref<128x128xf32, #tpu.memory_space<vmem>>) target(%dma_start3A_43 : memref<128x128xf32, #tpu.memory_space<vmem_shared>>) target_semaphore(%run_scoped3A : memref<!tpu.dma_semaphore, #tpu.memory_space<semaphore_mem>>)
      %dma_wait3A = arith.constant 0 : i32
      %dma_wait3A_44 = tpu.memref_slice %arg6[%add3A_9, %dma_wait3A] : memref<10240x128xf32, #tpu.memory_space<vmem_shared>> -> memref<128x128xf32, #tpu.memory_space<vmem_shared>>
      %dma_wait3A_45 = arith.constant 0 : i32
      %dma_wait3A_46 = tpu.memref_slice %arg6[%add3A_9, %dma_wait3A_45] : memref<10240x128xf32, #tpu.memory_space<vmem_shared>> -> memref<128x128xf32, #tpu.memory_space<vmem_shared>>
      tpu.wait_dma2 semaphore(%run_scoped3A : memref<!tpu.dma_semaphore, #tpu.memory_space<semaphore_mem>>) src(%arg5 : memref<128x128xf32, #tpu.memory_space<vmem>>) dst(%dma_wait3A_46 : memref<128x128xf32, #tpu.memory_space<vmem_shared>>)
      tpu.yield
    }) : () -> ()
    %add3A_10 = arith.constant 256 : i32
    %add3A_11 = arith.addi %mul3A_6, %add3A_10 : i32
    "tpu.region"() ({
      %run_scoped3A = tpu.sem_alloc : memref<!tpu.dma_semaphore, #tpu.memory_space<semaphore_mem>>
      %dma_start3A = arith.constant 0 : i32
      %dma_start3A_41 = tpu.memref_slice %arg6[%add3A_11, %dma_start3A] : memref<10240x128xf32, #tpu.memory_space<vmem_shared>> -> memref<128x128xf32, #tpu.memory_space<vmem_shared>>
      %dma_start3A_42 = arith.constant 0 : i32
      %dma_start3A_43 = tpu.memref_slice %arg6[%add3A_11, %dma_start3A_42] : memref<10240x128xf32, #tpu.memory_space<vmem_shared>> -> memref<128x128xf32, #tpu.memory_space<vmem_shared>>
      tpu.enqueue_dma source(%arg5 : memref<128x128xf32, #tpu.memory_space<vmem>>) target(%dma_start3A_43 : memref<128x128xf32, #tpu.memory_space<vmem_shared>>) target_semaphore(%run_scoped3A : memref<!tpu.dma_semaphore, #tpu.memory_space<semaphore_mem>>)
      %dma_wait3A = arith.constant 0 : i32
      %dma_wait3A_44 = tpu.memref_slice %arg6[%add3A_11, %dma_wait3A] : memref<10240x128xf32, #tpu.memory_space<vmem_shared>> -> memref<128x128xf32, #tpu.memory_space<vmem_shared>>
      %dma_wait3A_45 = arith.constant 0 : i32
      %dma_wait3A_46 = tpu.memref_slice %arg6[%add3A_11, %dma_wait3A_45] : memref<10240x128xf32, #tpu.memory_space<vmem_shared>> -> memref<128x128xf32, #tpu.memory_space<vmem_shared>>
      tpu.wait_dma2 semaphore(%run_scoped3A : memref<!tpu.dma_semaphore, #tpu.memory_space<semaphore_mem>>) src(%arg5 : memref<128x128xf32, #tpu.memory_space<vmem>>) dst(%dma_wait3A_46 : memref<128x128xf32, #tpu.memory_space<vmem_shared>>)
      tpu.yield
    }) : () -> ()
    %add3A_12 = arith.constant 384 : i32
    %add3A_13 = arith.addi %mul3A_6, %add3A_12 : i32
    "tpu.region"() ({
      %run_scoped3A = tpu.sem_alloc : memref<!tpu.dma_semaphore, #tpu.memory_space<semaphore_mem>>
      %dma_start3A = arith.constant 0 : i32
      %dma_start3A_41 = tpu.memref_slice %arg6[%add3A_13, %dma_start3A] : memref<10240x128xf32, #tpu.memory_space<vmem_shared>> -> memref<128x128xf32, #tpu.memory_space<vmem_shared>>
      %dma_start3A_42 = arith.constant 0 : i32
      %dma_start3A_43 = tpu.memref_slice %arg6[%add3A_13, %dma_start3A_42] : memref<10240x128xf32, #tpu.memory_space<vmem_shared>> -> memref<128x128xf32, #tpu.memory_space<vmem_shared>>
      tpu.enqueue_dma source(%arg5 : memref<128x128xf32, #tpu.memory_space<vmem>>) target(%dma_start3A_43 : memref<128x128xf32, #tpu.memory_space<vmem_shared>>) target_semaphore(%run_scoped3A : memref<!tpu.dma_semaphore, #tpu.memory_space<semaphore_mem>>)
      %dma_wait3A = arith.constant 0 : i32
      %dma_wait3A_44 = tpu.memref_slice %arg6[%add3A_13, %dma_wait3A] : memref<10240x128xf32, #tpu.memory_space<vmem_shared>> -> memref<128x128xf32, #tpu.memory_space<vmem_shared>>
      %dma_wait3A_45 = arith.constant 0 : i32
      %dma_wait3A_46 = tpu.memref_slice %arg6[%add3A_13, %dma_wait3A_45] : memref<10240x128xf32, #tpu.memory_space<vmem_shared>> -> memref<128x128xf32, #tpu.memory_space<vmem_shared>>
      tpu.wait_dma2 semaphore(%run_scoped3A : memref<!tpu.dma_semaphore, #tpu.memory_space<semaphore_mem>>) src(%arg5 : memref<128x128xf32, #tpu.memory_space<vmem>>) dst(%dma_wait3A_46 : memref<128x128xf32, #tpu.memory_space<vmem_shared>>)
      tpu.yield
    }) : () -> ()
    %add3A_14 = arith.constant 512 : i32
    %add3A_15 = arith.addi %mul3A_6, %add3A_14 : i32
    "tpu.region"() ({
      %run_scoped3A = tpu.sem_alloc : memref<!tpu.dma_semaphore, #tpu.memory_space<semaphore_mem>>
      %dma_start3A = arith.constant 0 : i32
      %dma_start3A_41 = tpu.memref_slice %arg6[%add3A_15, %dma_start3A] : memref<10240x128xf32, #tpu.memory_space<vmem_shared>> -> memref<128x128xf32, #tpu.memory_space<vmem_shared>>
      %dma_start3A_42 = arith.constant 0 : i32
      %dma_start3A_43 = tpu.memref_slice %arg6[%add3A_15, %dma_start3A_42] : memref<10240x128xf32, #tpu.memory_space<vmem_shared>> -> memref<128x128xf32, #tpu.memory_space<vmem_shared>>
      tpu.enqueue_dma source(%arg5 : memref<128x128xf32, #tpu.memory_space<vmem>>) target(%dma_start3A_43 : memref<128x128xf32, #tpu.memory_space<vmem_shared>>) target_semaphore(%run_scoped3A : memref<!tpu.dma_semaphore, #tpu.memory_space<semaphore_mem>>)
      %dma_wait3A = arith.constant 0 : i32
      %dma_wait3A_44 = tpu.memref_slice %arg6[%add3A_15, %dma_wait3A] : memref<10240x128xf32, #tpu.memory_space<vmem_shared>> -> memref<128x128xf32, #tpu.memory_space<vmem_shared>>
      %dma_wait3A_45 = arith.constant 0 : i32
      %dma_wait3A_46 = tpu.memref_slice %arg6[%add3A_15, %dma_wait3A_45] : memref<10240x128xf32, #tpu.memory_space<vmem_shared>> -> memref<128x128xf32, #tpu.memory_space<vmem_shared>>
      tpu.wait_dma2 semaphore(%run_scoped3A : memref<!tpu.dma_semaphore, #tpu.memory_space<semaphore_mem>>) src(%arg5 : memref<128x128xf32, #tpu.memory_space<vmem>>) dst(%dma_wait3A_46 : memref<128x128xf32, #tpu.memory_space<vmem_shared>>)
      tpu.yield
    }) : () -> ()
    %scan3A_16 = arith.constant 0 : i32
    %scan3A_17 = arith.constant 0 : i32
    %scan3A_18 = arith.constant 128 : i32
    %scan3A_19 = arith.addi %scan3A_17, %scan3A_18 : i32
    %scan3A_20 = arith.constant 1 : i32
    %scan3A_21 = scf.for %scan3A_41 = %scan3A_17 to %scan3A_19 step %scan3A_20 iter_args(%scan3A_42 = %scan3A_16) -> (i32)  : i32 {
      %broadcast_in_dim3A = arith.constant 1.000000e+00 : f32
      %broadcast_in_dim3A_43 = vector.broadcast %broadcast_in_dim3A : f32 to vector<16xf32>
      %swap3A = arith.index_cast %scan3A_41 : i32 to index
      %swap3A_44 = arith.constant 0 : index
      %swap3A_45 = tpu.vector_load %arg5[%swap3A, %swap3A_44] {strides = array<i32>} : memref<128x128xf32, #tpu.memory_space<vmem>>, vector<1x16xf32>,
      %swap3A_46 = vector.shape_cast %swap3A_45 : vector<1x16xf32> to vector<16xf32>
      %swap3A_47 = vector.shape_cast %broadcast_in_dim3A_43 : vector<16xf32> to vector<1x16xf32>
      tpu.vector_store %arg5[%swap3A, %swap3A_44], %swap3A_47 {strides = array<i32>} : memref<128x128xf32, #tpu.memory_space<vmem>>, vector<1x16xf32>,
      %broadcast_in_dim3A_48 = arith.constant 1.000000e+00 : f32
      %broadcast_in_dim3A_49 = vector.broadcast %broadcast_in_dim3A_48 : f32 to vector<16xf32>
      %swap3A_50 = arith.index_cast %scan3A_41 : i32 to index
      %swap3A_51 = arith.constant 16 : index
      %swap3A_52 = tpu.vector_load %arg5[%swap3A_50, %swap3A_51] {strides = array<i32>} : memref<128x128xf32, #tpu.memory_space<vmem>>, vector<1x16xf32>,
      %swap3A_53 = vector.shape_cast %swap3A_52 : vector<1x16xf32> to vector<16xf32>
      %swap3A_54 = vector.shape_cast %broadcast_in_dim3A_49 : vector<16xf32> to vector<1x16xf32>
      tpu.vector_store %arg5[%swap3A_50, %swap3A_51], %swap3A_54 {strides = array<i32>} : memref<128x128xf32, #tpu.memory_space<vmem>>, vector<1x16xf32>,
      %broadcast_in_dim3A_55 = arith.constant 1.000000e+00 : f32
      %broadcast_in_dim3A_56 = vector.broadcast %broadcast_in_dim3A_55 : f32 to vector<16xf32>
      %swap3A_57 = arith.index_cast %scan3A_41 : i32 to index
      %swap3A_58 = arith.constant 32 : index
      %swap3A_59 = tpu.vector_load %arg5[%swap3A_57, %swap3A_58] {strides = array<i32>} : memref<128x128xf32, #tpu.memory_space<vmem>>, vector<1x16xf32>,
      %swap3A_60 = vector.shape_cast %swap3A_59 : vector<1x16xf32> to vector<16xf32>
      %swap3A_61 = vector.shape_cast %broadcast_in_dim3A_56 : vector<16xf32> to vector<1x16xf32>
      tpu.vector_store %arg5[%swap3A_57, %swap3A_58], %swap3A_61 {strides = array<i32>} : memref<128x128xf32, #tpu.memory_space<vmem>>, vector<1x16xf32>,
      %broadcast_in_dim3A_62 = arith.constant 1.000000e+00 : f32
      %broadcast_in_dim3A_63 = vector.broadcast %broadcast_in_dim3A_62 : f32 to vector<16xf32>
      %swap3A_64 = arith.index_cast %scan3A_41 : i32 to index
      %swap3A_65 = arith.constant 48 : index
      %swap3A_66 = tpu.vector_load %arg5[%swap3A_64, %swap3A_65] {strides = array<i32>} : memref<128x128xf32, #tpu.memory_space<vmem>>, vector<1x16xf32>,
      %swap3A_67 = vector.shape_cast %swap3A_66 : vector<1x16xf32> to vector<16xf32>
      %swap3A_68 = vector.shape_cast %broadcast_in_dim3A_63 : vector<16xf32> to vector<1x16xf32>
      tpu.vector_store %arg5[%swap3A_64, %swap3A_65], %swap3A_68 {strides = array<i32>} : memref<128x128xf32, #tpu.memory_space<vmem>>, vector<1x16xf32>,
      %broadcast_in_dim3A_69 = arith.constant 1.000000e+00 : f32
      %broadcast_in_dim3A_70 = vector.broadcast %broadcast_in_dim3A_69 : f32 to vector<16xf32>
      %swap3A_71 = arith.index_cast %scan3A_41 : i32 to index
      %swap3A_72 = arith.constant 64 : index
      %swap3A_73 = tpu.vector_load %arg5[%swap3A_71, %swap3A_72] {strides = array<i32>} : memref<128x128xf32, #tpu.memory_space<vmem>>, vector<1x16xf32>,
      %swap3A_74 = vector.shape_cast %swap3A_73 : vector<1x16xf32> to vector<16xf32>
      %swap3A_75 = vector.shape_cast %broadcast_in_dim3A_70 : vector<16xf32> to vector<1x16xf32>
      tpu.vector_store %arg5[%swap3A_71, %swap3A_72], %swap3A_75 {strides = array<i32>} : memref<128x128xf32, #tpu.memory_space<vmem>>, vector<1x16xf32>,
      %broadcast_in_dim3A_76 = arith.constant 1.000000e+00 : f32
      %broadcast_in_dim3A_77 = vector.broadcast %broadcast_in_dim3A_76 : f32 to vector<16xf32>
      %swap3A_78 = arith.index_cast %scan3A_41 : i32 to index
      %swap3A_79 = arith.constant 80 : index
      %swap3A_80 = tpu.vector_load %arg5[%swap3A_78, %swap3A_79] {strides = array<i32>} : memref<128x128xf32, #tpu.memory_space<vmem>>, vector<1x16xf32>,
      %swap3A_81 = vector.shape_cast %swap3A_80 : vector<1x16xf32> to vector<16xf32>
      %swap3A_82 = vector.shape_cast %broadcast_in_dim3A_77 : vector<16xf32> to vector<1x16xf32>
      tpu.vector_store %arg5[%swap3A_78, %swap3A_79], %swap3A_82 {strides = array<i32>} : memref<128x128xf32, #tpu.memory_space<vmem>>, vector<1x16xf32>,
      %broadcast_in_dim3A_83 = arith.constant 1.000000e+00 : f32
      %broadcast_in_dim3A_84 = vector.broadcast %broadcast_in_dim3A_83 : f32 to vector<16xf32>
      %swap3A_85 = arith.index_cast %scan3A_41 : i32 to index
      %swap3A_86 = arith.constant 96 : index
      %swap3A_87 = tpu.vector_load %arg5[%swap3A_85, %swap3A_86] {strides = array<i32>} : memref<128x128xf32, #tpu.memory_space<vmem>>, vector<1x16xf32>,
      %swap3A_88 = vector.shape_cast %swap3A_87 : vector<1x16xf32> to vector<16xf32>
      %swap3A_89 = vector.shape_cast %broadcast_in_dim3A_84 : vector<16xf32> to vector<1x16xf32>
      tpu.vector_store %arg5[%swap3A_85, %swap3A_86], %swap3A_89 {strides = array<i32>} : memref<128x128xf32, #tpu.memory_space<vmem>>, vector<1x16xf32>,
      %broadcast_in_dim3A_90 = arith.constant 1.000000e+00 : f32
      %broadcast_in_dim3A_91 = vector.broadcast %broadcast_in_dim3A_90 : f32 to vector<16xf32>
      %swap3A_92 = arith.index_cast %scan3A_41 : i32 to index
      %swap3A_93 = arith.constant 112 : index
      %swap3A_94 = tpu.vector_load %arg5[%swap3A_92, %swap3A_93] {strides = array<i32>} : memref<128x128xf32, #tpu.memory_space<vmem>>, vector<1x16xf32>,
      %swap3A_95 = vector.shape_cast %swap3A_94 : vector<1x16xf32> to vector<16xf32>
      %swap3A_96 = vector.shape_cast %broadcast_in_dim3A_91 : vector<16xf32> to vector<1x16xf32>
      tpu.vector_store %arg5[%swap3A_92, %swap3A_93], %swap3A_96 {strides = array<i32>} : memref<128x128xf32, #tpu.memory_space<vmem>>, vector<1x16xf32>,
      %scan3A_97 = arith.constant 0 : i32
      scf.yield %scan3A_97 : i32
    }
    %scan3A_22 = arith.constant 128 : i32
    %mul3A_23 = arith.constant 163840 : i32
    %mul3A_24 = arith.muli %arg0, %mul3A_23 : i32
    %mul3A_25 = arith.constant 10240 : i32
    %mul3A_26 = arith.muli %arg1, %mul3A_25 : i32
    %add3A_27 = arith.addi %mul3A_24, %mul3A_26 : i32
    "tpu.region"() ({
      %run_scoped3A = tpu.sem_alloc : memref<!tpu.dma_semaphore, #tpu.memory_space<semaphore_mem>>
      %dma_start3A = tpu.memref_slice %arg2[%add3A_27] : memref<327680xi32, #tpu.memory_space<hbm>> -> memref<10240xi32, #tpu.memory_space<hbm>>
      %dma_start3A_41 = tpu.memref_slice %arg2[%add3A_27] : memref<327680xi32, #tpu.memory_space<hbm>> -> memref<10240xi32, #tpu.memory_space<hbm>>
      tpu.enqueue_dma source(%dma_start3A_41 : memref<10240xi32, #tpu.memory_space<hbm>>) target(%arg4 : memref<10240xi32, #tpu.memory_space<vmem>>) target_semaphore(%run_scoped3A : memref<!tpu.dma_semaphore, #tpu.memory_space<semaphore_mem>>)
      %dma_wait3A = tpu.memref_slice %arg2[%add3A_27] : memref<327680xi32, #tpu.memory_space<hbm>> -> memref<10240xi32, #tpu.memory_space<hbm>>
      %dma_wait3A_42 = tpu.memref_slice %arg2[%add3A_27] : memref<327680xi32, #tpu.memory_space<hbm>> -> memref<10240xi32, #tpu.memory_space<hbm>>
      tpu.wait_dma2 semaphore(%run_scoped3A : memref<!tpu.dma_semaphore, #tpu.memory_space<semaphore_mem>>) src(%dma_wait3A_42 : memref<10240xi32, #tpu.memory_space<hbm>>) dst(%arg4 : memref<10240xi32, #tpu.memory_space<vmem>>)
      tpu.yield
    }) : () -> ()
    %barrier3A = arith.constant 0 : index
    tpu.barrier barrier_id(%barrier3A)
    %scan3A_28 = arith.constant 0 : i32
    %scan3A_29 = arith.constant 0 : i32
    %scan3A_30 = arith.constant 80 : i32
    %scan3A_31 = arith.addi %scan3A_29, %scan3A_30 : i32
    %scan3A_32 = arith.constant 1 : i32
    %scan3A_33 = scf.for %scan3A_41 = %scan3A_29 to %scan3A_31 step %scan3A_32 iter_args(%scan3A_42 = %scan3A_28) -> (i32)  : i32 {
      %mul3A_43 = arith.constant 128 : i32
      %mul3A_44 = arith.muli %scan3A_41, %mul3A_43 : i32
      "tpu.region"() ({
        %run_scoped3A = tpu.sem_alloc : memref<!tpu.dma_semaphore, #tpu.memory_space<semaphore_mem>>
        %dma_start3A = tpu.memref_slice %arg4[%mul3A_44] : memref<10240xi32, #tpu.memory_space<vmem>> -> memref<128xi32, #tpu.memory_space<vmem>>
        %dma_start3A_46 = arith.constant 0 : i32
        %dma_start3A_47 = arith.constant 0 : i32
        %dma_start3A_48 = tpu.memref_slice %arg6[%dma_start3A_46, %dma_start3A_47] : memref<10240x128xf32, #tpu.memory_space<vmem_shared>> -> memref<10240x128xf32, #tpu.memory_space<vmem_shared>>
        tpu.enqueue_indirect_dma source(%arg5 : memref<128x128xf32, #tpu.memory_space<vmem>>) target(%dma_start3A_48 : memref<10240x128xf32, #tpu.memory_space<vmem_shared>>) offsets(%dma_start3A : memref<128xi32, #tpu.memory_space<vmem>>) semaphore(%run_scoped3A : memref<!tpu.dma_semaphore, #tpu.memory_space<semaphore_mem>>) {add = true}
        %dma_wait3A = tpu.memref_slice %arg4[%mul3A_44] : memref<10240xi32, #tpu.memory_space<vmem>> -> memref<128xi32, #tpu.memory_space<vmem>>
        %dma_wait3A_49 = arith.constant 0 : i32
        %dma_wait3A_50 = arith.constant 0 : i32
        %dma_wait3A_51 = tpu.memref_slice %arg6[%dma_wait3A_49, %dma_wait3A_50] : memref<10240x128xf32, #tpu.memory_space<vmem_shared>> -> memref<10240x128xf32, #tpu.memory_space<vmem_shared>>
        tpu.wait_indirect_dma semaphore(%run_scoped3A : memref<!tpu.dma_semaphore, #tpu.memory_space<semaphore_mem>>) src(%arg5 : memref<128x128xf32, #tpu.memory_space<vmem>>) dst(%dma_wait3A_51 : memref<10240x128xf32, #tpu.memory_space<vmem_shared>>)
        tpu.yield
      }) : () -> ()
      %scan3A_45 = arith.constant 0 : i32
      scf.yield %scan3A_45 : i32
    }
    %scan3A_34 = arith.constant 80 : i32
    %barrier3A_35 = arith.constant 0 : index
    tpu.barrier barrier_id(%barrier3A_35)
    %mul3A_36 = arith.constant 640 : i32
    %mul3A_37 = arith.muli %arg1, %mul3A_36 : i32
    %mul3A_38 = arith.constant 10240 : i32
    %mul3A_39 = arith.muli %arg0, %mul3A_38 : i32
    %add3A_40 = arith.addi %mul3A_39, %mul3A_37 : i32
    "tpu.region"() ({
      %run_scoped3A = tpu.sem_alloc : memref<!tpu.dma_semaphore, #tpu.memory_space<semaphore_mem>>
      %dma_start3A = arith.constant 0 : i32
      %dma_start3A_41 = tpu.memref_slice %arg3[%add3A_40, %dma_start3A] : memref<20480x128xf32, #tpu.memory_space<hbm>> -> memref<640x128xf32, #tpu.memory_space<hbm>>
      %dma_start3A_42 = arith.constant 0 : i32
      %dma_start3A_43 = tpu.memref_slice %arg6[%mul3A_37, %dma_start3A_42] : memref<10240x128xf32, #tpu.memory_space<vmem_shared>> -> memref<640x128xf32, #tpu.memory_space<vmem_shared>>
      tpu.enqueue_dma source(%dma_start3A_43 : memref<640x128xf32, #tpu.memory_space<vmem_shared>>) target(%dma_start3A_41 : memref<640x128xf32, #tpu.memory_space<hbm>>) target_semaphore(%run_scoped3A : memref<!tpu.dma_semaphore, #tpu.memory_space<semaphore_mem>>)
      %dma_wait3A = arith.constant 0 : i32
      %dma_wait3A_44 = tpu.memref_slice %arg3[%add3A_40, %dma_wait3A] : memref<20480x128xf32, #tpu.memory_space<hbm>> -> memref<640x128xf32, #tpu.memory_space<hbm>>
      %dma_wait3A_45 = arith.constant 0 : i32
      %dma_wait3A_46 = tpu.memref_slice %arg6[%mul3A_37, %dma_wait3A_45] : memref<10240x128xf32, #tpu.memory_space<vmem_shared>> -> memref<640x128xf32, #tpu.memory_space<vmem_shared>>
      tpu.wait_dma2 semaphore(%run_scoped3A : memref<!tpu.dma_semaphore, #tpu.memory_space<semaphore_mem>>) src(%dma_wait3A_46 : memref<640x128xf32, #tpu.memory_space<vmem_shared>>) dst(%dma_wait3A_44 : memref<640x128xf32, #tpu.memory_space<hbm>>)
      tpu.yield
    }) : () -> ()
    return
  }
}

#map = affine_map<(d0, d1) -> (0)>
#map1 = affine_map<(d0, d1) -> (0, 0)>
module attributes {stable_mosaic.version = 14 : i64} {
  func.func @agg_kernel(%arg0: i32, %arg1: i32, %arg2: memref<655360xi32, #tpu.memory_space<hbm>>, %arg3: memref<327680xi32, #tpu.memory_space<hbm>>, %arg4: memref<10240x128xf32, #tpu.memory_space<hbm>>, %arg5: memref<20480x128xf32, #tpu.memory_space<hbm>>, %arg6: memref<128xi32, #tpu.memory_space<vmem>>, %arg7: memref<128xi32, #tpu.memory_space<vmem>>, %arg8: memref<128xi32, #tpu.memory_space<vmem>>, %arg9: memref<128xi32, #tpu.memory_space<vmem>>, %arg10: memref<128xi32, #tpu.memory_space<vmem>>, %arg11: memref<128xi32, #tpu.memory_space<vmem>>, %arg12: memref<128xi32, #tpu.memory_space<vmem>>, %arg13: memref<128xi32, #tpu.memory_space<vmem>>, %arg14: memref<128x128xf32, #tpu.memory_space<vmem>>, %arg15: memref<128x128xf32, #tpu.memory_space<vmem>>, %arg16: memref<10240x128xf32, #tpu.memory_space<vmem_shared>>, %arg17: memref<!tpu.dma_semaphore, #tpu.memory_space<semaphore_mem>>, %arg18: memref<!tpu.dma_semaphore, #tpu.memory_space<semaphore_mem>>, %arg19: memref<!tpu.dma_semaphore, #tpu.memory_space<semaphore_mem>>, %arg20: memref<!tpu.dma_semaphore, #tpu.memory_space<semaphore_mem>>, %arg21: memref<!tpu.dma_semaphore, #tpu.memory_space<semaphore_mem>>, %arg22: memref<!tpu.dma_semaphore, #tpu.memory_space<semaphore_mem>>, %arg23: memref<!tpu.dma_semaphore, #tpu.memory_space<semaphore_mem>>, %arg24: memref<!tpu.dma_semaphore, #tpu.memory_space<semaphore_mem>>, %arg25: memref<!tpu.dma_semaphore, #tpu.memory_space<semaphore_mem>>, %arg26: memref<!tpu.dma_semaphore, #tpu.memory_space<semaphore_mem>>) attributes {dimension_semantics = [#tpu.dimension_semantics<core_parallel>, #tpu.dimension_semantics<subcore_parallel>], iteration_bounds = array<i64: 2, 16>, scalar_prefetch = 0 : i64, scratch_operands = 21 : i64, tpu.core_type = #tpu.core_type<sc_vector_subcore>, window_params = [{transform_indices = #map}, {transform_indices = #map}, {transform_indices = #map1}, {transform_indices = #map1}]} {
    %scan3A = arith.constant 0 : i32
    %scan3A_0 = arith.constant 0 : i32
    %scan3A_1 = arith.constant 128 : i32
    %scan3A_2 = arith.addi %scan3A_0, %scan3A_1 : i32
    %scan3A_3 = arith.constant 1 : i32
    %scan3A_4 = scf.for %scan3A_59 = %scan3A_0 to %scan3A_2 step %scan3A_3 iter_args(%scan3A_60 = %scan3A) -> (i32)  : i32 {
      %broadcast_in_dim3A = arith.constant 0.000000e+00 : f32
      %broadcast_in_dim3A_61 = vector.broadcast %broadcast_in_dim3A : f32 to vector<16xf32>
      %swap3A = arith.index_cast %scan3A_59 : i32 to index
      %swap3A_62 = arith.constant 0 : index
      %swap3A_63 = tpu.vector_load %arg14[%swap3A, %swap3A_62] {strides = array<i32>} : memref<128x128xf32, #tpu.memory_space<vmem>>, vector<1x16xf32>,
      %swap3A_64 = vector.shape_cast %swap3A_63 : vector<1x16xf32> to vector<16xf32>
      %swap3A_65 = vector.shape_cast %broadcast_in_dim3A_61 : vector<16xf32> to vector<1x16xf32>
      tpu.vector_store %arg14[%swap3A, %swap3A_62], %swap3A_65 {strides = array<i32>} : memref<128x128xf32, #tpu.memory_space<vmem>>, vector<1x16xf32>,
      %broadcast_in_dim3A_66 = arith.constant 0.000000e+00 : f32
      %broadcast_in_dim3A_67 = vector.broadcast %broadcast_in_dim3A_66 : f32 to vector<16xf32>
      %swap3A_68 = arith.index_cast %scan3A_59 : i32 to index
      %swap3A_69 = arith.constant 16 : index
      %swap3A_70 = tpu.vector_load %arg14[%swap3A_68, %swap3A_69] {strides = array<i32>} : memref<128x128xf32, #tpu.memory_space<vmem>>, vector<1x16xf32>,
      %swap3A_71 = vector.shape_cast %swap3A_70 : vector<1x16xf32> to vector<16xf32>
      %swap3A_72 = vector.shape_cast %broadcast_in_dim3A_67 : vector<16xf32> to vector<1x16xf32>
      tpu.vector_store %arg14[%swap3A_68, %swap3A_69], %swap3A_72 {strides = array<i32>} : memref<128x128xf32, #tpu.memory_space<vmem>>, vector<1x16xf32>,
      %broadcast_in_dim3A_73 = arith.constant 0.000000e+00 : f32
      %broadcast_in_dim3A_74 = vector.broadcast %broadcast_in_dim3A_73 : f32 to vector<16xf32>
      %swap3A_75 = arith.index_cast %scan3A_59 : i32 to index
      %swap3A_76 = arith.constant 32 : index
      %swap3A_77 = tpu.vector_load %arg14[%swap3A_75, %swap3A_76] {strides = array<i32>} : memref<128x128xf32, #tpu.memory_space<vmem>>, vector<1x16xf32>,
      %swap3A_78 = vector.shape_cast %swap3A_77 : vector<1x16xf32> to vector<16xf32>
      %swap3A_79 = vector.shape_cast %broadcast_in_dim3A_74 : vector<16xf32> to vector<1x16xf32>
      tpu.vector_store %arg14[%swap3A_75, %swap3A_76], %swap3A_79 {strides = array<i32>} : memref<128x128xf32, #tpu.memory_space<vmem>>, vector<1x16xf32>,
      %broadcast_in_dim3A_80 = arith.constant 0.000000e+00 : f32
      %broadcast_in_dim3A_81 = vector.broadcast %broadcast_in_dim3A_80 : f32 to vector<16xf32>
      %swap3A_82 = arith.index_cast %scan3A_59 : i32 to index
      %swap3A_83 = arith.constant 48 : index
      %swap3A_84 = tpu.vector_load %arg14[%swap3A_82, %swap3A_83] {strides = array<i32>} : memref<128x128xf32, #tpu.memory_space<vmem>>, vector<1x16xf32>,
      %swap3A_85 = vector.shape_cast %swap3A_84 : vector<1x16xf32> to vector<16xf32>
      %swap3A_86 = vector.shape_cast %broadcast_in_dim3A_81 : vector<16xf32> to vector<1x16xf32>
      tpu.vector_store %arg14[%swap3A_82, %swap3A_83], %swap3A_86 {strides = array<i32>} : memref<128x128xf32, #tpu.memory_space<vmem>>, vector<1x16xf32>,
      %broadcast_in_dim3A_87 = arith.constant 0.000000e+00 : f32
      %broadcast_in_dim3A_88 = vector.broadcast %broadcast_in_dim3A_87 : f32 to vector<16xf32>
      %swap3A_89 = arith.index_cast %scan3A_59 : i32 to index
      %swap3A_90 = arith.constant 64 : index
      %swap3A_91 = tpu.vector_load %arg14[%swap3A_89, %swap3A_90] {strides = array<i32>} : memref<128x128xf32, #tpu.memory_space<vmem>>, vector<1x16xf32>,
      %swap3A_92 = vector.shape_cast %swap3A_91 : vector<1x16xf32> to vector<16xf32>
      %swap3A_93 = vector.shape_cast %broadcast_in_dim3A_88 : vector<16xf32> to vector<1x16xf32>
      tpu.vector_store %arg14[%swap3A_89, %swap3A_90], %swap3A_93 {strides = array<i32>} : memref<128x128xf32, #tpu.memory_space<vmem>>, vector<1x16xf32>,
      %broadcast_in_dim3A_94 = arith.constant 0.000000e+00 : f32
      %broadcast_in_dim3A_95 = vector.broadcast %broadcast_in_dim3A_94 : f32 to vector<16xf32>
      %swap3A_96 = arith.index_cast %scan3A_59 : i32 to index
      %swap3A_97 = arith.constant 80 : index
      %swap3A_98 = tpu.vector_load %arg14[%swap3A_96, %swap3A_97] {strides = array<i32>} : memref<128x128xf32, #tpu.memory_space<vmem>>, vector<1x16xf32>,
      %swap3A_99 = vector.shape_cast %swap3A_98 : vector<1x16xf32> to vector<16xf32>
      %swap3A_100 = vector.shape_cast %broadcast_in_dim3A_95 : vector<16xf32> to vector<1x16xf32>
      tpu.vector_store %arg14[%swap3A_96, %swap3A_97], %swap3A_100 {strides = array<i32>} : memref<128x128xf32, #tpu.memory_space<vmem>>, vector<1x16xf32>,
      %broadcast_in_dim3A_101 = arith.constant 0.000000e+00 : f32
      %broadcast_in_dim3A_102 = vector.broadcast %broadcast_in_dim3A_101 : f32 to vector<16xf32>
      %swap3A_103 = arith.index_cast %scan3A_59 : i32 to index
      %swap3A_104 = arith.constant 96 : index
      %swap3A_105 = tpu.vector_load %arg14[%swap3A_103, %swap3A_104] {strides = array<i32>} : memref<128x128xf32, #tpu.memory_space<vmem>>, vector<1x16xf32>,
      %swap3A_106 = vector.shape_cast %swap3A_105 : vector<1x16xf32> to vector<16xf32>
      %swap3A_107 = vector.shape_cast %broadcast_in_dim3A_102 : vector<16xf32> to vector<1x16xf32>
      tpu.vector_store %arg14[%swap3A_103, %swap3A_104], %swap3A_107 {strides = array<i32>} : memref<128x128xf32, #tpu.memory_space<vmem>>, vector<1x16xf32>,
      %broadcast_in_dim3A_108 = arith.constant 0.000000e+00 : f32
      %broadcast_in_dim3A_109 = vector.broadcast %broadcast_in_dim3A_108 : f32 to vector<16xf32>
      %swap3A_110 = arith.index_cast %scan3A_59 : i32 to index
      %swap3A_111 = arith.constant 112 : index
      %swap3A_112 = tpu.vector_load %arg14[%swap3A_110, %swap3A_111] {strides = array<i32>} : memref<128x128xf32, #tpu.memory_space<vmem>>, vector<1x16xf32>,
      %swap3A_113 = vector.shape_cast %swap3A_112 : vector<1x16xf32> to vector<16xf32>
      %swap3A_114 = vector.shape_cast %broadcast_in_dim3A_109 : vector<16xf32> to vector<1x16xf32>
      tpu.vector_store %arg14[%swap3A_110, %swap3A_111], %swap3A_114 {strides = array<i32>} : memref<128x128xf32, #tpu.memory_space<vmem>>, vector<1x16xf32>,
      %scan3A_115 = arith.constant 0 : i32
      scf.yield %scan3A_115 : i32
    }
    %scan3A_5 = arith.constant 128 : i32
    %mul3A = arith.constant 640 : i32
    %mul3A_6 = arith.muli %arg1, %mul3A : i32
    %add3A = arith.constant 0 : i32
    %add3A_7 = arith.addi %mul3A_6, %add3A : i32
    "tpu.region"() ({
      %run_scoped3A = tpu.sem_alloc : memref<!tpu.dma_semaphore, #tpu.memory_space<semaphore_mem>>
      %dma_start3A_59 = arith.constant 0 : i32
      %dma_start3A_60 = tpu.memref_slice %arg16[%add3A_7, %dma_start3A_59] : memref<10240x128xf32, #tpu.memory_space<vmem_shared>> -> memref<128x128xf32, #tpu.memory_space<vmem_shared>>
      %dma_start3A_61 = arith.constant 0 : i32
      %dma_start3A_62 = tpu.memref_slice %arg16[%add3A_7, %dma_start3A_61] : memref<10240x128xf32, #tpu.memory_space<vmem_shared>> -> memref<128x128xf32, #tpu.memory_space<vmem_shared>>
      tpu.enqueue_dma source(%arg14 : memref<128x128xf32, #tpu.memory_space<vmem>>) target(%dma_start3A_62 : memref<128x128xf32, #tpu.memory_space<vmem_shared>>) target_semaphore(%run_scoped3A : memref<!tpu.dma_semaphore, #tpu.memory_space<semaphore_mem>>)
      %dma_wait3A_63 = arith.constant 0 : i32
      %dma_wait3A_64 = tpu.memref_slice %arg16[%add3A_7, %dma_wait3A_63] : memref<10240x128xf32, #tpu.memory_space<vmem_shared>> -> memref<128x128xf32, #tpu.memory_space<vmem_shared>>
      %dma_wait3A_65 = arith.constant 0 : i32
      %dma_wait3A_66 = tpu.memref_slice %arg16[%add3A_7, %dma_wait3A_65] : memref<10240x128xf32, #tpu.memory_space<vmem_shared>> -> memref<128x128xf32, #tpu.memory_space<vmem_shared>>
      tpu.wait_dma2 semaphore(%run_scoped3A : memref<!tpu.dma_semaphore, #tpu.memory_space<semaphore_mem>>) src(%arg14 : memref<128x128xf32, #tpu.memory_space<vmem>>) dst(%dma_wait3A_66 : memref<128x128xf32, #tpu.memory_space<vmem_shared>>)
      tpu.yield
    }) : () -> ()
    %add3A_8 = arith.constant 128 : i32
    %add3A_9 = arith.addi %mul3A_6, %add3A_8 : i32
    "tpu.region"() ({
      %run_scoped3A = tpu.sem_alloc : memref<!tpu.dma_semaphore, #tpu.memory_space<semaphore_mem>>
      %dma_start3A_59 = arith.constant 0 : i32
      %dma_start3A_60 = tpu.memref_slice %arg16[%add3A_9, %dma_start3A_59] : memref<10240x128xf32, #tpu.memory_space<vmem_shared>> -> memref<128x128xf32, #tpu.memory_space<vmem_shared>>
      %dma_start3A_61 = arith.constant 0 : i32
      %dma_start3A_62 = tpu.memref_slice %arg16[%add3A_9, %dma_start3A_61] : memref<10240x128xf32, #tpu.memory_space<vmem_shared>> -> memref<128x128xf32, #tpu.memory_space<vmem_shared>>
      tpu.enqueue_dma source(%arg14 : memref<128x128xf32, #tpu.memory_space<vmem>>) target(%dma_start3A_62 : memref<128x128xf32, #tpu.memory_space<vmem_shared>>) target_semaphore(%run_scoped3A : memref<!tpu.dma_semaphore, #tpu.memory_space<semaphore_mem>>)
      %dma_wait3A_63 = arith.constant 0 : i32
      %dma_wait3A_64 = tpu.memref_slice %arg16[%add3A_9, %dma_wait3A_63] : memref<10240x128xf32, #tpu.memory_space<vmem_shared>> -> memref<128x128xf32, #tpu.memory_space<vmem_shared>>
      %dma_wait3A_65 = arith.constant 0 : i32
      %dma_wait3A_66 = tpu.memref_slice %arg16[%add3A_9, %dma_wait3A_65] : memref<10240x128xf32, #tpu.memory_space<vmem_shared>> -> memref<128x128xf32, #tpu.memory_space<vmem_shared>>
      tpu.wait_dma2 semaphore(%run_scoped3A : memref<!tpu.dma_semaphore, #tpu.memory_space<semaphore_mem>>) src(%arg14 : memref<128x128xf32, #tpu.memory_space<vmem>>) dst(%dma_wait3A_66 : memref<128x128xf32, #tpu.memory_space<vmem_shared>>)
      tpu.yield
    }) : () -> ()
    %add3A_10 = arith.constant 256 : i32
    %add3A_11 = arith.addi %mul3A_6, %add3A_10 : i32
    "tpu.region"() ({
      %run_scoped3A = tpu.sem_alloc : memref<!tpu.dma_semaphore, #tpu.memory_space<semaphore_mem>>
      %dma_start3A_59 = arith.constant 0 : i32
      %dma_start3A_60 = tpu.memref_slice %arg16[%add3A_11, %dma_start3A_59] : memref<10240x128xf32, #tpu.memory_space<vmem_shared>> -> memref<128x128xf32, #tpu.memory_space<vmem_shared>>
      %dma_start3A_61 = arith.constant 0 : i32
      %dma_start3A_62 = tpu.memref_slice %arg16[%add3A_11, %dma_start3A_61] : memref<10240x128xf32, #tpu.memory_space<vmem_shared>> -> memref<128x128xf32, #tpu.memory_space<vmem_shared>>
      tpu.enqueue_dma source(%arg14 : memref<128x128xf32, #tpu.memory_space<vmem>>) target(%dma_start3A_62 : memref<128x128xf32, #tpu.memory_space<vmem_shared>>) target_semaphore(%run_scoped3A : memref<!tpu.dma_semaphore, #tpu.memory_space<semaphore_mem>>)
      %dma_wait3A_63 = arith.constant 0 : i32
      %dma_wait3A_64 = tpu.memref_slice %arg16[%add3A_11, %dma_wait3A_63] : memref<10240x128xf32, #tpu.memory_space<vmem_shared>> -> memref<128x128xf32, #tpu.memory_space<vmem_shared>>
      %dma_wait3A_65 = arith.constant 0 : i32
      %dma_wait3A_66 = tpu.memref_slice %arg16[%add3A_11, %dma_wait3A_65] : memref<10240x128xf32, #tpu.memory_space<vmem_shared>> -> memref<128x128xf32, #tpu.memory_space<vmem_shared>>
      tpu.wait_dma2 semaphore(%run_scoped3A : memref<!tpu.dma_semaphore, #tpu.memory_space<semaphore_mem>>) src(%arg14 : memref<128x128xf32, #tpu.memory_space<vmem>>) dst(%dma_wait3A_66 : memref<128x128xf32, #tpu.memory_space<vmem_shared>>)
      tpu.yield
    }) : () -> ()
    %add3A_12 = arith.constant 384 : i32
    %add3A_13 = arith.addi %mul3A_6, %add3A_12 : i32
    "tpu.region"() ({
      %run_scoped3A = tpu.sem_alloc : memref<!tpu.dma_semaphore, #tpu.memory_space<semaphore_mem>>
      %dma_start3A_59 = arith.constant 0 : i32
      %dma_start3A_60 = tpu.memref_slice %arg16[%add3A_13, %dma_start3A_59] : memref<10240x128xf32, #tpu.memory_space<vmem_shared>> -> memref<128x128xf32, #tpu.memory_space<vmem_shared>>
      %dma_start3A_61 = arith.constant 0 : i32
      %dma_start3A_62 = tpu.memref_slice %arg16[%add3A_13, %dma_start3A_61] : memref<10240x128xf32, #tpu.memory_space<vmem_shared>> -> memref<128x128xf32, #tpu.memory_space<vmem_shared>>
      tpu.enqueue_dma source(%arg14 : memref<128x128xf32, #tpu.memory_space<vmem>>) target(%dma_start3A_62 : memref<128x128xf32, #tpu.memory_space<vmem_shared>>) target_semaphore(%run_scoped3A : memref<!tpu.dma_semaphore, #tpu.memory_space<semaphore_mem>>)
      %dma_wait3A_63 = arith.constant 0 : i32
      %dma_wait3A_64 = tpu.memref_slice %arg16[%add3A_13, %dma_wait3A_63] : memref<10240x128xf32, #tpu.memory_space<vmem_shared>> -> memref<128x128xf32, #tpu.memory_space<vmem_shared>>
      %dma_wait3A_65 = arith.constant 0 : i32
      %dma_wait3A_66 = tpu.memref_slice %arg16[%add3A_13, %dma_wait3A_65] : memref<10240x128xf32, #tpu.memory_space<vmem_shared>> -> memref<128x128xf32, #tpu.memory_space<vmem_shared>>
      tpu.wait_dma2 semaphore(%run_scoped3A : memref<!tpu.dma_semaphore, #tpu.memory_space<semaphore_mem>>) src(%arg14 : memref<128x128xf32, #tpu.memory_space<vmem>>) dst(%dma_wait3A_66 : memref<128x128xf32, #tpu.memory_space<vmem_shared>>)
      tpu.yield
    }) : () -> ()
    %add3A_14 = arith.constant 512 : i32
    %add3A_15 = arith.addi %mul3A_6, %add3A_14 : i32
    "tpu.region"() ({
      %run_scoped3A = tpu.sem_alloc : memref<!tpu.dma_semaphore, #tpu.memory_space<semaphore_mem>>
      %dma_start3A_59 = arith.constant 0 : i32
      %dma_start3A_60 = tpu.memref_slice %arg16[%add3A_15, %dma_start3A_59] : memref<10240x128xf32, #tpu.memory_space<vmem_shared>> -> memref<128x128xf32, #tpu.memory_space<vmem_shared>>
      %dma_start3A_61 = arith.constant 0 : i32
      %dma_start3A_62 = tpu.memref_slice %arg16[%add3A_15, %dma_start3A_61] : memref<10240x128xf32, #tpu.memory_space<vmem_shared>> -> memref<128x128xf32, #tpu.memory_space<vmem_shared>>
      tpu.enqueue_dma source(%arg14 : memref<128x128xf32, #tpu.memory_space<vmem>>) target(%dma_start3A_62 : memref<128x128xf32, #tpu.memory_space<vmem_shared>>) target_semaphore(%run_scoped3A : memref<!tpu.dma_semaphore, #tpu.memory_space<semaphore_mem>>)
      %dma_wait3A_63 = arith.constant 0 : i32
      %dma_wait3A_64 = tpu.memref_slice %arg16[%add3A_15, %dma_wait3A_63] : memref<10240x128xf32, #tpu.memory_space<vmem_shared>> -> memref<128x128xf32, #tpu.memory_space<vmem_shared>>
      %dma_wait3A_65 = arith.constant 0 : i32
      %dma_wait3A_66 = tpu.memref_slice %arg16[%add3A_15, %dma_wait3A_65] : memref<10240x128xf32, #tpu.memory_space<vmem_shared>> -> memref<128x128xf32, #tpu.memory_space<vmem_shared>>
      tpu.wait_dma2 semaphore(%run_scoped3A : memref<!tpu.dma_semaphore, #tpu.memory_space<semaphore_mem>>) src(%arg14 : memref<128x128xf32, #tpu.memory_space<vmem>>) dst(%dma_wait3A_66 : memref<128x128xf32, #tpu.memory_space<vmem_shared>>)
      tpu.yield
    }) : () -> ()
    %barrier3A = arith.constant 0 : index
    tpu.barrier barrier_id(%barrier3A)
    %mul3A_16 = arith.constant 163840 : i32
    %mul3A_17 = arith.muli %arg0, %mul3A_16 : i32
    %mul3A_18 = arith.constant 10240 : i32
    %mul3A_19 = arith.muli %arg1, %mul3A_18 : i32
    %add3A_20 = arith.addi %mul3A_17, %mul3A_19 : i32
    %add3A_21 = arith.constant 0 : i32
    %add3A_22 = arith.addi %add3A_20, %add3A_21 : i32
    %add3A_23 = arith.constant 0 : i32
    %add3A_24 = arith.addi %add3A_20, %add3A_23 : i32
    %dma_start3A = tpu.memref_slice %arg2[%add3A_22] : memref<655360xi32, #tpu.memory_space<hbm>> -> memref<128xi32, #tpu.memory_space<hbm>>
    %dma_start3A_25 = tpu.memref_slice %arg2[%add3A_22] : memref<655360xi32, #tpu.memory_space<hbm>> -> memref<128xi32, #tpu.memory_space<hbm>>
    tpu.enqueue_dma source(%dma_start3A_25 : memref<128xi32, #tpu.memory_space<hbm>>) target(%arg6 : memref<128xi32, #tpu.memory_space<vmem>>) target_semaphore(%arg19 : memref<!tpu.dma_semaphore, #tpu.memory_space<semaphore_mem>>)
    %dma_start3A_26 = tpu.memref_slice %arg3[%add3A_24] : memref<327680xi32, #tpu.memory_space<hbm>> -> memref<128xi32, #tpu.memory_space<hbm>>
    %dma_start3A_27 = tpu.memref_slice %arg3[%add3A_24] : memref<327680xi32, #tpu.memory_space<hbm>> -> memref<128xi32, #tpu.memory_space<hbm>>
    tpu.enqueue_dma source(%dma_start3A_27 : memref<128xi32, #tpu.memory_space<hbm>>) target(%arg10 : memref<128xi32, #tpu.memory_space<vmem>>) target_semaphore(%arg23 : memref<!tpu.dma_semaphore, #tpu.memory_space<semaphore_mem>>)
    %add3A_28 = arith.constant 0 : i32
    %add3A_29 = arith.addi %add3A_20, %add3A_28 : i32
    %add3A_30 = arith.constant 0 : i32
    %add3A_31 = arith.addi %add3A_20, %add3A_30 : i32
    %dma_wait3A = tpu.memref_slice %arg2[%add3A_29] : memref<655360xi32, #tpu.memory_space<hbm>> -> memref<128xi32, #tpu.memory_space<hbm>>
    %dma_wait3A_32 = tpu.memref_slice %arg2[%add3A_29] : memref<655360xi32, #tpu.memory_space<hbm>> -> memref<128xi32, #tpu.memory_space<hbm>>
    tpu.wait_dma2 semaphore(%arg19 : memref<!tpu.dma_semaphore, #tpu.memory_space<semaphore_mem>>) src(%dma_wait3A_32 : memref<128xi32, #tpu.memory_space<hbm>>) dst(%arg6 : memref<128xi32, #tpu.memory_space<vmem>>)
    %dma_wait3A_33 = tpu.memref_slice %arg3[%add3A_31] : memref<327680xi32, #tpu.memory_space<hbm>> -> memref<128xi32, #tpu.memory_space<hbm>>
    %dma_wait3A_34 = tpu.memref_slice %arg3[%add3A_31] : memref<327680xi32, #tpu.memory_space<hbm>> -> memref<128xi32, #tpu.memory_space<hbm>>
    tpu.wait_dma2 semaphore(%arg23 : memref<!tpu.dma_semaphore, #tpu.memory_space<semaphore_mem>>) src(%dma_wait3A_34 : memref<128xi32, #tpu.memory_space<hbm>>) dst(%arg10 : memref<128xi32, #tpu.memory_space<vmem>>)
    %dma_start3A_35 = arith.constant 0 : i32
    %dma_start3A_36 = arith.constant 0 : i32
    %dma_start3A_37 = tpu.memref_slice %arg4[%dma_start3A_35, %dma_start3A_36] : memref<10240x128xf32, #tpu.memory_space<hbm>> -> memref<10240x128xf32, #tpu.memory_space<hbm>>
    tpu.enqueue_indirect_dma source(%dma_start3A_37 : memref<10240x128xf32, #tpu.memory_space<hbm>>) target(%arg14 : memref<128x128xf32, #tpu.memory_space<vmem>>) offsets(%arg6 : memref<128xi32, #tpu.memory_space<vmem>>) semaphore(%arg17 : memref<!tpu.dma_semaphore, #tpu.memory_space<semaphore_mem>>)
    %add3A_38 = arith.constant 128 : i32
    %add3A_39 = arith.addi %add3A_20, %add3A_38 : i32
    %add3A_40 = arith.constant 128 : i32
    %add3A_41 = arith.addi %add3A_20, %add3A_40 : i32
    %dma_start3A_42 = tpu.memref_slice %arg2[%add3A_39] : memref<655360xi32, #tpu.memory_space<hbm>> -> memref<128xi32, #tpu.memory_space<hbm>>
    %dma_start3A_43 = tpu.memref_slice %arg2[%add3A_39] : memref<655360xi32, #tpu.memory_space<hbm>> -> memref<128xi32, #tpu.memory_space<hbm>>
    tpu.enqueue_dma source(%dma_start3A_43 : memref<128xi32, #tpu.memory_space<hbm>>) target(%arg7 : memref<128xi32, #tpu.memory_space<vmem>>) target_semaphore(%arg20 : memref<!tpu.dma_semaphore, #tpu.memory_space<semaphore_mem>>)
    %dma_start3A_44 = tpu.memref_slice %arg3[%add3A_41] : memref<327680xi32, #tpu.memory_space<hbm>> -> memref<128xi32, #tpu.memory_space<hbm>>
    %dma_start3A_45 = tpu.memref_slice %arg3[%add3A_41] : memref<327680xi32, #tpu.memory_space<hbm>> -> memref<128xi32, #tpu.memory_space<hbm>>
    tpu.enqueue_dma source(%dma_start3A_45 : memref<128xi32, #tpu.memory_space<hbm>>) target(%arg11 : memref<128xi32, #tpu.memory_space<vmem>>) target_semaphore(%arg24 : memref<!tpu.dma_semaphore, #tpu.memory_space<semaphore_mem>>)
    %scan3A_46 = arith.constant 0 : i32
    %scan3A_47 = arith.constant 0 : i32
    %scan3A_48 = arith.constant 20 : i32
    %scan3A_49 = arith.addi %scan3A_47, %scan3A_48 : i32
    %scan3A_50 = arith.constant 1 : i32
    %scan3A_51 = scf.for %scan3A_59 = %scan3A_47 to %scan3A_49 step %scan3A_50 iter_args(%scan3A_60 = %scan3A_46) -> (i32)  : i32 {
      %mul3A_61 = arith.constant 4 : i32
      %mul3A_62 = arith.muli %mul3A_61, %scan3A_59 : i32
      %add3A_63 = arith.constant 0 : i32
      %add3A_64 = arith.addi %mul3A_62, %add3A_63 : i32
      %add3A_65 = arith.constant 2 : i32
      %add3A_66 = arith.addi %add3A_64, %add3A_65 : i32
      %mul3A_67 = arith.constant 128 : i32
      %mul3A_68 = arith.muli %add3A_66, %mul3A_67 : i32
      %add3A_69 = arith.addi %add3A_20, %mul3A_68 : i32
      %mul3A_70 = arith.constant 128 : i32
      %mul3A_71 = arith.muli %add3A_66, %mul3A_70 : i32
      %add3A_72 = arith.addi %add3A_20, %mul3A_71 : i32
      %dma_start3A_73 = tpu.memref_slice %arg2[%add3A_69] : memref<655360xi32, #tpu.memory_space<hbm>> -> memref<128xi32, #tpu.memory_space<hbm>>
      %dma_start3A_74 = tpu.memref_slice %arg2[%add3A_69] : memref<655360xi32, #tpu.memory_space<hbm>> -> memref<128xi32, #tpu.memory_space<hbm>>
      tpu.enqueue_dma source(%dma_start3A_74 : memref<128xi32, #tpu.memory_space<hbm>>) target(%arg8 : memref<128xi32, #tpu.memory_space<vmem>>) target_semaphore(%arg21 : memref<!tpu.dma_semaphore, #tpu.memory_space<semaphore_mem>>)
      %dma_start3A_75 = tpu.memref_slice %arg3[%add3A_72] : memref<327680xi32, #tpu.memory_space<hbm>> -> memref<128xi32, #tpu.memory_space<hbm>>
      %dma_start3A_76 = tpu.memref_slice %arg3[%add3A_72] : memref<327680xi32, #tpu.memory_space<hbm>> -> memref<128xi32, #tpu.memory_space<hbm>>
      tpu.enqueue_dma source(%dma_start3A_76 : memref<128xi32, #tpu.memory_space<hbm>>) target(%arg12 : memref<128xi32, #tpu.memory_space<vmem>>) target_semaphore(%arg25 : memref<!tpu.dma_semaphore, #tpu.memory_space<semaphore_mem>>)
      %add3A_77 = arith.constant 1 : i32
      %add3A_78 = arith.addi %add3A_64, %add3A_77 : i32
      %mul3A_79 = arith.constant 128 : i32
      %mul3A_80 = arith.muli %add3A_78, %mul3A_79 : i32
      %add3A_81 = arith.addi %add3A_20, %mul3A_80 : i32
      %mul3A_82 = arith.constant 128 : i32
      %mul3A_83 = arith.muli %add3A_78, %mul3A_82 : i32
      %add3A_84 = arith.addi %add3A_20, %mul3A_83 : i32
      %dma_wait3A_85 = tpu.memref_slice %arg2[%add3A_81] : memref<655360xi32, #tpu.memory_space<hbm>> -> memref<128xi32, #tpu.memory_space<hbm>>
      %dma_wait3A_86 = tpu.memref_slice %arg2[%add3A_81] : memref<655360xi32, #tpu.memory_space<hbm>> -> memref<128xi32, #tpu.memory_space<hbm>>
      tpu.wait_dma2 semaphore(%arg20 : memref<!tpu.dma_semaphore, #tpu.memory_space<semaphore_mem>>) src(%dma_wait3A_86 : memref<128xi32, #tpu.memory_space<hbm>>) dst(%arg7 : memref<128xi32, #tpu.memory_space<vmem>>)
      %dma_wait3A_87 = tpu.memref_slice %arg3[%add3A_84] : memref<327680xi32, #tpu.memory_space<hbm>> -> memref<128xi32, #tpu.memory_space<hbm>>
      %dma_wait3A_88 = tpu.memref_slice %arg3[%add3A_84] : memref<327680xi32, #tpu.memory_space<hbm>> -> memref<128xi32, #tpu.memory_space<hbm>>
      tpu.wait_dma2 semaphore(%arg24 : memref<!tpu.dma_semaphore, #tpu.memory_space<semaphore_mem>>) src(%dma_wait3A_88 : memref<128xi32, #tpu.memory_space<hbm>>) dst(%arg11 : memref<128xi32, #tpu.memory_space<vmem>>)
      %dma_start3A_89 = arith.constant 0 : i32
      %dma_start3A_90 = arith.constant 0 : i32
      %dma_start3A_91 = tpu.memref_slice %arg4[%dma_start3A_89, %dma_start3A_90] : memref<10240x128xf32, #tpu.memory_space<hbm>> -> memref<10240x128xf32, #tpu.memory_space<hbm>>
      tpu.enqueue_indirect_dma source(%dma_start3A_91 : memref<10240x128xf32, #tpu.memory_space<hbm>>) target(%arg15 : memref<128x128xf32, #tpu.memory_space<vmem>>) offsets(%arg7 : memref<128xi32, #tpu.memory_space<vmem>>) semaphore(%arg18 : memref<!tpu.dma_semaphore, #tpu.memory_space<semaphore_mem>>)
      %dma_wait3A_92 = arith.constant 0 : i32
      %dma_wait3A_93 = arith.constant 0 : i32
      %dma_wait3A_94 = tpu.memref_slice %arg4[%dma_wait3A_92, %dma_wait3A_93] : memref<10240x128xf32, #tpu.memory_space<hbm>> -> memref<10240x128xf32, #tpu.memory_space<hbm>>
      tpu.wait_indirect_dma semaphore(%arg17 : memref<!tpu.dma_semaphore, #tpu.memory_space<semaphore_mem>>) src(%dma_wait3A_94 : memref<10240x128xf32, #tpu.memory_space<hbm>>) dst(%arg14 : memref<128x128xf32, #tpu.memory_space<vmem>>)
      "tpu.region"() ({
        %run_scoped3A = tpu.sem_alloc : memref<!tpu.dma_semaphore, #tpu.memory_space<semaphore_mem>>
        %dma_start3A_171 = arith.constant 0 : i32
        %dma_start3A_172 = arith.constant 0 : i32
        %dma_start3A_173 = tpu.memref_slice %arg16[%dma_start3A_171, %dma_start3A_172] : memref<10240x128xf32, #tpu.memory_space<vmem_shared>> -> memref<10240x128xf32, #tpu.memory_space<vmem_shared>>
        tpu.enqueue_indirect_dma source(%arg14 : memref<128x128xf32, #tpu.memory_space<vmem>>) target(%dma_start3A_173 : memref<10240x128xf32, #tpu.memory_space<vmem_shared>>) offsets(%arg10 : memref<128xi32, #tpu.memory_space<vmem>>) semaphore(%run_scoped3A : memref<!tpu.dma_semaphore, #tpu.memory_space<semaphore_mem>>) {add = true}
        %dma_wait3A_174 = arith.constant 0 : i32
        %dma_wait3A_175 = arith.constant 0 : i32
        %dma_wait3A_176 = tpu.memref_slice %arg16[%dma_wait3A_174, %dma_wait3A_175] : memref<10240x128xf32, #tpu.memory_space<vmem_shared>> -> memref<10240x128xf32, #tpu.memory_space<vmem_shared>>
        tpu.wait_indirect_dma semaphore(%run_scoped3A : memref<!tpu.dma_semaphore, #tpu.memory_space<semaphore_mem>>) src(%arg14 : memref<128x128xf32, #tpu.memory_space<vmem>>) dst(%dma_wait3A_176 : memref<10240x128xf32, #tpu.memory_space<vmem_shared>>)
        tpu.yield
      }) : () -> ()
      %add3A_95 = arith.constant 1 : i32
      %add3A_96 = arith.addi %mul3A_62, %add3A_95 : i32
      %add3A_97 = arith.constant 2 : i32
      %add3A_98 = arith.addi %add3A_96, %add3A_97 : i32
      %mul3A_99 = arith.constant 128 : i32
      %mul3A_100 = arith.muli %add3A_98, %mul3A_99 : i32
      %add3A_101 = arith.addi %add3A_20, %mul3A_100 : i32
      %mul3A_102 = arith.constant 128 : i32
      %mul3A_103 = arith.muli %add3A_98, %mul3A_102 : i32
      %add3A_104 = arith.addi %add3A_20, %mul3A_103 : i32
      %dma_start3A_105 = tpu.memref_slice %arg2[%add3A_101] : memref<655360xi32, #tpu.memory_space<hbm>> -> memref<128xi32, #tpu.memory_space<hbm>>
      %dma_start3A_106 = tpu.memref_slice %arg2[%add3A_101] : memref<655360xi32, #tpu.memory_space<hbm>> -> memref<128xi32, #tpu.memory_space<hbm>>
      tpu.enqueue_dma source(%dma_start3A_106 : memref<128xi32, #tpu.memory_space<hbm>>) target(%arg9 : memref<128xi32, #tpu.memory_space<vmem>>) target_semaphore(%arg22 : memref<!tpu.dma_semaphore, #tpu.memory_space<semaphore_mem>>)
      %dma_start3A_107 = tpu.memref_slice %arg3[%add3A_104] : memref<327680xi32, #tpu.memory_space<hbm>> -> memref<128xi32, #tpu.memory_space<hbm>>
      %dma_start3A_108 = tpu.memref_slice %arg3[%add3A_104] : memref<327680xi32, #tpu.memory_space<hbm>> -> memref<128xi32, #tpu.memory_space<hbm>>
      tpu.enqueue_dma source(%dma_start3A_108 : memref<128xi32, #tpu.memory_space<hbm>>) target(%arg13 : memref<128xi32, #tpu.memory_space<vmem>>) target_semaphore(%arg26 : memref<!tpu.dma_semaphore, #tpu.memory_space<semaphore_mem>>)
      %add3A_109 = arith.constant 1 : i32
      %add3A_110 = arith.addi %add3A_96, %add3A_109 : i32
      %mul3A_111 = arith.constant 128 : i32
      %mul3A_112 = arith.muli %add3A_110, %mul3A_111 : i32
      %add3A_113 = arith.addi %add3A_20, %mul3A_112 : i32
      %mul3A_114 = arith.constant 128 : i32
      %mul3A_115 = arith.muli %add3A_110, %mul3A_114 : i32
      %add3A_116 = arith.addi %add3A_20, %mul3A_115 : i32
      %dma_wait3A_117 = tpu.memref_slice %arg2[%add3A_113] : memref<655360xi32, #tpu.memory_space<hbm>> -> memref<128xi32, #tpu.memory_space<hbm>>
      %dma_wait3A_118 = tpu.memref_slice %arg2[%add3A_113] : memref<655360xi32, #tpu.memory_space<hbm>> -> memref<128xi32, #tpu.memory_space<hbm>>
      tpu.wait_dma2 semaphore(%arg21 : memref<!tpu.dma_semaphore, #tpu.memory_space<semaphore_mem>>) src(%dma_wait3A_118 : memref<128xi32, #tpu.memory_space<hbm>>) dst(%arg8 : memref<128xi32, #tpu.memory_space<vmem>>)
      %dma_wait3A_119 = tpu.memref_slice %arg3[%add3A_116] : memref<327680xi32, #tpu.memory_space<hbm>> -> memref<128xi32, #tpu.memory_space<hbm>>
      %dma_wait3A_120 = tpu.memref_slice %arg3[%add3A_116] : memref<327680xi32, #tpu.memory_space<hbm>> -> memref<128xi32, #tpu.memory_space<hbm>>
      tpu.wait_dma2 semaphore(%arg25 : memref<!tpu.dma_semaphore, #tpu.memory_space<semaphore_mem>>) src(%dma_wait3A_120 : memref<128xi32, #tpu.memory_space<hbm>>) dst(%arg12 : memref<128xi32, #tpu.memory_space<vmem>>)
      %dma_start3A_121 = arith.constant 0 : i32
      %dma_start3A_122 = arith.constant 0 : i32
      %dma_start3A_123 = tpu.memref_slice %arg4[%dma_start3A_121, %dma_start3A_122] : memref<10240x128xf32, #tpu.memory_space<hbm>> -> memref<10240x128xf32, #tpu.memory_space<hbm>>
      tpu.enqueue_indirect_dma source(%dma_start3A_123 : memref<10240x128xf32, #tpu.memory_space<hbm>>) target(%arg14 : memref<128x128xf32, #tpu.memory_space<vmem>>) offsets(%arg8 : memref<128xi32, #tpu.memory_space<vmem>>) semaphore(%arg17 : memref<!tpu.dma_semaphore, #tpu.memory_space<semaphore_mem>>)
      %dma_wait3A_124 = arith.constant 0 : i32
      %dma_wait3A_125 = arith.constant 0 : i32
      %dma_wait3A_126 = tpu.memref_slice %arg4[%dma_wait3A_124, %dma_wait3A_125] : memref<10240x128xf32, #tpu.memory_space<hbm>> -> memref<10240x128xf32, #tpu.memory_space<hbm>>
      tpu.wait_indirect_dma semaphore(%arg18 : memref<!tpu.dma_semaphore, #tpu.memory_space<semaphore_mem>>) src(%dma_wait3A_126 : memref<10240x128xf32, #tpu.memory_space<hbm>>) dst(%arg15 : memref<128x128xf32, #tpu.memory_space<vmem>>)
      "tpu.region"() ({
        %run_scoped3A = tpu.sem_alloc : memref<!tpu.dma_semaphore, #tpu.memory_space<semaphore_mem>>
        %dma_start3A_171 = arith.constant 0 : i32
        %dma_start3A_172 = arith.constant 0 : i32
        %dma_start3A_173 = tpu.memref_slice %arg16[%dma_start3A_171, %dma_start3A_172] : memref<10240x128xf32, #tpu.memory_space<vmem_shared>> -> memref<10240x128xf32, #tpu.memory_space<vmem_shared>>
        tpu.enqueue_indirect_dma source(%arg15 : memref<128x128xf32, #tpu.memory_space<vmem>>) target(%dma_start3A_173 : memref<10240x128xf32, #tpu.memory_space<vmem_shared>>) offsets(%arg11 : memref<128xi32, #tpu.memory_space<vmem>>) semaphore(%run_scoped3A : memref<!tpu.dma_semaphore, #tpu.memory_space<semaphore_mem>>) {add = true}
        %dma_wait3A_174 = arith.constant 0 : i32
        %dma_wait3A_175 = arith.constant 0 : i32
        %dma_wait3A_176 = tpu.memref_slice %arg16[%dma_wait3A_174, %dma_wait3A_175] : memref<10240x128xf32, #tpu.memory_space<vmem_shared>> -> memref<10240x128xf32, #tpu.memory_space<vmem_shared>>
        tpu.wait_indirect_dma semaphore(%run_scoped3A : memref<!tpu.dma_semaphore, #tpu.memory_space<semaphore_mem>>) src(%arg15 : memref<128x128xf32, #tpu.memory_space<vmem>>) dst(%dma_wait3A_176 : memref<10240x128xf32, #tpu.memory_space<vmem_shared>>)
        tpu.yield
      }) : () -> ()
      %add3A_127 = arith.constant 2 : i32
      %add3A_128 = arith.addi %mul3A_62, %add3A_127 : i32
      %add3A_129 = arith.constant 2 : i32
      %add3A_130 = arith.addi %add3A_128, %add3A_129 : i32
      %lt3A = arith.constant 80 : i32
      %lt3A_131 = arith.cmpi slt, %add3A_130, %lt3A : i32
      %convert_element_type3A = arith.extui %lt3A_131 : i1 to i32
      %cond3A = arith.constant 0 : i32
      %cond3A_132 = arith.cmpi ne, %convert_element_type3A, %cond3A : i32
      scf.if %cond3A_132 {
        %add3A_171 = arith.constant 2 : i32
        %add3A_172 = arith.addi %add3A_128, %add3A_171 : i32
        %mul3A_173 = arith.constant 128 : i32
        %mul3A_174 = arith.muli %add3A_172, %mul3A_173 : i32
        %add3A_175 = arith.addi %add3A_20, %mul3A_174 : i32
        %mul3A_176 = arith.constant 128 : i32
        %mul3A_177 = arith.muli %add3A_172, %mul3A_176 : i32
        %add3A_178 = arith.addi %add3A_20, %mul3A_177 : i32
        %dma_start3A_179 = tpu.memref_slice %arg2[%add3A_175] : memref<655360xi32, #tpu.memory_space<hbm>> -> memref<128xi32, #tpu.memory_space<hbm>>
        %dma_start3A_180 = tpu.memref_slice %arg2[%add3A_175] : memref<655360xi32, #tpu.memory_space<hbm>> -> memref<128xi32, #tpu.memory_space<hbm>>
        tpu.enqueue_dma source(%dma_start3A_180 : memref<128xi32, #tpu.memory_space<hbm>>) target(%arg6 : memref<128xi32, #tpu.memory_space<vmem>>) target_semaphore(%arg19 : memref<!tpu.dma_semaphore, #tpu.memory_space<semaphore_mem>>)
        %dma_start3A_181 = tpu.memref_slice %arg3[%add3A_178] : memref<327680xi32, #tpu.memory_space<hbm>> -> memref<128xi32, #tpu.memory_space<hbm>>
        %dma_start3A_182 = tpu.memref_slice %arg3[%add3A_178] : memref<327680xi32, #tpu.memory_space<hbm>> -> memref<128xi32, #tpu.memory_space<hbm>>
        tpu.enqueue_dma source(%dma_start3A_182 : memref<128xi32, #tpu.memory_space<hbm>>) target(%arg10 : memref<128xi32, #tpu.memory_space<vmem>>) target_semaphore(%arg23 : memref<!tpu.dma_semaphore, #tpu.memory_space<semaphore_mem>>)
      } else {
      }
      %add3A_133 = arith.constant 1 : i32
      %add3A_134 = arith.addi %add3A_128, %add3A_133 : i32
      %mul3A_135 = arith.constant 128 : i32
      %mul3A_136 = arith.muli %add3A_134, %mul3A_135 : i32
      %add3A_137 = arith.addi %add3A_20, %mul3A_136 : i32
      %mul3A_138 = arith.constant 128 : i32
      %mul3A_139 = arith.muli %add3A_134, %mul3A_138 : i32
      %add3A_140 = arith.addi %add3A_20, %mul3A_139 : i32
      %dma_wait3A_141 = tpu.memref_slice %arg2[%add3A_137] : memref<655360xi32, #tpu.memory_space<hbm>> -> memref<128xi32, #tpu.memory_space<hbm>>
      %dma_wait3A_142 = tpu.memref_slice %arg2[%add3A_137] : memref<655360xi32, #tpu.memory_space<hbm>> -> memref<128xi32, #tpu.memory_space<hbm>>
      tpu.wait_dma2 semaphore(%arg22 : memref<!tpu.dma_semaphore, #tpu.memory_space<semaphore_mem>>) src(%dma_wait3A_142 : memref<128xi32, #tpu.memory_space<hbm>>) dst(%arg9 : memref<128xi32, #tpu.memory_space<vmem>>)
      %dma_wait3A_143 = tpu.memref_slice %arg3[%add3A_140] : memref<327680xi32, #tpu.memory_space<hbm>> -> memref<128xi32, #tpu.memory_space<hbm>>
      %dma_wait3A_144 = tpu.memref_slice %arg3[%add3A_140] : memref<327680xi32, #tpu.memory_space<hbm>> -> memref<128xi32, #tpu.memory_space<hbm>>
      tpu.wait_dma2 semaphore(%arg26 : memref<!tpu.dma_semaphore, #tpu.memory_space<semaphore_mem>>) src(%dma_wait3A_144 : memref<128xi32, #tpu.memory_space<hbm>>) dst(%arg13 : memref<128xi32, #tpu.memory_space<vmem>>)
      %dma_start3A_145 = arith.constant 0 : i32
      %dma_start3A_146 = arith.constant 0 : i32
      %dma_start3A_147 = tpu.memref_slice %arg4[%dma_start3A_145, %dma_start3A_146] : memref<10240x128xf32, #tpu.memory_space<hbm>> -> memref<10240x128xf32, #tpu.memory_space<hbm>>
      tpu.enqueue_indirect_dma source(%dma_start3A_147 : memref<10240x128xf32, #tpu.memory_space<hbm>>) target(%arg15 : memref<128x128xf32, #tpu.memory_space<vmem>>) offsets(%arg9 : memref<128xi32, #tpu.memory_space<vmem>>) semaphore(%arg18 : memref<!tpu.dma_semaphore, #tpu.memory_space<semaphore_mem>>)
      %dma_wait3A_148 = arith.constant 0 : i32
      %dma_wait3A_149 = arith.constant 0 : i32
      %dma_wait3A_150 = tpu.memref_slice %arg4[%dma_wait3A_148, %dma_wait3A_149] : memref<10240x128xf32, #tpu.memory_space<hbm>> -> memref<10240x128xf32, #tpu.memory_space<hbm>>
      tpu.wait_indirect_dma semaphore(%arg17 : memref<!tpu.dma_semaphore, #tpu.memory_space<semaphore_mem>>) src(%dma_wait3A_150 : memref<10240x128xf32, #tpu.memory_space<hbm>>) dst(%arg14 : memref<128x128xf32, #tpu.memory_space<vmem>>)
      "tpu.region"() ({
        %run_scoped3A = tpu.sem_alloc : memref<!tpu.dma_semaphore, #tpu.memory_space<semaphore_mem>>
        %dma_start3A_171 = arith.constant 0 : i32
        %dma_start3A_172 = arith.constant 0 : i32
        %dma_start3A_173 = tpu.memref_slice %arg16[%dma_start3A_171, %dma_start3A_172] : memref<10240x128xf32, #tpu.memory_space<vmem_shared>> -> memref<10240x128xf32, #tpu.memory_space<vmem_shared>>
        tpu.enqueue_indirect_dma source(%arg14 : memref<128x128xf32, #tpu.memory_space<vmem>>) target(%dma_start3A_173 : memref<10240x128xf32, #tpu.memory_space<vmem_shared>>) offsets(%arg12 : memref<128xi32, #tpu.memory_space<vmem>>) semaphore(%run_scoped3A : memref<!tpu.dma_semaphore, #tpu.memory_space<semaphore_mem>>) {add = true}
        %dma_wait3A_174 = arith.constant 0 : i32
        %dma_wait3A_175 = arith.constant 0 : i32
        %dma_wait3A_176 = tpu.memref_slice %arg16[%dma_wait3A_174, %dma_wait3A_175] : memref<10240x128xf32, #tpu.memory_space<vmem_shared>> -> memref<10240x128xf32, #tpu.memory_space<vmem_shared>>
        tpu.wait_indirect_dma semaphore(%run_scoped3A : memref<!tpu.dma_semaphore, #tpu.memory_space<semaphore_mem>>) src(%arg14 : memref<128x128xf32, #tpu.memory_space<vmem>>) dst(%dma_wait3A_176 : memref<10240x128xf32, #tpu.memory_space<vmem_shared>>)
        tpu.yield
      }) : () -> ()
      %add3A_151 = arith.constant 3 : i32
      %add3A_152 = arith.addi %mul3A_62, %add3A_151 : i32
      %add3A_153 = arith.constant 2 : i32
      %add3A_154 = arith.addi %add3A_152, %add3A_153 : i32
      %lt3A_155 = arith.constant 80 : i32
      %lt3A_156 = arith.cmpi slt, %add3A_154, %lt3A_155 : i32
      %convert_element_type3A_157 = arith.extui %lt3A_156 : i1 to i32
      %cond3A_158 = arith.constant 0 : i32
      %cond3A_159 = arith.cmpi ne, %convert_element_type3A_157, %cond3A_158 : i32
      scf.if %cond3A_159 {
        %add3A_171 = arith.constant 2 : i32
        %add3A_172 = arith.addi %add3A_152, %add3A_171 : i32
        %mul3A_173 = arith.constant 128 : i32
        %mul3A_174 = arith.muli %add3A_172, %mul3A_173 : i32
        %add3A_175 = arith.addi %add3A_20, %mul3A_174 : i32
        %mul3A_176 = arith.constant 128 : i32
        %mul3A_177 = arith.muli %add3A_172, %mul3A_176 : i32
        %add3A_178 = arith.addi %add3A_20, %mul3A_177 : i32
        %dma_start3A_179 = tpu.memref_slice %arg2[%add3A_175] : memref<655360xi32, #tpu.memory_space<hbm>> -> memref<128xi32, #tpu.memory_space<hbm>>
        %dma_start3A_180 = tpu.memref_slice %arg2[%add3A_175] : memref<655360xi32, #tpu.memory_space<hbm>> -> memref<128xi32, #tpu.memory_space<hbm>>
        tpu.enqueue_dma source(%dma_start3A_180 : memref<128xi32, #tpu.memory_space<hbm>>) target(%arg7 : memref<128xi32, #tpu.memory_space<vmem>>) target_semaphore(%arg20 : memref<!tpu.dma_semaphore, #tpu.memory_space<semaphore_mem>>)
        %dma_start3A_181 = tpu.memref_slice %arg3[%add3A_178] : memref<327680xi32, #tpu.memory_space<hbm>> -> memref<128xi32, #tpu.memory_space<hbm>>
        %dma_start3A_182 = tpu.memref_slice %arg3[%add3A_178] : memref<327680xi32, #tpu.memory_space<hbm>> -> memref<128xi32, #tpu.memory_space<hbm>>
        tpu.enqueue_dma source(%dma_start3A_182 : memref<128xi32, #tpu.memory_space<hbm>>) target(%arg11 : memref<128xi32, #tpu.memory_space<vmem>>) target_semaphore(%arg24 : memref<!tpu.dma_semaphore, #tpu.memory_space<semaphore_mem>>)
      } else {
      }
      %add3A_160 = arith.constant 1 : i32
      %add3A_161 = arith.addi %add3A_152, %add3A_160 : i32
      %lt3A_162 = arith.constant 80 : i32
      %lt3A_163 = arith.cmpi slt, %add3A_161, %lt3A_162 : i32
      %convert_element_type3A_164 = arith.extui %lt3A_163 : i1 to i32
      %cond3A_165 = arith.constant 0 : i32
      %cond3A_166 = arith.cmpi ne, %convert_element_type3A_164, %cond3A_165 : i32
      scf.if %cond3A_166 {
        %add3A_171 = arith.constant 1 : i32
        %add3A_172 = arith.addi %add3A_152, %add3A_171 : i32
        %mul3A_173 = arith.constant 128 : i32
        %mul3A_174 = arith.muli %add3A_172, %mul3A_173 : i32
        %add3A_175 = arith.addi %add3A_20, %mul3A_174 : i32
        %mul3A_176 = arith.constant 128 : i32
        %mul3A_177 = arith.muli %add3A_172, %mul3A_176 : i32
        %add3A_178 = arith.addi %add3A_20, %mul3A_177 : i32
        %dma_wait3A_179 = tpu.memref_slice %arg2[%add3A_175] : memref<655360xi32, #tpu.memory_space<hbm>> -> memref<128xi32, #tpu.memory_space<hbm>>
        %dma_wait3A_180 = tpu.memref_slice %arg2[%add3A_175] : memref<655360xi32, #tpu.memory_space<hbm>> -> memref<128xi32, #tpu.memory_space<hbm>>
        tpu.wait_dma2 semaphore(%arg19 : memref<!tpu.dma_semaphore, #tpu.memory_space<semaphore_mem>>) src(%dma_wait3A_180 : memref<128xi32, #tpu.memory_space<hbm>>) dst(%arg6 : memref<128xi32, #tpu.memory_space<vmem>>)
        %dma_wait3A_181 = tpu.memref_slice %arg3[%add3A_178] : memref<327680xi32, #tpu.memory_space<hbm>> -> memref<128xi32, #tpu.memory_space<hbm>>
        %dma_wait3A_182 = tpu.memref_slice %arg3[%add3A_178] : memref<327680xi32, #tpu.memory_space<hbm>> -> memref<128xi32, #tpu.memory_space<hbm>>
        tpu.wait_dma2 semaphore(%arg23 : memref<!tpu.dma_semaphore, #tpu.memory_space<semaphore_mem>>) src(%dma_wait3A_182 : memref<128xi32, #tpu.memory_space<hbm>>) dst(%arg10 : memref<128xi32, #tpu.memory_space<vmem>>)
        %dma_start3A_183 = arith.constant 0 : i32
        %dma_start3A_184 = arith.constant 0 : i32
        %dma_start3A_185 = tpu.memref_slice %arg4[%dma_start3A_183, %dma_start3A_184] : memref<10240x128xf32, #tpu.memory_space<hbm>> -> memref<10240x128xf32, #tpu.memory_space<hbm>>
        tpu.enqueue_indirect_dma source(%dma_start3A_185 : memref<10240x128xf32, #tpu.memory_space<hbm>>) target(%arg14 : memref<128x128xf32, #tpu.memory_space<vmem>>) offsets(%arg6 : memref<128xi32, #tpu.memory_space<vmem>>) semaphore(%arg17 : memref<!tpu.dma_semaphore, #tpu.memory_space<semaphore_mem>>)
      } else {
      }
      %dma_wait3A_167 = arith.constant 0 : i32
      %dma_wait3A_168 = arith.constant 0 : i32
      %dma_wait3A_169 = tpu.memref_slice %arg4[%dma_wait3A_167, %dma_wait3A_168] : memref<10240x128xf32, #tpu.memory_space<hbm>> -> memref<10240x128xf32, #tpu.memory_space<hbm>>
      tpu.wait_indirect_dma semaphore(%arg18 : memref<!tpu.dma_semaphore, #tpu.memory_space<semaphore_mem>>) src(%dma_wait3A_169 : memref<10240x128xf32, #tpu.memory_space<hbm>>) dst(%arg15 : memref<128x128xf32, #tpu.memory_space<vmem>>)
      "tpu.region"() ({
        %run_scoped3A = tpu.sem_alloc : memref<!tpu.dma_semaphore, #tpu.memory_space<semaphore_mem>>
        %dma_start3A_171 = arith.constant 0 : i32
        %dma_start3A_172 = arith.constant 0 : i32
        %dma_start3A_173 = tpu.memref_slice %arg16[%dma_start3A_171, %dma_start3A_172] : memref<10240x128xf32, #tpu.memory_space<vmem_shared>> -> memref<10240x128xf32, #tpu.memory_space<vmem_shared>>
        tpu.enqueue_indirect_dma source(%arg15 : memref<128x128xf32, #tpu.memory_space<vmem>>) target(%dma_start3A_173 : memref<10240x128xf32, #tpu.memory_space<vmem_shared>>) offsets(%arg13 : memref<128xi32, #tpu.memory_space<vmem>>) semaphore(%run_scoped3A : memref<!tpu.dma_semaphore, #tpu.memory_space<semaphore_mem>>) {add = true}
        %dma_wait3A_174 = arith.constant 0 : i32
        %dma_wait3A_175 = arith.constant 0 : i32
        %dma_wait3A_176 = tpu.memref_slice %arg16[%dma_wait3A_174, %dma_wait3A_175] : memref<10240x128xf32, #tpu.memory_space<vmem_shared>> -> memref<10240x128xf32, #tpu.memory_space<vmem_shared>>
        tpu.wait_indirect_dma semaphore(%run_scoped3A : memref<!tpu.dma_semaphore, #tpu.memory_space<semaphore_mem>>) src(%arg15 : memref<128x128xf32, #tpu.memory_space<vmem>>) dst(%dma_wait3A_176 : memref<10240x128xf32, #tpu.memory_space<vmem_shared>>)
        tpu.yield
      }) : () -> ()
      %scan3A_170 = arith.constant 0 : i32
      scf.yield %scan3A_170 : i32
    }
    %scan3A_52 = arith.constant 20 : i32
    %barrier3A_53 = arith.constant 0 : index
    tpu.barrier barrier_id(%barrier3A_53)
    %mul3A_54 = arith.constant 640 : i32
    %mul3A_55 = arith.muli %arg1, %mul3A_54 : i32
    %mul3A_56 = arith.constant 10240 : i32
    %mul3A_57 = arith.muli %arg0, %mul3A_56 : i32
    %add3A_58 = arith.addi %mul3A_57, %mul3A_55 : i32
    "tpu.region"() ({
      %run_scoped3A = tpu.sem_alloc : memref<!tpu.dma_semaphore, #tpu.memory_space<semaphore_mem>>
      %dma_start3A_59 = arith.constant 0 : i32
      %dma_start3A_60 = tpu.memref_slice %arg5[%add3A_58, %dma_start3A_59] : memref<20480x128xf32, #tpu.memory_space<hbm>> -> memref<640x128xf32, #tpu.memory_space<hbm>>
      %dma_start3A_61 = arith.constant 0 : i32
      %dma_start3A_62 = tpu.memref_slice %arg16[%mul3A_55, %dma_start3A_61] : memref<10240x128xf32, #tpu.memory_space<vmem_shared>> -> memref<640x128xf32, #tpu.memory_space<vmem_shared>>
      tpu.enqueue_dma source(%dma_start3A_62 : memref<640x128xf32, #tpu.memory_space<vmem_shared>>) target(%dma_start3A_60 : memref<640x128xf32, #tpu.memory_space<hbm>>) target_semaphore(%run_scoped3A : memref<!tpu.dma_semaphore, #tpu.memory_space<semaphore_mem>>)
      %dma_wait3A_63 = arith.constant 0 : i32
      %dma_wait3A_64 = tpu.memref_slice %arg5[%add3A_58, %dma_wait3A_63] : memref<20480x128xf32, #tpu.memory_space<hbm>> -> memref<640x128xf32, #tpu.memory_space<hbm>>
      %dma_wait3A_65 = arith.constant 0 : i32
      %dma_wait3A_66 = tpu.memref_slice %arg16[%mul3A_55, %dma_wait3A_65] : memref<10240x128xf32, #tpu.memory_space<vmem_shared>> -> memref<640x128xf32, #tpu.memory_space<vmem_shared>>
      tpu.wait_dma2 semaphore(%run_scoped3A : memref<!tpu.dma_semaphore, #tpu.memory_space<semaphore_mem>>) src(%dma_wait3A_66 : memref<640x128xf32, #tpu.memory_space<vmem_shared>>) dst(%dma_wait3A_64 : memref<640x128xf32, #tpu.memory_space<hbm>>)
      tpu.yield
    }) : () -> ()
    return
  }
}

#map = affine_map<(d0, d1) -> (0)>
#map1 = affine_map<(d0, d1) -> (0, 0)>
module attributes {stable_mosaic.version = 14 : i64} {
  func.func @agg_kernel(%arg0: i32, %arg1: i32, %arg2: memref<655360xi32, #tpu.memory_space<hbm>>, %arg3: memref<327680xi32, #tpu.memory_space<hbm>>, %arg4: memref<20480x128xf32, #tpu.memory_space<hbm>>, %arg5: memref<20480x128xf32, #tpu.memory_space<hbm>>, %arg6: memref<128xi32, #tpu.memory_space<vmem>>, %arg7: memref<128xi32, #tpu.memory_space<vmem>>, %arg8: memref<128xi32, #tpu.memory_space<vmem>>, %arg9: memref<128xi32, #tpu.memory_space<vmem>>, %arg10: memref<128xi32, #tpu.memory_space<vmem>>, %arg11: memref<128xi32, #tpu.memory_space<vmem>>, %arg12: memref<128xi32, #tpu.memory_space<vmem>>, %arg13: memref<128xi32, #tpu.memory_space<vmem>>, %arg14: memref<128x128xf32, #tpu.memory_space<vmem>>, %arg15: memref<128x128xf32, #tpu.memory_space<vmem>>, %arg16: memref<10240x128xf32, #tpu.memory_space<vmem_shared>>, %arg17: memref<!tpu.dma_semaphore, #tpu.memory_space<semaphore_mem>>, %arg18: memref<!tpu.dma_semaphore, #tpu.memory_space<semaphore_mem>>, %arg19: memref<!tpu.dma_semaphore, #tpu.memory_space<semaphore_mem>>, %arg20: memref<!tpu.dma_semaphore, #tpu.memory_space<semaphore_mem>>, %arg21: memref<!tpu.dma_semaphore, #tpu.memory_space<semaphore_mem>>, %arg22: memref<!tpu.dma_semaphore, #tpu.memory_space<semaphore_mem>>, %arg23: memref<!tpu.dma_semaphore, #tpu.memory_space<semaphore_mem>>, %arg24: memref<!tpu.dma_semaphore, #tpu.memory_space<semaphore_mem>>, %arg25: memref<!tpu.dma_semaphore, #tpu.memory_space<semaphore_mem>>, %arg26: memref<!tpu.dma_semaphore, #tpu.memory_space<semaphore_mem>>) attributes {dimension_semantics = [#tpu.dimension_semantics<core_parallel>, #tpu.dimension_semantics<subcore_parallel>], iteration_bounds = array<i64: 2, 16>, scalar_prefetch = 0 : i64, scratch_operands = 21 : i64, tpu.core_type = #tpu.core_type<sc_vector_subcore>, window_params = [{transform_indices = #map}, {transform_indices = #map}, {transform_indices = #map1}, {transform_indices = #map1}]} {
    %scan3A = arith.constant 0 : i32
    %scan3A_0 = arith.constant 0 : i32
    %scan3A_1 = arith.constant 128 : i32
    %scan3A_2 = arith.addi %scan3A_0, %scan3A_1 : i32
    %scan3A_3 = arith.constant 1 : i32
    %scan3A_4 = scf.for %scan3A_61 = %scan3A_0 to %scan3A_2 step %scan3A_3 iter_args(%scan3A_62 = %scan3A) -> (i32)  : i32 {
      %broadcast_in_dim3A = arith.constant 0.000000e+00 : f32
      %broadcast_in_dim3A_63 = vector.broadcast %broadcast_in_dim3A : f32 to vector<16xf32>
      %swap3A = arith.index_cast %scan3A_61 : i32 to index
      %swap3A_64 = arith.constant 0 : index
      %swap3A_65 = tpu.vector_load %arg14[%swap3A, %swap3A_64] {strides = array<i32>} : memref<128x128xf32, #tpu.memory_space<vmem>>, vector<1x16xf32>,
      %swap3A_66 = vector.shape_cast %swap3A_65 : vector<1x16xf32> to vector<16xf32>
      %swap3A_67 = vector.shape_cast %broadcast_in_dim3A_63 : vector<16xf32> to vector<1x16xf32>
      tpu.vector_store %arg14[%swap3A, %swap3A_64], %swap3A_67 {strides = array<i32>} : memref<128x128xf32, #tpu.memory_space<vmem>>, vector<1x16xf32>,
      %broadcast_in_dim3A_68 = arith.constant 0.000000e+00 : f32
      %broadcast_in_dim3A_69 = vector.broadcast %broadcast_in_dim3A_68 : f32 to vector<16xf32>
      %swap3A_70 = arith.index_cast %scan3A_61 : i32 to index
      %swap3A_71 = arith.constant 16 : index
      %swap3A_72 = tpu.vector_load %arg14[%swap3A_70, %swap3A_71] {strides = array<i32>} : memref<128x128xf32, #tpu.memory_space<vmem>>, vector<1x16xf32>,
      %swap3A_73 = vector.shape_cast %swap3A_72 : vector<1x16xf32> to vector<16xf32>
      %swap3A_74 = vector.shape_cast %broadcast_in_dim3A_69 : vector<16xf32> to vector<1x16xf32>
      tpu.vector_store %arg14[%swap3A_70, %swap3A_71], %swap3A_74 {strides = array<i32>} : memref<128x128xf32, #tpu.memory_space<vmem>>, vector<1x16xf32>,
      %broadcast_in_dim3A_75 = arith.constant 0.000000e+00 : f32
      %broadcast_in_dim3A_76 = vector.broadcast %broadcast_in_dim3A_75 : f32 to vector<16xf32>
      %swap3A_77 = arith.index_cast %scan3A_61 : i32 to index
      %swap3A_78 = arith.constant 32 : index
      %swap3A_79 = tpu.vector_load %arg14[%swap3A_77, %swap3A_78] {strides = array<i32>} : memref<128x128xf32, #tpu.memory_space<vmem>>, vector<1x16xf32>,
      %swap3A_80 = vector.shape_cast %swap3A_79 : vector<1x16xf32> to vector<16xf32>
      %swap3A_81 = vector.shape_cast %broadcast_in_dim3A_76 : vector<16xf32> to vector<1x16xf32>
      tpu.vector_store %arg14[%swap3A_77, %swap3A_78], %swap3A_81 {strides = array<i32>} : memref<128x128xf32, #tpu.memory_space<vmem>>, vector<1x16xf32>,
      %broadcast_in_dim3A_82 = arith.constant 0.000000e+00 : f32
      %broadcast_in_dim3A_83 = vector.broadcast %broadcast_in_dim3A_82 : f32 to vector<16xf32>
      %swap3A_84 = arith.index_cast %scan3A_61 : i32 to index
      %swap3A_85 = arith.constant 48 : index
      %swap3A_86 = tpu.vector_load %arg14[%swap3A_84, %swap3A_85] {strides = array<i32>} : memref<128x128xf32, #tpu.memory_space<vmem>>, vector<1x16xf32>,
      %swap3A_87 = vector.shape_cast %swap3A_86 : vector<1x16xf32> to vector<16xf32>
      %swap3A_88 = vector.shape_cast %broadcast_in_dim3A_83 : vector<16xf32> to vector<1x16xf32>
      tpu.vector_store %arg14[%swap3A_84, %swap3A_85], %swap3A_88 {strides = array<i32>} : memref<128x128xf32, #tpu.memory_space<vmem>>, vector<1x16xf32>,
      %broadcast_in_dim3A_89 = arith.constant 0.000000e+00 : f32
      %broadcast_in_dim3A_90 = vector.broadcast %broadcast_in_dim3A_89 : f32 to vector<16xf32>
      %swap3A_91 = arith.index_cast %scan3A_61 : i32 to index
      %swap3A_92 = arith.constant 64 : index
      %swap3A_93 = tpu.vector_load %arg14[%swap3A_91, %swap3A_92] {strides = array<i32>} : memref<128x128xf32, #tpu.memory_space<vmem>>, vector<1x16xf32>,
      %swap3A_94 = vector.shape_cast %swap3A_93 : vector<1x16xf32> to vector<16xf32>
      %swap3A_95 = vector.shape_cast %broadcast_in_dim3A_90 : vector<16xf32> to vector<1x16xf32>
      tpu.vector_store %arg14[%swap3A_91, %swap3A_92], %swap3A_95 {strides = array<i32>} : memref<128x128xf32, #tpu.memory_space<vmem>>, vector<1x16xf32>,
      %broadcast_in_dim3A_96 = arith.constant 0.000000e+00 : f32
      %broadcast_in_dim3A_97 = vector.broadcast %broadcast_in_dim3A_96 : f32 to vector<16xf32>
      %swap3A_98 = arith.index_cast %scan3A_61 : i32 to index
      %swap3A_99 = arith.constant 80 : index
      %swap3A_100 = tpu.vector_load %arg14[%swap3A_98, %swap3A_99] {strides = array<i32>} : memref<128x128xf32, #tpu.memory_space<vmem>>, vector<1x16xf32>,
      %swap3A_101 = vector.shape_cast %swap3A_100 : vector<1x16xf32> to vector<16xf32>
      %swap3A_102 = vector.shape_cast %broadcast_in_dim3A_97 : vector<16xf32> to vector<1x16xf32>
      tpu.vector_store %arg14[%swap3A_98, %swap3A_99], %swap3A_102 {strides = array<i32>} : memref<128x128xf32, #tpu.memory_space<vmem>>, vector<1x16xf32>,
      %broadcast_in_dim3A_103 = arith.constant 0.000000e+00 : f32
      %broadcast_in_dim3A_104 = vector.broadcast %broadcast_in_dim3A_103 : f32 to vector<16xf32>
      %swap3A_105 = arith.index_cast %scan3A_61 : i32 to index
      %swap3A_106 = arith.constant 96 : index
      %swap3A_107 = tpu.vector_load %arg14[%swap3A_105, %swap3A_106] {strides = array<i32>} : memref<128x128xf32, #tpu.memory_space<vmem>>, vector<1x16xf32>,
      %swap3A_108 = vector.shape_cast %swap3A_107 : vector<1x16xf32> to vector<16xf32>
      %swap3A_109 = vector.shape_cast %broadcast_in_dim3A_104 : vector<16xf32> to vector<1x16xf32>
      tpu.vector_store %arg14[%swap3A_105, %swap3A_106], %swap3A_109 {strides = array<i32>} : memref<128x128xf32, #tpu.memory_space<vmem>>, vector<1x16xf32>,
      %broadcast_in_dim3A_110 = arith.constant 0.000000e+00 : f32
      %broadcast_in_dim3A_111 = vector.broadcast %broadcast_in_dim3A_110 : f32 to vector<16xf32>
      %swap3A_112 = arith.index_cast %scan3A_61 : i32 to index
      %swap3A_113 = arith.constant 112 : index
      %swap3A_114 = tpu.vector_load %arg14[%swap3A_112, %swap3A_113] {strides = array<i32>} : memref<128x128xf32, #tpu.memory_space<vmem>>, vector<1x16xf32>,
      %swap3A_115 = vector.shape_cast %swap3A_114 : vector<1x16xf32> to vector<16xf32>
      %swap3A_116 = vector.shape_cast %broadcast_in_dim3A_111 : vector<16xf32> to vector<1x16xf32>
      tpu.vector_store %arg14[%swap3A_112, %swap3A_113], %swap3A_116 {strides = array<i32>} : memref<128x128xf32, #tpu.memory_space<vmem>>, vector<1x16xf32>,
      %scan3A_117 = arith.constant 0 : i32
      scf.yield %scan3A_117 : i32
    }
    %scan3A_5 = arith.constant 128 : i32
    %mul3A = arith.constant 640 : i32
    %mul3A_6 = arith.muli %arg1, %mul3A : i32
    %add3A = arith.constant 0 : i32
    %add3A_7 = arith.addi %mul3A_6, %add3A : i32
    "tpu.region"() ({
      %run_scoped3A = tpu.sem_alloc : memref<!tpu.dma_semaphore, #tpu.memory_space<semaphore_mem>>
      %dma_start3A_61 = arith.constant 0 : i32
      %dma_start3A_62 = tpu.memref_slice %arg16[%add3A_7, %dma_start3A_61] : memref<10240x128xf32, #tpu.memory_space<vmem_shared>> -> memref<128x128xf32, #tpu.memory_space<vmem_shared>>
      %dma_start3A_63 = arith.constant 0 : i32
      %dma_start3A_64 = tpu.memref_slice %arg16[%add3A_7, %dma_start3A_63] : memref<10240x128xf32, #tpu.memory_space<vmem_shared>> -> memref<128x128xf32, #tpu.memory_space<vmem_shared>>
      tpu.enqueue_dma source(%arg14 : memref<128x128xf32, #tpu.memory_space<vmem>>) target(%dma_start3A_64 : memref<128x128xf32, #tpu.memory_space<vmem_shared>>) target_semaphore(%run_scoped3A : memref<!tpu.dma_semaphore, #tpu.memory_space<semaphore_mem>>)
      %dma_wait3A_65 = arith.constant 0 : i32
      %dma_wait3A_66 = tpu.memref_slice %arg16[%add3A_7, %dma_wait3A_65] : memref<10240x128xf32, #tpu.memory_space<vmem_shared>> -> memref<128x128xf32, #tpu.memory_space<vmem_shared>>
      %dma_wait3A_67 = arith.constant 0 : i32
      %dma_wait3A_68 = tpu.memref_slice %arg16[%add3A_7, %dma_wait3A_67] : memref<10240x128xf32, #tpu.memory_space<vmem_shared>> -> memref<128x128xf32, #tpu.memory_space<vmem_shared>>
      tpu.wait_dma2 semaphore(%run_scoped3A : memref<!tpu.dma_semaphore, #tpu.memory_space<semaphore_mem>>) src(%arg14 : memref<128x128xf32, #tpu.memory_space<vmem>>) dst(%dma_wait3A_68 : memref<128x128xf32, #tpu.memory_space<vmem_shared>>)
      tpu.yield
    }) : () -> ()
    %add3A_8 = arith.constant 128 : i32
    %add3A_9 = arith.addi %mul3A_6, %add3A_8 : i32
    "tpu.region"() ({
      %run_scoped3A = tpu.sem_alloc : memref<!tpu.dma_semaphore, #tpu.memory_space<semaphore_mem>>
      %dma_start3A_61 = arith.constant 0 : i32
      %dma_start3A_62 = tpu.memref_slice %arg16[%add3A_9, %dma_start3A_61] : memref<10240x128xf32, #tpu.memory_space<vmem_shared>> -> memref<128x128xf32, #tpu.memory_space<vmem_shared>>
      %dma_start3A_63 = arith.constant 0 : i32
      %dma_start3A_64 = tpu.memref_slice %arg16[%add3A_9, %dma_start3A_63] : memref<10240x128xf32, #tpu.memory_space<vmem_shared>> -> memref<128x128xf32, #tpu.memory_space<vmem_shared>>
      tpu.enqueue_dma source(%arg14 : memref<128x128xf32, #tpu.memory_space<vmem>>) target(%dma_start3A_64 : memref<128x128xf32, #tpu.memory_space<vmem_shared>>) target_semaphore(%run_scoped3A : memref<!tpu.dma_semaphore, #tpu.memory_space<semaphore_mem>>)
      %dma_wait3A_65 = arith.constant 0 : i32
      %dma_wait3A_66 = tpu.memref_slice %arg16[%add3A_9, %dma_wait3A_65] : memref<10240x128xf32, #tpu.memory_space<vmem_shared>> -> memref<128x128xf32, #tpu.memory_space<vmem_shared>>
      %dma_wait3A_67 = arith.constant 0 : i32
      %dma_wait3A_68 = tpu.memref_slice %arg16[%add3A_9, %dma_wait3A_67] : memref<10240x128xf32, #tpu.memory_space<vmem_shared>> -> memref<128x128xf32, #tpu.memory_space<vmem_shared>>
      tpu.wait_dma2 semaphore(%run_scoped3A : memref<!tpu.dma_semaphore, #tpu.memory_space<semaphore_mem>>) src(%arg14 : memref<128x128xf32, #tpu.memory_space<vmem>>) dst(%dma_wait3A_68 : memref<128x128xf32, #tpu.memory_space<vmem_shared>>)
      tpu.yield
    }) : () -> ()
    %add3A_10 = arith.constant 256 : i32
    %add3A_11 = arith.addi %mul3A_6, %add3A_10 : i32
    "tpu.region"() ({
      %run_scoped3A = tpu.sem_alloc : memref<!tpu.dma_semaphore, #tpu.memory_space<semaphore_mem>>
      %dma_start3A_61 = arith.constant 0 : i32
      %dma_start3A_62 = tpu.memref_slice %arg16[%add3A_11, %dma_start3A_61] : memref<10240x128xf32, #tpu.memory_space<vmem_shared>> -> memref<128x128xf32, #tpu.memory_space<vmem_shared>>
      %dma_start3A_63 = arith.constant 0 : i32
      %dma_start3A_64 = tpu.memref_slice %arg16[%add3A_11, %dma_start3A_63] : memref<10240x128xf32, #tpu.memory_space<vmem_shared>> -> memref<128x128xf32, #tpu.memory_space<vmem_shared>>
      tpu.enqueue_dma source(%arg14 : memref<128x128xf32, #tpu.memory_space<vmem>>) target(%dma_start3A_64 : memref<128x128xf32, #tpu.memory_space<vmem_shared>>) target_semaphore(%run_scoped3A : memref<!tpu.dma_semaphore, #tpu.memory_space<semaphore_mem>>)
      %dma_wait3A_65 = arith.constant 0 : i32
      %dma_wait3A_66 = tpu.memref_slice %arg16[%add3A_11, %dma_wait3A_65] : memref<10240x128xf32, #tpu.memory_space<vmem_shared>> -> memref<128x128xf32, #tpu.memory_space<vmem_shared>>
      %dma_wait3A_67 = arith.constant 0 : i32
      %dma_wait3A_68 = tpu.memref_slice %arg16[%add3A_11, %dma_wait3A_67] : memref<10240x128xf32, #tpu.memory_space<vmem_shared>> -> memref<128x128xf32, #tpu.memory_space<vmem_shared>>
      tpu.wait_dma2 semaphore(%run_scoped3A : memref<!tpu.dma_semaphore, #tpu.memory_space<semaphore_mem>>) src(%arg14 : memref<128x128xf32, #tpu.memory_space<vmem>>) dst(%dma_wait3A_68 : memref<128x128xf32, #tpu.memory_space<vmem_shared>>)
      tpu.yield
    }) : () -> ()
    %add3A_12 = arith.constant 384 : i32
    %add3A_13 = arith.addi %mul3A_6, %add3A_12 : i32
    "tpu.region"() ({
      %run_scoped3A = tpu.sem_alloc : memref<!tpu.dma_semaphore, #tpu.memory_space<semaphore_mem>>
      %dma_start3A_61 = arith.constant 0 : i32
      %dma_start3A_62 = tpu.memref_slice %arg16[%add3A_13, %dma_start3A_61] : memref<10240x128xf32, #tpu.memory_space<vmem_shared>> -> memref<128x128xf32, #tpu.memory_space<vmem_shared>>
      %dma_start3A_63 = arith.constant 0 : i32
      %dma_start3A_64 = tpu.memref_slice %arg16[%add3A_13, %dma_start3A_63] : memref<10240x128xf32, #tpu.memory_space<vmem_shared>> -> memref<128x128xf32, #tpu.memory_space<vmem_shared>>
      tpu.enqueue_dma source(%arg14 : memref<128x128xf32, #tpu.memory_space<vmem>>) target(%dma_start3A_64 : memref<128x128xf32, #tpu.memory_space<vmem_shared>>) target_semaphore(%run_scoped3A : memref<!tpu.dma_semaphore, #tpu.memory_space<semaphore_mem>>)
      %dma_wait3A_65 = arith.constant 0 : i32
      %dma_wait3A_66 = tpu.memref_slice %arg16[%add3A_13, %dma_wait3A_65] : memref<10240x128xf32, #tpu.memory_space<vmem_shared>> -> memref<128x128xf32, #tpu.memory_space<vmem_shared>>
      %dma_wait3A_67 = arith.constant 0 : i32
      %dma_wait3A_68 = tpu.memref_slice %arg16[%add3A_13, %dma_wait3A_67] : memref<10240x128xf32, #tpu.memory_space<vmem_shared>> -> memref<128x128xf32, #tpu.memory_space<vmem_shared>>
      tpu.wait_dma2 semaphore(%run_scoped3A : memref<!tpu.dma_semaphore, #tpu.memory_space<semaphore_mem>>) src(%arg14 : memref<128x128xf32, #tpu.memory_space<vmem>>) dst(%dma_wait3A_68 : memref<128x128xf32, #tpu.memory_space<vmem_shared>>)
      tpu.yield
    }) : () -> ()
    %add3A_14 = arith.constant 512 : i32
    %add3A_15 = arith.addi %mul3A_6, %add3A_14 : i32
    "tpu.region"() ({
      %run_scoped3A = tpu.sem_alloc : memref<!tpu.dma_semaphore, #tpu.memory_space<semaphore_mem>>
      %dma_start3A_61 = arith.constant 0 : i32
      %dma_start3A_62 = tpu.memref_slice %arg16[%add3A_15, %dma_start3A_61] : memref<10240x128xf32, #tpu.memory_space<vmem_shared>> -> memref<128x128xf32, #tpu.memory_space<vmem_shared>>
      %dma_start3A_63 = arith.constant 0 : i32
      %dma_start3A_64 = tpu.memref_slice %arg16[%add3A_15, %dma_start3A_63] : memref<10240x128xf32, #tpu.memory_space<vmem_shared>> -> memref<128x128xf32, #tpu.memory_space<vmem_shared>>
      tpu.enqueue_dma source(%arg14 : memref<128x128xf32, #tpu.memory_space<vmem>>) target(%dma_start3A_64 : memref<128x128xf32, #tpu.memory_space<vmem_shared>>) target_semaphore(%run_scoped3A : memref<!tpu.dma_semaphore, #tpu.memory_space<semaphore_mem>>)
      %dma_wait3A_65 = arith.constant 0 : i32
      %dma_wait3A_66 = tpu.memref_slice %arg16[%add3A_15, %dma_wait3A_65] : memref<10240x128xf32, #tpu.memory_space<vmem_shared>> -> memref<128x128xf32, #tpu.memory_space<vmem_shared>>
      %dma_wait3A_67 = arith.constant 0 : i32
      %dma_wait3A_68 = tpu.memref_slice %arg16[%add3A_15, %dma_wait3A_67] : memref<10240x128xf32, #tpu.memory_space<vmem_shared>> -> memref<128x128xf32, #tpu.memory_space<vmem_shared>>
      tpu.wait_dma2 semaphore(%run_scoped3A : memref<!tpu.dma_semaphore, #tpu.memory_space<semaphore_mem>>) src(%arg14 : memref<128x128xf32, #tpu.memory_space<vmem>>) dst(%dma_wait3A_68 : memref<128x128xf32, #tpu.memory_space<vmem_shared>>)
      tpu.yield
    }) : () -> ()
    %barrier3A = arith.constant 0 : index
    tpu.barrier barrier_id(%barrier3A)
    %mul3A_16 = arith.constant 327680 : i32
    %mul3A_17 = arith.muli %arg0, %mul3A_16 : i32
    %mul3A_18 = arith.constant 20480 : i32
    %mul3A_19 = arith.muli %arg1, %mul3A_18 : i32
    %add3A_20 = arith.addi %mul3A_17, %mul3A_19 : i32
    %mul3A_21 = arith.constant 20480 : i32
    %mul3A_22 = arith.muli %arg1, %mul3A_21 : i32
    %add3A_23 = arith.constant 0 : i32
    %add3A_24 = arith.addi %add3A_20, %add3A_23 : i32
    %add3A_25 = arith.constant 0 : i32
    %add3A_26 = arith.addi %mul3A_22, %add3A_25 : i32
    %dma_start3A = tpu.memref_slice %arg2[%add3A_24] : memref<655360xi32, #tpu.memory_space<hbm>> -> memref<128xi32, #tpu.memory_space<hbm>>
    %dma_start3A_27 = tpu.memref_slice %arg2[%add3A_24] : memref<655360xi32, #tpu.memory_space<hbm>> -> memref<128xi32, #tpu.memory_space<hbm>>
    tpu.enqueue_dma source(%dma_start3A_27 : memref<128xi32, #tpu.memory_space<hbm>>) target(%arg6 : memref<128xi32, #tpu.memory_space<vmem>>) target_semaphore(%arg19 : memref<!tpu.dma_semaphore, #tpu.memory_space<semaphore_mem>>)
    %dma_start3A_28 = tpu.memref_slice %arg3[%add3A_26] : memref<327680xi32, #tpu.memory_space<hbm>> -> memref<128xi32, #tpu.memory_space<hbm>>
    %dma_start3A_29 = tpu.memref_slice %arg3[%add3A_26] : memref<327680xi32, #tpu.memory_space<hbm>> -> memref<128xi32, #tpu.memory_space<hbm>>
    tpu.enqueue_dma source(%dma_start3A_29 : memref<128xi32, #tpu.memory_space<hbm>>) target(%arg10 : memref<128xi32, #tpu.memory_space<vmem>>) target_semaphore(%arg23 : memref<!tpu.dma_semaphore, #tpu.memory_space<semaphore_mem>>)
    %add3A_30 = arith.constant 0 : i32
    %add3A_31 = arith.addi %add3A_20, %add3A_30 : i32
    %add3A_32 = arith.constant 0 : i32
    %add3A_33 = arith.addi %mul3A_22, %add3A_32 : i32
    %dma_wait3A = tpu.memref_slice %arg2[%add3A_31] : memref<655360xi32, #tpu.memory_space<hbm>> -> memref<128xi32, #tpu.memory_space<hbm>>
    %dma_wait3A_34 = tpu.memref_slice %arg2[%add3A_31] : memref<655360xi32, #tpu.memory_space<hbm>> -> memref<128xi32, #tpu.memory_space<hbm>>
    tpu.wait_dma2 semaphore(%arg19 : memref<!tpu.dma_semaphore, #tpu.memory_space<semaphore_mem>>) src(%dma_wait3A_34 : memref<128xi32, #tpu.memory_space<hbm>>) dst(%arg6 : memref<128xi32, #tpu.memory_space<vmem>>)
    %dma_wait3A_35 = tpu.memref_slice %arg3[%add3A_33] : memref<327680xi32, #tpu.memory_space<hbm>> -> memref<128xi32, #tpu.memory_space<hbm>>
    %dma_wait3A_36 = tpu.memref_slice %arg3[%add3A_33] : memref<327680xi32, #tpu.memory_space<hbm>> -> memref<128xi32, #tpu.memory_space<hbm>>
    tpu.wait_dma2 semaphore(%arg23 : memref<!tpu.dma_semaphore, #tpu.memory_space<semaphore_mem>>) src(%dma_wait3A_36 : memref<128xi32, #tpu.memory_space<hbm>>) dst(%arg10 : memref<128xi32, #tpu.memory_space<vmem>>)
    %dma_start3A_37 = arith.constant 0 : i32
    %dma_start3A_38 = arith.constant 0 : i32
    %dma_start3A_39 = tpu.memref_slice %arg4[%dma_start3A_37, %dma_start3A_38] : memref<20480x128xf32, #tpu.memory_space<hbm>> -> memref<20480x128xf32, #tpu.memory_space<hbm>>
    tpu.enqueue_indirect_dma source(%dma_start3A_39 : memref<20480x128xf32, #tpu.memory_space<hbm>>) target(%arg14 : memref<128x128xf32, #tpu.memory_space<vmem>>) offsets(%arg6 : memref<128xi32, #tpu.memory_space<vmem>>) semaphore(%arg17 : memref<!tpu.dma_semaphore, #tpu.memory_space<semaphore_mem>>)
    %add3A_40 = arith.constant 128 : i32
    %add3A_41 = arith.addi %add3A_20, %add3A_40 : i32
    %add3A_42 = arith.constant 128 : i32
    %add3A_43 = arith.addi %mul3A_22, %add3A_42 : i32
    %dma_start3A_44 = tpu.memref_slice %arg2[%add3A_41] : memref<655360xi32, #tpu.memory_space<hbm>> -> memref<128xi32, #tpu.memory_space<hbm>>
    %dma_start3A_45 = tpu.memref_slice %arg2[%add3A_41] : memref<655360xi32, #tpu.memory_space<hbm>> -> memref<128xi32, #tpu.memory_space<hbm>>
    tpu.enqueue_dma source(%dma_start3A_45 : memref<128xi32, #tpu.memory_space<hbm>>) target(%arg7 : memref<128xi32, #tpu.memory_space<vmem>>) target_semaphore(%arg20 : memref<!tpu.dma_semaphore, #tpu.memory_space<semaphore_mem>>)
    %dma_start3A_46 = tpu.memref_slice %arg3[%add3A_43] : memref<327680xi32, #tpu.memory_space<hbm>> -> memref<128xi32, #tpu.memory_space<hbm>>
    %dma_start3A_47 = tpu.memref_slice %arg3[%add3A_43] : memref<327680xi32, #tpu.memory_space<hbm>> -> memref<128xi32, #tpu.memory_space<hbm>>
    tpu.enqueue_dma source(%dma_start3A_47 : memref<128xi32, #tpu.memory_space<hbm>>) target(%arg11 : memref<128xi32, #tpu.memory_space<vmem>>) target_semaphore(%arg24 : memref<!tpu.dma_semaphore, #tpu.memory_space<semaphore_mem>>)
    %scan3A_48 = arith.constant 0 : i32
    %scan3A_49 = arith.constant 0 : i32
    %scan3A_50 = arith.constant 40 : i32
    %scan3A_51 = arith.addi %scan3A_49, %scan3A_50 : i32
    %scan3A_52 = arith.constant 1 : i32
    %scan3A_53 = scf.for %scan3A_61 = %scan3A_49 to %scan3A_51 step %scan3A_52 iter_args(%scan3A_62 = %scan3A_48) -> (i32)  : i32 {
      %mul3A_63 = arith.constant 4 : i32
      %mul3A_64 = arith.muli %mul3A_63, %scan3A_61 : i32
      %add3A_65 = arith.constant 0 : i32
      %add3A_66 = arith.addi %mul3A_64, %add3A_65 : i32
      %add3A_67 = arith.constant 2 : i32
      %add3A_68 = arith.addi %add3A_66, %add3A_67 : i32
      %mul3A_69 = arith.constant 128 : i32
      %mul3A_70 = arith.muli %add3A_68, %mul3A_69 : i32
      %add3A_71 = arith.addi %add3A_20, %mul3A_70 : i32
      %mul3A_72 = arith.constant 128 : i32
      %mul3A_73 = arith.muli %add3A_68, %mul3A_72 : i32
      %add3A_74 = arith.addi %mul3A_22, %mul3A_73 : i32
      %dma_start3A_75 = tpu.memref_slice %arg2[%add3A_71] : memref<655360xi32, #tpu.memory_space<hbm>> -> memref<128xi32, #tpu.memory_space<hbm>>
      %dma_start3A_76 = tpu.memref_slice %arg2[%add3A_71] : memref<655360xi32, #tpu.memory_space<hbm>> -> memref<128xi32, #tpu.memory_space<hbm>>
      tpu.enqueue_dma source(%dma_start3A_76 : memref<128xi32, #tpu.memory_space<hbm>>) target(%arg8 : memref<128xi32, #tpu.memory_space<vmem>>) target_semaphore(%arg21 : memref<!tpu.dma_semaphore, #tpu.memory_space<semaphore_mem>>)
      %dma_start3A_77 = tpu.memref_slice %arg3[%add3A_74] : memref<327680xi32, #tpu.memory_space<hbm>> -> memref<128xi32, #tpu.memory_space<hbm>>
      %dma_start3A_78 = tpu.memref_slice %arg3[%add3A_74] : memref<327680xi32, #tpu.memory_space<hbm>> -> memref<128xi32, #tpu.memory_space<hbm>>
      tpu.enqueue_dma source(%dma_start3A_78 : memref<128xi32, #tpu.memory_space<hbm>>) target(%arg12 : memref<128xi32, #tpu.memory_space<vmem>>) target_semaphore(%arg25 : memref<!tpu.dma_semaphore, #tpu.memory_space<semaphore_mem>>)
      %add3A_79 = arith.constant 1 : i32
      %add3A_80 = arith.addi %add3A_66, %add3A_79 : i32
      %mul3A_81 = arith.constant 128 : i32
      %mul3A_82 = arith.muli %add3A_80, %mul3A_81 : i32
      %add3A_83 = arith.addi %add3A_20, %mul3A_82 : i32
      %mul3A_84 = arith.constant 128 : i32
      %mul3A_85 = arith.muli %add3A_80, %mul3A_84 : i32
      %add3A_86 = arith.addi %mul3A_22, %mul3A_85 : i32
      %dma_wait3A_87 = tpu.memref_slice %arg2[%add3A_83] : memref<655360xi32, #tpu.memory_space<hbm>> -> memref<128xi32, #tpu.memory_space<hbm>>
      %dma_wait3A_88 = tpu.memref_slice %arg2[%add3A_83] : memref<655360xi32, #tpu.memory_space<hbm>> -> memref<128xi32, #tpu.memory_space<hbm>>
      tpu.wait_dma2 semaphore(%arg20 : memref<!tpu.dma_semaphore, #tpu.memory_space<semaphore_mem>>) src(%dma_wait3A_88 : memref<128xi32, #tpu.memory_space<hbm>>) dst(%arg7 : memref<128xi32, #tpu.memory_space<vmem>>)
      %dma_wait3A_89 = tpu.memref_slice %arg3[%add3A_86] : memref<327680xi32, #tpu.memory_space<hbm>> -> memref<128xi32, #tpu.memory_space<hbm>>
      %dma_wait3A_90 = tpu.memref_slice %arg3[%add3A_86] : memref<327680xi32, #tpu.memory_space<hbm>> -> memref<128xi32, #tpu.memory_space<hbm>>
      tpu.wait_dma2 semaphore(%arg24 : memref<!tpu.dma_semaphore, #tpu.memory_space<semaphore_mem>>) src(%dma_wait3A_90 : memref<128xi32, #tpu.memory_space<hbm>>) dst(%arg11 : memref<128xi32, #tpu.memory_space<vmem>>)
      %dma_start3A_91 = arith.constant 0 : i32
      %dma_start3A_92 = arith.constant 0 : i32
      %dma_start3A_93 = tpu.memref_slice %arg4[%dma_start3A_91, %dma_start3A_92] : memref<20480x128xf32, #tpu.memory_space<hbm>> -> memref<20480x128xf32, #tpu.memory_space<hbm>>
      tpu.enqueue_indirect_dma source(%dma_start3A_93 : memref<20480x128xf32, #tpu.memory_space<hbm>>) target(%arg15 : memref<128x128xf32, #tpu.memory_space<vmem>>) offsets(%arg7 : memref<128xi32, #tpu.memory_space<vmem>>) semaphore(%arg18 : memref<!tpu.dma_semaphore, #tpu.memory_space<semaphore_mem>>)
      %dma_wait3A_94 = arith.constant 0 : i32
      %dma_wait3A_95 = arith.constant 0 : i32
      %dma_wait3A_96 = tpu.memref_slice %arg4[%dma_wait3A_94, %dma_wait3A_95] : memref<20480x128xf32, #tpu.memory_space<hbm>> -> memref<20480x128xf32, #tpu.memory_space<hbm>>
      tpu.wait_indirect_dma semaphore(%arg17 : memref<!tpu.dma_semaphore, #tpu.memory_space<semaphore_mem>>) src(%dma_wait3A_96 : memref<20480x128xf32, #tpu.memory_space<hbm>>) dst(%arg14 : memref<128x128xf32, #tpu.memory_space<vmem>>)
      "tpu.region"() ({
        %run_scoped3A = tpu.sem_alloc : memref<!tpu.dma_semaphore, #tpu.memory_space<semaphore_mem>>
        %dma_start3A_173 = arith.constant 0 : i32
        %dma_start3A_174 = arith.constant 0 : i32
        %dma_start3A_175 = tpu.memref_slice %arg16[%dma_start3A_173, %dma_start3A_174] : memref<10240x128xf32, #tpu.memory_space<vmem_shared>> -> memref<10240x128xf32, #tpu.memory_space<vmem_shared>>
        tpu.enqueue_indirect_dma source(%arg14 : memref<128x128xf32, #tpu.memory_space<vmem>>) target(%dma_start3A_175 : memref<10240x128xf32, #tpu.memory_space<vmem_shared>>) offsets(%arg10 : memref<128xi32, #tpu.memory_space<vmem>>) semaphore(%run_scoped3A : memref<!tpu.dma_semaphore, #tpu.memory_space<semaphore_mem>>) {add = true}
        %dma_wait3A_176 = arith.constant 0 : i32
        %dma_wait3A_177 = arith.constant 0 : i32
        %dma_wait3A_178 = tpu.memref_slice %arg16[%dma_wait3A_176, %dma_wait3A_177] : memref<10240x128xf32, #tpu.memory_space<vmem_shared>> -> memref<10240x128xf32, #tpu.memory_space<vmem_shared>>
        tpu.wait_indirect_dma semaphore(%run_scoped3A : memref<!tpu.dma_semaphore, #tpu.memory_space<semaphore_mem>>) src(%arg14 : memref<128x128xf32, #tpu.memory_space<vmem>>) dst(%dma_wait3A_178 : memref<10240x128xf32, #tpu.memory_space<vmem_shared>>)
        tpu.yield
      }) : () -> ()
      %add3A_97 = arith.constant 1 : i32
      %add3A_98 = arith.addi %mul3A_64, %add3A_97 : i32
      %add3A_99 = arith.constant 2 : i32
      %add3A_100 = arith.addi %add3A_98, %add3A_99 : i32
      %mul3A_101 = arith.constant 128 : i32
      %mul3A_102 = arith.muli %add3A_100, %mul3A_101 : i32
      %add3A_103 = arith.addi %add3A_20, %mul3A_102 : i32
      %mul3A_104 = arith.constant 128 : i32
      %mul3A_105 = arith.muli %add3A_100, %mul3A_104 : i32
      %add3A_106 = arith.addi %mul3A_22, %mul3A_105 : i32
      %dma_start3A_107 = tpu.memref_slice %arg2[%add3A_103] : memref<655360xi32, #tpu.memory_space<hbm>> -> memref<128xi32, #tpu.memory_space<hbm>>
      %dma_start3A_108 = tpu.memref_slice %arg2[%add3A_103] : memref<655360xi32, #tpu.memory_space<hbm>> -> memref<128xi32, #tpu.memory_space<hbm>>
      tpu.enqueue_dma source(%dma_start3A_108 : memref<128xi32, #tpu.memory_space<hbm>>) target(%arg9 : memref<128xi32, #tpu.memory_space<vmem>>) target_semaphore(%arg22 : memref<!tpu.dma_semaphore, #tpu.memory_space<semaphore_mem>>)
      %dma_start3A_109 = tpu.memref_slice %arg3[%add3A_106] : memref<327680xi32, #tpu.memory_space<hbm>> -> memref<128xi32, #tpu.memory_space<hbm>>
      %dma_start3A_110 = tpu.memref_slice %arg3[%add3A_106] : memref<327680xi32, #tpu.memory_space<hbm>> -> memref<128xi32, #tpu.memory_space<hbm>>
      tpu.enqueue_dma source(%dma_start3A_110 : memref<128xi32, #tpu.memory_space<hbm>>) target(%arg13 : memref<128xi32, #tpu.memory_space<vmem>>) target_semaphore(%arg26 : memref<!tpu.dma_semaphore, #tpu.memory_space<semaphore_mem>>)
      %add3A_111 = arith.constant 1 : i32
      %add3A_112 = arith.addi %add3A_98, %add3A_111 : i32
      %mul3A_113 = arith.constant 128 : i32
      %mul3A_114 = arith.muli %add3A_112, %mul3A_113 : i32
      %add3A_115 = arith.addi %add3A_20, %mul3A_114 : i32
      %mul3A_116 = arith.constant 128 : i32
      %mul3A_117 = arith.muli %add3A_112, %mul3A_116 : i32
      %add3A_118 = arith.addi %mul3A_22, %mul3A_117 : i32
      %dma_wait3A_119 = tpu.memref_slice %arg2[%add3A_115] : memref<655360xi32, #tpu.memory_space<hbm>> -> memref<128xi32, #tpu.memory_space<hbm>>
      %dma_wait3A_120 = tpu.memref_slice %arg2[%add3A_115] : memref<655360xi32, #tpu.memory_space<hbm>> -> memref<128xi32, #tpu.memory_space<hbm>>
      tpu.wait_dma2 semaphore(%arg21 : memref<!tpu.dma_semaphore, #tpu.memory_space<semaphore_mem>>) src(%dma_wait3A_120 : memref<128xi32, #tpu.memory_space<hbm>>) dst(%arg8 : memref<128xi32, #tpu.memory_space<vmem>>)
      %dma_wait3A_121 = tpu.memref_slice %arg3[%add3A_118] : memref<327680xi32, #tpu.memory_space<hbm>> -> memref<128xi32, #tpu.memory_space<hbm>>
      %dma_wait3A_122 = tpu.memref_slice %arg3[%add3A_118] : memref<327680xi32, #tpu.memory_space<hbm>> -> memref<128xi32, #tpu.memory_space<hbm>>
      tpu.wait_dma2 semaphore(%arg25 : memref<!tpu.dma_semaphore, #tpu.memory_space<semaphore_mem>>) src(%dma_wait3A_122 : memref<128xi32, #tpu.memory_space<hbm>>) dst(%arg12 : memref<128xi32, #tpu.memory_space<vmem>>)
      %dma_start3A_123 = arith.constant 0 : i32
      %dma_start3A_124 = arith.constant 0 : i32
      %dma_start3A_125 = tpu.memref_slice %arg4[%dma_start3A_123, %dma_start3A_124] : memref<20480x128xf32, #tpu.memory_space<hbm>> -> memref<20480x128xf32, #tpu.memory_space<hbm>>
      tpu.enqueue_indirect_dma source(%dma_start3A_125 : memref<20480x128xf32, #tpu.memory_space<hbm>>) target(%arg14 : memref<128x128xf32, #tpu.memory_space<vmem>>) offsets(%arg8 : memref<128xi32, #tpu.memory_space<vmem>>) semaphore(%arg17 : memref<!tpu.dma_semaphore, #tpu.memory_space<semaphore_mem>>)
      %dma_wait3A_126 = arith.constant 0 : i32
      %dma_wait3A_127 = arith.constant 0 : i32
      %dma_wait3A_128 = tpu.memref_slice %arg4[%dma_wait3A_126, %dma_wait3A_127] : memref<20480x128xf32, #tpu.memory_space<hbm>> -> memref<20480x128xf32, #tpu.memory_space<hbm>>
      tpu.wait_indirect_dma semaphore(%arg18 : memref<!tpu.dma_semaphore, #tpu.memory_space<semaphore_mem>>) src(%dma_wait3A_128 : memref<20480x128xf32, #tpu.memory_space<hbm>>) dst(%arg15 : memref<128x128xf32, #tpu.memory_space<vmem>>)
      "tpu.region"() ({
        %run_scoped3A = tpu.sem_alloc : memref<!tpu.dma_semaphore, #tpu.memory_space<semaphore_mem>>
        %dma_start3A_173 = arith.constant 0 : i32
        %dma_start3A_174 = arith.constant 0 : i32
        %dma_start3A_175 = tpu.memref_slice %arg16[%dma_start3A_173, %dma_start3A_174] : memref<10240x128xf32, #tpu.memory_space<vmem_shared>> -> memref<10240x128xf32, #tpu.memory_space<vmem_shared>>
        tpu.enqueue_indirect_dma source(%arg15 : memref<128x128xf32, #tpu.memory_space<vmem>>) target(%dma_start3A_175 : memref<10240x128xf32, #tpu.memory_space<vmem_shared>>) offsets(%arg11 : memref<128xi32, #tpu.memory_space<vmem>>) semaphore(%run_scoped3A : memref<!tpu.dma_semaphore, #tpu.memory_space<semaphore_mem>>) {add = true}
        %dma_wait3A_176 = arith.constant 0 : i32
        %dma_wait3A_177 = arith.constant 0 : i32
        %dma_wait3A_178 = tpu.memref_slice %arg16[%dma_wait3A_176, %dma_wait3A_177] : memref<10240x128xf32, #tpu.memory_space<vmem_shared>> -> memref<10240x128xf32, #tpu.memory_space<vmem_shared>>
        tpu.wait_indirect_dma semaphore(%run_scoped3A : memref<!tpu.dma_semaphore, #tpu.memory_space<semaphore_mem>>) src(%arg15 : memref<128x128xf32, #tpu.memory_space<vmem>>) dst(%dma_wait3A_178 : memref<10240x128xf32, #tpu.memory_space<vmem_shared>>)
        tpu.yield
      }) : () -> ()
      %add3A_129 = arith.constant 2 : i32
      %add3A_130 = arith.addi %mul3A_64, %add3A_129 : i32
      %add3A_131 = arith.constant 2 : i32
      %add3A_132 = arith.addi %add3A_130, %add3A_131 : i32
      %lt3A = arith.constant 160 : i32
      %lt3A_133 = arith.cmpi slt, %add3A_132, %lt3A : i32
      %convert_element_type3A = arith.extui %lt3A_133 : i1 to i32
      %cond3A = arith.constant 0 : i32
      %cond3A_134 = arith.cmpi ne, %convert_element_type3A, %cond3A : i32
      scf.if %cond3A_134 {
        %add3A_173 = arith.constant 2 : i32
        %add3A_174 = arith.addi %add3A_130, %add3A_173 : i32
        %mul3A_175 = arith.constant 128 : i32
        %mul3A_176 = arith.muli %add3A_174, %mul3A_175 : i32
        %add3A_177 = arith.addi %add3A_20, %mul3A_176 : i32
        %mul3A_178 = arith.constant 128 : i32
        %mul3A_179 = arith.muli %add3A_174, %mul3A_178 : i32
        %add3A_180 = arith.addi %mul3A_22, %mul3A_179 : i32
        %dma_start3A_181 = tpu.memref_slice %arg2[%add3A_177] : memref<655360xi32, #tpu.memory_space<hbm>> -> memref<128xi32, #tpu.memory_space<hbm>>
        %dma_start3A_182 = tpu.memref_slice %arg2[%add3A_177] : memref<655360xi32, #tpu.memory_space<hbm>> -> memref<128xi32, #tpu.memory_space<hbm>>
        tpu.enqueue_dma source(%dma_start3A_182 : memref<128xi32, #tpu.memory_space<hbm>>) target(%arg6 : memref<128xi32, #tpu.memory_space<vmem>>) target_semaphore(%arg19 : memref<!tpu.dma_semaphore, #tpu.memory_space<semaphore_mem>>)
        %dma_start3A_183 = tpu.memref_slice %arg3[%add3A_180] : memref<327680xi32, #tpu.memory_space<hbm>> -> memref<128xi32, #tpu.memory_space<hbm>>
        %dma_start3A_184 = tpu.memref_slice %arg3[%add3A_180] : memref<327680xi32, #tpu.memory_space<hbm>> -> memref<128xi32, #tpu.memory_space<hbm>>
        tpu.enqueue_dma source(%dma_start3A_184 : memref<128xi32, #tpu.memory_space<hbm>>) target(%arg10 : memref<128xi32, #tpu.memory_space<vmem>>) target_semaphore(%arg23 : memref<!tpu.dma_semaphore, #tpu.memory_space<semaphore_mem>>)
      } else {
      }
      %add3A_135 = arith.constant 1 : i32
      %add3A_136 = arith.addi %add3A_130, %add3A_135 : i32
      %mul3A_137 = arith.constant 128 : i32
      %mul3A_138 = arith.muli %add3A_136, %mul3A_137 : i32
      %add3A_139 = arith.addi %add3A_20, %mul3A_138 : i32
      %mul3A_140 = arith.constant 128 : i32
      %mul3A_141 = arith.muli %add3A_136, %mul3A_140 : i32
      %add3A_142 = arith.addi %mul3A_22, %mul3A_141 : i32
      %dma_wait3A_143 = tpu.memref_slice %arg2[%add3A_139] : memref<655360xi32, #tpu.memory_space<hbm>> -> memref<128xi32, #tpu.memory_space<hbm>>
      %dma_wait3A_144 = tpu.memref_slice %arg2[%add3A_139] : memref<655360xi32, #tpu.memory_space<hbm>> -> memref<128xi32, #tpu.memory_space<hbm>>
      tpu.wait_dma2 semaphore(%arg22 : memref<!tpu.dma_semaphore, #tpu.memory_space<semaphore_mem>>) src(%dma_wait3A_144 : memref<128xi32, #tpu.memory_space<hbm>>) dst(%arg9 : memref<128xi32, #tpu.memory_space<vmem>>)
      %dma_wait3A_145 = tpu.memref_slice %arg3[%add3A_142] : memref<327680xi32, #tpu.memory_space<hbm>> -> memref<128xi32, #tpu.memory_space<hbm>>
      %dma_wait3A_146 = tpu.memref_slice %arg3[%add3A_142] : memref<327680xi32, #tpu.memory_space<hbm>> -> memref<128xi32, #tpu.memory_space<hbm>>
      tpu.wait_dma2 semaphore(%arg26 : memref<!tpu.dma_semaphore, #tpu.memory_space<semaphore_mem>>) src(%dma_wait3A_146 : memref<128xi32, #tpu.memory_space<hbm>>) dst(%arg13 : memref<128xi32, #tpu.memory_space<vmem>>)
      %dma_start3A_147 = arith.constant 0 : i32
      %dma_start3A_148 = arith.constant 0 : i32
      %dma_start3A_149 = tpu.memref_slice %arg4[%dma_start3A_147, %dma_start3A_148] : memref<20480x128xf32, #tpu.memory_space<hbm>> -> memref<20480x128xf32, #tpu.memory_space<hbm>>
      tpu.enqueue_indirect_dma source(%dma_start3A_149 : memref<20480x128xf32, #tpu.memory_space<hbm>>) target(%arg15 : memref<128x128xf32, #tpu.memory_space<vmem>>) offsets(%arg9 : memref<128xi32, #tpu.memory_space<vmem>>) semaphore(%arg18 : memref<!tpu.dma_semaphore, #tpu.memory_space<semaphore_mem>>)
      %dma_wait3A_150 = arith.constant 0 : i32
      %dma_wait3A_151 = arith.constant 0 : i32
      %dma_wait3A_152 = tpu.memref_slice %arg4[%dma_wait3A_150, %dma_wait3A_151] : memref<20480x128xf32, #tpu.memory_space<hbm>> -> memref<20480x128xf32, #tpu.memory_space<hbm>>
      tpu.wait_indirect_dma semaphore(%arg17 : memref<!tpu.dma_semaphore, #tpu.memory_space<semaphore_mem>>) src(%dma_wait3A_152 : memref<20480x128xf32, #tpu.memory_space<hbm>>) dst(%arg14 : memref<128x128xf32, #tpu.memory_space<vmem>>)
      "tpu.region"() ({
        %run_scoped3A = tpu.sem_alloc : memref<!tpu.dma_semaphore, #tpu.memory_space<semaphore_mem>>
        %dma_start3A_173 = arith.constant 0 : i32
        %dma_start3A_174 = arith.constant 0 : i32
        %dma_start3A_175 = tpu.memref_slice %arg16[%dma_start3A_173, %dma_start3A_174] : memref<10240x128xf32, #tpu.memory_space<vmem_shared>> -> memref<10240x128xf32, #tpu.memory_space<vmem_shared>>
        tpu.enqueue_indirect_dma source(%arg14 : memref<128x128xf32, #tpu.memory_space<vmem>>) target(%dma_start3A_175 : memref<10240x128xf32, #tpu.memory_space<vmem_shared>>) offsets(%arg12 : memref<128xi32, #tpu.memory_space<vmem>>) semaphore(%run_scoped3A : memref<!tpu.dma_semaphore, #tpu.memory_space<semaphore_mem>>) {add = true}
        %dma_wait3A_176 = arith.constant 0 : i32
        %dma_wait3A_177 = arith.constant 0 : i32
        %dma_wait3A_178 = tpu.memref_slice %arg16[%dma_wait3A_176, %dma_wait3A_177] : memref<10240x128xf32, #tpu.memory_space<vmem_shared>> -> memref<10240x128xf32, #tpu.memory_space<vmem_shared>>
        tpu.wait_indirect_dma semaphore(%run_scoped3A : memref<!tpu.dma_semaphore, #tpu.memory_space<semaphore_mem>>) src(%arg14 : memref<128x128xf32, #tpu.memory_space<vmem>>) dst(%dma_wait3A_178 : memref<10240x128xf32, #tpu.memory_space<vmem_shared>>)
        tpu.yield
      }) : () -> ()
      %add3A_153 = arith.constant 3 : i32
      %add3A_154 = arith.addi %mul3A_64, %add3A_153 : i32
      %add3A_155 = arith.constant 2 : i32
      %add3A_156 = arith.addi %add3A_154, %add3A_155 : i32
      %lt3A_157 = arith.constant 160 : i32
      %lt3A_158 = arith.cmpi slt, %add3A_156, %lt3A_157 : i32
      %convert_element_type3A_159 = arith.extui %lt3A_158 : i1 to i32
      %cond3A_160 = arith.constant 0 : i32
      %cond3A_161 = arith.cmpi ne, %convert_element_type3A_159, %cond3A_160 : i32
      scf.if %cond3A_161 {
        %add3A_173 = arith.constant 2 : i32
        %add3A_174 = arith.addi %add3A_154, %add3A_173 : i32
        %mul3A_175 = arith.constant 128 : i32
        %mul3A_176 = arith.muli %add3A_174, %mul3A_175 : i32
        %add3A_177 = arith.addi %add3A_20, %mul3A_176 : i32
        %mul3A_178 = arith.constant 128 : i32
        %mul3A_179 = arith.muli %add3A_174, %mul3A_178 : i32
        %add3A_180 = arith.addi %mul3A_22, %mul3A_179 : i32
        %dma_start3A_181 = tpu.memref_slice %arg2[%add3A_177] : memref<655360xi32, #tpu.memory_space<hbm>> -> memref<128xi32, #tpu.memory_space<hbm>>
        %dma_start3A_182 = tpu.memref_slice %arg2[%add3A_177] : memref<655360xi32, #tpu.memory_space<hbm>> -> memref<128xi32, #tpu.memory_space<hbm>>
        tpu.enqueue_dma source(%dma_start3A_182 : memref<128xi32, #tpu.memory_space<hbm>>) target(%arg7 : memref<128xi32, #tpu.memory_space<vmem>>) target_semaphore(%arg20 : memref<!tpu.dma_semaphore, #tpu.memory_space<semaphore_mem>>)
        %dma_start3A_183 = tpu.memref_slice %arg3[%add3A_180] : memref<327680xi32, #tpu.memory_space<hbm>> -> memref<128xi32, #tpu.memory_space<hbm>>
        %dma_start3A_184 = tpu.memref_slice %arg3[%add3A_180] : memref<327680xi32, #tpu.memory_space<hbm>> -> memref<128xi32, #tpu.memory_space<hbm>>
        tpu.enqueue_dma source(%dma_start3A_184 : memref<128xi32, #tpu.memory_space<hbm>>) target(%arg11 : memref<128xi32, #tpu.memory_space<vmem>>) target_semaphore(%arg24 : memref<!tpu.dma_semaphore, #tpu.memory_space<semaphore_mem>>)
      } else {
      }
      %add3A_162 = arith.constant 1 : i32
      %add3A_163 = arith.addi %add3A_154, %add3A_162 : i32
      %lt3A_164 = arith.constant 160 : i32
      %lt3A_165 = arith.cmpi slt, %add3A_163, %lt3A_164 : i32
      %convert_element_type3A_166 = arith.extui %lt3A_165 : i1 to i32
      %cond3A_167 = arith.constant 0 : i32
      %cond3A_168 = arith.cmpi ne, %convert_element_type3A_166, %cond3A_167 : i32
      scf.if %cond3A_168 {
        %add3A_173 = arith.constant 1 : i32
        %add3A_174 = arith.addi %add3A_154, %add3A_173 : i32
        %mul3A_175 = arith.constant 128 : i32
        %mul3A_176 = arith.muli %add3A_174, %mul3A_175 : i32
        %add3A_177 = arith.addi %add3A_20, %mul3A_176 : i32
        %mul3A_178 = arith.constant 128 : i32
        %mul3A_179 = arith.muli %add3A_174, %mul3A_178 : i32
        %add3A_180 = arith.addi %mul3A_22, %mul3A_179 : i32
        %dma_wait3A_181 = tpu.memref_slice %arg2[%add3A_177] : memref<655360xi32, #tpu.memory_space<hbm>> -> memref<128xi32, #tpu.memory_space<hbm>>
        %dma_wait3A_182 = tpu.memref_slice %arg2[%add3A_177] : memref<655360xi32, #tpu.memory_space<hbm>> -> memref<128xi32, #tpu.memory_space<hbm>>
        tpu.wait_dma2 semaphore(%arg19 : memref<!tpu.dma_semaphore, #tpu.memory_space<semaphore_mem>>) src(%dma_wait3A_182 : memref<128xi32, #tpu.memory_space<hbm>>) dst(%arg6 : memref<128xi32, #tpu.memory_space<vmem>>)
        %dma_wait3A_183 = tpu.memref_slice %arg3[%add3A_180] : memref<327680xi32, #tpu.memory_space<hbm>> -> memref<128xi32, #tpu.memory_space<hbm>>
        %dma_wait3A_184 = tpu.memref_slice %arg3[%add3A_180] : memref<327680xi32, #tpu.memory_space<hbm>> -> memref<128xi32, #tpu.memory_space<hbm>>
        tpu.wait_dma2 semaphore(%arg23 : memref<!tpu.dma_semaphore, #tpu.memory_space<semaphore_mem>>) src(%dma_wait3A_184 : memref<128xi32, #tpu.memory_space<hbm>>) dst(%arg10 : memref<128xi32, #tpu.memory_space<vmem>>)
        %dma_start3A_185 = arith.constant 0 : i32
        %dma_start3A_186 = arith.constant 0 : i32
        %dma_start3A_187 = tpu.memref_slice %arg4[%dma_start3A_185, %dma_start3A_186] : memref<20480x128xf32, #tpu.memory_space<hbm>> -> memref<20480x128xf32, #tpu.memory_space<hbm>>
        tpu.enqueue_indirect_dma source(%dma_start3A_187 : memref<20480x128xf32, #tpu.memory_space<hbm>>) target(%arg14 : memref<128x128xf32, #tpu.memory_space<vmem>>) offsets(%arg6 : memref<128xi32, #tpu.memory_space<vmem>>) semaphore(%arg17 : memref<!tpu.dma_semaphore, #tpu.memory_space<semaphore_mem>>)
      } else {
      }
      %dma_wait3A_169 = arith.constant 0 : i32
      %dma_wait3A_170 = arith.constant 0 : i32
      %dma_wait3A_171 = tpu.memref_slice %arg4[%dma_wait3A_169, %dma_wait3A_170] : memref<20480x128xf32, #tpu.memory_space<hbm>> -> memref<20480x128xf32, #tpu.memory_space<hbm>>
      tpu.wait_indirect_dma semaphore(%arg18 : memref<!tpu.dma_semaphore, #tpu.memory_space<semaphore_mem>>) src(%dma_wait3A_171 : memref<20480x128xf32, #tpu.memory_space<hbm>>) dst(%arg15 : memref<128x128xf32, #tpu.memory_space<vmem>>)
      "tpu.region"() ({
        %run_scoped3A = tpu.sem_alloc : memref<!tpu.dma_semaphore, #tpu.memory_space<semaphore_mem>>
        %dma_start3A_173 = arith.constant 0 : i32
        %dma_start3A_174 = arith.constant 0 : i32
        %dma_start3A_175 = tpu.memref_slice %arg16[%dma_start3A_173, %dma_start3A_174] : memref<10240x128xf32, #tpu.memory_space<vmem_shared>> -> memref<10240x128xf32, #tpu.memory_space<vmem_shared>>
        tpu.enqueue_indirect_dma source(%arg15 : memref<128x128xf32, #tpu.memory_space<vmem>>) target(%dma_start3A_175 : memref<10240x128xf32, #tpu.memory_space<vmem_shared>>) offsets(%arg13 : memref<128xi32, #tpu.memory_space<vmem>>) semaphore(%run_scoped3A : memref<!tpu.dma_semaphore, #tpu.memory_space<semaphore_mem>>) {add = true}
        %dma_wait3A_176 = arith.constant 0 : i32
        %dma_wait3A_177 = arith.constant 0 : i32
        %dma_wait3A_178 = tpu.memref_slice %arg16[%dma_wait3A_176, %dma_wait3A_177] : memref<10240x128xf32, #tpu.memory_space<vmem_shared>> -> memref<10240x128xf32, #tpu.memory_space<vmem_shared>>
        tpu.wait_indirect_dma semaphore(%run_scoped3A : memref<!tpu.dma_semaphore, #tpu.memory_space<semaphore_mem>>) src(%arg15 : memref<128x128xf32, #tpu.memory_space<vmem>>) dst(%dma_wait3A_178 : memref<10240x128xf32, #tpu.memory_space<vmem_shared>>)
        tpu.yield
      }) : () -> ()
      %scan3A_172 = arith.constant 0 : i32
      scf.yield %scan3A_172 : i32
    }
    %scan3A_54 = arith.constant 40 : i32
    %barrier3A_55 = arith.constant 0 : index
    tpu.barrier barrier_id(%barrier3A_55)
    %mul3A_56 = arith.constant 640 : i32
    %mul3A_57 = arith.muli %arg1, %mul3A_56 : i32
    %mul3A_58 = arith.constant 10240 : i32
    %mul3A_59 = arith.muli %arg0, %mul3A_58 : i32
    %add3A_60 = arith.addi %mul3A_59, %mul3A_57 : i32
    "tpu.region"() ({
      %run_scoped3A = tpu.sem_alloc : memref<!tpu.dma_semaphore, #tpu.memory_space<semaphore_mem>>
      %dma_start3A_61 = arith.constant 0 : i32
      %dma_start3A_62 = tpu.memref_slice %arg5[%add3A_60, %dma_start3A_61] : memref<20480x128xf32, #tpu.memory_space<hbm>> -> memref<640x128xf32, #tpu.memory_space<hbm>>
      %dma_start3A_63 = arith.constant 0 : i32
      %dma_start3A_64 = tpu.memref_slice %arg16[%mul3A_57, %dma_start3A_63] : memref<10240x128xf32, #tpu.memory_space<vmem_shared>> -> memref<640x128xf32, #tpu.memory_space<vmem_shared>>
      tpu.enqueue_dma source(%dma_start3A_64 : memref<640x128xf32, #tpu.memory_space<vmem_shared>>) target(%dma_start3A_62 : memref<640x128xf32, #tpu.memory_space<hbm>>) target_semaphore(%run_scoped3A : memref<!tpu.dma_semaphore, #tpu.memory_space<semaphore_mem>>)
      %dma_wait3A_65 = arith.constant 0 : i32
      %dma_wait3A_66 = tpu.memref_slice %arg5[%add3A_60, %dma_wait3A_65] : memref<20480x128xf32, #tpu.memory_space<hbm>> -> memref<640x128xf32, #tpu.memory_space<hbm>>
      %dma_wait3A_67 = arith.constant 0 : i32
      %dma_wait3A_68 = tpu.memref_slice %arg16[%mul3A_57, %dma_wait3A_67] : memref<10240x128xf32, #tpu.memory_space<vmem_shared>> -> memref<640x128xf32, #tpu.memory_space<vmem_shared>>
      tpu.wait_dma2 semaphore(%run_scoped3A : memref<!tpu.dma_semaphore, #tpu.memory_space<semaphore_mem>>) src(%dma_wait3A_68 : memref<640x128xf32, #tpu.memory_space<vmem_shared>>) dst(%dma_wait3A_66 : memref<640x128xf32, #tpu.memory_space<hbm>>)
      tpu.yield
    }) : () -> ()
    return
  }
}

module attributes {stable_mosaic.version = 14 : i64} {
  func.func @_prep_body(%arg0: memref<2x10240x1xf32, #tpu.memory_space<vmem>>, %arg1: memref<10240x128xf32, #tpu.memory_space<vmem>>, %arg2: memref<10240x1xf32, #tpu.memory_space<vmem>>, %arg3: memref<10240x128xf32, #tpu.memory_space<vmem>>) attributes {dimension_semantics = [], scalar_prefetch = 0 : i64, scratch_operands = 0 : i64, tpu.core_type = #tpu.core_type<tc>} {
    %get3A = arith.constant 0 : index
    %get3A_0 = arith.constant 0 : index
    %get3A_1 = arith.constant 0 : index
    %get3A_2 = vector.load %arg0[%get3A, %get3A_0, %get3A_1] : memref<2x10240x1xf32, #tpu.memory_space<vmem>>, vector<1x10240x1xf32>
    %get3A_3 = vector.shape_cast %get3A_2 : vector<1x10240x1xf32> to vector<10240x1xf32>
    %get3A_4 = arith.constant 1 : index
    %get3A_5 = arith.constant 0 : index
    %get3A_6 = arith.constant 0 : index
    %get3A_7 = vector.load %arg0[%get3A_4, %get3A_5, %get3A_6] : memref<2x10240x1xf32, #tpu.memory_space<vmem>>, vector<1x10240x1xf32>
    %get3A_8 = vector.shape_cast %get3A_7 : vector<1x10240x1xf32> to vector<10240x1xf32>
    %add3A = arith.addf %get3A_3, %get3A_8 : vector<10240x1xf32>
    %add3A_9 = arith.constant 1.000000e+00 : f32
    %add3A_10 = vector.broadcast %add3A_9 : f32 to vector<10240x1xf32>
    %add3A_11 = arith.addf %add3A, %add3A_10 : vector<10240x1xf32>
    %rsqrt3A = math.rsqrt %add3A_11 : vector<10240x1xf32>
    %swap3A = arith.constant 0 : index
    %swap3A_12 = arith.constant 0 : index
    %swap3A_13 = vector.load %arg2[%swap3A, %swap3A_12] : memref<10240x1xf32, #tpu.memory_space<vmem>>, vector<10240x1xf32>
    tpu.vector_store %arg2[%swap3A, %swap3A_12], %rsqrt3A {strides = array<i32>} : memref<10240x1xf32, #tpu.memory_space<vmem>>, vector<10240x1xf32>,
    %get3A_14 = arith.constant 0 : index
    %get3A_15 = arith.constant 0 : index
    %get3A_16 = vector.load %arg1[%get3A_14, %get3A_15] : memref<10240x128xf32, #tpu.memory_space<vmem>>, vector<10240x128xf32>
    %mul3A = vector.broadcast %rsqrt3A : vector<10240x1xf32> to vector<10240x128xf32>
    %mul3A_17 = arith.mulf %mul3A, %get3A_16 : vector<10240x128xf32>
    %swap3A_18 = arith.constant 0 : index
    %swap3A_19 = arith.constant 0 : index
    %swap3A_20 = vector.load %arg3[%swap3A_18, %swap3A_19] : memref<10240x128xf32, #tpu.memory_space<vmem>>, vector<10240x128xf32>
    tpu.vector_store %arg3[%swap3A_18, %swap3A_19], %mul3A_17 {strides = array<i32>} : memref<10240x128xf32, #tpu.memory_space<vmem>>, vector<10240x128xf32>,
    return
  }
}

module attributes {stable_mosaic.version = 14 : i64} {
  func.func @_layer_body(%arg0: i32, %arg1: memref<2x512x128xf32, #tpu.memory_space<vmem>>, %arg2: memref<512x128xf32, #tpu.memory_space<vmem>>, %arg3: memref<512x1xf32, #tpu.memory_space<vmem>>, %arg4: memref<1x512x1xi32, #tpu.memory_space<vmem>>, %arg5: memref<1x1x512xi32, #tpu.memory_space<vmem>>, %arg6: memref<8x128x256xf32, #tpu.memory_space<vmem>>, %arg7: memref<8x1x256xf32, #tpu.memory_space<vmem>>, %arg8: memref<2x512x128xf32, #tpu.memory_space<vmem>>, %arg9: memref<16x256xf32, #tpu.memory_space<vmem>>) attributes {dimension_semantics = [#tpu.dimension_semantics<arbitrary>], iteration_bounds = array<i64: 20>, scalar_prefetch = 0 : i64, scratch_operands = 0 : i64, tpu.core_type = #tpu.core_type<tc>, window_params = [{transform_indices = @transform_0, window_bounds = array<i64: 2, 512, 128>}, {transform_indices = @transform_1, window_bounds = array<i64: 512, 128>}, {transform_indices = @transform_2, window_bounds = array<i64: 512, 1>}, {transform_indices = @transform_3, window_bounds = array<i64: 1, 512, 1>}, {transform_indices = @transform_4, window_bounds = array<i64: 1, 1, 512>}, {pipeline_mode = #tpu.pipeline_mode<synchronous>, transform_indices = @transform_5, window_bounds = array<i64: 8, 128, 256>}, {pipeline_mode = #tpu.pipeline_mode<synchronous>, transform_indices = @transform_6, window_bounds = array<i64: 8, 1, 256>}, {transform_indices = @transform_7, window_bounds = array<i64: 2, 512, 128>}, {pipeline_mode = #tpu.pipeline_mode<synchronous>, transform_indices = @transform_8, window_bounds = array<i64: 16, 256>}]} {
    %get3A = arith.constant 0 : index
    %get3A_0 = arith.constant 0 : index
    %get3A_1 = vector.load %arg3[%get3A, %get3A_0] : memref<512x1xf32, #tpu.memory_space<vmem>>, vector<512x1xf32>
    %get3A_2 = arith.constant 0 : index
    %get3A_3 = arith.constant 0 : index
    %get3A_4 = arith.constant 0 : index
    %get3A_5 = vector.load %arg1[%get3A_2, %get3A_3, %get3A_4] : memref<2x512x128xf32, #tpu.memory_space<vmem>>, vector<1x512x128xf32>
    %get3A_6 = vector.shape_cast %get3A_5 : vector<1x512x128xf32> to vector<512x128xf32>
    %get3A_7 = arith.constant 1 : index
    %get3A_8 = arith.constant 0 : index
    %get3A_9 = arith.constant 0 : index
    %get3A_10 = vector.load %arg1[%get3A_7, %get3A_8, %get3A_9] : memref<2x512x128xf32, #tpu.memory_space<vmem>>, vector<1x512x128xf32>
    %get3A_11 = vector.shape_cast %get3A_10 : vector<1x512x128xf32> to vector<512x128xf32>
    %add3A = arith.addf %get3A_6, %get3A_11 : vector<512x128xf32>
    %get3A_12 = arith.constant 0 : index
    %get3A_13 = arith.constant 0 : index
    %get3A_14 = vector.load %arg2[%get3A_12, %get3A_13] : memref<512x128xf32, #tpu.memory_space<vmem>>, vector<512x128xf32>
    %add3A_15 = arith.addf %add3A, %get3A_14 : vector<512x128xf32>
    %mul3A = vector.broadcast %get3A_1 : vector<512x1xf32> to vector<512x128xf32>
    %mul3A_16 = arith.mulf %add3A_15, %mul3A : vector<512x128xf32>
    %get3A_17 = arith.constant 0 : index
    %get3A_18 = arith.constant 0 : index
    %get3A_19 = arith.constant 0 : index
    %get3A_20 = vector.load %arg4[%get3A_17, %get3A_18, %get3A_19] : memref<1x512x1xi32, #tpu.memory_space<vmem>>, vector<1x512x1xi32>
    %get3A_21 = vector.shape_cast %get3A_20 : vector<1x512x1xi32> to vector<512x1xi32>
    %convert_element_type3A = arith.truncf %mul3A_16 : vector<512x128xf32> to vector<512x128xbf16>
    %broadcast_in_dim3A = arith.constant 0.000000e+00 : f32
    %broadcast_in_dim3A_22 = vector.broadcast %broadcast_in_dim3A : f32 to vector<512x256xf32>
    %get3A_23 = arith.constant 0 : index
    %get3A_24 = arith.constant 0 : index
    %get3A_25 = arith.constant 0 : index
    %get3A_26 = vector.load %arg6[%get3A_23, %get3A_24, %get3A_25] : memref<8x128x256xf32, #tpu.memory_space<vmem>>, vector<1x128x256xf32>
    %get3A_27 = vector.shape_cast %get3A_26 : vector<1x128x256xf32> to vector<128x256xf32>
    %convert_element_type3A_28 = arith.truncf %get3A_27 : vector<128x256xf32> to vector<128x256xbf16>
    %dot_general3A = arith.constant dense<0.000000e+00> : vector<512x256xf32>
    %dot_general3A_29 = tpu.matmul %convert_element_type3A, %convert_element_type3A_28, %dot_general3A {dimension_numbers = #tpu.dot_dimension_numbers<[1], [0], [0], [1], [0, 0, 1, 1], [], []>, transpose_lhs_hint = false} : vector<512x128xbf16>, vector<128x256xbf16>, vector<512x256xf32> -> vector<512x256xf32>
    %get3A_30 = arith.constant 0 : index
    %get3A_31 = arith.constant 0 : index
    %get3A_32 = arith.constant 0 : index
    %get3A_33 = vector.load %arg7[%get3A_30, %get3A_31, %get3A_32] : memref<8x1x256xf32, #tpu.memory_space<vmem>>, vector<1x1x256xf32>
    %get3A_34 = vector.shape_cast %get3A_33 : vector<1x1x256xf32> to vector<1x256xf32>
    %add3A_35 = vector.broadcast %get3A_34 : vector<1x256xf32> to vector<512x256xf32>
    %add3A_36 = arith.addf %dot_general3A_29, %add3A_35 : vector<512x256xf32>
    %eq3A = arith.constant 0 : i32
    %eq3A_37 = vector.broadcast %eq3A : i32 to vector<512x1xi32>
    %eq3A_38 = arith.cmpi eq, %get3A_21, %eq3A_37 : vector<512x1xi32>
    %broadcast_in_dim3A_39 = vector.shape_cast %eq3A_38 : vector<512x1xi1> to vector<512x1xi1>
    %broadcast_in_dim3A_40 = vector.broadcast %broadcast_in_dim3A_39 : vector<512x1xi1> to vector<512x256xi1>
    %select_n3A = arith.select %broadcast_in_dim3A_40, %add3A_36, %broadcast_in_dim3A_22 : vector<512x256xi1>, vector<512x256xf32>
    %get3A_41 = arith.constant 1 : index
    %get3A_42 = arith.constant 0 : index
    %get3A_43 = arith.constant 0 : index
    %get3A_44 = vector.load %arg6[%get3A_41, %get3A_42, %get3A_43] : memref<8x128x256xf32, #tpu.memory_space<vmem>>, vector<1x128x256xf32>
    %get3A_45 = vector.shape_cast %get3A_44 : vector<1x128x256xf32> to vector<128x256xf32>
    %convert_element_type3A_46 = arith.truncf %get3A_45 : vector<128x256xf32> to vector<128x256xbf16>
    %dot_general3A_47 = arith.constant dense<0.000000e+00> : vector<512x256xf32>
    %dot_general3A_48 = tpu.matmul %convert_element_type3A, %convert_element_type3A_46, %dot_general3A_47 {dimension_numbers = #tpu.dot_dimension_numbers<[1], [0], [0], [1], [0, 0, 1, 1], [], []>, transpose_lhs_hint = false} : vector<512x128xbf16>, vector<128x256xbf16>, vector<512x256xf32> -> vector<512x256xf32>
    %get3A_49 = arith.constant 1 : index
    %get3A_50 = arith.constant 0 : index
    %get3A_51 = arith.constant 0 : index
    %get3A_52 = vector.load %arg7[%get3A_49, %get3A_50, %get3A_51] : memref<8x1x256xf32, #tpu.memory_space<vmem>>, vector<1x1x256xf32>
    %get3A_53 = vector.shape_cast %get3A_52 : vector<1x1x256xf32> to vector<1x256xf32>
    %add3A_54 = vector.broadcast %get3A_53 : vector<1x256xf32> to vector<512x256xf32>
    %add3A_55 = arith.addf %dot_general3A_48, %add3A_54 : vector<512x256xf32>
    %eq3A_56 = arith.constant 1 : i32
    %eq3A_57 = vector.broadcast %eq3A_56 : i32 to vector<512x1xi32>
    %eq3A_58 = arith.cmpi eq, %get3A_21, %eq3A_57 : vector<512x1xi32>
    %broadcast_in_dim3A_59 = vector.shape_cast %eq3A_58 : vector<512x1xi1> to vector<512x1xi1>
    %broadcast_in_dim3A_60 = vector.broadcast %broadcast_in_dim3A_59 : vector<512x1xi1> to vector<512x256xi1>
    %select_n3A_61 = arith.select %broadcast_in_dim3A_60, %add3A_55, %select_n3A : vector<512x256xi1>, vector<512x256xf32>
    %get3A_62 = arith.constant 2 : index
    %get3A_63 = arith.constant 0 : index
    %get3A_64 = arith.constant 0 : index
    %get3A_65 = vector.load %arg6[%get3A_62, %get3A_63, %get3A_64] : memref<8x128x256xf32, #tpu.memory_space<vmem>>, vector<1x128x256xf32>
    %get3A_66 = vector.shape_cast %get3A_65 : vector<1x128x256xf32> to vector<128x256xf32>
    %convert_element_type3A_67 = arith.truncf %get3A_66 : vector<128x256xf32> to vector<128x256xbf16>
    %dot_general3A_68 = arith.constant dense<0.000000e+00> : vector<512x256xf32>
    %dot_general3A_69 = tpu.matmul %convert_element_type3A, %convert_element_type3A_67, %dot_general3A_68 {dimension_numbers = #tpu.dot_dimension_numbers<[1], [0], [0], [1], [0, 0, 1, 1], [], []>, transpose_lhs_hint = false} : vector<512x128xbf16>, vector<128x256xbf16>, vector<512x256xf32> -> vector<512x256xf32>
    %get3A_70 = arith.constant 2 : index
    %get3A_71 = arith.constant 0 : index
    %get3A_72 = arith.constant 0 : index
    %get3A_73 = vector.load %arg7[%get3A_70, %get3A_71, %get3A_72] : memref<8x1x256xf32, #tpu.memory_space<vmem>>, vector<1x1x256xf32>
    %get3A_74 = vector.shape_cast %get3A_73 : vector<1x1x256xf32> to vector<1x256xf32>
    %add3A_75 = vector.broadcast %get3A_74 : vector<1x256xf32> to vector<512x256xf32>
    %add3A_76 = arith.addf %dot_general3A_69, %add3A_75 : vector<512x256xf32>
    %eq3A_77 = arith.constant 2 : i32
    %eq3A_78 = vector.broadcast %eq3A_77 : i32 to vector<512x1xi32>
    %eq3A_79 = arith.cmpi eq, %get3A_21, %eq3A_78 : vector<512x1xi32>
    %broadcast_in_dim3A_80 = vector.shape_cast %eq3A_79 : vector<512x1xi1> to vector<512x1xi1>
    %broadcast_in_dim3A_81 = vector.broadcast %broadcast_in_dim3A_80 : vector<512x1xi1> to vector<512x256xi1>
    %select_n3A_82 = arith.select %broadcast_in_dim3A_81, %add3A_76, %select_n3A_61 : vector<512x256xi1>, vector<512x256xf32>
    %get3A_83 = arith.constant 3 : index
    %get3A_84 = arith.constant 0 : index
    %get3A_85 = arith.constant 0 : index
    %get3A_86 = vector.load %arg6[%get3A_83, %get3A_84, %get3A_85] : memref<8x128x256xf32, #tpu.memory_space<vmem>>, vector<1x128x256xf32>
    %get3A_87 = vector.shape_cast %get3A_86 : vector<1x128x256xf32> to vector<128x256xf32>
    %convert_element_type3A_88 = arith.truncf %get3A_87 : vector<128x256xf32> to vector<128x256xbf16>
    %dot_general3A_89 = arith.constant dense<0.000000e+00> : vector<512x256xf32>
    %dot_general3A_90 = tpu.matmul %convert_element_type3A, %convert_element_type3A_88, %dot_general3A_89 {dimension_numbers = #tpu.dot_dimension_numbers<[1], [0], [0], [1], [0, 0, 1, 1], [], []>, transpose_lhs_hint = false} : vector<512x128xbf16>, vector<128x256xbf16>, vector<512x256xf32> -> vector<512x256xf32>
    %get3A_91 = arith.constant 3 : index
    %get3A_92 = arith.constant 0 : index
    %get3A_93 = arith.constant 0 : index
    %get3A_94 = vector.load %arg7[%get3A_91, %get3A_92, %get3A_93] : memref<8x1x256xf32, #tpu.memory_space<vmem>>, vector<1x1x256xf32>
    %get3A_95 = vector.shape_cast %get3A_94 : vector<1x1x256xf32> to vector<1x256xf32>
    %add3A_96 = vector.broadcast %get3A_95 : vector<1x256xf32> to vector<512x256xf32>
    %add3A_97 = arith.addf %dot_general3A_90, %add3A_96 : vector<512x256xf32>
    %eq3A_98 = arith.constant 3 : i32
    %eq3A_99 = vector.broadcast %eq3A_98 : i32 to vector<512x1xi32>
    %eq3A_100 = arith.cmpi eq, %get3A_21, %eq3A_99 : vector<512x1xi32>
    %broadcast_in_dim3A_101 = vector.shape_cast %eq3A_100 : vector<512x1xi1> to vector<512x1xi1>
    %broadcast_in_dim3A_102 = vector.broadcast %broadcast_in_dim3A_101 : vector<512x1xi1> to vector<512x256xi1>
    %select_n3A_103 = arith.select %broadcast_in_dim3A_102, %add3A_97, %select_n3A_82 : vector<512x256xi1>, vector<512x256xf32>
    %get3A_104 = arith.constant 4 : index
    %get3A_105 = arith.constant 0 : index
    %get3A_106 = arith.constant 0 : index
    %get3A_107 = vector.load %arg6[%get3A_104, %get3A_105, %get3A_106] : memref<8x128x256xf32, #tpu.memory_space<vmem>>, vector<1x128x256xf32>
    %get3A_108 = vector.shape_cast %get3A_107 : vector<1x128x256xf32> to vector<128x256xf32>
    %convert_element_type3A_109 = arith.truncf %get3A_108 : vector<128x256xf32> to vector<128x256xbf16>
    %dot_general3A_110 = arith.constant dense<0.000000e+00> : vector<512x256xf32>
    %dot_general3A_111 = tpu.matmul %convert_element_type3A, %convert_element_type3A_109, %dot_general3A_110 {dimension_numbers = #tpu.dot_dimension_numbers<[1], [0], [0], [1], [0, 0, 1, 1], [], []>, transpose_lhs_hint = false} : vector<512x128xbf16>, vector<128x256xbf16>, vector<512x256xf32> -> vector<512x256xf32>
    %get3A_112 = arith.constant 4 : index
    %get3A_113 = arith.constant 0 : index
    %get3A_114 = arith.constant 0 : index
    %get3A_115 = vector.load %arg7[%get3A_112, %get3A_113, %get3A_114] : memref<8x1x256xf32, #tpu.memory_space<vmem>>, vector<1x1x256xf32>
    %get3A_116 = vector.shape_cast %get3A_115 : vector<1x1x256xf32> to vector<1x256xf32>
    %add3A_117 = vector.broadcast %get3A_116 : vector<1x256xf32> to vector<512x256xf32>
    %add3A_118 = arith.addf %dot_general3A_111, %add3A_117 : vector<512x256xf32>
    %eq3A_119 = arith.constant 4 : i32
    %eq3A_120 = vector.broadcast %eq3A_119 : i32 to vector<512x1xi32>
    %eq3A_121 = arith.cmpi eq, %get3A_21, %eq3A_120 : vector<512x1xi32>
    %broadcast_in_dim3A_122 = vector.shape_cast %eq3A_121 : vector<512x1xi1> to vector<512x1xi1>
    %broadcast_in_dim3A_123 = vector.broadcast %broadcast_in_dim3A_122 : vector<512x1xi1> to vector<512x256xi1>
    %select_n3A_124 = arith.select %broadcast_in_dim3A_123, %add3A_118, %select_n3A_103 : vector<512x256xi1>, vector<512x256xf32>
    %get3A_125 = arith.constant 5 : index
    %get3A_126 = arith.constant 0 : index
    %get3A_127 = arith.constant 0 : index
    %get3A_128 = vector.load %arg6[%get3A_125, %get3A_126, %get3A_127] : memref<8x128x256xf32, #tpu.memory_space<vmem>>, vector<1x128x256xf32>
    %get3A_129 = vector.shape_cast %get3A_128 : vector<1x128x256xf32> to vector<128x256xf32>
    %convert_element_type3A_130 = arith.truncf %get3A_129 : vector<128x256xf32> to vector<128x256xbf16>
    %dot_general3A_131 = arith.constant dense<0.000000e+00> : vector<512x256xf32>
    %dot_general3A_132 = tpu.matmul %convert_element_type3A, %convert_element_type3A_130, %dot_general3A_131 {dimension_numbers = #tpu.dot_dimension_numbers<[1], [0], [0], [1], [0, 0, 1, 1], [], []>, transpose_lhs_hint = false} : vector<512x128xbf16>, vector<128x256xbf16>, vector<512x256xf32> -> vector<512x256xf32>
    %get3A_133 = arith.constant 5 : index
    %get3A_134 = arith.constant 0 : index
    %get3A_135 = arith.constant 0 : index
    %get3A_136 = vector.load %arg7[%get3A_133, %get3A_134, %get3A_135] : memref<8x1x256xf32, #tpu.memory_space<vmem>>, vector<1x1x256xf32>
    %get3A_137 = vector.shape_cast %get3A_136 : vector<1x1x256xf32> to vector<1x256xf32>
    %add3A_138 = vector.broadcast %get3A_137 : vector<1x256xf32> to vector<512x256xf32>
    %add3A_139 = arith.addf %dot_general3A_132, %add3A_138 : vector<512x256xf32>
    %eq3A_140 = arith.constant 5 : i32
    %eq3A_141 = vector.broadcast %eq3A_140 : i32 to vector<512x1xi32>
    %eq3A_142 = arith.cmpi eq, %get3A_21, %eq3A_141 : vector<512x1xi32>
    %broadcast_in_dim3A_143 = vector.shape_cast %eq3A_142 : vector<512x1xi1> to vector<512x1xi1>
    %broadcast_in_dim3A_144 = vector.broadcast %broadcast_in_dim3A_143 : vector<512x1xi1> to vector<512x256xi1>
    %select_n3A_145 = arith.select %broadcast_in_dim3A_144, %add3A_139, %select_n3A_124 : vector<512x256xi1>, vector<512x256xf32>
    %get3A_146 = arith.constant 6 : index
    %get3A_147 = arith.constant 0 : index
    %get3A_148 = arith.constant 0 : index
    %get3A_149 = vector.load %arg6[%get3A_146, %get3A_147, %get3A_148] : memref<8x128x256xf32, #tpu.memory_space<vmem>>, vector<1x128x256xf32>
    %get3A_150 = vector.shape_cast %get3A_149 : vector<1x128x256xf32> to vector<128x256xf32>
    %convert_element_type3A_151 = arith.truncf %get3A_150 : vector<128x256xf32> to vector<128x256xbf16>
    %dot_general3A_152 = arith.constant dense<0.000000e+00> : vector<512x256xf32>
    %dot_general3A_153 = tpu.matmul %convert_element_type3A, %convert_element_type3A_151, %dot_general3A_152 {dimension_numbers = #tpu.dot_dimension_numbers<[1], [0], [0], [1], [0, 0, 1, 1], [], []>, transpose_lhs_hint = false} : vector<512x128xbf16>, vector<128x256xbf16>, vector<512x256xf32> -> vector<512x256xf32>
    %get3A_154 = arith.constant 6 : index
    %get3A_155 = arith.constant 0 : index
    %get3A_156 = arith.constant 0 : index
    %get3A_157 = vector.load %arg7[%get3A_154, %get3A_155, %get3A_156] : memref<8x1x256xf32, #tpu.memory_space<vmem>>, vector<1x1x256xf32>
    %get3A_158 = vector.shape_cast %get3A_157 : vector<1x1x256xf32> to vector<1x256xf32>
    %add3A_159 = vector.broadcast %get3A_158 : vector<1x256xf32> to vector<512x256xf32>
    %add3A_160 = arith.addf %dot_general3A_153, %add3A_159 : vector<512x256xf32>
    %eq3A_161 = arith.constant 6 : i32
    %eq3A_162 = vector.broadcast %eq3A_161 : i32 to vector<512x1xi32>
    %eq3A_163 = arith.cmpi eq, %get3A_21, %eq3A_162 : vector<512x1xi32>
    %broadcast_in_dim3A_164 = vector.shape_cast %eq3A_163 : vector<512x1xi1> to vector<512x1xi1>
    %broadcast_in_dim3A_165 = vector.broadcast %broadcast_in_dim3A_164 : vector<512x1xi1> to vector<512x256xi1>
    %select_n3A_166 = arith.select %broadcast_in_dim3A_165, %add3A_160, %select_n3A_145 : vector<512x256xi1>, vector<512x256xf32>
    %get3A_167 = arith.constant 7 : index
    %get3A_168 = arith.constant 0 : index
    %get3A_169 = arith.constant 0 : index
    %get3A_170 = vector.load %arg6[%get3A_167, %get3A_168, %get3A_169] : memref<8x128x256xf32, #tpu.memory_space<vmem>>, vector<1x128x256xf32>
    %get3A_171 = vector.shape_cast %get3A_170 : vector<1x128x256xf32> to vector<128x256xf32>
    %convert_element_type3A_172 = arith.truncf %get3A_171 : vector<128x256xf32> to vector<128x256xbf16>
    %dot_general3A_173 = arith.constant dense<0.000000e+00> : vector<512x256xf32>
    %dot_general3A_174 = tpu.matmul %convert_element_type3A, %convert_element_type3A_172, %dot_general3A_173 {dimension_numbers = #tpu.dot_dimension_numbers<[1], [0], [0], [1], [0, 0, 1, 1], [], []>, transpose_lhs_hint = false} : vector<512x128xbf16>, vector<128x256xbf16>, vector<512x256xf32> -> vector<512x256xf32>
    %get3A_175 = arith.constant 7 : index
    %get3A_176 = arith.constant 0 : index
    %get3A_177 = arith.constant 0 : index
    %get3A_178 = vector.load %arg7[%get3A_175, %get3A_176, %get3A_177] : memref<8x1x256xf32, #tpu.memory_space<vmem>>, vector<1x1x256xf32>
    %get3A_179 = vector.shape_cast %get3A_178 : vector<1x1x256xf32> to vector<1x256xf32>
    %add3A_180 = vector.broadcast %get3A_179 : vector<1x256xf32> to vector<512x256xf32>
    %add3A_181 = arith.addf %dot_general3A_174, %add3A_180 : vector<512x256xf32>
    %eq3A_182 = arith.constant 7 : i32
    %eq3A_183 = vector.broadcast %eq3A_182 : i32 to vector<512x1xi32>
    %eq3A_184 = arith.cmpi eq, %get3A_21, %eq3A_183 : vector<512x1xi32>
    %broadcast_in_dim3A_185 = vector.shape_cast %eq3A_184 : vector<512x1xi1> to vector<512x1xi1>
    %broadcast_in_dim3A_186 = vector.broadcast %broadcast_in_dim3A_185 : vector<512x1xi1> to vector<512x256xi1>
    %select_n3A_187 = arith.select %broadcast_in_dim3A_186, %add3A_181, %select_n3A_166 : vector<512x256xi1>, vector<512x256xf32>
    %get3A_188 = arith.constant 0 : index
    %get3A_189 = arith.constant 0 : index
    %get3A_190 = arith.constant 0 : index
    %get3A_191 = vector.load %arg5[%get3A_188, %get3A_189, %get3A_190] : memref<1x1x512xi32, #tpu.memory_space<vmem>>, vector<1x1x512xi32>
    %get3A_192 = vector.shape_cast %get3A_191 : vector<1x1x512xi32> to vector<1x512xi32>
    %iota3A = tpu.iota {dimensions = array<i32: 0>} : vector<16x512xi32>
    %eq3A_193 = vector.broadcast %get3A_192 : vector<1x512xi32> to vector<16x512xi32>
    %eq3A_194 = arith.cmpi eq, %iota3A, %eq3A_193 : vector<16x512xi32>
    %convert_element_type3A_195 = arith.extui %eq3A_194 : vector<16x512xi1> to vector<16x512xi32>
    %convert_element_type3A_196 = arith.sitofp %convert_element_type3A_195 : vector<16x512xi32> to vector<16x512xf32>
    %eq3A_197 = arith.constant 0 : i32
    %eq3A_198 = arith.cmpi eq, %arg0, %eq3A_197 : i32
    %convert_element_type3A_199 = arith.extui %eq3A_198 : i1 to i32
    %cond3A = arith.constant 0 : i32
    %cond3A_200 = arith.cmpi ne, %convert_element_type3A_199, %cond3A : i32
    scf.if %cond3A_200 {
      %broadcast_in_dim3A_224 = arith.constant 0.000000e+00 : f32
      %broadcast_in_dim3A_225 = vector.broadcast %broadcast_in_dim3A_224 : f32 to vector<16x256xf32>
      %swap3A_226 = arith.constant 0 : index
      %swap3A_227 = arith.constant 0 : index
      %swap3A_228 = vector.load %arg9[%swap3A_226, %swap3A_227] : memref<16x256xf32, #tpu.memory_space<vmem>>, vector<16x256xf32>
      tpu.vector_store %arg9[%swap3A_226, %swap3A_227], %broadcast_in_dim3A_225 {strides = array<i32>} : memref<16x256xf32, #tpu.memory_space<vmem>>, vector<16x256xf32>,
    } else {
    }
    %get3A_201 = arith.constant 0 : index
    %get3A_202 = arith.constant 0 : index
    %get3A_203 = vector.load %arg9[%get3A_201, %get3A_202] : memref<16x256xf32, #tpu.memory_space<vmem>>, vector<16x256xf32>
    %dot_general3A_204 = arith.constant dense<0.000000e+00> : vector<16x256xf32>
    %dot_general3A_205 = tpu.matmul %convert_element_type3A_196, %select_n3A_187, %dot_general3A_204 {dimension_numbers = #tpu.dot_dimension_numbers<[1], [0], [0], [1], [0, 0, 1, 1], [], []>, transpose_lhs_hint = false} : vector<16x512xf32>, vector<512x256xf32>, vector<16x256xf32> -> vector<16x256xf32>
    %add3A_206 = arith.addf %get3A_203, %dot_general3A_205 : vector<16x256xf32>
    %swap3A = arith.constant 0 : index
    %swap3A_207 = arith.constant 0 : index
    %swap3A_208 = vector.load %arg9[%swap3A, %swap3A_207] : memref<16x256xf32, #tpu.memory_space<vmem>>, vector<16x256xf32>
    tpu.vector_store %arg9[%swap3A, %swap3A_207], %add3A_206 {strides = array<i32>} : memref<16x256xf32, #tpu.memory_space<vmem>>, vector<16x256xf32>,
    %mul3A_209 = vector.broadcast %get3A_1 : vector<512x1xf32> to vector<512x256xf32>
    %mul3A_210 = arith.mulf %select_n3A_187, %mul3A_209 : vector<512x256xf32>
    %slice3A = vector.extract_strided_slice %mul3A_210 {offsets = [0, 0], sizes = [512, 128], strides = [1, 1]} : vector<512x256xf32> to vector<512x128xf32>
    %swap3A_211 = arith.constant 0 : index
    %swap3A_212 = arith.constant 0 : index
    %swap3A_213 = arith.constant 0 : index
    %swap3A_214 = vector.load %arg8[%swap3A_211, %swap3A_212, %swap3A_213] : memref<2x512x128xf32, #tpu.memory_space<vmem>>, vector<1x512x128xf32>
    %swap3A_215 = vector.shape_cast %swap3A_214 : vector<1x512x128xf32> to vector<512x128xf32>
    %swap3A_216 = vector.shape_cast %slice3A : vector<512x128xf32> to vector<1x512x128xf32>
    tpu.vector_store %arg8[%swap3A_211, %swap3A_212, %swap3A_213], %swap3A_216 {strides = array<i32>} : memref<2x512x128xf32, #tpu.memory_space<vmem>>, vector<1x512x128xf32>,
    %slice3A_217 = vector.extract_strided_slice %mul3A_210 {offsets = [0, 128], sizes = [512, 128], strides = [1, 1]} : vector<512x256xf32> to vector<512x128xf32>
    %swap3A_218 = arith.constant 1 : index
    %swap3A_219 = arith.constant 0 : index
    %swap3A_220 = arith.constant 0 : index
    %swap3A_221 = vector.load %arg8[%swap3A_218, %swap3A_219, %swap3A_220] : memref<2x512x128xf32, #tpu.memory_space<vmem>>, vector<1x512x128xf32>
    %swap3A_222 = vector.shape_cast %swap3A_221 : vector<1x512x128xf32> to vector<512x128xf32>
    %swap3A_223 = vector.shape_cast %slice3A_217 : vector<512x128xf32> to vector<1x512x128xf32>
    tpu.vector_store %arg8[%swap3A_218, %swap3A_219, %swap3A_220], %swap3A_223 {strides = array<i32>} : memref<2x512x128xf32, #tpu.memory_space<vmem>>, vector<1x512x128xf32>,
    return
  }
  func.func @transform_0(%arg0: i32) -> (i32, i32, i32) {
    %c0_i32 = arith.constant 0 : i32
    %c0_i32_0 = arith.constant 0 : i32
    %c0_i32_1 = arith.constant 0 : i32
    return %c0_i32, %arg0, %c0_i32_0 : i32, i32, i32
  }
  func.func @transform_1(%arg0: i32) -> (i32, i32) {
    %c0_i32 = arith.constant 0 : i32
    %c0_i32_0 = arith.constant 0 : i32
    return %arg0, %c0_i32 : i32, i32
  }
  func.func @transform_2(%arg0: i32) -> (i32, i32) {
    %c0_i32 = arith.constant 0 : i32
    %c0_i32_0 = arith.constant 0 : i32
    return %arg0, %c0_i32 : i32, i32
  }
  func.func @transform_3(%arg0: i32) -> (i32, i32, i32) {
    %c0_i32 = arith.constant 0 : i32
    %c0_i32_0 = arith.constant 0 : i32
    %c0_i32_1 = arith.constant 0 : i32
    return %arg0, %c0_i32, %c0_i32_0 : i32, i32, i32
  }
  func.func @transform_4(%arg0: i32) -> (i32, i32, i32) {
    %c0_i32 = arith.constant 0 : i32
    %c0_i32_0 = arith.constant 0 : i32
    %c0_i32_1 = arith.constant 0 : i32
    return %arg0, %c0_i32, %c0_i32_0 : i32, i32, i32
  }
  func.func @transform_5(%arg0: i32) -> (i32, i32, i32) {
    %c0_i32 = arith.constant 0 : i32
    %c0_i32_0 = arith.constant 0 : i32
    %c0_i32_1 = arith.constant 0 : i32
    %c0_i32_2 = arith.constant 0 : i32
    return %c0_i32, %c0_i32_0, %c0_i32_1 : i32, i32, i32
  }
  func.func @transform_6(%arg0: i32) -> (i32, i32, i32) {
    %c0_i32 = arith.constant 0 : i32
    %c0_i32_0 = arith.constant 0 : i32
    %c0_i32_1 = arith.constant 0 : i32
    %c0_i32_2 = arith.constant 0 : i32
    return %c0_i32, %c0_i32_0, %c0_i32_1 : i32, i32, i32
  }
  func.func @transform_7(%arg0: i32) -> (i32, i32, i32) {
    %c0_i32 = arith.constant 0 : i32
    %c0_i32_0 = arith.constant 0 : i32
    %c0_i32_1 = arith.constant 0 : i32
    return %c0_i32, %arg0, %c0_i32_0 : i32, i32, i32
  }
  func.func @transform_8(%arg0: i32) -> (i32, i32) {
    %c0_i32 = arith.constant 0 : i32
    %c0_i32_0 = arith.constant 0 : i32
    %c0_i32_1 = arith.constant 0 : i32
    return %c0_i32, %c0_i32_0 : i32, i32
  }
}

module attributes {stable_mosaic.version = 14 : i64} {
  func.func @_layer_body(%arg0: i32, %arg1: memref<2x512x128xf32, #tpu.memory_space<vmem>>, %arg2: memref<2x512x128xf32, #tpu.memory_space<vmem>>, %arg3: memref<512x1xf32, #tpu.memory_space<vmem>>, %arg4: memref<1x512x1xi32, #tpu.memory_space<vmem>>, %arg5: memref<1x1x512xi32, #tpu.memory_space<vmem>>, %arg6: memref<8x256x256xf32, #tpu.memory_space<vmem>>, %arg7: memref<8x1x256xf32, #tpu.memory_space<vmem>>, %arg8: memref<2x512x128xf32, #tpu.memory_space<vmem>>, %arg9: memref<16x256xf32, #tpu.memory_space<vmem>>) attributes {dimension_semantics = [#tpu.dimension_semantics<arbitrary>], iteration_bounds = array<i64: 20>, scalar_prefetch = 0 : i64, scratch_operands = 0 : i64, tpu.core_type = #tpu.core_type<tc>, window_params = [{transform_indices = @transform_0, window_bounds = array<i64: 2, 512, 128>}, {transform_indices = @transform_1, window_bounds = array<i64: 2, 512, 128>}, {transform_indices = @transform_2, window_bounds = array<i64: 512, 1>}, {transform_indices = @transform_3, window_bounds = array<i64: 1, 512, 1>}, {transform_indices = @transform_4, window_bounds = array<i64: 1, 1, 512>}, {pipeline_mode = #tpu.pipeline_mode<synchronous>, transform_indices = @transform_5, window_bounds = array<i64: 8, 256, 256>}, {pipeline_mode = #tpu.pipeline_mode<synchronous>, transform_indices = @transform_6, window_bounds = array<i64: 8, 1, 256>}, {transform_indices = @transform_7, window_bounds = array<i64: 2, 512, 128>}, {pipeline_mode = #tpu.pipeline_mode<synchronous>, transform_indices = @transform_8, window_bounds = array<i64: 16, 256>}]} {
    %get3A = arith.constant 0 : index
    %get3A_0 = arith.constant 0 : index
    %get3A_1 = vector.load %arg3[%get3A, %get3A_0] : memref<512x1xf32, #tpu.memory_space<vmem>>, vector<512x1xf32>
    %get3A_2 = arith.constant 0 : index
    %get3A_3 = arith.constant 0 : index
    %get3A_4 = arith.constant 0 : index
    %get3A_5 = vector.load %arg1[%get3A_2, %get3A_3, %get3A_4] : memref<2x512x128xf32, #tpu.memory_space<vmem>>, vector<1x512x128xf32>
    %get3A_6 = vector.shape_cast %get3A_5 : vector<1x512x128xf32> to vector<512x128xf32>
    %get3A_7 = arith.constant 0 : index
    %get3A_8 = arith.constant 0 : index
    %get3A_9 = arith.constant 0 : index
    %get3A_10 = vector.load %arg2[%get3A_7, %get3A_8, %get3A_9] : memref<2x512x128xf32, #tpu.memory_space<vmem>>, vector<1x512x128xf32>
    %get3A_11 = vector.shape_cast %get3A_10 : vector<1x512x128xf32> to vector<512x128xf32>
    %add3A = arith.addf %get3A_6, %get3A_11 : vector<512x128xf32>
    %get3A_12 = arith.constant 1 : index
    %get3A_13 = arith.constant 0 : index
    %get3A_14 = arith.constant 0 : index
    %get3A_15 = vector.load %arg1[%get3A_12, %get3A_13, %get3A_14] : memref<2x512x128xf32, #tpu.memory_space<vmem>>, vector<1x512x128xf32>
    %get3A_16 = vector.shape_cast %get3A_15 : vector<1x512x128xf32> to vector<512x128xf32>
    %get3A_17 = arith.constant 1 : index
    %get3A_18 = arith.constant 0 : index
    %get3A_19 = arith.constant 0 : index
    %get3A_20 = vector.load %arg2[%get3A_17, %get3A_18, %get3A_19] : memref<2x512x128xf32, #tpu.memory_space<vmem>>, vector<1x512x128xf32>
    %get3A_21 = vector.shape_cast %get3A_20 : vector<1x512x128xf32> to vector<512x128xf32>
    %add3A_22 = arith.addf %get3A_16, %get3A_21 : vector<512x128xf32>
    %concatenate3A = tpu.concatenate %add3A, %add3A_22 in 1 : vector<512x128xf32>, vector<512x128xf32> -> vector<512x256xf32>
    %mul3A = vector.broadcast %get3A_1 : vector<512x1xf32> to vector<512x256xf32>
    %mul3A_23 = arith.mulf %concatenate3A, %mul3A : vector<512x256xf32>
    %get3A_24 = arith.constant 0 : index
    %get3A_25 = arith.constant 0 : index
    %get3A_26 = arith.constant 0 : index
    %get3A_27 = vector.load %arg4[%get3A_24, %get3A_25, %get3A_26] : memref<1x512x1xi32, #tpu.memory_space<vmem>>, vector<1x512x1xi32>
    %get3A_28 = vector.shape_cast %get3A_27 : vector<1x512x1xi32> to vector<512x1xi32>
    %convert_element_type3A = arith.truncf %mul3A_23 : vector<512x256xf32> to vector<512x256xbf16>
    %broadcast_in_dim3A = arith.constant 0.000000e+00 : f32
    %broadcast_in_dim3A_29 = vector.broadcast %broadcast_in_dim3A : f32 to vector<512x256xf32>
    %get3A_30 = arith.constant 0 : index
    %get3A_31 = arith.constant 0 : index
    %get3A_32 = arith.constant 0 : index
    %get3A_33 = vector.load %arg6[%get3A_30, %get3A_31, %get3A_32] : memref<8x256x256xf32, #tpu.memory_space<vmem>>, vector<1x256x256xf32>
    %get3A_34 = vector.shape_cast %get3A_33 : vector<1x256x256xf32> to vector<256x256xf32>
    %convert_element_type3A_35 = arith.truncf %get3A_34 : vector<256x256xf32> to vector<256x256xbf16>
    %dot_general3A = arith.constant dense<0.000000e+00> : vector<512x256xf32>
    %dot_general3A_36 = tpu.matmul %convert_element_type3A, %convert_element_type3A_35, %dot_general3A {dimension_numbers = #tpu.dot_dimension_numbers<[1], [0], [0], [1], [0, 0, 1, 1], [], []>, transpose_lhs_hint = false} : vector<512x256xbf16>, vector<256x256xbf16>, vector<512x256xf32> -> vector<512x256xf32>
    %get3A_37 = arith.constant 0 : index
    %get3A_38 = arith.constant 0 : index
    %get3A_39 = arith.constant 0 : index
    %get3A_40 = vector.load %arg7[%get3A_37, %get3A_38, %get3A_39] : memref<8x1x256xf32, #tpu.memory_space<vmem>>, vector<1x1x256xf32>
    %get3A_41 = vector.shape_cast %get3A_40 : vector<1x1x256xf32> to vector<1x256xf32>
    %add3A_42 = vector.broadcast %get3A_41 : vector<1x256xf32> to vector<512x256xf32>
    %add3A_43 = arith.addf %dot_general3A_36, %add3A_42 : vector<512x256xf32>
    %eq3A = arith.constant 0 : i32
    %eq3A_44 = vector.broadcast %eq3A : i32 to vector<512x1xi32>
    %eq3A_45 = arith.cmpi eq, %get3A_28, %eq3A_44 : vector<512x1xi32>
    %broadcast_in_dim3A_46 = vector.shape_cast %eq3A_45 : vector<512x1xi1> to vector<512x1xi1>
    %broadcast_in_dim3A_47 = vector.broadcast %broadcast_in_dim3A_46 : vector<512x1xi1> to vector<512x256xi1>
    %select_n3A = arith.select %broadcast_in_dim3A_47, %add3A_43, %broadcast_in_dim3A_29 : vector<512x256xi1>, vector<512x256xf32>
    %get3A_48 = arith.constant 1 : index
    %get3A_49 = arith.constant 0 : index
    %get3A_50 = arith.constant 0 : index
    %get3A_51 = vector.load %arg6[%get3A_48, %get3A_49, %get3A_50] : memref<8x256x256xf32, #tpu.memory_space<vmem>>, vector<1x256x256xf32>
    %get3A_52 = vector.shape_cast %get3A_51 : vector<1x256x256xf32> to vector<256x256xf32>
    %convert_element_type3A_53 = arith.truncf %get3A_52 : vector<256x256xf32> to vector<256x256xbf16>
    %dot_general3A_54 = arith.constant dense<0.000000e+00> : vector<512x256xf32>
    %dot_general3A_55 = tpu.matmul %convert_element_type3A, %convert_element_type3A_53, %dot_general3A_54 {dimension_numbers = #tpu.dot_dimension_numbers<[1], [0], [0], [1], [0, 0, 1, 1], [], []>, transpose_lhs_hint = false} : vector<512x256xbf16>, vector<256x256xbf16>, vector<512x256xf32> -> vector<512x256xf32>
    %get3A_56 = arith.constant 1 : index
    %get3A_57 = arith.constant 0 : index
    %get3A_58 = arith.constant 0 : index
    %get3A_59 = vector.load %arg7[%get3A_56, %get3A_57, %get3A_58] : memref<8x1x256xf32, #tpu.memory_space<vmem>>, vector<1x1x256xf32>
    %get3A_60 = vector.shape_cast %get3A_59 : vector<1x1x256xf32> to vector<1x256xf32>
    %add3A_61 = vector.broadcast %get3A_60 : vector<1x256xf32> to vector<512x256xf32>
    %add3A_62 = arith.addf %dot_general3A_55, %add3A_61 : vector<512x256xf32>
    %eq3A_63 = arith.constant 1 : i32
    %eq3A_64 = vector.broadcast %eq3A_63 : i32 to vector<512x1xi32>
    %eq3A_65 = arith.cmpi eq, %get3A_28, %eq3A_64 : vector<512x1xi32>
    %broadcast_in_dim3A_66 = vector.shape_cast %eq3A_65 : vector<512x1xi1> to vector<512x1xi1>
    %broadcast_in_dim3A_67 = vector.broadcast %broadcast_in_dim3A_66 : vector<512x1xi1> to vector<512x256xi1>
    %select_n3A_68 = arith.select %broadcast_in_dim3A_67, %add3A_62, %select_n3A : vector<512x256xi1>, vector<512x256xf32>
    %get3A_69 = arith.constant 2 : index
    %get3A_70 = arith.constant 0 : index
    %get3A_71 = arith.constant 0 : index
    %get3A_72 = vector.load %arg6[%get3A_69, %get3A_70, %get3A_71] : memref<8x256x256xf32, #tpu.memory_space<vmem>>, vector<1x256x256xf32>
    %get3A_73 = vector.shape_cast %get3A_72 : vector<1x256x256xf32> to vector<256x256xf32>
    %convert_element_type3A_74 = arith.truncf %get3A_73 : vector<256x256xf32> to vector<256x256xbf16>
    %dot_general3A_75 = arith.constant dense<0.000000e+00> : vector<512x256xf32>
    %dot_general3A_76 = tpu.matmul %convert_element_type3A, %convert_element_type3A_74, %dot_general3A_75 {dimension_numbers = #tpu.dot_dimension_numbers<[1], [0], [0], [1], [0, 0, 1, 1], [], []>, transpose_lhs_hint = false} : vector<512x256xbf16>, vector<256x256xbf16>, vector<512x256xf32> -> vector<512x256xf32>
    %get3A_77 = arith.constant 2 : index
    %get3A_78 = arith.constant 0 : index
    %get3A_79 = arith.constant 0 : index
    %get3A_80 = vector.load %arg7[%get3A_77, %get3A_78, %get3A_79] : memref<8x1x256xf32, #tpu.memory_space<vmem>>, vector<1x1x256xf32>
    %get3A_81 = vector.shape_cast %get3A_80 : vector<1x1x256xf32> to vector<1x256xf32>
    %add3A_82 = vector.broadcast %get3A_81 : vector<1x256xf32> to vector<512x256xf32>
    %add3A_83 = arith.addf %dot_general3A_76, %add3A_82 : vector<512x256xf32>
    %eq3A_84 = arith.constant 2 : i32
    %eq3A_85 = vector.broadcast %eq3A_84 : i32 to vector<512x1xi32>
    %eq3A_86 = arith.cmpi eq, %get3A_28, %eq3A_85 : vector<512x1xi32>
    %broadcast_in_dim3A_87 = vector.shape_cast %eq3A_86 : vector<512x1xi1> to vector<512x1xi1>
    %broadcast_in_dim3A_88 = vector.broadcast %broadcast_in_dim3A_87 : vector<512x1xi1> to vector<512x256xi1>
    %select_n3A_89 = arith.select %broadcast_in_dim3A_88, %add3A_83, %select_n3A_68 : vector<512x256xi1>, vector<512x256xf32>
    %get3A_90 = arith.constant 3 : index
    %get3A_91 = arith.constant 0 : index
    %get3A_92 = arith.constant 0 : index
    %get3A_93 = vector.load %arg6[%get3A_90, %get3A_91, %get3A_92] : memref<8x256x256xf32, #tpu.memory_space<vmem>>, vector<1x256x256xf32>
    %get3A_94 = vector.shape_cast %get3A_93 : vector<1x256x256xf32> to vector<256x256xf32>
    %convert_element_type3A_95 = arith.truncf %get3A_94 : vector<256x256xf32> to vector<256x256xbf16>
    %dot_general3A_96 = arith.constant dense<0.000000e+00> : vector<512x256xf32>
    %dot_general3A_97 = tpu.matmul %convert_element_type3A, %convert_element_type3A_95, %dot_general3A_96 {dimension_numbers = #tpu.dot_dimension_numbers<[1], [0], [0], [1], [0, 0, 1, 1], [], []>, transpose_lhs_hint = false} : vector<512x256xbf16>, vector<256x256xbf16>, vector<512x256xf32> -> vector<512x256xf32>
    %get3A_98 = arith.constant 3 : index
    %get3A_99 = arith.constant 0 : index
    %get3A_100 = arith.constant 0 : index
    %get3A_101 = vector.load %arg7[%get3A_98, %get3A_99, %get3A_100] : memref<8x1x256xf32, #tpu.memory_space<vmem>>, vector<1x1x256xf32>
    %get3A_102 = vector.shape_cast %get3A_101 : vector<1x1x256xf32> to vector<1x256xf32>
    %add3A_103 = vector.broadcast %get3A_102 : vector<1x256xf32> to vector<512x256xf32>
    %add3A_104 = arith.addf %dot_general3A_97, %add3A_103 : vector<512x256xf32>
    %eq3A_105 = arith.constant 3 : i32
    %eq3A_106 = vector.broadcast %eq3A_105 : i32 to vector<512x1xi32>
    %eq3A_107 = arith.cmpi eq, %get3A_28, %eq3A_106 : vector<512x1xi32>
    %broadcast_in_dim3A_108 = vector.shape_cast %eq3A_107 : vector<512x1xi1> to vector<512x1xi1>
    %broadcast_in_dim3A_109 = vector.broadcast %broadcast_in_dim3A_108 : vector<512x1xi1> to vector<512x256xi1>
    %select_n3A_110 = arith.select %broadcast_in_dim3A_109, %add3A_104, %select_n3A_89 : vector<512x256xi1>, vector<512x256xf32>
    %get3A_111 = arith.constant 4 : index
    %get3A_112 = arith.constant 0 : index
    %get3A_113 = arith.constant 0 : index
    %get3A_114 = vector.load %arg6[%get3A_111, %get3A_112, %get3A_113] : memref<8x256x256xf32, #tpu.memory_space<vmem>>, vector<1x256x256xf32>
    %get3A_115 = vector.shape_cast %get3A_114 : vector<1x256x256xf32> to vector<256x256xf32>
    %convert_element_type3A_116 = arith.truncf %get3A_115 : vector<256x256xf32> to vector<256x256xbf16>
    %dot_general3A_117 = arith.constant dense<0.000000e+00> : vector<512x256xf32>
    %dot_general3A_118 = tpu.matmul %convert_element_type3A, %convert_element_type3A_116, %dot_general3A_117 {dimension_numbers = #tpu.dot_dimension_numbers<[1], [0], [0], [1], [0, 0, 1, 1], [], []>, transpose_lhs_hint = false} : vector<512x256xbf16>, vector<256x256xbf16>, vector<512x256xf32> -> vector<512x256xf32>
    %get3A_119 = arith.constant 4 : index
    %get3A_120 = arith.constant 0 : index
    %get3A_121 = arith.constant 0 : index
    %get3A_122 = vector.load %arg7[%get3A_119, %get3A_120, %get3A_121] : memref<8x1x256xf32, #tpu.memory_space<vmem>>, vector<1x1x256xf32>
    %get3A_123 = vector.shape_cast %get3A_122 : vector<1x1x256xf32> to vector<1x256xf32>
    %add3A_124 = vector.broadcast %get3A_123 : vector<1x256xf32> to vector<512x256xf32>
    %add3A_125 = arith.addf %dot_general3A_118, %add3A_124 : vector<512x256xf32>
    %eq3A_126 = arith.constant 4 : i32
    %eq3A_127 = vector.broadcast %eq3A_126 : i32 to vector<512x1xi32>
    %eq3A_128 = arith.cmpi eq, %get3A_28, %eq3A_127 : vector<512x1xi32>
    %broadcast_in_dim3A_129 = vector.shape_cast %eq3A_128 : vector<512x1xi1> to vector<512x1xi1>
    %broadcast_in_dim3A_130 = vector.broadcast %broadcast_in_dim3A_129 : vector<512x1xi1> to vector<512x256xi1>
    %select_n3A_131 = arith.select %broadcast_in_dim3A_130, %add3A_125, %select_n3A_110 : vector<512x256xi1>, vector<512x256xf32>
    %get3A_132 = arith.constant 5 : index
    %get3A_133 = arith.constant 0 : index
    %get3A_134 = arith.constant 0 : index
    %get3A_135 = vector.load %arg6[%get3A_132, %get3A_133, %get3A_134] : memref<8x256x256xf32, #tpu.memory_space<vmem>>, vector<1x256x256xf32>
    %get3A_136 = vector.shape_cast %get3A_135 : vector<1x256x256xf32> to vector<256x256xf32>
    %convert_element_type3A_137 = arith.truncf %get3A_136 : vector<256x256xf32> to vector<256x256xbf16>
    %dot_general3A_138 = arith.constant dense<0.000000e+00> : vector<512x256xf32>
    %dot_general3A_139 = tpu.matmul %convert_element_type3A, %convert_element_type3A_137, %dot_general3A_138 {dimension_numbers = #tpu.dot_dimension_numbers<[1], [0], [0], [1], [0, 0, 1, 1], [], []>, transpose_lhs_hint = false} : vector<512x256xbf16>, vector<256x256xbf16>, vector<512x256xf32> -> vector<512x256xf32>
    %get3A_140 = arith.constant 5 : index
    %get3A_141 = arith.constant 0 : index
    %get3A_142 = arith.constant 0 : index
    %get3A_143 = vector.load %arg7[%get3A_140, %get3A_141, %get3A_142] : memref<8x1x256xf32, #tpu.memory_space<vmem>>, vector<1x1x256xf32>
    %get3A_144 = vector.shape_cast %get3A_143 : vector<1x1x256xf32> to vector<1x256xf32>
    %add3A_145 = vector.broadcast %get3A_144 : vector<1x256xf32> to vector<512x256xf32>
    %add3A_146 = arith.addf %dot_general3A_139, %add3A_145 : vector<512x256xf32>
    %eq3A_147 = arith.constant 5 : i32
    %eq3A_148 = vector.broadcast %eq3A_147 : i32 to vector<512x1xi32>
    %eq3A_149 = arith.cmpi eq, %get3A_28, %eq3A_148 : vector<512x1xi32>
    %broadcast_in_dim3A_150 = vector.shape_cast %eq3A_149 : vector<512x1xi1> to vector<512x1xi1>
    %broadcast_in_dim3A_151 = vector.broadcast %broadcast_in_dim3A_150 : vector<512x1xi1> to vector<512x256xi1>
    %select_n3A_152 = arith.select %broadcast_in_dim3A_151, %add3A_146, %select_n3A_131 : vector<512x256xi1>, vector<512x256xf32>
    %get3A_153 = arith.constant 6 : index
    %get3A_154 = arith.constant 0 : index
    %get3A_155 = arith.constant 0 : index
    %get3A_156 = vector.load %arg6[%get3A_153, %get3A_154, %get3A_155] : memref<8x256x256xf32, #tpu.memory_space<vmem>>, vector<1x256x256xf32>
    %get3A_157 = vector.shape_cast %get3A_156 : vector<1x256x256xf32> to vector<256x256xf32>
    %convert_element_type3A_158 = arith.truncf %get3A_157 : vector<256x256xf32> to vector<256x256xbf16>
    %dot_general3A_159 = arith.constant dense<0.000000e+00> : vector<512x256xf32>
    %dot_general3A_160 = tpu.matmul %convert_element_type3A, %convert_element_type3A_158, %dot_general3A_159 {dimension_numbers = #tpu.dot_dimension_numbers<[1], [0], [0], [1], [0, 0, 1, 1], [], []>, transpose_lhs_hint = false} : vector<512x256xbf16>, vector<256x256xbf16>, vector<512x256xf32> -> vector<512x256xf32>
    %get3A_161 = arith.constant 6 : index
    %get3A_162 = arith.constant 0 : index
    %get3A_163 = arith.constant 0 : index
    %get3A_164 = vector.load %arg7[%get3A_161, %get3A_162, %get3A_163] : memref<8x1x256xf32, #tpu.memory_space<vmem>>, vector<1x1x256xf32>
    %get3A_165 = vector.shape_cast %get3A_164 : vector<1x1x256xf32> to vector<1x256xf32>
    %add3A_166 = vector.broadcast %get3A_165 : vector<1x256xf32> to vector<512x256xf32>
    %add3A_167 = arith.addf %dot_general3A_160, %add3A_166 : vector<512x256xf32>
    %eq3A_168 = arith.constant 6 : i32
    %eq3A_169 = vector.broadcast %eq3A_168 : i32 to vector<512x1xi32>
    %eq3A_170 = arith.cmpi eq, %get3A_28, %eq3A_169 : vector<512x1xi32>
    %broadcast_in_dim3A_171 = vector.shape_cast %eq3A_170 : vector<512x1xi1> to vector<512x1xi1>
    %broadcast_in_dim3A_172 = vector.broadcast %broadcast_in_dim3A_171 : vector<512x1xi1> to vector<512x256xi1>
    %select_n3A_173 = arith.select %broadcast_in_dim3A_172, %add3A_167, %select_n3A_152 : vector<512x256xi1>, vector<512x256xf32>
    %get3A_174 = arith.constant 7 : index
    %get3A_175 = arith.constant 0 : index
    %get3A_176 = arith.constant 0 : index
    %get3A_177 = vector.load %arg6[%get3A_174, %get3A_175, %get3A_176] : memref<8x256x256xf32, #tpu.memory_space<vmem>>, vector<1x256x256xf32>
    %get3A_178 = vector.shape_cast %get3A_177 : vector<1x256x256xf32> to vector<256x256xf32>
    %convert_element_type3A_179 = arith.truncf %get3A_178 : vector<256x256xf32> to vector<256x256xbf16>
    %dot_general3A_180 = arith.constant dense<0.000000e+00> : vector<512x256xf32>
    %dot_general3A_181 = tpu.matmul %convert_element_type3A, %convert_element_type3A_179, %dot_general3A_180 {dimension_numbers = #tpu.dot_dimension_numbers<[1], [0], [0], [1], [0, 0, 1, 1], [], []>, transpose_lhs_hint = false} : vector<512x256xbf16>, vector<256x256xbf16>, vector<512x256xf32> -> vector<512x256xf32>
    %get3A_182 = arith.constant 7 : index
    %get3A_183 = arith.constant 0 : index
    %get3A_184 = arith.constant 0 : index
    %get3A_185 = vector.load %arg7[%get3A_182, %get3A_183, %get3A_184] : memref<8x1x256xf32, #tpu.memory_space<vmem>>, vector<1x1x256xf32>
    %get3A_186 = vector.shape_cast %get3A_185 : vector<1x1x256xf32> to vector<1x256xf32>
    %add3A_187 = vector.broadcast %get3A_186 : vector<1x256xf32> to vector<512x256xf32>
    %add3A_188 = arith.addf %dot_general3A_181, %add3A_187 : vector<512x256xf32>
    %eq3A_189 = arith.constant 7 : i32
    %eq3A_190 = vector.broadcast %eq3A_189 : i32 to vector<512x1xi32>
    %eq3A_191 = arith.cmpi eq, %get3A_28, %eq3A_190 : vector<512x1xi32>
    %broadcast_in_dim3A_192 = vector.shape_cast %eq3A_191 : vector<512x1xi1> to vector<512x1xi1>
    %broadcast_in_dim3A_193 = vector.broadcast %broadcast_in_dim3A_192 : vector<512x1xi1> to vector<512x256xi1>
    %select_n3A_194 = arith.select %broadcast_in_dim3A_193, %add3A_188, %select_n3A_173 : vector<512x256xi1>, vector<512x256xf32>
    %get3A_195 = arith.constant 0 : index
    %get3A_196 = arith.constant 0 : index
    %get3A_197 = arith.constant 0 : index
    %get3A_198 = vector.load %arg5[%get3A_195, %get3A_196, %get3A_197] : memref<1x1x512xi32, #tpu.memory_space<vmem>>, vector<1x1x512xi32>
    %get3A_199 = vector.shape_cast %get3A_198 : vector<1x1x512xi32> to vector<1x512xi32>
    %iota3A = tpu.iota {dimensions = array<i32: 0>} : vector<16x512xi32>
    %eq3A_200 = vector.broadcast %get3A_199 : vector<1x512xi32> to vector<16x512xi32>
    %eq3A_201 = arith.cmpi eq, %iota3A, %eq3A_200 : vector<16x512xi32>
    %convert_element_type3A_202 = arith.extui %eq3A_201 : vector<16x512xi1> to vector<16x512xi32>
    %convert_element_type3A_203 = arith.sitofp %convert_element_type3A_202 : vector<16x512xi32> to vector<16x512xf32>
    %eq3A_204 = arith.constant 0 : i32
    %eq3A_205 = arith.cmpi eq, %arg0, %eq3A_204 : i32
    %convert_element_type3A_206 = arith.extui %eq3A_205 : i1 to i32
    %cond3A = arith.constant 0 : i32
    %cond3A_207 = arith.cmpi ne, %convert_element_type3A_206, %cond3A : i32
    scf.if %cond3A_207 {
      %broadcast_in_dim3A_231 = arith.constant 0.000000e+00 : f32
      %broadcast_in_dim3A_232 = vector.broadcast %broadcast_in_dim3A_231 : f32 to vector<16x256xf32>
      %swap3A_233 = arith.constant 0 : index
      %swap3A_234 = arith.constant 0 : index
      %swap3A_235 = vector.load %arg9[%swap3A_233, %swap3A_234] : memref<16x256xf32, #tpu.memory_space<vmem>>, vector<16x256xf32>
      tpu.vector_store %arg9[%swap3A_233, %swap3A_234], %broadcast_in_dim3A_232 {strides = array<i32>} : memref<16x256xf32, #tpu.memory_space<vmem>>, vector<16x256xf32>,
    } else {
    }
    %get3A_208 = arith.constant 0 : index
    %get3A_209 = arith.constant 0 : index
    %get3A_210 = vector.load %arg9[%get3A_208, %get3A_209] : memref<16x256xf32, #tpu.memory_space<vmem>>, vector<16x256xf32>
    %dot_general3A_211 = arith.constant dense<0.000000e+00> : vector<16x256xf32>
    %dot_general3A_212 = tpu.matmul %convert_element_type3A_203, %select_n3A_194, %dot_general3A_211 {dimension_numbers = #tpu.dot_dimension_numbers<[1], [0], [0], [1], [0, 0, 1, 1], [], []>, transpose_lhs_hint = false} : vector<16x512xf32>, vector<512x256xf32>, vector<16x256xf32> -> vector<16x256xf32>
    %add3A_213 = arith.addf %get3A_210, %dot_general3A_212 : vector<16x256xf32>
    %swap3A = arith.constant 0 : index
    %swap3A_214 = arith.constant 0 : index
    %swap3A_215 = vector.load %arg9[%swap3A, %swap3A_214] : memref<16x256xf32, #tpu.memory_space<vmem>>, vector<16x256xf32>
    tpu.vector_store %arg9[%swap3A, %swap3A_214], %add3A_213 {strides = array<i32>} : memref<16x256xf32, #tpu.memory_space<vmem>>, vector<16x256xf32>,
    %mul3A_216 = vector.broadcast %get3A_1 : vector<512x1xf32> to vector<512x256xf32>
    %mul3A_217 = arith.mulf %select_n3A_194, %mul3A_216 : vector<512x256xf32>
    %slice3A = vector.extract_strided_slice %mul3A_217 {offsets = [0, 0], sizes = [512, 128], strides = [1, 1]} : vector<512x256xf32> to vector<512x128xf32>
    %swap3A_218 = arith.constant 0 : index
    %swap3A_219 = arith.constant 0 : index
    %swap3A_220 = arith.constant 0 : index
    %swap3A_221 = vector.load %arg8[%swap3A_218, %swap3A_219, %swap3A_220] : memref<2x512x128xf32, #tpu.memory_space<vmem>>, vector<1x512x128xf32>
    %swap3A_222 = vector.shape_cast %swap3A_221 : vector<1x512x128xf32> to vector<512x128xf32>
    %swap3A_223 = vector.shape_cast %slice3A : vector<512x128xf32> to vector<1x512x128xf32>
    tpu.vector_store %arg8[%swap3A_218, %swap3A_219, %swap3A_220], %swap3A_223 {strides = array<i32>} : memref<2x512x128xf32, #tpu.memory_space<vmem>>, vector<1x512x128xf32>,
    %slice3A_224 = vector.extract_strided_slice %mul3A_217 {offsets = [0, 128], sizes = [512, 128], strides = [1, 1]} : vector<512x256xf32> to vector<512x128xf32>
    %swap3A_225 = arith.constant 1 : index
    %swap3A_226 = arith.constant 0 : index
    %swap3A_227 = arith.constant 0 : index
    %swap3A_228 = vector.load %arg8[%swap3A_225, %swap3A_226, %swap3A_227] : memref<2x512x128xf32, #tpu.memory_space<vmem>>, vector<1x512x128xf32>
    %swap3A_229 = vector.shape_cast %swap3A_228 : vector<1x512x128xf32> to vector<512x128xf32>
    %swap3A_230 = vector.shape_cast %slice3A_224 : vector<512x128xf32> to vector<1x512x128xf32>
    tpu.vector_store %arg8[%swap3A_225, %swap3A_226, %swap3A_227], %swap3A_230 {strides = array<i32>} : memref<2x512x128xf32, #tpu.memory_space<vmem>>, vector<1x512x128xf32>,
    return
  }
  func.func @transform_0(%arg0: i32) -> (i32, i32, i32) {
    %c0_i32 = arith.constant 0 : i32
    %c0_i32_0 = arith.constant 0 : i32
    %c0_i32_1 = arith.constant 0 : i32
    return %c0_i32, %arg0, %c0_i32_0 : i32, i32, i32
  }
  func.func @transform_1(%arg0: i32) -> (i32, i32, i32) {
    %c0_i32 = arith.constant 0 : i32
    %c0_i32_0 = arith.constant 0 : i32
    %c0_i32_1 = arith.constant 0 : i32
    return %c0_i32, %arg0, %c0_i32_0 : i32, i32, i32
  }
  func.func @transform_2(%arg0: i32) -> (i32, i32) {
    %c0_i32 = arith.constant 0 : i32
    %c0_i32_0 = arith.constant 0 : i32
    return %arg0, %c0_i32 : i32, i32
  }
  func.func @transform_3(%arg0: i32) -> (i32, i32, i32) {
    %c0_i32 = arith.constant 0 : i32
    %c0_i32_0 = arith.constant 0 : i32
    %c0_i32_1 = arith.constant 0 : i32
    return %arg0, %c0_i32, %c0_i32_0 : i32, i32, i32
  }
  func.func @transform_4(%arg0: i32) -> (i32, i32, i32) {
    %c0_i32 = arith.constant 0 : i32
    %c0_i32_0 = arith.constant 0 : i32
    %c0_i32_1 = arith.constant 0 : i32
    return %arg0, %c0_i32, %c0_i32_0 : i32, i32, i32
  }
  func.func @transform_5(%arg0: i32) -> (i32, i32, i32) {
    %c0_i32 = arith.constant 0 : i32
    %c0_i32_0 = arith.constant 0 : i32
    %c0_i32_1 = arith.constant 0 : i32
    %c0_i32_2 = arith.constant 0 : i32
    return %c0_i32, %c0_i32_0, %c0_i32_1 : i32, i32, i32
  }
  func.func @transform_6(%arg0: i32) -> (i32, i32, i32) {
    %c0_i32 = arith.constant 0 : i32
    %c0_i32_0 = arith.constant 0 : i32
    %c0_i32_1 = arith.constant 0 : i32
    %c0_i32_2 = arith.constant 0 : i32
    return %c0_i32, %c0_i32_0, %c0_i32_1 : i32, i32, i32
  }
  func.func @transform_7(%arg0: i32) -> (i32, i32, i32) {
    %c0_i32 = arith.constant 0 : i32
    %c0_i32_0 = arith.constant 0 : i32
    %c0_i32_1 = arith.constant 0 : i32
    return %c0_i32, %arg0, %c0_i32_0 : i32, i32, i32
  }
  func.func @transform_8(%arg0: i32) -> (i32, i32) {
    %c0_i32 = arith.constant 0 : i32
    %c0_i32_0 = arith.constant 0 : i32
    %c0_i32_1 = arith.constant 0 : i32
    return %c0_i32, %c0_i32_0 : i32, i32
  }
}

module attributes {stable_mosaic.version = 14 : i64} {
  func.func @_last_body(%arg0: i32, %arg1: memref<2x512x128xf32, #tpu.memory_space<vmem>>, %arg2: memref<2x512x128xf32, #tpu.memory_space<vmem>>, %arg3: memref<512x1xf32, #tpu.memory_space<vmem>>, %arg4: memref<1x512x1xi32, #tpu.memory_space<vmem>>, %arg5: memref<1x1x512xi32, #tpu.memory_space<vmem>>, %arg6: memref<8x256x256xf32, #tpu.memory_space<vmem>>, %arg7: memref<8x1x256xf32, #tpu.memory_space<vmem>>, %arg8: memref<16x256xf32, #tpu.memory_space<vmem>>, %arg9: memref<16x256xf32, #tpu.memory_space<vmem>>, %arg10: memref<768x256xf32, #tpu.memory_space<vmem>>, %arg11: memref<1x256xf32, #tpu.memory_space<vmem>>, %arg12: memref<256x128xf32, #tpu.memory_space<vmem>>, %arg13: memref<1x128xf32, #tpu.memory_space<vmem>>, %arg14: memref<16x128xf32, #tpu.memory_space<vmem>>, %arg15: memref<16x256xf32, #tpu.memory_space<vmem>>) attributes {dimension_semantics = [#tpu.dimension_semantics<arbitrary>], iteration_bounds = array<i64: 20>, scalar_prefetch = 0 : i64, scratch_operands = 0 : i64, tpu.core_type = #tpu.core_type<tc>, window_params = [{transform_indices = @transform_0, window_bounds = array<i64: 2, 512, 128>}, {transform_indices = @transform_1, window_bounds = array<i64: 2, 512, 128>}, {transform_indices = @transform_2, window_bounds = array<i64: 512, 1>}, {transform_indices = @transform_3, window_bounds = array<i64: 1, 512, 1>}, {transform_indices = @transform_4, window_bounds = array<i64: 1, 1, 512>}, {pipeline_mode = #tpu.pipeline_mode<synchronous>, transform_indices = @transform_5, window_bounds = array<i64: 8, 256, 256>}, {pipeline_mode = #tpu.pipeline_mode<synchronous>, transform_indices = @transform_6, window_bounds = array<i64: 8, 1, 256>}, {pipeline_mode = #tpu.pipeline_mode<synchronous>, transform_indices = @transform_7, window_bounds = array<i64: 16, 256>}, {pipeline_mode = #tpu.pipeline_mode<synchronous>, transform_indices = @transform_8, window_bounds = array<i64: 16, 256>}, {pipeline_mode = #tpu.pipeline_mode<synchronous>, transform_indices = @transform_9, window_bounds = array<i64: 768, 256>}, {pipeline_mode = #tpu.pipeline_mode<synchronous>, transform_indices = @transform_10, window_bounds = array<i64: 1, 256>}, {pipeline_mode = #tpu.pipeline_mode<synchronous>, transform_indices = @transform_11, window_bounds = array<i64: 256, 128>}, {pipeline_mode = #tpu.pipeline_mode<synchronous>, transform_indices = @transform_12, window_bounds = array<i64: 1, 128>}, {pipeline_mode = #tpu.pipeline_mode<synchronous>, transform_indices = @transform_13, window_bounds = array<i64: 16, 128>}, {pipeline_mode = #tpu.pipeline_mode<synchronous>, transform_indices = @transform_14, window_bounds = array<i64: 16, 256>}]} {
    %get3A = arith.constant 0 : index
    %get3A_0 = arith.constant 0 : index
    %get3A_1 = vector.load %arg3[%get3A, %get3A_0] : memref<512x1xf32, #tpu.memory_space<vmem>>, vector<512x1xf32>
    %get3A_2 = arith.constant 0 : index
    %get3A_3 = arith.constant 0 : index
    %get3A_4 = arith.constant 0 : index
    %get3A_5 = vector.load %arg1[%get3A_2, %get3A_3, %get3A_4] : memref<2x512x128xf32, #tpu.memory_space<vmem>>, vector<1x512x128xf32>
    %get3A_6 = vector.shape_cast %get3A_5 : vector<1x512x128xf32> to vector<512x128xf32>
    %get3A_7 = arith.constant 0 : index
    %get3A_8 = arith.constant 0 : index
    %get3A_9 = arith.constant 0 : index
    %get3A_10 = vector.load %arg2[%get3A_7, %get3A_8, %get3A_9] : memref<2x512x128xf32, #tpu.memory_space<vmem>>, vector<1x512x128xf32>
    %get3A_11 = vector.shape_cast %get3A_10 : vector<1x512x128xf32> to vector<512x128xf32>
    %add3A = arith.addf %get3A_6, %get3A_11 : vector<512x128xf32>
    %get3A_12 = arith.constant 1 : index
    %get3A_13 = arith.constant 0 : index
    %get3A_14 = arith.constant 0 : index
    %get3A_15 = vector.load %arg1[%get3A_12, %get3A_13, %get3A_14] : memref<2x512x128xf32, #tpu.memory_space<vmem>>, vector<1x512x128xf32>
    %get3A_16 = vector.shape_cast %get3A_15 : vector<1x512x128xf32> to vector<512x128xf32>
    %get3A_17 = arith.constant 1 : index
    %get3A_18 = arith.constant 0 : index
    %get3A_19 = arith.constant 0 : index
    %get3A_20 = vector.load %arg2[%get3A_17, %get3A_18, %get3A_19] : memref<2x512x128xf32, #tpu.memory_space<vmem>>, vector<1x512x128xf32>
    %get3A_21 = vector.shape_cast %get3A_20 : vector<1x512x128xf32> to vector<512x128xf32>
    %add3A_22 = arith.addf %get3A_16, %get3A_21 : vector<512x128xf32>
    %concatenate3A = tpu.concatenate %add3A, %add3A_22 in 1 : vector<512x128xf32>, vector<512x128xf32> -> vector<512x256xf32>
    %mul3A = vector.broadcast %get3A_1 : vector<512x1xf32> to vector<512x256xf32>
    %mul3A_23 = arith.mulf %concatenate3A, %mul3A : vector<512x256xf32>
    %get3A_24 = arith.constant 0 : index
    %get3A_25 = arith.constant 0 : index
    %get3A_26 = arith.constant 0 : index
    %get3A_27 = vector.load %arg4[%get3A_24, %get3A_25, %get3A_26] : memref<1x512x1xi32, #tpu.memory_space<vmem>>, vector<1x512x1xi32>
    %get3A_28 = vector.shape_cast %get3A_27 : vector<1x512x1xi32> to vector<512x1xi32>
    %convert_element_type3A = arith.truncf %mul3A_23 : vector<512x256xf32> to vector<512x256xbf16>
    %broadcast_in_dim3A = arith.constant 0.000000e+00 : f32
    %broadcast_in_dim3A_29 = vector.broadcast %broadcast_in_dim3A : f32 to vector<512x256xf32>
    %get3A_30 = arith.constant 0 : index
    %get3A_31 = arith.constant 0 : index
    %get3A_32 = arith.constant 0 : index
    %get3A_33 = vector.load %arg6[%get3A_30, %get3A_31, %get3A_32] : memref<8x256x256xf32, #tpu.memory_space<vmem>>, vector<1x256x256xf32>
    %get3A_34 = vector.shape_cast %get3A_33 : vector<1x256x256xf32> to vector<256x256xf32>
    %convert_element_type3A_35 = arith.truncf %get3A_34 : vector<256x256xf32> to vector<256x256xbf16>
    %dot_general3A = arith.constant dense<0.000000e+00> : vector<512x256xf32>
    %dot_general3A_36 = tpu.matmul %convert_element_type3A, %convert_element_type3A_35, %dot_general3A {dimension_numbers = #tpu.dot_dimension_numbers<[1], [0], [0], [1], [0, 0, 1, 1], [], []>, transpose_lhs_hint = false} : vector<512x256xbf16>, vector<256x256xbf16>, vector<512x256xf32> -> vector<512x256xf32>
    %get3A_37 = arith.constant 0 : index
    %get3A_38 = arith.constant 0 : index
    %get3A_39 = arith.constant 0 : index
    %get3A_40 = vector.load %arg7[%get3A_37, %get3A_38, %get3A_39] : memref<8x1x256xf32, #tpu.memory_space<vmem>>, vector<1x1x256xf32>
    %get3A_41 = vector.shape_cast %get3A_40 : vector<1x1x256xf32> to vector<1x256xf32>
    %add3A_42 = vector.broadcast %get3A_41 : vector<1x256xf32> to vector<512x256xf32>
    %add3A_43 = arith.addf %dot_general3A_36, %add3A_42 : vector<512x256xf32>
    %eq3A = arith.constant 0 : i32
    %eq3A_44 = vector.broadcast %eq3A : i32 to vector<512x1xi32>
    %eq3A_45 = arith.cmpi eq, %get3A_28, %eq3A_44 : vector<512x1xi32>
    %broadcast_in_dim3A_46 = vector.shape_cast %eq3A_45 : vector<512x1xi1> to vector<512x1xi1>
    %broadcast_in_dim3A_47 = vector.broadcast %broadcast_in_dim3A_46 : vector<512x1xi1> to vector<512x256xi1>
    %select_n3A = arith.select %broadcast_in_dim3A_47, %add3A_43, %broadcast_in_dim3A_29 : vector<512x256xi1>, vector<512x256xf32>
    %get3A_48 = arith.constant 1 : index
    %get3A_49 = arith.constant 0 : index
    %get3A_50 = arith.constant 0 : index
    %get3A_51 = vector.load %arg6[%get3A_48, %get3A_49, %get3A_50] : memref<8x256x256xf32, #tpu.memory_space<vmem>>, vector<1x256x256xf32>
    %get3A_52 = vector.shape_cast %get3A_51 : vector<1x256x256xf32> to vector<256x256xf32>
    %convert_element_type3A_53 = arith.truncf %get3A_52 : vector<256x256xf32> to vector<256x256xbf16>
    %dot_general3A_54 = arith.constant dense<0.000000e+00> : vector<512x256xf32>
    %dot_general3A_55 = tpu.matmul %convert_element_type3A, %convert_element_type3A_53, %dot_general3A_54 {dimension_numbers = #tpu.dot_dimension_numbers<[1], [0], [0], [1], [0, 0, 1, 1], [], []>, transpose_lhs_hint = false} : vector<512x256xbf16>, vector<256x256xbf16>, vector<512x256xf32> -> vector<512x256xf32>
    %get3A_56 = arith.constant 1 : index
    %get3A_57 = arith.constant 0 : index
    %get3A_58 = arith.constant 0 : index
    %get3A_59 = vector.load %arg7[%get3A_56, %get3A_57, %get3A_58] : memref<8x1x256xf32, #tpu.memory_space<vmem>>, vector<1x1x256xf32>
    %get3A_60 = vector.shape_cast %get3A_59 : vector<1x1x256xf32> to vector<1x256xf32>
    %add3A_61 = vector.broadcast %get3A_60 : vector<1x256xf32> to vector<512x256xf32>
    %add3A_62 = arith.addf %dot_general3A_55, %add3A_61 : vector<512x256xf32>
    %eq3A_63 = arith.constant 1 : i32
    %eq3A_64 = vector.broadcast %eq3A_63 : i32 to vector<512x1xi32>
    %eq3A_65 = arith.cmpi eq, %get3A_28, %eq3A_64 : vector<512x1xi32>
    %broadcast_in_dim3A_66 = vector.shape_cast %eq3A_65 : vector<512x1xi1> to vector<512x1xi1>
    %broadcast_in_dim3A_67 = vector.broadcast %broadcast_in_dim3A_66 : vector<512x1xi1> to vector<512x256xi1>
    %select_n3A_68 = arith.select %broadcast_in_dim3A_67, %add3A_62, %select_n3A : vector<512x256xi1>, vector<512x256xf32>
    %get3A_69 = arith.constant 2 : index
    %get3A_70 = arith.constant 0 : index
    %get3A_71 = arith.constant 0 : index
    %get3A_72 = vector.load %arg6[%get3A_69, %get3A_70, %get3A_71] : memref<8x256x256xf32, #tpu.memory_space<vmem>>, vector<1x256x256xf32>
    %get3A_73 = vector.shape_cast %get3A_72 : vector<1x256x256xf32> to vector<256x256xf32>
    %convert_element_type3A_74 = arith.truncf %get3A_73 : vector<256x256xf32> to vector<256x256xbf16>
    %dot_general3A_75 = arith.constant dense<0.000000e+00> : vector<512x256xf32>
    %dot_general3A_76 = tpu.matmul %convert_element_type3A, %convert_element_type3A_74, %dot_general3A_75 {dimension_numbers = #tpu.dot_dimension_numbers<[1], [0], [0], [1], [0, 0, 1, 1], [], []>, transpose_lhs_hint = false} : vector<512x256xbf16>, vector<256x256xbf16>, vector<512x256xf32> -> vector<512x256xf32>
    %get3A_77 = arith.constant 2 : index
    %get3A_78 = arith.constant 0 : index
    %get3A_79 = arith.constant 0 : index
    %get3A_80 = vector.load %arg7[%get3A_77, %get3A_78, %get3A_79] : memref<8x1x256xf32, #tpu.memory_space<vmem>>, vector<1x1x256xf32>
    %get3A_81 = vector.shape_cast %get3A_80 : vector<1x1x256xf32> to vector<1x256xf32>
    %add3A_82 = vector.broadcast %get3A_81 : vector<1x256xf32> to vector<512x256xf32>
    %add3A_83 = arith.addf %dot_general3A_76, %add3A_82 : vector<512x256xf32>
    %eq3A_84 = arith.constant 2 : i32
    %eq3A_85 = vector.broadcast %eq3A_84 : i32 to vector<512x1xi32>
    %eq3A_86 = arith.cmpi eq, %get3A_28, %eq3A_85 : vector<512x1xi32>
    %broadcast_in_dim3A_87 = vector.shape_cast %eq3A_86 : vector<512x1xi1> to vector<512x1xi1>
    %broadcast_in_dim3A_88 = vector.broadcast %broadcast_in_dim3A_87 : vector<512x1xi1> to vector<512x256xi1>
    %select_n3A_89 = arith.select %broadcast_in_dim3A_88, %add3A_83, %select_n3A_68 : vector<512x256xi1>, vector<512x256xf32>
    %get3A_90 = arith.constant 3 : index
    %get3A_91 = arith.constant 0 : index
    %get3A_92 = arith.constant 0 : index
    %get3A_93 = vector.load %arg6[%get3A_90, %get3A_91, %get3A_92] : memref<8x256x256xf32, #tpu.memory_space<vmem>>, vector<1x256x256xf32>
    %get3A_94 = vector.shape_cast %get3A_93 : vector<1x256x256xf32> to vector<256x256xf32>
    %convert_element_type3A_95 = arith.truncf %get3A_94 : vector<256x256xf32> to vector<256x256xbf16>
    %dot_general3A_96 = arith.constant dense<0.000000e+00> : vector<512x256xf32>
    %dot_general3A_97 = tpu.matmul %convert_element_type3A, %convert_element_type3A_95, %dot_general3A_96 {dimension_numbers = #tpu.dot_dimension_numbers<[1], [0], [0], [1], [0, 0, 1, 1], [], []>, transpose_lhs_hint = false} : vector<512x256xbf16>, vector<256x256xbf16>, vector<512x256xf32> -> vector<512x256xf32>
    %get3A_98 = arith.constant 3 : index
    %get3A_99 = arith.constant 0 : index
    %get3A_100 = arith.constant 0 : index
    %get3A_101 = vector.load %arg7[%get3A_98, %get3A_99, %get3A_100] : memref<8x1x256xf32, #tpu.memory_space<vmem>>, vector<1x1x256xf32>
    %get3A_102 = vector.shape_cast %get3A_101 : vector<1x1x256xf32> to vector<1x256xf32>
    %add3A_103 = vector.broadcast %get3A_102 : vector<1x256xf32> to vector<512x256xf32>
    %add3A_104 = arith.addf %dot_general3A_97, %add3A_103 : vector<512x256xf32>
    %eq3A_105 = arith.constant 3 : i32
    %eq3A_106 = vector.broadcast %eq3A_105 : i32 to vector<512x1xi32>
    %eq3A_107 = arith.cmpi eq, %get3A_28, %eq3A_106 : vector<512x1xi32>
    %broadcast_in_dim3A_108 = vector.shape_cast %eq3A_107 : vector<512x1xi1> to vector<512x1xi1>
    %broadcast_in_dim3A_109 = vector.broadcast %broadcast_in_dim3A_108 : vector<512x1xi1> to vector<512x256xi1>
    %select_n3A_110 = arith.select %broadcast_in_dim3A_109, %add3A_104, %select_n3A_89 : vector<512x256xi1>, vector<512x256xf32>
    %get3A_111 = arith.constant 4 : index
    %get3A_112 = arith.constant 0 : index
    %get3A_113 = arith.constant 0 : index
    %get3A_114 = vector.load %arg6[%get3A_111, %get3A_112, %get3A_113] : memref<8x256x256xf32, #tpu.memory_space<vmem>>, vector<1x256x256xf32>
    %get3A_115 = vector.shape_cast %get3A_114 : vector<1x256x256xf32> to vector<256x256xf32>
    %convert_element_type3A_116 = arith.truncf %get3A_115 : vector<256x256xf32> to vector<256x256xbf16>
    %dot_general3A_117 = arith.constant dense<0.000000e+00> : vector<512x256xf32>
    %dot_general3A_118 = tpu.matmul %convert_element_type3A, %convert_element_type3A_116, %dot_general3A_117 {dimension_numbers = #tpu.dot_dimension_numbers<[1], [0], [0], [1], [0, 0, 1, 1], [], []>, transpose_lhs_hint = false} : vector<512x256xbf16>, vector<256x256xbf16>, vector<512x256xf32> -> vector<512x256xf32>
    %get3A_119 = arith.constant 4 : index
    %get3A_120 = arith.constant 0 : index
    %get3A_121 = arith.constant 0 : index
    %get3A_122 = vector.load %arg7[%get3A_119, %get3A_120, %get3A_121] : memref<8x1x256xf32, #tpu.memory_space<vmem>>, vector<1x1x256xf32>
    %get3A_123 = vector.shape_cast %get3A_122 : vector<1x1x256xf32> to vector<1x256xf32>
    %add3A_124 = vector.broadcast %get3A_123 : vector<1x256xf32> to vector<512x256xf32>
    %add3A_125 = arith.addf %dot_general3A_118, %add3A_124 : vector<512x256xf32>
    %eq3A_126 = arith.constant 4 : i32
    %eq3A_127 = vector.broadcast %eq3A_126 : i32 to vector<512x1xi32>
    %eq3A_128 = arith.cmpi eq, %get3A_28, %eq3A_127 : vector<512x1xi32>
    %broadcast_in_dim3A_129 = vector.shape_cast %eq3A_128 : vector<512x1xi1> to vector<512x1xi1>
    %broadcast_in_dim3A_130 = vector.broadcast %broadcast_in_dim3A_129 : vector<512x1xi1> to vector<512x256xi1>
    %select_n3A_131 = arith.select %broadcast_in_dim3A_130, %add3A_125, %select_n3A_110 : vector<512x256xi1>, vector<512x256xf32>
    %get3A_132 = arith.constant 5 : index
    %get3A_133 = arith.constant 0 : index
    %get3A_134 = arith.constant 0 : index
    %get3A_135 = vector.load %arg6[%get3A_132, %get3A_133, %get3A_134] : memref<8x256x256xf32, #tpu.memory_space<vmem>>, vector<1x256x256xf32>
    %get3A_136 = vector.shape_cast %get3A_135 : vector<1x256x256xf32> to vector<256x256xf32>
    %convert_element_type3A_137 = arith.truncf %get3A_136 : vector<256x256xf32> to vector<256x256xbf16>
    %dot_general3A_138 = arith.constant dense<0.000000e+00> : vector<512x256xf32>
    %dot_general3A_139 = tpu.matmul %convert_element_type3A, %convert_element_type3A_137, %dot_general3A_138 {dimension_numbers = #tpu.dot_dimension_numbers<[1], [0], [0], [1], [0, 0, 1, 1], [], []>, transpose_lhs_hint = false} : vector<512x256xbf16>, vector<256x256xbf16>, vector<512x256xf32> -> vector<512x256xf32>
    %get3A_140 = arith.constant 5 : index
    %get3A_141 = arith.constant 0 : index
    %get3A_142 = arith.constant 0 : index
    %get3A_143 = vector.load %arg7[%get3A_140, %get3A_141, %get3A_142] : memref<8x1x256xf32, #tpu.memory_space<vmem>>, vector<1x1x256xf32>
    %get3A_144 = vector.shape_cast %get3A_143 : vector<1x1x256xf32> to vector<1x256xf32>
    %add3A_145 = vector.broadcast %get3A_144 : vector<1x256xf32> to vector<512x256xf32>
    %add3A_146 = arith.addf %dot_general3A_139, %add3A_145 : vector<512x256xf32>
    %eq3A_147 = arith.constant 5 : i32
    %eq3A_148 = vector.broadcast %eq3A_147 : i32 to vector<512x1xi32>
    %eq3A_149 = arith.cmpi eq, %get3A_28, %eq3A_148 : vector<512x1xi32>
    %broadcast_in_dim3A_150 = vector.shape_cast %eq3A_149 : vector<512x1xi1> to vector<512x1xi1>
    %broadcast_in_dim3A_151 = vector.broadcast %broadcast_in_dim3A_150 : vector<512x1xi1> to vector<512x256xi1>
    %select_n3A_152 = arith.select %broadcast_in_dim3A_151, %add3A_146, %select_n3A_131 : vector<512x256xi1>, vector<512x256xf32>
    %get3A_153 = arith.constant 6 : index
    %get3A_154 = arith.constant 0 : index
    %get3A_155 = arith.constant 0 : index
    %get3A_156 = vector.load %arg6[%get3A_153, %get3A_154, %get3A_155] : memref<8x256x256xf32, #tpu.memory_space<vmem>>, vector<1x256x256xf32>
    %get3A_157 = vector.shape_cast %get3A_156 : vector<1x256x256xf32> to vector<256x256xf32>
    %convert_element_type3A_158 = arith.truncf %get3A_157 : vector<256x256xf32> to vector<256x256xbf16>
    %dot_general3A_159 = arith.constant dense<0.000000e+00> : vector<512x256xf32>
    %dot_general3A_160 = tpu.matmul %convert_element_type3A, %convert_element_type3A_158, %dot_general3A_159 {dimension_numbers = #tpu.dot_dimension_numbers<[1], [0], [0], [1], [0, 0, 1, 1], [], []>, transpose_lhs_hint = false} : vector<512x256xbf16>, vector<256x256xbf16>, vector<512x256xf32> -> vector<512x256xf32>
    %get3A_161 = arith.constant 6 : index
    %get3A_162 = arith.constant 0 : index
    %get3A_163 = arith.constant 0 : index
    %get3A_164 = vector.load %arg7[%get3A_161, %get3A_162, %get3A_163] : memref<8x1x256xf32, #tpu.memory_space<vmem>>, vector<1x1x256xf32>
    %get3A_165 = vector.shape_cast %get3A_164 : vector<1x1x256xf32> to vector<1x256xf32>
    %add3A_166 = vector.broadcast %get3A_165 : vector<1x256xf32> to vector<512x256xf32>
    %add3A_167 = arith.addf %dot_general3A_160, %add3A_166 : vector<512x256xf32>
    %eq3A_168 = arith.constant 6 : i32
    %eq3A_169 = vector.broadcast %eq3A_168 : i32 to vector<512x1xi32>
    %eq3A_170 = arith.cmpi eq, %get3A_28, %eq3A_169 : vector<512x1xi32>
    %broadcast_in_dim3A_171 = vector.shape_cast %eq3A_170 : vector<512x1xi1> to vector<512x1xi1>
    %broadcast_in_dim3A_172 = vector.broadcast %broadcast_in_dim3A_171 : vector<512x1xi1> to vector<512x256xi1>
    %select_n3A_173 = arith.select %broadcast_in_dim3A_172, %add3A_167, %select_n3A_152 : vector<512x256xi1>, vector<512x256xf32>
    %get3A_174 = arith.constant 7 : index
    %get3A_175 = arith.constant 0 : index
    %get3A_176 = arith.constant 0 : index
    %get3A_177 = vector.load %arg6[%get3A_174, %get3A_175, %get3A_176] : memref<8x256x256xf32, #tpu.memory_space<vmem>>, vector<1x256x256xf32>
    %get3A_178 = vector.shape_cast %get3A_177 : vector<1x256x256xf32> to vector<256x256xf32>
    %convert_element_type3A_179 = arith.truncf %get3A_178 : vector<256x256xf32> to vector<256x256xbf16>
    %dot_general3A_180 = arith.constant dense<0.000000e+00> : vector<512x256xf32>
    %dot_general3A_181 = tpu.matmul %convert_element_type3A, %convert_element_type3A_179, %dot_general3A_180 {dimension_numbers = #tpu.dot_dimension_numbers<[1], [0], [0], [1], [0, 0, 1, 1], [], []>, transpose_lhs_hint = false} : vector<512x256xbf16>, vector<256x256xbf16>, vector<512x256xf32> -> vector<512x256xf32>
    %get3A_182 = arith.constant 7 : index
    %get3A_183 = arith.constant 0 : index
    %get3A_184 = arith.constant 0 : index
    %get3A_185 = vector.load %arg7[%get3A_182, %get3A_183, %get3A_184] : memref<8x1x256xf32, #tpu.memory_space<vmem>>, vector<1x1x256xf32>
    %get3A_186 = vector.shape_cast %get3A_185 : vector<1x1x256xf32> to vector<1x256xf32>
    %add3A_187 = vector.broadcast %get3A_186 : vector<1x256xf32> to vector<512x256xf32>
    %add3A_188 = arith.addf %dot_general3A_181, %add3A_187 : vector<512x256xf32>
    %eq3A_189 = arith.constant 7 : i32
    %eq3A_190 = vector.broadcast %eq3A_189 : i32 to vector<512x1xi32>
    %eq3A_191 = arith.cmpi eq, %get3A_28, %eq3A_190 : vector<512x1xi32>
    %broadcast_in_dim3A_192 = vector.shape_cast %eq3A_191 : vector<512x1xi1> to vector<512x1xi1>
    %broadcast_in_dim3A_193 = vector.broadcast %broadcast_in_dim3A_192 : vector<512x1xi1> to vector<512x256xi1>
    %select_n3A_194 = arith.select %broadcast_in_dim3A_193, %add3A_188, %select_n3A_173 : vector<512x256xi1>, vector<512x256xf32>
    %get3A_195 = arith.constant 0 : index
    %get3A_196 = arith.constant 0 : index
    %get3A_197 = arith.constant 0 : index
    %get3A_198 = vector.load %arg5[%get3A_195, %get3A_196, %get3A_197] : memref<1x1x512xi32, #tpu.memory_space<vmem>>, vector<1x1x512xi32>
    %get3A_199 = vector.shape_cast %get3A_198 : vector<1x1x512xi32> to vector<1x512xi32>
    %iota3A = tpu.iota {dimensions = array<i32: 0>} : vector<16x512xi32>
    %eq3A_200 = vector.broadcast %get3A_199 : vector<1x512xi32> to vector<16x512xi32>
    %eq3A_201 = arith.cmpi eq, %iota3A, %eq3A_200 : vector<16x512xi32>
    %convert_element_type3A_202 = arith.extui %eq3A_201 : vector<16x512xi1> to vector<16x512xi32>
    %convert_element_type3A_203 = arith.sitofp %convert_element_type3A_202 : vector<16x512xi32> to vector<16x512xf32>
    %eq3A_204 = arith.constant 0 : i32
    %eq3A_205 = arith.cmpi eq, %arg0, %eq3A_204 : i32
    %convert_element_type3A_206 = arith.extui %eq3A_205 : i1 to i32
    %cond3A = arith.constant 0 : i32
    %cond3A_207 = arith.cmpi ne, %convert_element_type3A_206, %cond3A : i32
    scf.if %cond3A_207 {
      %broadcast_in_dim3A_221 = arith.constant 0.000000e+00 : f32
      %broadcast_in_dim3A_222 = vector.broadcast %broadcast_in_dim3A_221 : f32 to vector<16x256xf32>
      %swap3A_223 = arith.constant 0 : index
      %swap3A_224 = arith.constant 0 : index
      %swap3A_225 = vector.load %arg15[%swap3A_223, %swap3A_224] : memref<16x256xf32, #tpu.memory_space<vmem>>, vector<16x256xf32>
      tpu.vector_store %arg15[%swap3A_223, %swap3A_224], %broadcast_in_dim3A_222 {strides = array<i32>} : memref<16x256xf32, #tpu.memory_space<vmem>>, vector<16x256xf32>,
    } else {
    }
    %get3A_208 = arith.constant 0 : index
    %get3A_209 = arith.constant 0 : index
    %get3A_210 = vector.load %arg15[%get3A_208, %get3A_209] : memref<16x256xf32, #tpu.memory_space<vmem>>, vector<16x256xf32>
    %dot_general3A_211 = arith.constant dense<0.000000e+00> : vector<16x256xf32>
    %dot_general3A_212 = tpu.matmul %convert_element_type3A_203, %select_n3A_194, %dot_general3A_211 {dimension_numbers = #tpu.dot_dimension_numbers<[1], [0], [0], [1], [0, 0, 1, 1], [], []>, transpose_lhs_hint = false} : vector<16x512xf32>, vector<512x256xf32>, vector<16x256xf32> -> vector<16x256xf32>
    %add3A_213 = arith.addf %get3A_210, %dot_general3A_212 : vector<16x256xf32>
    %swap3A = arith.constant 0 : index
    %swap3A_214 = arith.constant 0 : index
    %swap3A_215 = vector.load %arg15[%swap3A, %swap3A_214] : memref<16x256xf32, #tpu.memory_space<vmem>>, vector<16x256xf32>
    tpu.vector_store %arg15[%swap3A, %swap3A_214], %add3A_213 {strides = array<i32>} : memref<16x256xf32, #tpu.memory_space<vmem>>, vector<16x256xf32>,
    %eq3A_216 = arith.constant 19 : i32
    %eq3A_217 = arith.cmpi eq, %arg0, %eq3A_216 : i32
    %convert_element_type3A_218 = arith.extui %eq3A_217 : i1 to i32
    %cond3A_219 = arith.constant 0 : i32
    %cond3A_220 = arith.cmpi ne, %convert_element_type3A_218, %cond3A_219 : i32
    scf.if %cond3A_220 {
      %get3A_221 = arith.constant 0 : index
      %get3A_222 = arith.constant 0 : index
      %get3A_223 = vector.load %arg8[%get3A_221, %get3A_222] : memref<16x256xf32, #tpu.memory_space<vmem>>, vector<16x256xf32>
      %get3A_224 = arith.constant 0 : index
      %get3A_225 = arith.constant 0 : index
      %get3A_226 = vector.load %arg9[%get3A_224, %get3A_225] : memref<16x256xf32, #tpu.memory_space<vmem>>, vector<16x256xf32>
      %get3A_227 = arith.constant 0 : index
      %get3A_228 = arith.constant 0 : index
      %get3A_229 = vector.load %arg15[%get3A_227, %get3A_228] : memref<16x256xf32, #tpu.memory_space<vmem>>, vector<16x256xf32>
      %concatenate3A_230 = tpu.concatenate %get3A_223, %get3A_226, %get3A_229 in 1 : vector<16x256xf32>, vector<16x256xf32>, vector<16x256xf32> -> vector<16x768xf32>
      %get3A_231 = arith.constant 0 : index
      %get3A_232 = arith.constant 0 : index
      %get3A_233 = vector.load %arg10[%get3A_231, %get3A_232] : memref<768x256xf32, #tpu.memory_space<vmem>>, vector<768x256xf32>
      %dot_general3A_234 = arith.constant dense<0.000000e+00> : vector<16x256xf32>
      %dot_general3A_235 = tpu.matmul %concatenate3A_230, %get3A_233, %dot_general3A_234 {dimension_numbers = #tpu.dot_dimension_numbers<[1], [0], [0], [1], [0, 0, 1, 1], [], []>, transpose_lhs_hint = false} : vector<16x768xf32>, vector<768x256xf32>, vector<16x256xf32> -> vector<16x256xf32>
      %get3A_236 = arith.constant 0 : index
      %get3A_237 = arith.constant 0 : index
      %get3A_238 = vector.load %arg11[%get3A_236, %get3A_237] : memref<1x256xf32, #tpu.memory_space<vmem>>, vector<1x256xf32>
      %add3A_239 = vector.broadcast %get3A_238 : vector<1x256xf32> to vector<16x256xf32>
      %add3A_240 = arith.addf %dot_general3A_235, %add3A_239 : vector<16x256xf32>
      %max3A = arith.constant 0.000000e+00 : f32
      %max3A_241 = vector.broadcast %max3A : f32 to vector<16x256xf32>
      %max3A_242 = arith.maximumf %add3A_240, %max3A_241 : vector<16x256xf32>
      %get3A_243 = arith.constant 0 : index
      %get3A_244 = arith.constant 0 : index
      %get3A_245 = vector.load %arg12[%get3A_243, %get3A_244] : memref<256x128xf32, #tpu.memory_space<vmem>>, vector<256x128xf32>
      %dot_general3A_246 = arith.constant dense<0.000000e+00> : vector<16x128xf32>
      %dot_general3A_247 = tpu.matmul %max3A_242, %get3A_245, %dot_general3A_246 {dimension_numbers = #tpu.dot_dimension_numbers<[1], [0], [0], [1], [0, 0, 1, 1], [], []>, transpose_lhs_hint = false} : vector<16x256xf32>, vector<256x128xf32>, vector<16x128xf32> -> vector<16x128xf32>
      %get3A_248 = arith.constant 0 : index
      %get3A_249 = arith.constant 0 : index
      %get3A_250 = vector.load %arg13[%get3A_248, %get3A_249] : memref<1x128xf32, #tpu.memory_space<vmem>>, vector<1x128xf32>
      %add3A_251 = vector.broadcast %get3A_250 : vector<1x128xf32> to vector<16x128xf32>
      %add3A_252 = arith.addf %dot_general3A_247, %add3A_251 : vector<16x128xf32>
      %swap3A_253 = arith.constant 0 : index
      %swap3A_254 = arith.constant 0 : index
      %swap3A_255 = vector.load %arg14[%swap3A_253, %swap3A_254] : memref<16x128xf32, #tpu.memory_space<vmem>>, vector<16x128xf32>
      tpu.vector_store %arg14[%swap3A_253, %swap3A_254], %add3A_252 {strides = array<i32>} : memref<16x128xf32, #tpu.memory_space<vmem>>, vector<16x128xf32>,
    } else {
    }
    return
  }
  func.func @transform_0(%arg0: i32) -> (i32, i32, i32) {
    %c0_i32 = arith.constant 0 : i32
    %c0_i32_0 = arith.constant 0 : i32
    %c0_i32_1 = arith.constant 0 : i32
    return %c0_i32, %arg0, %c0_i32_0 : i32, i32, i32
  }
  func.func @transform_1(%arg0: i32) -> (i32, i32, i32) {
    %c0_i32 = arith.constant 0 : i32
    %c0_i32_0 = arith.constant 0 : i32
    %c0_i32_1 = arith.constant 0 : i32
    return %c0_i32, %arg0, %c0_i32_0 : i32, i32, i32
  }
  func.func @transform_2(%arg0: i32) -> (i32, i32) {
    %c0_i32 = arith.constant 0 : i32
    %c0_i32_0 = arith.constant 0 : i32
    return %arg0, %c0_i32 : i32, i32
  }
  func.func @transform_3(%arg0: i32) -> (i32, i32, i32) {
    %c0_i32 = arith.constant 0 : i32
    %c0_i32_0 = arith.constant 0 : i32
    %c0_i32_1 = arith.constant 0 : i32
    return %arg0, %c0_i32, %c0_i32_0 : i32, i32, i32
  }
  func.func @transform_4(%arg0: i32) -> (i32, i32, i32) {
    %c0_i32 = arith.constant 0 : i32
    %c0_i32_0 = arith.constant 0 : i32
    %c0_i32_1 = arith.constant 0 : i32
    return %arg0, %c0_i32, %c0_i32_0 : i32, i32, i32
  }
  func.func @transform_5(%arg0: i32) -> (i32, i32, i32) {
    %c0_i32 = arith.constant 0 : i32
    %c0_i32_0 = arith.constant 0 : i32
    %c0_i32_1 = arith.constant 0 : i32
    %c0_i32_2 = arith.constant 0 : i32
    return %c0_i32, %c0_i32_0, %c0_i32_1 : i32, i32, i32
  }
  func.func @transform_6(%arg0: i32) -> (i32, i32, i32) {
    %c0_i32 = arith.constant 0 : i32
    %c0_i32_0 = arith.constant 0 : i32
    %c0_i32_1 = arith.constant 0 : i32
    %c0_i32_2 = arith.constant 0 : i32
    return %c0_i32, %c0_i32_0, %c0_i32_1 : i32, i32, i32
  }
  func.func @transform_7(%arg0: i32) -> (i32, i32) {
    %c0_i32 = arith.constant 0 : i32
    %c0_i32_0 = arith.constant 0 : i32
    %c0_i32_1 = arith.constant 0 : i32
    return %c0_i32, %c0_i32_0 : i32, i32
  }
  func.func @transform_8(%arg0: i32) -> (i32, i32) {
    %c0_i32 = arith.constant 0 : i32
    %c0_i32_0 = arith.constant 0 : i32
    %c0_i32_1 = arith.constant 0 : i32
    return %c0_i32, %c0_i32_0 : i32, i32
  }
  func.func @transform_9(%arg0: i32) -> (i32, i32) {
    %c0_i32 = arith.constant 0 : i32
    %c0_i32_0 = arith.constant 0 : i32
    %c0_i32_1 = arith.constant 0 : i32
    return %c0_i32, %c0_i32_0 : i32, i32
  }
  func.func @transform_10(%arg0: i32) -> (i32, i32) {
    %c0_i32 = arith.constant 0 : i32
    %c0_i32_0 = arith.constant 0 : i32
    %c0_i32_1 = arith.constant 0 : i32
    return %c0_i32, %c0_i32_0 : i32, i32
  }
  func.func @transform_11(%arg0: i32) -> (i32, i32) {
    %c0_i32 = arith.constant 0 : i32
    %c0_i32_0 = arith.constant 0 : i32
    %c0_i32_1 = arith.constant 0 : i32
    return %c0_i32, %c0_i32_0 : i32, i32
  }
  func.func @transform_12(%arg0: i32) -> (i32, i32) {
    %c0_i32 = arith.constant 0 : i32
    %c0_i32_0 = arith.constant 0 : i32
    %c0_i32_1 = arith.constant 0 : i32
    return %c0_i32, %c0_i32_0 : i32, i32
  }
  func.func @transform_13(%arg0: i32) -> (i32, i32) {
    %c0_i32 = arith.constant 0 : i32
    %c0_i32_0 = arith.constant 0 : i32
    %c0_i32_1 = arith.constant 0 : i32
    return %c0_i32, %c0_i32_0 : i32, i32
  }
  func.func @transform_14(%arg0: i32) -> (i32, i32) {
    %c0_i32 = arith.constant 0 : i32
    %c0_i32_0 = arith.constant 0 : i32
    %c0_i32_1 = arith.constant 0 : i32
    return %c0_i32, %c0_i32_0 : i32, i32
  }
}

</mosaic_0001>

<sc_bundles>
// kernel: kernel.10.cloned.1.call-start
scs
__scs_entry_jumppad:
0x0: {  	(pc) =	sbr.rel $0x88, $3  }
0x1: {  	(tag) =	ssettag $0x0;
	lr =	simm.s32 $0x1  }
0x2: {  	[smem:$0x3F93] =	sst lr;
	_ =	strace $0xD0000000  }
0x3: {  	_ = 	snop  }
0x4: {  	_ = 	snop  }
0x5: {  	_ = 	snop  }
0x6: {  	_ = 	snop  }
0x7: {  	_ = 	snop  }
__scs_overlays_trampoline_lowered:
0x8: {  	[smem:$0x3FA2] =	sst s0  }
0x9: {  	[smem:$0x3FA3] =	sst s1  }
0xa: {  	[smem:$0x3FA4] =	sst s2  }
0xb: {  	[smem:$0x3FA5] =	sst s3  }
0xc: {  	[smem:$0x3FA6] =	sst s4  }
0xd: {  	[smem:$0x3FA7] =	sst s5  }
0xe: {  	[smem:$0x3FA8] =	sst s6  }
0xf: {  	[smem:$0x3FA9] =	sst s7  }
0x10: {  	[smem:$0x3FAA] =	sst s8  }
0x11: {  	[smem:$0x3FAB] =	sst s9;
	s0 =	simm.s32 @!p0 $0x0  }
0x12: {  	s1 =	sld [smem:$0x3F91];
	s0 =	simm.s32 @p0 $0x1  }
0x13: {  	[smem:$0x3FAC] =	sst s0;
	s0 =	simm.s32 @!p1 $0x0  }
0x14: {  	s2 =	sld [smem:$0x3F90];
	s0 =	simm.s32 @p1 $0x1  }
0x15: {  	[smem:$0x3FAD] =	sst s0;
	s0 =	simm.s32 @!p2 $0x0  }
0x16: {  	s3 =	sld [smem:$0x3FDB];
	s0 =	simm.s32 @p2 $0x1  }
0x17: {  	s4 =	simm.s32 $0x1BF5;
	[smem:$0x3FAF] =	sst s0  }
0x18: {  	s0 =	sld [smem:$0x3F92];
	_ =	swait.ge [sflag:s4], $0x0  }
0x19: {  	s7 =	sld [smem:$0x3F93]  }
0x1a: {  	s8 =	sadd.s32 $0xFFFFE003, lr  }
0x1b: {  	s9 =	sadd.s32 $0xFFFFFEF7, lr;
	s5 =	simm.s32 $0xFFFFFFFF;
	p2 =	slt.u32 s8, $0xFFFFF086  }
0x1c: {  	p1 =	slt.u32 s9, $0xF7A;
	s5 =	simm.s32 @!p2 $0x0  }
0x1d: {  	s5 =	simm.s32 @p1 $0x1;
	p0 =	seq.s32 s7, s2  }
0x1e: {  	s7 =	smul.u32 @!p0 $0xF7A, s2;
	p2 =	seq.s32 @!p0 s5, $0x0  }
0x1f: {  	s9 =	smul.u32 $0xF7A, s1;
	s8 =	simm.s32 @!p0 $0x1BF5;
	p2 =	por !p2, p0  }
0x20: {  	[sflag:s8] =	ssyncset.s32 @!p0 $0xFFFFF086;
	s6 =	sadd.s32 @!p0 s3, s7;
	s7 =	simm.s32 @!p0 $0x108  }
0x21: {  	s3 =	sadd.s32 s3, s9;
	s6 =	sadd.s32 @!p0 $0x88, s6;
	s7 =	simm.s32 @p2 $0x1082  }
0x22: {  	[simem:s7], [sflag:s8] =	dma.local @!p0 [hbm:s6], $0xF7A  }
0x23: {  	s9 =	sor.u32 $0xD0000000, s2;
	s6 =	simm.s32 $0x108;
	_ =	swait.ge @!p0 [sflag:s8], $0x0  }
0x24: {  	s3 =	sadd.s32 $0x88, s3;
	s6 =	simm.s32 @!p1 $0x1082;
	[sflag:s4] =	ssyncset.s32 $0xFFFFF086  }
0x25: {  	[simem:s6], [sflag:s4] =	dma.local [hbm:s3], $0xF7A  }
0x26: {  	[smem:$0x3F93] =	sst s1;
	(tag) =	ssettag s2;
	_ =	strace s9  }
0x27: {  	s1 =	sld [smem:$0x3FA3]  }
0x28: {  	s2 =	sld [smem:$0x3FA4]  }
0x29: {  	s4 =	sld [smem:$0x3FA6]  }
0x2a: {  	p0 =	seq.s32 s5, $0x0;
	s5 =	sld [smem:$0x3FA7]  }
0x2b: {  	s6 =	sld [smem:$0x3FA8]  }
0x2c: {  	s7 =	sld [smem:$0x3FA9]  }
0x2d: {  	s3 =	simm.s32 $0x108;
	s8 =	sld [smem:$0x3FAA]  }
0x2e: {  	s3 =	simm.s32 @!p0 $0x1082;
	s9 =	sld [smem:$0x3FAB]  }
0x2f: {  	lr =	sadd.s32 s0, s3;
	s0 =	sld [smem:$0x3FA2]  }
0x30: {  	s3 =	sld [smem:$0x3FA5]  }
0x31: {  	[smem:$0x3FAE] =	sst s10  }
0x32: {  	s10 =	sld [smem:$0x3FAC];
	_ =	sdelay $0x3  }
0x33: {  	p0 =	seq.s32 s10, $0x1;
	s10 =	sld [smem:$0x3FAE];
	_ =	sdelay $0x3  }
0x34: {  	[smem:$0x3FAE] =	sst s10  }
0x35: {  	s10 =	sld [smem:$0x3FAD];
	_ =	sdelay $0x3  }
0x36: {  	p1 =	seq.s32 s10, $0x1;
	s10 =	sld [smem:$0x3FAE];
	_ =	sdelay $0x3  }
0x37: {  	[smem:$0x3FAE] =	sst s10  }
0x38: {  	s10 =	sld [smem:$0x3FAF]  }
0x39: {  	_ = 	snop;
	(pc) =	sbr.ind lr, $3  }
0x3a: {  	_ = 	snop  }
0x3b: {  	_ = 	snop  }
0x3c: {  	p2 =	seq.s32 s10, $0x1;
	s10 =	sld [smem:$0x3FAE]  }
0x3d: {  	_ =	shalt  }
0x3e: {  	_ =	shalt  }
0x3f: {  	_ =	shalt  }
0x40: {  	_ =	shalt  }
0x41: {  	_ =	shalt  }
0x42: {  	_ =	shalt  }
0x43: {  	_ =	shalt  }
0x44: {  	_ =	shalt  }
0x45: {  	_ =	shalt  }
0x46: {  	_ =	shalt  }
0x47: {  	_ =	shalt  }
0x48: {  	_ =	shalt  }
0x49: {  	_ =	shalt  }
0x4a: {  	_ =	shalt  }
0x4b: {  	_ =	shalt  }
0x4c: {  	_ =	shalt  }
0x4d: {  	_ =	shalt  }
0x4e: {  	_ =	shalt  }
0x4f: {  	_ =	shalt  }
0x50: {  	_ =	shalt  }
0x51: {  	_ =	shalt  }
0x52: {  	_ =	shalt  }
0x53: {  	_ =	shalt  }
0x54: {  	_ =	shalt  }
0x55: {  	_ =	shalt  }
0x56: {  	_ =	shalt  }
0x57: {  	_ =	shalt  }
0x58: {  	_ =	shalt  }
0x59: {  	_ =	shalt  }
0x5a: {  	_ =	shalt  }
0x5b: {  	_ =	shalt  }
0x5c: {  	_ =	shalt  }
0x5d: {  	_ =	shalt  }
0x5e: {  	_ =	shalt  }
0x5f: {  	_ =	shalt  }
0x60: {  	_ =	shalt  }
0x61: {  	_ =	shalt  }
0x62: {  	_ =	shalt  }
0x63: {  	_ =	shalt  }
0x64: {  	_ =	shalt  }
0x65: {  	_ =	shalt  }
0x66: {  	_ =	shalt  }
0x67: {  	_ =	shalt  }
0x68: {  	_ =	shalt  }
0x69: {  	_ =	shalt  }
0x6a: {  	_ =	shalt  }
0x6b: {  	_ =	shalt  }
0x6c: {  	_ =	shalt  }
0x6d: {  	_ =	shalt  }
0x6e: {  	_ =	shalt  }
0x6f: {  	_ =	shalt  }
0x70: {  	_ =	shalt  }
0x71: {  	_ =	shalt  }
0x72: {  	_ =	shalt  }
0x73: {  	_ =	shalt  }
0x74: {  	_ =	shalt  }
0x75: {  	_ =	shalt  }
0x76: {  	_ =	shalt  }
0x77: {  	_ =	shalt  }
0x78: {  	_ =	shalt  }
0x79: {  	_ =	shalt  }
0x7a: {  	_ =	shalt  }
0x7b: {  	_ =	shalt  }
0x7c: {  	_ =	shalt  }
0x7d: {  	_ =	shalt  }
0x7e: {  	_ =	shalt  }
0x7f: {  	_ =	shalt  }
0x80: {  	_ =	shalt  }
0x81: {  	_ =	shalt  }
0x82: {  	_ =	shalt  }
0x83: {  	_ =	shalt  }
0x84: {  	_ =	shalt  }
0x85: {  	_ =	shalt  }
0x86: {  	_ =	shalt  }
0x87: {  	_ =	shalt  }
.Lfunc_end0:
.L_simem_size_0:
called_computation_lowered:
.L_overlay_start_0:
0x88: {  	s2 =	sld [smem:$0x3FD9]  }
0x89: {  	s3 =	sld [smem:$0x3FFE];
	_ =	sdelay $0x1  }
0x8a: {  	s1 =	srdreg.scid  }
0x8b: {  	s0 =	sand.u32 $0x1, s1  }
0x8c: {  	s16 =	sshll.u32 s0, $0xA;
	s2 =	sadd.s32 s3, s2  }
0x8d: {  	s2 =	sadd.s32 s2, s16  }
0x8e: {  	[smem:$0x3FBA] =	sst s2  }
0x8f: {  	_ = 	snop  }
0x90: {  	(tm) =	ssettm $0x1  }
0x91: {  	s17 =	sld [smem:$0x3FFB];
	_ =	sdelay $0x3  }
0x92: {  	_ =	strace s17  }
0x93: {  	s2 =	sld [smem:$0x3FFC];
	_ =	sdelay $0x3  }
0x94: {  	_ =	strace s2  }
0x95: {  	s2 =	sld [smem:$0x3FFD];
	_ =	sdelay $0x3  }
0x96: {  	_ =	strace s2  }
0x97: {  	_ =	strace $0x8FFFFFFF  }
0x98: {  	s18 =	sld [smem:$0x3FDB];
	_ =	sdelay $0x1  }
0x99: {  	s19 =	simm.s32 $_scs_section_size  }
0x9a: {  	s4 =	simm.s32 $_size__tile_overlayer_lowered;
	s5 =	simm.s32 $_tile_overlayer_lowered  }
0x9b: {  	s22 =	simm.s32 $0x1BFF;
	s21 =	sshll.u32 s5, $0x1;
	s2 =	sadd.s32 s19, s18  }
0x9c: {  	s6 =	simm.s32 $0x0;
	s20 =	sshll.u32 s4, $0x1;
	s4 =	sadd.s32 s21, s2  }
0x9d: {  	[timem:s6], [sflag:s22] =	dma.local [hbm:s4], s20  }
0x9e: {  	_ =	swait.ge [sflag:s22], s20  }
0x9f: {  	s3 =	ssub.s32 $0x0, s20;
	[sflag:s22] =	ssyncset.done $0x0  }
0xa0: {  	[sflag:s22] =	ssyncadd.s32 s3;
	_ =	sdelay $0x1  }
0xa1: {  	s23 =	simm.s32 $0x1B8B  }
0xa2: {  	_ =	swait.ge [sflag:s23], $0x1  }
0xa3: {  	[sflag:s23] =	ssyncset.done $0x0  }
0xa4: {  	s25 =	simm.s32 $0x1B8E;
	s24 =	sld [smem:$0x3FFE];
	[sflag:s23] =	ssyncadd.s32 $0xFFFFFFFF  }
0xa5: {  	s26 =	simm.s32 $execute0_lowered;
	[smem:$0x3FD2] =	sst s25  }
0xa6: {  	s4 =	sshll.u32 s26, $0x1;
	_ =	strace $0x80000046;
	[dreg:$0x1] =	wrdreg $0xFFFFFFFF  }
0xa7: {  	s28 =	simm.s32 $_size_execute0_lowered;
	s2 =	sadd.s32 s2, s4;
	[dreg:$0x0] =	wrdreg $0x0  }
0xa8: {  	s4 =	sshll.u32 s28, $0x1;
	[dreg:$0x2] =	wrdreg s2  }
0xa9: {  	[dreg:$0x3] =	wrdreg s4  }
0xaa: {  	[dreg:$0x4] =	wrdreg $0xC0  }
0xab: {  	_ =	task [dreg:s6], $0x5FFFF  }
0xac: {  	[dreg:$0x1] =	wrdreg $0xFFFFFFFF  }
0xad: {  	[dreg:$0x0] =	wrdreg $0x60  }
0xae: {  	[dreg:$0x2] =	wrdreg s24  }
0xaf: {  	[dreg:$0x3] =	wrdreg $0x68000  }
0xb0: {  	[dreg:$0x4] =	wrdreg $0x9  }
0xb1: {  	_ =	task.clear_ibuf [dreg:s6], $0x5FFFF;
	_ =	strace $0x90000046  }
0xb2: {  	s29 =	simm.s32 $0x9;
	_ =	strace $0x80000048  }
0xb3: {  	_ =	swait.ge [sflag:s29], $0x1  }
0xb4: {  	[sflag:s29] =	ssyncadd.s32 $0xFFFFFFFF  }
0xb5: {  	_ =	strace $0x90000048  }
0xb6: {  	_ =	sfence  }
0xb7: {  	s30 =	sld [smem:$0x0];
	_ =	sdelay $0x2  }
0xb8: {  	s31 =	sshll.u32 s1, $0xD;
	s1 =	sshrl.u32 s1, $0x2  }
0xb9: {  	s3 =	sand.u32 $0x4000, s31;
	s1 =	sadd.s32 s1, s30  }
0xba: {  	s0 =	sor.u32 s3, s0;
	s1 =	sshll.u32 s1, $0x11  }
0xbb: {  	s0 =	sor.u32 s1, s0  }
0xbc: {  	s0 =	sadd.s32 $0x8F2B, s0  }
0xbd: {  	[sflag:s0] =	ssyncadd.remote.s32 $0x1  }
0xbe: {  	_ =	sfence.sel $0xFFFF  }
0xbf: {  	[dreg:$0x0] =	wrdreg $0xFFFFFFFF;
	(pc) =	sbr.abs _section_cstart, $3  }
0xc0: {  	[dreg:$0x1] =	wrdreg $0xFFFFFFFF  }
0xc1: {  	_ =	task.clear_ibuf [dreg:s6], $0x2FFFF;
	_ =	strace $0x9FFFFFFF  }
0xc2: {  	(tm) =	ssettm $0x7FFFFFFF  }
0xc3: {  	_ =	shalt  }
tec
execute0_lowered:
.L_overlay_start_1:
0x0: {  	(tag) =	ssettag $0x1  }
0x1: {  	s5 =	rddreg [dreg:$0x0];
	s1 =	srdreg.scid  }
0x2: {  	s0 =	stileid.u32;
	s2 =	rddreg [dreg:$0x1]  }
0x3: {  	s3 =	simm.s32 $0x0;
	s13 =	simm.s32 $0x1;
	s14 =	simm.s32 $0x80  }
0x4: {  	s4 =	sand.u32 $0x1, s1;
	s6 =	smul.u32 $0x2800, s0;
	s1 =	rddreg [dreg:$0x2]  }
0x5: {  	[smem:$0x7FF] =	sst s3;
	s8 =	smul.u32 $0x50000, s0;
	s15 =	sshll.u32 s0, $0x6  }
0x6: {  	s7 =	smul.u32 $0x28000, s4;
	_ =	strace $0x80000047;
	s9 =	ssub.s32 $0x2, s4  }
0x7: {  	s15 =	sor.u32 $0x1C01, s15;
	s30 =	sshrl.u32 s8, $0x2;
	s31 =	sshrl.u32 s9, $0x1  }
0x8: {  	s6 =	sadd.s32 s6, s7;
	s4 =	sadd.s32 s30, s2;
	s12 =	ssub.s32 s9, s31  }
0x9: {  	s7 =	sshrl.u32 s6, $0x3;
	s11 =	sadd.s32 s6, s5;
	s6 =	sadd.s32 $0x8000, s4  }
0xa: {  	s8 =	sadd.s32 $0x10000, s4;
	s16 =	sshrl.u32 s4, $0x3;
	s10 =	sadd.s32 s7, s5  }
0xb: {  	s5 =	sadd.s32 $0x4000, s4;
	s7 =	sadd.s32 $0xC000, s4;
	s9 =	sadd.s32 $0x3C00, s10  }
0xc: {  	v0 =	vimm.f32 $0.0e+00;
	v1 =	vimm.f32 $1.000000000e+00;
	s10 =	sadd.s32 $0xDC00, s11;
	s11 =	smax.u32 s12, $0x1;
	s12 =	simm.s32 $0x2800  }
.LBB2_1:
0xd: {  	s17 =	simm.s32 $0x0;
	s18 =	simm.s32 $0x200  }
.LBB2_2:
0xe: {  	p0 =	sne.s32 s18, $0xFE00;
	[tilespmem:s17+$0x2870] =	vst v0  }
0xf: {  	[tilespmem:s17+$0x2800] =	vst v0  }
0x10: {  	[tilespmem:s17+$0x2810] =	vst v0  }
.Ltmp0:
0x11: {  	[tilespmem:s17+$0x2820] =	vst v0;
	(pc) =	sbr.rel @p0 .LBB2_2-.Ltmp0, $4  }
0x12: {  	[tilespmem:s17+$0x2830] =	vst v0  }
0x13: {  	[tilespmem:s17+$0x2840] =	vst v0  }
0x14: {  	[tilespmem:s17+$0x2850] =	vst v0  }
0x15: {  	[tilespmem:s17+$0x2860] =	vst v0;
	s17 =	sshra.s32 s18, $0x2;
	s18 =	sadd.s32 $0x200, s18  }
0x16: {  	[tilespmem:s17+$0x2870] =	vst v0  }
0x17: {  	[tilespmem:s17+$0x2800] =	vst v0  }
0x18: {  	[tilespmem:s17+$0x2810] =	vst v0  }
0x19: {  	[tilespmem:s17+$0x2820] =	vst v0  }
0x1a: {  	[tilespmem:s17+$0x2830] =	vst v0  }
0x1b: {  	[tilespmem:s17+$0x2840] =	vst v0  }
0x1c: {  	[tilespmem:s17+$0x2850] =	vst v0  }
0x1d: {  	[tilespmem:s17+$0x2860] =	vst v0  }
0x1e: {  	[spmem:s4] =	stream.linear.scatter [tilespmem:s12], [sflag:$0x1], $0x4000, $0x38;
	[tilespmem:$0x1A800] =	vst v63  }
0x1f: {  	_ =	swait.ge [sflag:s13], $0x4000  }
0x20: {  	[sflag:s13] =	ssyncset.done $0x0  }
0x21: {  	[sflag:s13] =	ssyncadd.s32 $0xFFFFC000  }
0x22: {  	[spmem:s5] =	stream.linear.scatter [tilespmem:s12], [sflag:$0x1], $0x4000, $0x38;
	[tilespmem:$0x1A800] =	vst v63  }
0x23: {  	_ =	swait.ge [sflag:s13], $0x4000  }
0x24: {  	[sflag:s13] =	ssyncset.done $0x0  }
0x25: {  	[sflag:s13] =	ssyncadd.s32 $0xFFFFC000  }
0x26: {  	[spmem:s6] =	stream.linear.scatter [tilespmem:s12], [sflag:$0x1], $0x4000, $0x38;
	[tilespmem:$0x1A800] =	vst v63  }
0x27: {  	_ =	swait.ge [sflag:s13], $0x4000  }
0x28: {  	[sflag:s13] =	ssyncset.done $0x0  }
0x29: {  	[sflag:s13] =	ssyncadd.s32 $0xFFFFC000  }
0x2a: {  	[spmem:s7] =	stream.linear.scatter [tilespmem:s12], [sflag:$0x1], $0x4000, $0x38;
	[tilespmem:$0x1A800] =	vst v63  }
0x2b: {  	_ =	swait.ge [sflag:s13], $0x4000  }
0x2c: {  	[sflag:s13] =	ssyncset.done $0x0  }
0x2d: {  	[sflag:s13] =	ssyncadd.s32 $0xFFFFC000  }
0x2e: {  	[spmem:s8] =	stream.linear.scatter [tilespmem:s12], [sflag:$0x1], $0x4000, $0x38;
	[tilespmem:$0x1A800] =	vst v63  }
0x2f: {  	_ =	swait.ge [sflag:s13], $0x4000  }
0x30: {  	[sflag:s13] =	ssyncset.done $0x0  }
0x31: {  	s17 =	simm.s32 $0x0;
	s18 =	simm.s32 $0x200;
	[sflag:s13] =	ssyncadd.s32 $0xFFFFC000  }
.LBB2_4:
0x32: {  	p0 =	sne.s32 s18, $0xFE00;
	[tilespmem:s17+$0x2870] =	vst v1  }
0x33: {  	[tilespmem:s17+$0x2800] =	vst v1  }
0x34: {  	[tilespmem:s17+$0x2810] =	vst v1  }
.Ltmp1:
0x35: {  	[tilespmem:s17+$0x2820] =	vst v1;
	(pc) =	sbr.rel @p0 .LBB2_4-.Ltmp1, $4  }
0x36: {  	[tilespmem:s17+$0x2830] =	vst v1  }
0x37: {  	[tilespmem:s17+$0x2840] =	vst v1  }
0x38: {  	[tilespmem:s17+$0x2850] =	vst v1  }
0x39: {  	[tilespmem:s17+$0x2860] =	vst v1;
	s17 =	sshra.s32 s18, $0x2;
	s18 =	sadd.s32 $0x200, s18  }
0x3a: {  	[tilespmem:s17+$0x2870] =	vst v1  }
0x3b: {  	[tilespmem:s17+$0x2800] =	vst v1  }
0x3c: {  	[tilespmem:s17+$0x2810] =	vst v1  }
0x3d: {  	[tilespmem:s17+$0x2820] =	vst v1  }
0x3e: {  	[tilespmem:s17+$0x2830] =	vst v1  }
0x3f: {  	[tilespmem:s17+$0x2840] =	vst v1  }
0x40: {  	[tilespmem:s17+$0x2850] =	vst v1  }
0x41: {  	[tilespmem:s17+$0x2860] =	vst v1;
	s30 =	simm.s32 $0x0  }
0x42: {  	[tilespmem:s30], [sflag:$0x1] =	stream.linear.gather [hbm4b:s9+s30], $0x2800, $0x38;
	[tilespmem:$0x1A800] =	vst v63  }
0x43: {  	_ =	swait.ge [sflag:s13], $0x2800  }
0x44: {  	[sflag:s13] =	ssyncset.done $0x0  }
0x45: {  	[sflag:s13] =	ssyncadd.s32 $0xFFFFD800  }
0x46: {  	s31 =	simm.s32 $0x0;
	[bflag:$0x0] =	sbarrier.arrive $0xFFFF  }
0x47: {  	[spmem:s2] =	stream.indirect.scatter.add.f32 [tilespmem:s12], [sflag:$0x1], $0x80, s31, s14, $0xb8;
	[tilespmem:$0x1A800] =	vst v63  }
0x48: {  	_ =	swait.ge [sflag:s13], $0x4000  }
0x49: {  	s17 =	simm.s32 $0x200;
	[sflag:s13] =	ssyncset.done $0x0  }
.LBB2_6:
0x4a: {  	s18 =	sshra.s32 s17, $0x2;
	[sflag:s13] =	ssyncadd.s32 $0xFFFFC000;
	p0 =	sne.s32 s17, $0x9E00  }
0x4b: {  	[spmem:s2] =	stream.indirect.scatter.add.f32 [tilespmem:s12], [sflag:$0x1], $0x80, s18, s14, $0xb8;
	[tilespmem:$0x1A800] =	vst v63  }
.Ltmp2:
0x4c: {  	_ = 	snop;
	(pc) =	sbr.rel @p0 .LBB2_6-.Ltmp2, $4  }
0x4d: {  	_ = 	snop  }
0x4e: {  	s17 =	sadd.s32 $0x200, s17  }
0x4f: {  	_ =	swait.ge [sflag:s13], $0x4000  }
0x50: {  	[sflag:s13] =	ssyncset.done $0x0  }
0x51: {  	s3 =	sadd.s32 $0x1, s3  }
0x52: {  	[sflag:s13] =	ssyncadd.s32 $0xFFFFC000;
	p0 =	sne.s32 s3, s11  }
.Ltmp3:
0x53: {  	[bflag:$0x0] =	sbarrier.arrive $0xFFFF;
	(pc) =	sbr.rel @p0 .LBB2_1-.Ltmp3, $4  }
0x54: {  	[hbm:s10], [sflag:s15] =	dma.local [spmem:s16], $0x2800  }
0x55: {  	_ =	swait.ge [sflag:s13], $0x2800  }
0x56: {  	[sflag:s13] =	ssyncset.done $0x0  }
0x57: {  	[sflag:s13] =	ssyncadd.s32 $0xFFFFD800  }
0x58: {  	_ =	sfence.sel $0x180000  }
0x59: {  	[bflag:$0x0] =	sbarrier.arrive $0xFFFF  }
0x5a: {  	p0 =	sne.s32 s0, $0x0;
	_ =	strace $0x90000047  }
0x5b: {  	s0 =	sadd.s32 @!p0 $0x100000, s1;
	[bflag:$0x2] =	sbarrier.arrive $0xFFFF  }
0x5c: {  	[sflag:s0] =	ssyncadd.tile.s32 @!p0 $0x1;
	_ =	shalt  }
.Lfunc_end2:
_tile_overlayer_lowered:
.L_overlay_start_2:
0x5d: {  	(tag) =	ssettag $0x2  }
0x5e: {  	s0 =	rddreg [dreg:$0x0];
	s2 =	stileid.u32  }
0x5f: {  	s1 =	rddreg [dreg:$0x1];
	p0 =	sne.s32 s2, $0x0  }
0x60: {  	s3 =	rddreg [dreg:$0x2];
	[bflag:$0x3] =	sbarrier.arrive $0xFFFF;
	s2 =	simm.s32 @!p0 $0x1C01  }
0x61: {  	[timem:s3], [sflag:s2] =	dma.local @!p0 [hbm:s0], s1  }
0x62: {  	s0 =	simm.s32 @!p0 $0x1  }
0x63: {  	_ =	swait.ge @!p0 [sflag:s0], s1  }
0x64: {  	s1 =	ssub.s32 @!p0 $0x0, s1;
	[sflag:s0] =	ssyncset.done @!p0 $0x0  }
0x65: {  	[sflag:s0] =	ssyncadd.s32 @!p0 s1  }
0x66: {  	[bflag:$0x3] =	sbarrier.arrive $0xFFFF  }
0x67: {  	_ =	shalt  }

// kernel: kernel.13.cloned.1.call-start
scs
__scs_entry_jumppad:
0x0: {  	(pc) =	sbr.rel $0x88, $3  }
0x1: {  	(tag) =	ssettag $0x0;
	lr =	simm.s32 $0x1  }
0x2: {  	[smem:$0x3F93] =	sst lr;
	_ =	strace $0xD0000000  }
0x3: {  	_ = 	snop  }
0x4: {  	_ = 	snop  }
0x5: {  	_ = 	snop  }
0x6: {  	_ = 	snop  }
0x7: {  	_ = 	snop  }
__scs_overlays_trampoline_lowered:
0x8: {  	[smem:$0x3FA2] =	sst s0  }
0x9: {  	[smem:$0x3FA3] =	sst s1  }
0xa: {  	[smem:$0x3FA4] =	sst s2  }
0xb: {  	[smem:$0x3FA5] =	sst s3  }
0xc: {  	[smem:$0x3FA6] =	sst s4  }
0xd: {  	[smem:$0x3FA7] =	sst s5  }
0xe: {  	[smem:$0x3FA8] =	sst s6  }
0xf: {  	[smem:$0x3FA9] =	sst s7  }
0x10: {  	[smem:$0x3FAA] =	sst s8  }
0x11: {  	[smem:$0x3FAB] =	sst s9;
	s0 =	simm.s32 @!p0 $0x0  }
0x12: {  	s1 =	sld [smem:$0x3F91];
	s0 =	simm.s32 @p0 $0x1  }
0x13: {  	[smem:$0x3FAC] =	sst s0;
	s0 =	simm.s32 @!p1 $0x0  }
0x14: {  	s2 =	sld [smem:$0x3F90];
	s0 =	simm.s32 @p1 $0x1  }
0x15: {  	[smem:$0x3FAD] =	sst s0;
	s0 =	simm.s32 @!p2 $0x0  }
0x16: {  	s3 =	sld [smem:$0x3FDB];
	s0 =	simm.s32 @p2 $0x1  }
0x17: {  	s4 =	simm.s32 $0x1BF5;
	[smem:$0x3FAF] =	sst s0  }
0x18: {  	s0 =	sld [smem:$0x3F92];
	_ =	swait.ge [sflag:s4], $0x0  }
0x19: {  	s7 =	sld [smem:$0x3F93]  }
0x1a: {  	s8 =	sadd.s32 $0xFFFFE003, lr  }
0x1b: {  	s9 =	sadd.s32 $0xFFFFFEF7, lr;
	s5 =	simm.s32 $0xFFFFFFFF;
	p2 =	slt.u32 s8, $0xFFFFF086  }
0x1c: {  	p1 =	slt.u32 s9, $0xF7A;
	s5 =	simm.s32 @!p2 $0x0  }
0x1d: {  	s5 =	simm.s32 @p1 $0x1;
	p0 =	seq.s32 s7, s2  }
0x1e: {  	s7 =	smul.u32 @!p0 $0xF7A, s2;
	p2 =	seq.s32 @!p0 s5, $0x0  }
0x1f: {  	s9 =	smul.u32 $0xF7A, s1;
	s8 =	simm.s32 @!p0 $0x1BF5;
	p2 =	por !p2, p0  }
0x20: {  	[sflag:s8] =	ssyncset.s32 @!p0 $0xFFFFF086;
	s6 =	sadd.s32 @!p0 s3, s7;
	s7 =	simm.s32 @!p0 $0x108  }
0x21: {  	s3 =	sadd.s32 s3, s9;
	s6 =	sadd.s32 @!p0 $0x88, s6;
	s7 =	simm.s32 @p2 $0x1082  }
0x22: {  	[simem:s7], [sflag:s8] =	dma.local @!p0 [hbm:s6], $0xF7A  }
0x23: {  	s9 =	sor.u32 $0xD0000000, s2;
	s6 =	simm.s32 $0x108;
	_ =	swait.ge @!p0 [sflag:s8], $0x0  }
0x24: {  	s3 =	sadd.s32 $0x88, s3;
	s6 =	simm.s32 @!p1 $0x1082;
	[sflag:s4] =	ssyncset.s32 $0xFFFFF086  }
0x25: {  	[simem:s6], [sflag:s4] =	dma.local [hbm:s3], $0xF7A  }
0x26: {  	[smem:$0x3F93] =	sst s1;
	(tag) =	ssettag s2;
	_ =	strace s9  }
0x27: {  	s1 =	sld [smem:$0x3FA3]  }
0x28: {  	s2 =	sld [smem:$0x3FA4]  }
0x29: {  	s4 =	sld [smem:$0x3FA6]  }
0x2a: {  	p0 =	seq.s32 s5, $0x0;
	s5 =	sld [smem:$0x3FA7]  }
0x2b: {  	s6 =	sld [smem:$0x3FA8]  }
0x2c: {  	s7 =	sld [smem:$0x3FA9]  }
0x2d: {  	s3 =	simm.s32 $0x108;
	s8 =	sld [smem:$0x3FAA]  }
0x2e: {  	s3 =	simm.s32 @!p0 $0x1082;
	s9 =	sld [smem:$0x3FAB]  }
0x2f: {  	lr =	sadd.s32 s0, s3;
	s0 =	sld [smem:$0x3FA2]  }
0x30: {  	s3 =	sld [smem:$0x3FA5]  }
0x31: {  	[smem:$0x3FAE] =	sst s10  }
0x32: {  	s10 =	sld [smem:$0x3FAC];
	_ =	sdelay $0x3  }
0x33: {  	p0 =	seq.s32 s10, $0x1;
	s10 =	sld [smem:$0x3FAE];
	_ =	sdelay $0x3  }
0x34: {  	[smem:$0x3FAE] =	sst s10  }
0x35: {  	s10 =	sld [smem:$0x3FAD];
	_ =	sdelay $0x3  }
0x36: {  	p1 =	seq.s32 s10, $0x1;
	s10 =	sld [smem:$0x3FAE];
	_ =	sdelay $0x3  }
0x37: {  	[smem:$0x3FAE] =	sst s10  }
0x38: {  	s10 =	sld [smem:$0x3FAF]  }
0x39: {  	_ = 	snop;
	(pc) =	sbr.ind lr, $3  }
0x3a: {  	_ = 	snop  }
0x3b: {  	_ = 	snop  }
0x3c: {  	p2 =	seq.s32 s10, $0x1;
	s10 =	sld [smem:$0x3FAE]  }
0x3d: {  	_ =	shalt  }
0x3e: {  	_ =	shalt  }
0x3f: {  	_ =	shalt  }
0x40: {  	_ =	shalt  }
0x41: {  	_ =	shalt  }
0x42: {  	_ =	shalt  }
0x43: {  	_ =	shalt  }
0x44: {  	_ =	shalt  }
0x45: {  	_ =	shalt  }
0x46: {  	_ =	shalt  }
0x47: {  	_ =	shalt  }
0x48: {  	_ =	shalt  }
0x49: {  	_ =	shalt  }
0x4a: {  	_ =	shalt  }
0x4b: {  	_ =	shalt  }
0x4c: {  	_ =	shalt  }
0x4d: {  	_ =	shalt  }
0x4e: {  	_ =	shalt  }
0x4f: {  	_ =	shalt  }
0x50: {  	_ =	shalt  }
0x51: {  	_ =	shalt  }
0x52: {  	_ =	shalt  }
0x53: {  	_ =	shalt  }
0x54: {  	_ =	shalt  }
0x55: {  	_ =	shalt  }
0x56: {  	_ =	shalt  }
0x57: {  	_ =	shalt  }
0x58: {  	_ =	shalt  }
0x59: {  	_ =	shalt  }
0x5a: {  	_ =	shalt  }
0x5b: {  	_ =	shalt  }
0x5c: {  	_ =	shalt  }
0x5d: {  	_ =	shalt  }
0x5e: {  	_ =	shalt  }
0x5f: {  	_ =	shalt  }
0x60: {  	_ =	shalt  }
0x61: {  	_ =	shalt  }
0x62: {  	_ =	shalt  }
0x63: {  	_ =	shalt  }
0x64: {  	_ =	shalt  }
0x65: {  	_ =	shalt  }
0x66: {  	_ =	shalt  }
0x67: {  	_ =	shalt  }
0x68: {  	_ =	shalt  }
0x69: {  	_ =	shalt  }
0x6a: {  	_ =	shalt  }
0x6b: {  	_ =	shalt  }
0x6c: {  	_ =	shalt  }
0x6d: {  	_ =	shalt  }
0x6e: {  	_ =	shalt  }
0x6f: {  	_ =	shalt  }
0x70: {  	_ =	shalt  }
0x71: {  	_ =	shalt  }
0x72: {  	_ =	shalt  }
0x73: {  	_ =	shalt  }
0x74: {  	_ =	shalt  }
0x75: {  	_ =	shalt  }
0x76: {  	_ =	shalt  }
0x77: {  	_ =	shalt  }
0x78: {  	_ =	shalt  }
0x79: {  	_ =	shalt  }
0x7a: {  	_ =	shalt  }
0x7b: {  	_ =	shalt  }
0x7c: {  	_ =	shalt  }
0x7d: {  	_ =	shalt  }
0x7e: {  	_ =	shalt  }
0x7f: {  	_ =	shalt  }
0x80: {  	_ =	shalt  }
0x81: {  	_ =	shalt  }
0x82: {  	_ =	shalt  }
0x83: {  	_ =	shalt  }
0x84: {  	_ =	shalt  }
0x85: {  	_ =	shalt  }
0x86: {  	_ =	shalt  }
0x87: {  	_ =	shalt  }
.Lfunc_end0:
.L_simem_size_0:
called_computation.1_lowered:
.L_overlay_start_0:
0x88: {  	s2 =	sld [smem:$0x3FD9]  }
0x89: {  	s3 =	sld [smem:$0x3FFE];
	_ =	sdelay $0x1  }
0x8a: {  	s1 =	srdreg.scid  }
0x8b: {  	s0 =	sand.u32 $0x1, s1  }
0x8c: {  	s16 =	sshll.u32 s0, $0xA;
	s2 =	sadd.s32 s3, s2  }
0x8d: {  	s2 =	sadd.s32 s2, s16  }
0x8e: {  	[smem:$0x3FBA] =	sst s2  }
0x8f: {  	_ = 	snop  }
0x90: {  	(tm) =	ssettm $0x1  }
0x91: {  	s17 =	sld [smem:$0x3FFB];
	_ =	sdelay $0x3  }
0x92: {  	_ =	strace s17  }
0x93: {  	s2 =	sld [smem:$0x3FFC];
	_ =	sdelay $0x3  }
0x94: {  	_ =	strace s2  }
0x95: {  	s2 =	sld [smem:$0x3FFD];
	_ =	sdelay $0x3  }
0x96: {  	_ =	strace s2  }
0x97: {  	_ =	strace $0x8FFFFFFF  }
0x98: {  	s18 =	sld [smem:$0x3FDB];
	_ =	sdelay $0x1  }
0x99: {  	s19 =	simm.s32 $_scs_section_size  }
0x9a: {  	s4 =	simm.s32 $_size__tile_overlayer_lowered;
	s5 =	simm.s32 $_tile_overlayer_lowered  }
0x9b: {  	s22 =	simm.s32 $0x1BFF;
	s21 =	sshll.u32 s5, $0x1;
	s2 =	sadd.s32 s19, s18  }
0x9c: {  	s6 =	simm.s32 $0x0;
	s20 =	sshll.u32 s4, $0x1;
	s4 =	sadd.s32 s21, s2  }
0x9d: {  	[timem:s6], [sflag:s22] =	dma.local [hbm:s4], s20  }
0x9e: {  	_ =	swait.ge [sflag:s22], s20  }
0x9f: {  	s3 =	ssub.s32 $0x0, s20;
	[sflag:s22] =	ssyncset.done $0x0  }
0xa0: {  	[sflag:s22] =	ssyncadd.s32 s3;
	_ =	sdelay $0x1  }
0xa1: {  	s23 =	simm.s32 $0x1B8B  }
0xa2: {  	_ =	swait.ge [sflag:s23], $0x1  }
0xa3: {  	[sflag:s23] =	ssyncset.done $0x0  }
0xa4: {  	s25 =	simm.s32 $0x1B8E;
	s24 =	sld [smem:$0x3FFE];
	[sflag:s23] =	ssyncadd.s32 $0xFFFFFFFF  }
0xa5: {  	s26 =	simm.s32 $execute0_lowered;
	[smem:$0x3FD2] =	sst s25  }
0xa6: {  	s4 =	sshll.u32 s26, $0x1;
	_ =	strace $0x80000049;
	[dreg:$0x1] =	wrdreg $0xFFFFFFFF  }
0xa7: {  	s28 =	simm.s32 $_size_execute0_lowered;
	s2 =	sadd.s32 s2, s4;
	[dreg:$0x0] =	wrdreg $0x0  }
0xa8: {  	s4 =	sshll.u32 s28, $0x1;
	[dreg:$0x2] =	wrdreg s2  }
0xa9: {  	[dreg:$0x3] =	wrdreg s4  }
0xaa: {  	[dreg:$0x4] =	wrdreg $0xC0  }
0xab: {  	_ =	task [dreg:s6], $0x5FFFF  }
0xac: {  	[dreg:$0x1] =	wrdreg $0xFFFFFFFF  }
0xad: {  	[dreg:$0x0] =	wrdreg $0x60  }
0xae: {  	[dreg:$0x2] =	wrdreg s24  }
0xaf: {  	[dreg:$0x3] =	wrdreg $0x84000  }
0xb0: {  	[dreg:$0x4] =	wrdreg $0x9  }
0xb1: {  	_ =	task.clear_ibuf [dreg:s6], $0x5FFFF;
	_ =	strace $0x90000049  }
0xb2: {  	s29 =	simm.s32 $0x9;
	_ =	strace $0x8000004B  }
0xb3: {  	_ =	swait.ge [sflag:s29], $0x1  }
0xb4: {  	[sflag:s29] =	ssyncadd.s32 $0xFFFFFFFF  }
0xb5: {  	_ =	strace $0x9000004B  }
0xb6: {  	_ =	sfence  }
0xb7: {  	s30 =	sld [smem:$0x0];
	_ =	sdelay $0x2  }
0xb8: {  	s31 =	sshll.u32 s1, $0xD;
	s1 =	sshrl.u32 s1, $0x2  }
0xb9: {  	s3 =	sand.u32 $0x4000, s31;
	s1 =	sadd.s32 s1, s30  }
0xba: {  	s0 =	sor.u32 s3, s0;
	s1 =	sshll.u32 s1, $0x11  }
0xbb: {  	s0 =	sor.u32 s1, s0  }
0xbc: {  	s0 =	sadd.s32 $0x8F2B, s0  }
0xbd: {  	[sflag:s0] =	ssyncadd.remote.s32 $0x1  }
0xbe: {  	_ =	sfence.sel $0xFFFF  }
0xbf: {  	[dreg:$0x0] =	wrdreg $0xFFFFFFFF;
	(pc) =	sbr.abs _section_cstart, $3  }
0xc0: {  	[dreg:$0x1] =	wrdreg $0xFFFFFFFF  }
0xc1: {  	_ =	task.clear_ibuf [dreg:s6], $0x2FFFF;
	_ =	strace $0x9FFFFFFF  }
0xc2: {  	(tm) =	ssettm $0x7FFFFFFF  }
0xc3: {  	_ =	shalt  }
tec
execute0_lowered:
.L_overlay_start_1:
0x0: {  	(tag) =	ssettag $0x1  }
0x1: {  	s0 =	rddreg [dreg:$0x0]  }
0x2: {  	s2 =	rddreg [dreg:$0x1];
	s1 =	srdreg.scid  }
0x3: {  	s4 =	stileid.u32;
	s3 =	simm.s32 $0x0;
	s28 =	simm.s32 $0x4400  }
0x4: {  	s29 =	simm.s32 $0x1;
	s30 =	simm.s32 $0x180;
	s31 =	simm.s32 $0x380  }
0x5: {  	s1 =	sand.u32 $0x1, s1;
	s5 =	smul.u32 $0x2800, s4;
	[smem:$0x7FF] =	sst s3  }
0x6: {  	s7 =	sadd.s32 $0x5DC00, s0;
	s8 =	smul.u32 $0x50000, s4;
	s9 =	sadd.s32 $0x3C00, s0  }
0x7: {  	s4 =	sadd.s32 $0xDC00, s0;
	s6 =	smul.u32 $0x28000, s1;
	s1 =	ssub.s32 $0x2, s1  }
0x8: {  	_ =	strace $0x8000004A;
	s10 =	sshrl.u32 s1, $0x1;
	s8 =	sshrl.u32 s8, $0x2  }
0x9: {  	s6 =	sadd.s32 s5, s6;
	s1 =	ssub.s32 s1, s10;
	s5 =	sadd.s32 s8, s2  }
0xa: {  	s0 =	sadd.s32 s6, s0;
	s8 =	sadd.s32 $0x4000, s5;
	s11 =	sadd.s32 $0x8000, s5  }
0xb: {  	s12 =	sadd.s32 $0xC000, s5;
	s13 =	sadd.s32 $0x10000, s5;
	[dreg:$0xb] =	wrdreg s8  }
0xc: {  	s14 =	sshrl.u32 s6, $0x3;
	s10 =	sor.u32 $0x280, s6;
	[dreg:$0xc] =	wrdreg s11  }
0xd: {  	s19 =	sor.u32 $0x180, s6;
	s26 =	smax.u32 s1, $0x1;
	[dreg:$0xd] =	wrdreg s12  }
0xe: {  	s1 =	simm.s32 $0x9;
	[dreg:$0xe] =	wrdreg s13;
	s11 =	sadd.s32 s7, s14  }
0xf: {  	s15 =	sadd.s32 s9, s14;
	s10 =	sshrl.u32 s10, $0x3;
	s8 =	sor.u32 $0x10, s14  }
0x10: {  	s12 =	sor.u32 $0x200, s6;
	s21 =	sshrl.u32 s19, $0x3;
	[dreg:$0x14] =	wrdreg s26  }
0x11: {  	s6 =	sor.u32 $0x100, s6;
	s0 =	sadd.s32 $0x71C00, s0;
	[dreg:$0xf] =	wrdreg s11  }
0x12: {  	s26 =	simm.s32 $0x8;
	[dreg:$0x10] =	wrdreg s15;
	s16 =	sadd.s32 s10, s9  }
0x13: {  	s10 =	sadd.s32 s10, s7;
	s17 =	sshrl.u32 s12, $0x3;
	[dreg:$0x13] =	wrdreg s0  }
0x14: {  	s22 =	sadd.s32 s21, s9;
	s23 =	sadd.s32 s21, s7;
	[dreg:$0x3] =	wrdreg s16  }
0x15: {  	s6 =	sshrl.u32 s6, $0x3;
	s24 =	sadd.s32 s7, s8;
	[dreg:$0x4] =	wrdreg s10  }
0x16: {  	s8 =	sadd.s32 s9, s8;
	s21 =	simm.s32 $0x80;
	[dreg:$0x7] =	wrdreg s22  }
0x17: {  	s0 =	simm.s32 $0x5;
	s18 =	sadd.s32 s17, s9;
	[dreg:$0x11] =	wrdreg s24  }
0x18: {  	s20 =	sadd.s32 s17, s7;
	[dreg:$0x8] =	wrdreg s23;
	s25 =	sadd.s32 s6, s9  }
0x19: {  	[dreg:$0x12] =	wrdreg s8;
	s6 =	sadd.s32 s6, s7;
	s16 =	simm.s32 $0x400  }
0x1a: {  	s17 =	simm.s32 $0xB;
	s22 =	simm.s32 $0x280;
	[dreg:$0x5] =	wrdreg s18  }
0x1b: {  	s23 =	simm.s32 $0x100;
	s24 =	simm.s32 $0x300;
	[dreg:$0x6] =	wrdreg s20  }
0x1c: {  	s7 =	simm.s32 $0x6;
	s8 =	simm.s32 $0xA;
	[dreg:$0x9] =	wrdreg s25  }
0x1d: {  	s9 =	simm.s32 $0x0;
	[dreg:$0xa] =	wrdreg s6;
	s18 =	simm.s32 $0x200  }
0x1e: {  	v0 =	vimm.f32 $0.0e+00;
	s20 =	simm.s32 $0x7;
	s25 =	simm.s32 $0x4;
	s6 =	simm.s32 $0x2  }
.LBB2_1:
0x1f: {  	s10 =	simm.s32 $0x0;
	s11 =	simm.s32 $0x200  }
.LBB2_2:
0x20: {  	p0 =	sne.s32 s11, $0xFE00;
	[tilespmem:s10+$0x470] =	vst v0  }
0x21: {  	[tilespmem:s10+$0x400] =	vst v0  }
0x22: {  	[tilespmem:s10+$0x410] =	vst v0  }
.Ltmp0:
0x23: {  	[tilespmem:s10+$0x420] =	vst v0;
	(pc) =	sbr.rel @p0 .LBB2_2-.Ltmp0, $4  }
0x24: {  	[tilespmem:s10+$0x430] =	vst v0  }
0x25: {  	[tilespmem:s10+$0x440] =	vst v0  }
0x26: {  	[tilespmem:s10+$0x450] =	vst v0  }
0x27: {  	[tilespmem:s10+$0x460] =	vst v0;
	s10 =	sshra.s32 s11, $0x2;
	s11 =	sadd.s32 $0x200, s11  }
0x28: {  	[tilespmem:s10+$0x470] =	vst v0  }
0x29: {  	[tilespmem:s10+$0x400] =	vst v0  }
0x2a: {  	[tilespmem:s10+$0x410] =	vst v0  }
0x2b: {  	[tilespmem:s10+$0x420] =	vst v0  }
0x2c: {  	[tilespmem:s10+$0x430] =	vst v0  }
0x2d: {  	[tilespmem:s10+$0x440] =	vst v0  }
0x2e: {  	[tilespmem:s10+$0x450] =	vst v0  }
0x2f: {  	[tilespmem:s10+$0x460] =	vst v0  }
0x30: {  	[spmem:s5] =	stream.linear.scatter [tilespmem:s16], [sflag:$0xB], $0x4000, $0x38;
	[tilespmem:$0x1C400] =	vst v63  }
0x31: {  	_ =	swait.ge [sflag:s17], $0x4000  }
0x32: {  	[sflag:s17] =	ssyncset.done $0x0  }
0x33: {  	s15 =	rddreg [dreg:$0xb];
	[sflag:s17] =	ssyncadd.s32 $0xFFFFC000  }
0x34: {  	[spmem:s15] =	stream.linear.scatter [tilespmem:s16], [sflag:$0xB], $0x4000, $0x38;
	[tilespmem:$0x1C400] =	vst v63  }
0x35: {  	_ =	swait.ge [sflag:s17], $0x4000  }
0x36: {  	[sflag:s17] =	ssyncset.done $0x0  }
0x37: {  	s19 =	rddreg [dreg:$0xc];
	[sflag:s17] =	ssyncadd.s32 $0xFFFFC000  }
0x38: {  	[spmem:s19] =	stream.linear.scatter [tilespmem:s16], [sflag:$0xB], $0x4000, $0x38;
	[tilespmem:$0x1C400] =	vst v63  }
0x39: {  	_ =	swait.ge [sflag:s17], $0x4000  }
0x3a: {  	[sflag:s17] =	ssyncset.done $0x0  }
0x3b: {  	s11 =	rddreg [dreg:$0xd];
	[sflag:s17] =	ssyncadd.s32 $0xFFFFC000  }
0x3c: {  	[spmem:s11] =	stream.linear.scatter [tilespmem:s16], [sflag:$0xB], $0x4000, $0x38;
	[tilespmem:$0x1C400] =	vst v63  }
0x3d: {  	_ =	swait.ge [sflag:s17], $0x4000  }
0x3e: {  	[sflag:s17] =	ssyncset.done $0x0  }
0x3f: {  	s12 =	rddreg [dreg:$0xe];
	[sflag:s17] =	ssyncadd.s32 $0xFFFFC000  }
0x40: {  	[spmem:s12] =	stream.linear.scatter [tilespmem:s16], [sflag:$0xB], $0x4000, $0x38;
	[tilespmem:$0x1C400] =	vst v63  }
0x41: {  	_ =	swait.ge [sflag:s17], $0x4000  }
0x42: {  	[sflag:s17] =	ssyncset.done $0x0  }
0x43: {  	[sflag:s17] =	ssyncadd.s32 $0xFFFFC000  }
0x44: {  	[bflag:$0x0] =	sbarrier.arrive $0xFFFF  }
0x45: {  	s10 =	simm.s32 $0x0;
	s11 =	rddreg [dreg:$0xf]  }
0x46: {  	[tilespmem:s10], [sflag:$0x3] =	stream.linear.gather [hbm4b:s11+s10], $0x80, $0x38;
	[tilespmem:$0x1C400] =	vst v63  }
0x47: {  	s14 =	simm.s32 $0x3;
	s13 =	rddreg [dreg:$0x10]  }
0x48: {  	[tilespmem:s18], [sflag:$0x7] =	stream.linear.gather [hbm4b:s13+s10], $0x80, $0x38;
	[tilespmem:$0x1C400] =	vst v63  }
0x49: {  	_ =	swait.ge [sflag:s14], $0x80  }
0x4a: {  	[sflag:s14] =	ssyncset.done $0x0  }
0x4b: {  	[sflag:s14] =	ssyncadd.s32 $0xFFFFFF80  }
0x4c: {  	_ =	swait.ge [sflag:s20], $0x80  }
0x4d: {  	[sflag:s20] =	ssyncset.done $0x0  }
0x4e: {  	s15 =	rddreg [dreg:$0x11];
	[sflag:s20] =	ssyncadd.s32 $0xFFFFFF80  }
0x4f: {  	[tilespmem:s16], [sflag:$0x1] =	stream.indirect.gather [hbm4b:s4+s21], $0x80, s10, s21, $0xb8;
	[tilespmem:$0x1C400] =	vst v63  }
0x50: {  	s19 =	rddreg [dreg:$0xa]  }
0x51: {  	[tilespmem:s21], [sflag:$0x4] =	stream.linear.gather [hbm4b:s15+s10], $0x80, $0x38;
	[tilespmem:$0x1C400] =	vst v63  }
0x52: {  	s12 =	rddreg [dreg:$0x12]  }
0x53: {  	[tilespmem:s22], [sflag:$0x8] =	stream.linear.gather [hbm4b:s12+s10], $0x80, $0x38;
	[tilespmem:$0x1C400] =	vst v63  }
0x54: {  	s13 =	rddreg [dreg:$0x9];
	s11 =	sadd.s32 $0x0, s19  }
0x55: {  	[tilespmem:s23], [sflag:$0x5] =	stream.linear.gather [hbm4b:s11+s3], $0x80, $0x38;
	[tilespmem:$0x1C400] =	vst v63  }
0x56: {  	s10 =	sadd.s32 $0x0, s13  }
0x57: {  	[tilespmem:s24], [sflag:$0x9] =	stream.linear.gather [hbm4b:s10+s3], $0x80, $0x38;
	[tilespmem:$0x1C400] =	vst v63  }
0x58: {  	_ =	swait.ge [sflag:s25], $0x80  }
0x59: {  	[sflag:s25] =	ssyncset.done $0x0  }
0x5a: {  	[sflag:s25] =	ssyncadd.s32 $0xFFFFFF80  }
0x5b: {  	_ =	swait.ge [sflag:s26], $0x80  }
0x5c: {  	[sflag:s26] =	ssyncset.done $0x0  }
0x5d: {  	[sflag:s26] =	ssyncadd.s32 $0xFFFFFF80  }
0x5e: {  	[tilespmem:s28], [sflag:$0x2] =	stream.indirect.gather [hbm4b:s4+s21], $0x80, s21, s21, $0xb8;
	[tilespmem:$0x1C400] =	vst v63  }
0x5f: {  	_ =	swait.ge [sflag:s29], $0x4000  }
0x60: {  	[sflag:s29] =	ssyncset.done $0x0  }
0x61: {  	[sflag:s29] =	ssyncadd.s32 $0xFFFFC000  }
0x62: {  	[spmem:s2] =	stream.indirect.scatter.add.f32 [tilespmem:s16], [sflag:$0xB], $0x80, s18, s21, $0xb8;
	[tilespmem:$0x1C400] =	vst v63  }
0x63: {  	_ =	swait.ge [sflag:s17], $0x4000  }
0x64: {  	s14 =	rddreg [dreg:$0x8];
	[sflag:s17] =	ssyncset.done $0x0  }
0x65: {  	s15 =	rddreg [dreg:$0x7];
	[sflag:s17] =	ssyncadd.s32 $0xFFFFC000;
	s10 =	sadd.s32 $0x0, s14  }
0x66: {  	[tilespmem:s30], [sflag:$0x6] =	stream.linear.gather [hbm4b:s10+s3], $0x80, $0x38;
	[tilespmem:$0x1C400] =	vst v63  }
0x67: {  	s19 =	sadd.s32 $0x0, s15  }
0x68: {  	[tilespmem:s31], [sflag:$0xA] =	stream.linear.gather [hbm4b:s19+s3], $0x80, $0x38;
	[tilespmem:$0x1C400] =	vst v63  }
0x69: {  	_ =	swait.ge [sflag:s0], $0x80  }
0x6a: {  	[sflag:s0] =	ssyncset.done $0x0  }
0x6b: {  	[sflag:s0] =	ssyncadd.s32 $0xFFFFFF80  }
0x6c: {  	_ =	swait.ge [sflag:s1], $0x80  }
0x6d: {  	[sflag:s1] =	ssyncset.done $0x0  }
0x6e: {  	[sflag:s1] =	ssyncadd.s32 $0xFFFFFF80  }
0x6f: {  	[tilespmem:s16], [sflag:$0x1] =	stream.indirect.gather [hbm4b:s4+s21], $0x80, s23, s21, $0xb8;
	[tilespmem:$0x1C400] =	vst v63  }
0x70: {  	_ =	swait.ge [sflag:s6], $0x4000  }
0x71: {  	[sflag:s6] =	ssyncset.done $0x0  }
0x72: {  	[sflag:s6] =	ssyncadd.s32 $0xFFFFC000  }
0x73: {  	[spmem:s2] =	stream.indirect.scatter.add.f32 [tilespmem:s28], [sflag:$0xB], $0x80, s22, s21, $0xb8;
	[tilespmem:$0x1C400] =	vst v63  }
0x74: {  	p0 =	por $0x0, $0x0;
	_ =	swait.ge [sflag:s17], $0x4000  }
0x75: {  	s12 =	simm.s32 @!p0 $0x0;
	s10 =	rddreg [dreg:$0x6];
	[sflag:s17] =	ssyncset.done $0x0  }
0x76: {  	s11 =	rddreg [dreg:$0x5];
	[sflag:s17] =	ssyncadd.s32 $0xFFFFC000;
	s10 =	sadd.s32 @!p0 $0x0, s10  }
0x77: {  	[tilespmem:s12], [sflag:$0x3] =	stream.linear.gather @!p0 [hbm4b:s10+s12], $0x80, $0x38;
	[tilespmem:$0x1C400] =	vst v63  }
0x78: {  	s10 =	sadd.s32 @!p0 $0x0, s11;
	s11 =	simm.s32 @!p0 $0x200  }
0x79: {  	[tilespmem:s11], [sflag:$0x7] =	stream.linear.gather @!p0 [hbm4b:s10+s12], $0x80, $0x38;
	[tilespmem:$0x1C400] =	vst v63  }
0x7a: {  	_ =	swait.ge [sflag:s7], $0x80  }
0x7b: {  	[sflag:s7] =	ssyncset.done $0x0  }
0x7c: {  	[sflag:s7] =	ssyncadd.s32 $0xFFFFFF80  }
0x7d: {  	_ =	swait.ge [sflag:s8], $0x80  }
0x7e: {  	[sflag:s8] =	ssyncset.done $0x0  }
0x7f: {  	[sflag:s8] =	ssyncadd.s32 $0xFFFFFF80  }
0x80: {  	[tilespmem:s28], [sflag:$0x2] =	stream.indirect.gather [hbm4b:s4+s21], $0x80, s30, s21, $0xb8;
	[tilespmem:$0x1C400] =	vst v63  }
0x81: {  	_ =	swait.ge [sflag:s29], $0x4000  }
0x82: {  	[sflag:s29] =	ssyncset.done $0x0  }
0x83: {  	[sflag:s29] =	ssyncadd.s32 $0xFFFFC000  }
0x84: {  	[spmem:s2] =	stream.indirect.scatter.add.f32 [tilespmem:s16], [sflag:$0xB], $0x80, s24, s21, $0xb8;
	[tilespmem:$0x1C400] =	vst v63  }
0x85: {  	_ =	swait.ge [sflag:s17], $0x4000  }
0x86: {  	s13 =	simm.s32 @!p0 $0x80;
	s10 =	rddreg [dreg:$0x4];
	[sflag:s17] =	ssyncset.done $0x0  }
0x87: {  	s11 =	rddreg [dreg:$0x3];
	[sflag:s17] =	ssyncadd.s32 $0xFFFFC000;
	s10 =	sadd.s32 @!p0 $0x0, s10  }
0x88: {  	[tilespmem:s13], [sflag:$0x4] =	stream.linear.gather @!p0 [hbm4b:s10+s12], $0x80, $0x38;
	[tilespmem:$0x1C400] =	vst v63  }
0x89: {  	s10 =	sadd.s32 @!p0 $0x0, s11;
	s11 =	simm.s32 @!p0 $0x280  }
0x8a: {  	[tilespmem:s11], [sflag:$0x8] =	stream.linear.gather @!p0 [hbm4b:s10+s12], $0x80, $0x38;
	[tilespmem:$0x1C400] =	vst v63  }
0x8b: {  	s10 =	simm.s32 @!p0 $0x3  }
0x8c: {  	_ =	swait.ge @!p0 [sflag:s10], $0x80  }
0x8d: {  	[sflag:s10] =	ssyncset.done @!p0 $0x0  }
0x8e: {  	[sflag:s10] =	ssyncadd.s32 @!p0 $0xFFFFFF80;
	s10 =	simm.s32 @!p0 $0x7  }
0x8f: {  	_ =	swait.ge @!p0 [sflag:s10], $0x80  }
0x90: {  	[sflag:s10] =	ssyncset.done @!p0 $0x0  }
0x91: {  	[sflag:s10] =	ssyncadd.s32 @!p0 $0xFFFFFF80;
	s10 =	simm.s32 @!p0 $0x400  }
0x92: {  	[tilespmem:s10], [sflag:$0x1] =	stream.indirect.gather @!p0 [hbm4b:s4+s13], $0x80, s12, s13, $0xb8;
	[tilespmem:$0x1C400] =	vst v63  }
0x93: {  	_ =	swait.ge [sflag:s6], $0x4000  }
0x94: {  	[sflag:s6] =	ssyncset.done $0x0  }
0x95: {  	[sflag:s6] =	ssyncadd.s32 $0xFFFFC000  }
0x96: {  	[spmem:s2] =	stream.indirect.scatter.add.f32 [tilespmem:s28], [sflag:$0xB], $0x80, s31, s21, $0xb8;
	[tilespmem:$0x1C400] =	vst v63  }
0x97: {  	s11 =	simm.s32 $0x80;
	_ =	swait.ge [sflag:s17], $0x4000  }
0x98: {  	s10 =	simm.s32 $0x40;
	s13 =	rddreg [dreg:$0xa];
	[sflag:s17] =	ssyncset.done $0x0  }
.LBB2_4:
0x99: {  	[sflag:s17] =	ssyncadd.s32 $0xFFFFC000;
	s14 =	rddreg [dreg:$0x9];
	s13 =	sadd.s32 s10, s13  }
0x9a: {  	[tilespmem:s23], [sflag:$0x5] =	stream.linear.gather [hbm4b:s13+s3], $0x80, $0x38;
	[tilespmem:$0x1C400] =	vst v63  }
0x9b: {  	s19 =	sadd.s32 s10, s14  }
0x9c: {  	[tilespmem:s24], [sflag:$0x9] =	stream.linear.gather [hbm4b:s19+s3], $0x80, $0x38;
	[tilespmem:$0x1C400] =	vst v63  }
0x9d: {  	_ =	swait.ge [sflag:s25], $0x80  }
0x9e: {  	[sflag:s25] =	ssyncset.done $0x0  }
0x9f: {  	[sflag:s25] =	ssyncadd.s32 $0xFFFFFF80  }
0xa0: {  	_ =	swait.ge [sflag:s26], $0x80  }
0xa1: {  	[sflag:s26] =	ssyncset.done $0x0  }
0xa2: {  	[sflag:s26] =	ssyncadd.s32 $0xFFFFFF80  }
0xa3: {  	[tilespmem:s28], [sflag:$0x2] =	stream.indirect.gather [hbm4b:s4+s21], $0x80, s21, s21, $0xb8;
	[tilespmem:$0x1C400] =	vst v63  }
0xa4: {  	_ =	swait.ge [sflag:s29], $0x4000  }
0xa5: {  	[sflag:s29] =	ssyncset.done $0x0  }
0xa6: {  	[sflag:s29] =	ssyncadd.s32 $0xFFFFC000  }
0xa7: {  	[spmem:s2] =	stream.indirect.scatter.add.f32 [tilespmem:s16], [sflag:$0xB], $0x80, s18, s21, $0xb8;
	[tilespmem:$0x1C400] =	vst v63  }
0xa8: {  	_ =	swait.ge [sflag:s17], $0x4000  }
0xa9: {  	s14 =	rddreg [dreg:$0x8];
	[sflag:s17] =	ssyncset.done $0x0  }
0xaa: {  	s15 =	rddreg [dreg:$0x7];
	[sflag:s17] =	ssyncadd.s32 $0xFFFFC000;
	s13 =	sadd.s32 s10, s14  }
0xab: {  	[tilespmem:s30], [sflag:$0x6] =	stream.linear.gather [hbm4b:s13+s3], $0x80, $0x38;
	[tilespmem:$0x1C400] =	vst v63  }
0xac: {  	s19 =	sadd.s32 s10, s15  }
0xad: {  	[tilespmem:s31], [sflag:$0xA] =	stream.linear.gather [hbm4b:s19+s3], $0x80, $0x38;
	[tilespmem:$0x1C400] =	vst v63  }
0xae: {  	_ =	swait.ge [sflag:s0], $0x80  }
0xaf: {  	[sflag:s0] =	ssyncset.done $0x0  }
0xb0: {  	[sflag:s0] =	ssyncadd.s32 $0xFFFFFF80  }
0xb1: {  	_ =	swait.ge [sflag:s1], $0x80  }
0xb2: {  	[sflag:s1] =	ssyncset.done $0x0  }
0xb3: {  	[sflag:s1] =	ssyncadd.s32 $0xFFFFFF80  }
0xb4: {  	[tilespmem:s16], [sflag:$0x1] =	stream.indirect.gather [hbm4b:s4+s21], $0x80, s23, s21, $0xb8;
	[tilespmem:$0x1C400] =	vst v63  }
0xb5: {  	_ =	swait.ge [sflag:s6], $0x4000  }
0xb6: {  	[sflag:s6] =	ssyncset.done $0x0  }
0xb7: {  	[sflag:s6] =	ssyncadd.s32 $0xFFFFC000  }
0xb8: {  	[spmem:s2] =	stream.indirect.scatter.add.f32 [tilespmem:s28], [sflag:$0xB], $0x80, s22, s21, $0xb8;
	[tilespmem:$0x1C400] =	vst v63  }
0xb9: {  	_ =	swait.ge [sflag:s17], $0x4000  }
0xba: {  	s13 =	rddreg [dreg:$0x6]  }
0xbb: {  	p1 =	seq.s32 s10, $0x4C0;
	[sflag:s17] =	ssyncset.done $0x0;
	s14 =	rddreg [dreg:$0x5]  }
0xbc: {  	[sflag:s17] =	ssyncadd.s32 $0xFFFFC000;
	s15 =	sadd.s32 @!p1 s10, s13;
	s13 =	simm.s32 @!p1 $0x0  }
0xbd: {  	[tilespmem:s13], [sflag:$0x3] =	stream.linear.gather @!p1 [hbm4b:s15+s13], $0x80, $0x38;
	[tilespmem:$0x1C400] =	vst v63  }
0xbe: {  	s14 =	sadd.s32 @!p1 s10, s14;
	s15 =	simm.s32 @!p1 $0x200  }
0xbf: {  	[tilespmem:s15], [sflag:$0x7] =	stream.linear.gather @!p1 [hbm4b:s14+s13], $0x80, $0x38;
	[tilespmem:$0x1C400] =	vst v63  }
0xc0: {  	_ =	swait.ge [sflag:s7], $0x80  }
0xc1: {  	[sflag:s7] =	ssyncset.done $0x0  }
0xc2: {  	[sflag:s7] =	ssyncadd.s32 $0xFFFFFF80  }
0xc3: {  	_ =	swait.ge [sflag:s8], $0x80  }
0xc4: {  	[sflag:s8] =	ssyncset.done $0x0  }
0xc5: {  	[sflag:s8] =	ssyncadd.s32 $0xFFFFFF80  }
0xc6: {  	[tilespmem:s28], [sflag:$0x2] =	stream.indirect.gather [hbm4b:s4+s21], $0x80, s30, s21, $0xb8;
	[tilespmem:$0x1C400] =	vst v63  }
0xc7: {  	_ =	swait.ge [sflag:s29], $0x4000  }
0xc8: {  	[sflag:s29] =	ssyncset.done $0x0  }
0xc9: {  	[sflag:s29] =	ssyncadd.s32 $0xFFFFC000  }
0xca: {  	[spmem:s2] =	stream.indirect.scatter.add.f32 [tilespmem:s16], [sflag:$0xB], $0x80, s24, s21, $0xb8;
	[tilespmem:$0x1C400] =	vst v63  }
0xcb: {  	_ =	swait.ge [sflag:s17], $0x4000  }
0xcc: {  	s19 =	simm.s32 @!p1 $0x80;
	s14 =	rddreg [dreg:$0x4];
	[sflag:s17] =	ssyncset.done $0x0  }
0xcd: {  	s15 =	rddreg [dreg:$0x3];
	[sflag:s17] =	ssyncadd.s32 $0xFFFFC000;
	s14 =	sadd.s32 @!p1 s10, s14  }
0xce: {  	[tilespmem:s19], [sflag:$0x4] =	stream.linear.gather @!p1 [hbm4b:s14+s13], $0x80, $0x38;
	[tilespmem:$0x1C400] =	vst v63  }
0xcf: {  	s10 =	sadd.s32 @!p1 s10, s15;
	s15 =	simm.s32 @!p1 $0x3;
	s14 =	simm.s32 @!p1 $0x280  }
0xd0: {  	[tilespmem:s14], [sflag:$0x8] =	stream.linear.gather @!p1 [hbm4b:s10+s13], $0x80, $0x38;
	[tilespmem:$0x1C400] =	vst v63  }
0xd1: {  	_ =	swait.ge @!p1 [sflag:s15], $0x80  }
0xd2: {  	s12 =	smov.u32 s11;
	[sflag:s15] =	ssyncset.done @!p1 $0x0  }
0xd3: {  	s10 =	smov.u32 s12;
	s12 =	simm.s32 @!p1 $0x7;
	[sflag:s15] =	ssyncadd.s32 @!p1 $0xFFFFFF80  }
0xd4: {  	_ =	swait.ge @!p1 [sflag:s12], $0x80  }
0xd5: {  	[sflag:s12] =	ssyncset.done @!p1 $0x0  }
0xd6: {  	s11 =	sadd.s32 $0x40, s11;
	[sflag:s12] =	ssyncadd.s32 @!p1 $0xFFFFFF80;
	s12 =	simm.s32 @!p1 $0x400  }
0xd7: {  	[tilespmem:s12], [sflag:$0x1] =	stream.indirect.gather @!p1 [hbm4b:s4+s19], $0x80, s13, s19, $0xb8;
	[tilespmem:$0x1C400] =	vst v63  }
0xd8: {  	p0 =	sne.s32 s11, $0x500;
	_ =	swait.ge [sflag:s6], $0x4000  }
.Ltmp1:
0xd9: {  	[sflag:s6] =	ssyncset.done $0x0;
	(pc) =	sbr.rel @p0 .LBB2_4-.Ltmp1, $4  }
0xda: {  	[sflag:s6] =	ssyncadd.s32 $0xFFFFC000  }
0xdb: {  	[spmem:s2] =	stream.indirect.scatter.add.f32 [tilespmem:s28], [sflag:$0xB], $0x80, s31, s21, $0xb8;
	[tilespmem:$0x1C400] =	vst v63  }
0xdc: {  	_ =	swait.ge [sflag:s17], $0x4000  }
0xdd: {  	s13 =	rddreg [dreg:$0xa];
	[sflag:s17] =	ssyncset.done $0x0  }
0xde: {  	s11 =	rddreg [dreg:$0x9];
	[sflag:s17] =	ssyncadd.s32 $0xFFFFC000;
	s12 =	sadd.s32 s10, s13  }
0xdf: {  	[tilespmem:s23], [sflag:$0x5] =	stream.linear.gather [hbm4b:s12+s3], $0x80, $0x38;
	[tilespmem:$0x1C400] =	vst v63  }
0xe0: {  	s11 =	sadd.s32 s10, s11  }
0xe1: {  	[tilespmem:s24], [sflag:$0x9] =	stream.linear.gather [hbm4b:s11+s3], $0x80, $0x38;
	[tilespmem:$0x1C400] =	vst v63  }
0xe2: {  	_ =	swait.ge [sflag:s25], $0x80  }
0xe3: {  	[sflag:s25] =	ssyncset.done $0x0  }
0xe4: {  	[sflag:s25] =	ssyncadd.s32 $0xFFFFFF80  }
0xe5: {  	_ =	swait.ge [sflag:s26], $0x80  }
0xe6: {  	[sflag:s26] =	ssyncset.done $0x0  }
0xe7: {  	[sflag:s26] =	ssyncadd.s32 $0xFFFFFF80  }
0xe8: {  	[tilespmem:s28], [sflag:$0x2] =	stream.indirect.gather [hbm4b:s4+s21], $0x80, s21, s21, $0xb8;
	[tilespmem:$0x1C400] =	vst v63  }
0xe9: {  	_ =	swait.ge [sflag:s29], $0x4000  }
0xea: {  	[sflag:s29] =	ssyncset.done $0x0  }
0xeb: {  	[sflag:s29] =	ssyncadd.s32 $0xFFFFC000  }
0xec: {  	[spmem:s2] =	stream.indirect.scatter.add.f32 [tilespmem:s16], [sflag:$0xB], $0x80, s18, s21, $0xb8;
	[tilespmem:$0x1C400] =	vst v63  }
0xed: {  	_ =	swait.ge [sflag:s17], $0x4000  }
0xee: {  	s15 =	rddreg [dreg:$0x8];
	[sflag:s17] =	ssyncset.done $0x0  }
0xef: {  	s19 =	rddreg [dreg:$0x7];
	[sflag:s17] =	ssyncadd.s32 $0xFFFFC000;
	s11 =	sadd.s32 s10, s15  }
0xf0: {  	[tilespmem:s30], [sflag:$0x6] =	stream.linear.gather [hbm4b:s11+s3], $0x80, $0x38;
	[tilespmem:$0x1C400] =	vst v63  }
0xf1: {  	s12 =	sadd.s32 s10, s19  }
0xf2: {  	[tilespmem:s31], [sflag:$0xA] =	stream.linear.gather [hbm4b:s12+s3], $0x80, $0x38;
	[tilespmem:$0x1C400] =	vst v63  }
0xf3: {  	_ =	swait.ge [sflag:s0], $0x80  }
0xf4: {  	[sflag:s0] =	ssyncset.done $0x0  }
0xf5: {  	[sflag:s0] =	ssyncadd.s32 $0xFFFFFF80  }
0xf6: {  	_ =	swait.ge [sflag:s1], $0x80  }
0xf7: {  	[sflag:s1] =	ssyncset.done $0x0  }
0xf8: {  	[sflag:s1] =	ssyncadd.s32 $0xFFFFFF80  }
0xf9: {  	[tilespmem:s16], [sflag:$0x1] =	stream.indirect.gather [hbm4b:s4+s21], $0x80, s23, s21, $0xb8;
	[tilespmem:$0x1C400] =	vst v63  }
0xfa: {  	_ =	swait.ge [sflag:s6], $0x4000  }
0xfb: {  	[sflag:s6] =	ssyncset.done $0x0  }
0xfc: {  	[sflag:s6] =	ssyncadd.s32 $0xFFFFC000  }
0xfd: {  	[spmem:s2] =	stream.indirect.scatter.add.f32 [tilespmem:s28], [sflag:$0xB], $0x80, s22, s21, $0xb8;
	[tilespmem:$0x1C400] =	vst v63  }
0xfe: {  	p0 =	seq.s32 s10, $0x4C0;
	_ =	swait.ge [sflag:s17], $0x4000  }
0xff: {  	s13 =	simm.s32 @!p0 $0x0;
	s11 =	rddreg [dreg:$0x6];
	[sflag:s17] =	ssyncset.done $0x0  }
0x100: {  	s12 =	rddreg [dreg:$0x5];
	[sflag:s17] =	ssyncadd.s32 $0xFFFFC000;
	s11 =	sadd.s32 @!p0 s10, s11  }
0x101: {  	[tilespmem:s13], [sflag:$0x3] =	stream.linear.gather @!p0 [hbm4b:s11+s13], $0x80, $0x38;
	[tilespmem:$0x1C400] =	vst v63  }
0x102: {  	s11 =	sadd.s32 @!p0 s10, s12;
	s12 =	simm.s32 @!p0 $0x200  }
0x103: {  	[tilespmem:s12], [sflag:$0x7] =	stream.linear.gather @!p0 [hbm4b:s11+s13], $0x80, $0x38;
	[tilespmem:$0x1C400] =	vst v63  }
0x104: {  	_ =	swait.ge [sflag:s7], $0x80  }
0x105: {  	[sflag:s7] =	ssyncset.done $0x0  }
0x106: {  	[sflag:s7] =	ssyncadd.s32 $0xFFFFFF80  }
0x107: {  	_ =	swait.ge [sflag:s8], $0x80  }
0x108: {  	[sflag:s8] =	ssyncset.done $0x0  }
0x109: {  	[sflag:s8] =	ssyncadd.s32 $0xFFFFFF80  }
0x10a: {  	[tilespmem:s28], [sflag:$0x2] =	stream.indirect.gather [hbm4b:s4+s21], $0x80, s30, s21, $0xb8;
	[tilespmem:$0x1C400] =	vst v63  }
0x10b: {  	_ =	swait.ge [sflag:s29], $0x4000  }
0x10c: {  	[sflag:s29] =	ssyncset.done $0x0  }
0x10d: {  	[sflag:s29] =	ssyncadd.s32 $0xFFFFC000  }
0x10e: {  	[spmem:s2] =	stream.indirect.scatter.add.f32 [tilespmem:s16], [sflag:$0xB], $0x80, s24, s21, $0xb8;
	[tilespmem:$0x1C400] =	vst v63  }
0x10f: {  	_ =	swait.ge [sflag:s17], $0x4000  }
0x110: {  	s14 =	simm.s32 @!p0 $0x80;
	s11 =	rddreg [dreg:$0x4];
	[sflag:s17] =	ssyncset.done $0x0  }
0x111: {  	s12 =	rddreg [dreg:$0x3];
	[sflag:s17] =	ssyncadd.s32 $0xFFFFC000;
	s11 =	sadd.s32 @!p0 s10, s11  }
0x112: {  	[tilespmem:s14], [sflag:$0x4] =	stream.linear.gather @!p0 [hbm4b:s11+s13], $0x80, $0x38;
	[tilespmem:$0x1C400] =	vst v63  }
0x113: {  	s10 =	sadd.s32 @!p0 s10, s12;
	s11 =	simm.s32 @!p0 $0x280  }
0x114: {  	[tilespmem:s11], [sflag:$0x8] =	stream.linear.gather @!p0 [hbm4b:s10+s13], $0x80, $0x38;
	[tilespmem:$0x1C400] =	vst v63  }
0x115: {  	s10 =	simm.s32 @!p0 $0x3  }
0x116: {  	_ =	swait.ge @!p0 [sflag:s10], $0x80  }
0x117: {  	[sflag:s10] =	ssyncset.done @!p0 $0x0  }
0x118: {  	[sflag:s10] =	ssyncadd.s32 @!p0 $0xFFFFFF80;
	s10 =	simm.s32 @!p0 $0x7  }
0x119: {  	_ =	swait.ge @!p0 [sflag:s10], $0x80  }
0x11a: {  	[sflag:s10] =	ssyncset.done @!p0 $0x0  }
0x11b: {  	[sflag:s10] =	ssyncadd.s32 @!p0 $0xFFFFFF80;
	s10 =	simm.s32 @!p0 $0x400  }
0x11c: {  	[tilespmem:s10], [sflag:$0x1] =	stream.indirect.gather @!p0 [hbm4b:s4+s14], $0x80, s13, s14, $0xb8;
	[tilespmem:$0x1C400] =	vst v63  }
0x11d: {  	_ =	swait.ge [sflag:s6], $0x4000  }
0x11e: {  	[sflag:s6] =	ssyncset.done $0x0  }
0x11f: {  	[sflag:s6] =	ssyncadd.s32 $0xFFFFC000  }
0x120: {  	[spmem:s2] =	stream.indirect.scatter.add.f32 [tilespmem:s28], [sflag:$0xB], $0x80, s31, s21, $0xb8;
	[tilespmem:$0x1C400] =	vst v63  }
0x121: {  	_ =	swait.ge [sflag:s17], $0x4000  }
0x122: {  	[sflag:s17] =	ssyncset.done $0x0  }
0x123: {  	s13 =	stileid.u32;
	[sflag:s17] =	ssyncadd.s32 $0xFFFFC000  }
0x124: {  	s10 =	sshll.u32 s13, $0x6;
	[bflag:$0x0] =	sbarrier.arrive $0xFFFF  }
0x125: {  	s14 =	sshrl.u32 s5, $0x3;
	s10 =	sor.u32 $0x1C0B, s10;
	s15 =	rddreg [dreg:$0x13]  }
0x126: {  	[hbm:s15], [sflag:s10] =	dma.local [spmem:s14], $0x2800  }
0x127: {  	_ =	swait.ge [sflag:s17], $0x2800  }
0x128: {  	s9 =	sadd.s32 $0x1, s9;
	s19 =	rddreg [dreg:$0x14]  }
0x129: {  	p0 =	sne.s32 s9, s19  }
.Ltmp2:
0x12a: {  	_ = 	snop;
	(pc) =	sbr.rel @p0 .LBB2_1-.Ltmp2, $3  }
0x12b: {  	_ =	sdelay $0x1  }
0x12c: {  	[sflag:s17] =	ssyncset.done $0x0  }
0x12d: {  	[sflag:s17] =	ssyncadd.s32 $0xFFFFD800  }
0x12e: {  	_ =	sfence.sel $0x180000  }
0x12f: {  	[bflag:$0x0] =	sbarrier.arrive $0xFFFF  }
0x130: {  	_ =	strace $0x9000004A  }
0x131: {  	s0 =	stileid.u32;
	[bflag:$0x2] =	sbarrier.arrive $0xFFFF  }
0x132: {  	p0 =	sne.s32 s0, $0x0;
	s0 =	rddreg [dreg:$0x2]  }
0x133: {  	s0 =	sadd.s32 @!p0 $0x100000, s0  }
0x134: {  	[sflag:s0] =	ssyncadd.tile.s32 @!p0 $0x1;
	_ =	shalt  }
.Lfunc_end2:
_tile_overlayer_lowered:
.L_overlay_start_2:
0x135: {  	(tag) =	ssettag $0x2  }
0x136: {  	s0 =	rddreg [dreg:$0x0];
	s2 =	stileid.u32  }
0x137: {  	s1 =	rddreg [dreg:$0x1];
	p0 =	sne.s32 s2, $0x0  }
0x138: {  	s3 =	rddreg [dreg:$0x2];
	[bflag:$0x3] =	sbarrier.arrive $0xFFFF;
	s2 =	simm.s32 @!p0 $0x1C0B  }
0x139: {  	[timem:s3], [sflag:s2] =	dma.local @!p0 [hbm:s0], s1  }
0x13a: {  	s0 =	simm.s32 @!p0 $0xB  }
0x13b: {  	_ =	swait.ge @!p0 [sflag:s0], s1  }
0x13c: {  	s1 =	ssub.s32 @!p0 $0x0, s1;
	[sflag:s0] =	ssyncset.done @!p0 $0x0  }
0x13d: {  	[sflag:s0] =	ssyncadd.s32 @!p0 s1  }
0x13e: {  	[bflag:$0x3] =	sbarrier.arrive $0xFFFF  }
0x13f: {  	_ =	shalt  }

// kernel: kernel.16.cloned.1.call-start
scs
__scs_entry_jumppad:
0x0: {  	(pc) =	sbr.rel $0x88, $3  }
0x1: {  	(tag) =	ssettag $0x0;
	lr =	simm.s32 $0x1  }
0x2: {  	[smem:$0x3F93] =	sst lr;
	_ =	strace $0xD0000000  }
0x3: {  	_ = 	snop  }
0x4: {  	_ = 	snop  }
0x5: {  	_ = 	snop  }
0x6: {  	_ = 	snop  }
0x7: {  	_ = 	snop  }
__scs_overlays_trampoline_lowered:
0x8: {  	[smem:$0x3FA2] =	sst s0  }
0x9: {  	[smem:$0x3FA3] =	sst s1  }
0xa: {  	[smem:$0x3FA4] =	sst s2  }
0xb: {  	[smem:$0x3FA5] =	sst s3  }
0xc: {  	[smem:$0x3FA6] =	sst s4  }
0xd: {  	[smem:$0x3FA7] =	sst s5  }
0xe: {  	[smem:$0x3FA8] =	sst s6  }
0xf: {  	[smem:$0x3FA9] =	sst s7  }
0x10: {  	[smem:$0x3FAA] =	sst s8  }
0x11: {  	[smem:$0x3FAB] =	sst s9;
	s0 =	simm.s32 @!p0 $0x0  }
0x12: {  	s1 =	sld [smem:$0x3F91];
	s0 =	simm.s32 @p0 $0x1  }
0x13: {  	[smem:$0x3FAC] =	sst s0;
	s0 =	simm.s32 @!p1 $0x0  }
0x14: {  	s2 =	sld [smem:$0x3F90];
	s0 =	simm.s32 @p1 $0x1  }
0x15: {  	[smem:$0x3FAD] =	sst s0;
	s0 =	simm.s32 @!p2 $0x0  }
0x16: {  	s3 =	sld [smem:$0x3FDB];
	s0 =	simm.s32 @p2 $0x1  }
0x17: {  	s4 =	simm.s32 $0x1BF5;
	[smem:$0x3FAF] =	sst s0  }
0x18: {  	s0 =	sld [smem:$0x3F92];
	_ =	swait.ge [sflag:s4], $0x0  }
0x19: {  	s7 =	sld [smem:$0x3F93]  }
0x1a: {  	s8 =	sadd.s32 $0xFFFFE003, lr  }
0x1b: {  	s9 =	sadd.s32 $0xFFFFFEF7, lr;
	s5 =	simm.s32 $0xFFFFFFFF;
	p2 =	slt.u32 s8, $0xFFFFF086  }
0x1c: {  	p1 =	slt.u32 s9, $0xF7A;
	s5 =	simm.s32 @!p2 $0x0  }
0x1d: {  	s5 =	simm.s32 @p1 $0x1;
	p0 =	seq.s32 s7, s2  }
0x1e: {  	s7 =	smul.u32 @!p0 $0xF7A, s2;
	p2 =	seq.s32 @!p0 s5, $0x0  }
0x1f: {  	s9 =	smul.u32 $0xF7A, s1;
	s8 =	simm.s32 @!p0 $0x1BF5;
	p2 =	por !p2, p0  }
0x20: {  	[sflag:s8] =	ssyncset.s32 @!p0 $0xFFFFF086;
	s6 =	sadd.s32 @!p0 s3, s7;
	s7 =	simm.s32 @!p0 $0x108  }
0x21: {  	s3 =	sadd.s32 s3, s9;
	s6 =	sadd.s32 @!p0 $0x88, s6;
	s7 =	simm.s32 @p2 $0x1082  }
0x22: {  	[simem:s7], [sflag:s8] =	dma.local @!p0 [hbm:s6], $0xF7A  }
0x23: {  	s9 =	sor.u32 $0xD0000000, s2;
	s6 =	simm.s32 $0x108;
	_ =	swait.ge @!p0 [sflag:s8], $0x0  }
0x24: {  	s3 =	sadd.s32 $0x88, s3;
	s6 =	simm.s32 @!p1 $0x1082;
	[sflag:s4] =	ssyncset.s32 $0xFFFFF086  }
0x25: {  	[simem:s6], [sflag:s4] =	dma.local [hbm:s3], $0xF7A  }
0x26: {  	[smem:$0x3F93] =	sst s1;
	(tag) =	ssettag s2;
	_ =	strace s9  }
0x27: {  	s1 =	sld [smem:$0x3FA3]  }
0x28: {  	s2 =	sld [smem:$0x3FA4]  }
0x29: {  	s4 =	sld [smem:$0x3FA6]  }
0x2a: {  	p0 =	seq.s32 s5, $0x0;
	s5 =	sld [smem:$0x3FA7]  }
0x2b: {  	s6 =	sld [smem:$0x3FA8]  }
0x2c: {  	s7 =	sld [smem:$0x3FA9]  }
0x2d: {  	s3 =	simm.s32 $0x108;
	s8 =	sld [smem:$0x3FAA]  }
0x2e: {  	s3 =	simm.s32 @!p0 $0x1082;
	s9 =	sld [smem:$0x3FAB]  }
0x2f: {  	lr =	sadd.s32 s0, s3;
	s0 =	sld [smem:$0x3FA2]  }
0x30: {  	s3 =	sld [smem:$0x3FA5]  }
0x31: {  	[smem:$0x3FAE] =	sst s10  }
0x32: {  	s10 =	sld [smem:$0x3FAC];
	_ =	sdelay $0x3  }
0x33: {  	p0 =	seq.s32 s10, $0x1;
	s10 =	sld [smem:$0x3FAE];
	_ =	sdelay $0x3  }
0x34: {  	[smem:$0x3FAE] =	sst s10  }
0x35: {  	s10 =	sld [smem:$0x3FAD];
	_ =	sdelay $0x3  }
0x36: {  	p1 =	seq.s32 s10, $0x1;
	s10 =	sld [smem:$0x3FAE];
	_ =	sdelay $0x3  }
0x37: {  	[smem:$0x3FAE] =	sst s10  }
0x38: {  	s10 =	sld [smem:$0x3FAF]  }
0x39: {  	_ = 	snop;
	(pc) =	sbr.ind lr, $3  }
0x3a: {  	_ = 	snop  }
0x3b: {  	_ = 	snop  }
0x3c: {  	p2 =	seq.s32 s10, $0x1;
	s10 =	sld [smem:$0x3FAE]  }
0x3d: {  	_ =	shalt  }
0x3e: {  	_ =	shalt  }
0x3f: {  	_ =	shalt  }
0x40: {  	_ =	shalt  }
0x41: {  	_ =	shalt  }
0x42: {  	_ =	shalt  }
0x43: {  	_ =	shalt  }
0x44: {  	_ =	shalt  }
0x45: {  	_ =	shalt  }
0x46: {  	_ =	shalt  }
0x47: {  	_ =	shalt  }
0x48: {  	_ =	shalt  }
0x49: {  	_ =	shalt  }
0x4a: {  	_ =	shalt  }
0x4b: {  	_ =	shalt  }
0x4c: {  	_ =	shalt  }
0x4d: {  	_ =	shalt  }
0x4e: {  	_ =	shalt  }
0x4f: {  	_ =	shalt  }
0x50: {  	_ =	shalt  }
0x51: {  	_ =	shalt  }
0x52: {  	_ =	shalt  }
0x53: {  	_ =	shalt  }
0x54: {  	_ =	shalt  }
0x55: {  	_ =	shalt  }
0x56: {  	_ =	shalt  }
0x57: {  	_ =	shalt  }
0x58: {  	_ =	shalt  }
0x59: {  	_ =	shalt  }
0x5a: {  	_ =	shalt  }
0x5b: {  	_ =	shalt  }
0x5c: {  	_ =	shalt  }
0x5d: {  	_ =	shalt  }
0x5e: {  	_ =	shalt  }
0x5f: {  	_ =	shalt  }
0x60: {  	_ =	shalt  }
0x61: {  	_ =	shalt  }
0x62: {  	_ =	shalt  }
0x63: {  	_ =	shalt  }
0x64: {  	_ =	shalt  }
0x65: {  	_ =	shalt  }
0x66: {  	_ =	shalt  }
0x67: {  	_ =	shalt  }
0x68: {  	_ =	shalt  }
0x69: {  	_ =	shalt  }
0x6a: {  	_ =	shalt  }
0x6b: {  	_ =	shalt  }
0x6c: {  	_ =	shalt  }
0x6d: {  	_ =	shalt  }
0x6e: {  	_ =	shalt  }
0x6f: {  	_ =	shalt  }
0x70: {  	_ =	shalt  }
0x71: {  	_ =	shalt  }
0x72: {  	_ =	shalt  }
0x73: {  	_ =	shalt  }
0x74: {  	_ =	shalt  }
0x75: {  	_ =	shalt  }
0x76: {  	_ =	shalt  }
0x77: {  	_ =	shalt  }
0x78: {  	_ =	shalt  }
0x79: {  	_ =	shalt  }
0x7a: {  	_ =	shalt  }
0x7b: {  	_ =	shalt  }
0x7c: {  	_ =	shalt  }
0x7d: {  	_ =	shalt  }
0x7e: {  	_ =	shalt  }
0x7f: {  	_ =	shalt  }
0x80: {  	_ =	shalt  }
0x81: {  	_ =	shalt  }
0x82: {  	_ =	shalt  }
0x83: {  	_ =	shalt  }
0x84: {  	_ =	shalt  }
0x85: {  	_ =	shalt  }
0x86: {  	_ =	shalt  }
0x87: {  	_ =	shalt  }
.Lfunc_end0:
.L_simem_size_0:
called_computation.2_lowered:
.L_overlay_start_0:
0x88: {  	s2 =	sld [smem:$0x3FD9]  }
0x89: {  	s3 =	sld [smem:$0x3FFE];
	_ =	sdelay $0x1  }
0x8a: {  	s1 =	srdreg.scid  }
0x8b: {  	s0 =	sand.u32 $0x1, s1  }
0x8c: {  	s16 =	sshll.u32 s0, $0xA;
	s2 =	sadd.s32 s3, s2  }
0x8d: {  	s2 =	sadd.s32 s2, s16  }
0x8e: {  	[smem:$0x3FBA] =	sst s2  }
0x8f: {  	_ = 	snop  }
0x90: {  	(tm) =	ssettm $0x1  }
0x91: {  	s17 =	sld [smem:$0x3FFB];
	_ =	sdelay $0x3  }
0x92: {  	_ =	strace s17  }
0x93: {  	s2 =	sld [smem:$0x3FFC];
	_ =	sdelay $0x3  }
0x94: {  	_ =	strace s2  }
0x95: {  	s2 =	sld [smem:$0x3FFD];
	_ =	sdelay $0x3  }
0x96: {  	_ =	strace s2  }
0x97: {  	_ =	strace $0x8FFFFFFF  }
0x98: {  	s18 =	sld [smem:$0x3FDB];
	_ =	sdelay $0x1  }
0x99: {  	s19 =	simm.s32 $_scs_section_size  }
0x9a: {  	s4 =	simm.s32 $_size__tile_overlayer_lowered;
	s5 =	simm.s32 $_tile_overlayer_lowered  }
0x9b: {  	s22 =	simm.s32 $0x1BFF;
	s21 =	sshll.u32 s5, $0x1;
	s2 =	sadd.s32 s19, s18  }
0x9c: {  	s6 =	simm.s32 $0x0;
	s20 =	sshll.u32 s4, $0x1;
	s4 =	sadd.s32 s21, s2  }
0x9d: {  	[timem:s6], [sflag:s22] =	dma.local [hbm:s4], s20  }
0x9e: {  	_ =	swait.ge [sflag:s22], s20  }
0x9f: {  	s3 =	ssub.s32 $0x0, s20;
	[sflag:s22] =	ssyncset.done $0x0  }
0xa0: {  	[sflag:s22] =	ssyncadd.s32 s3;
	_ =	sdelay $0x1  }
0xa1: {  	s23 =	simm.s32 $0x1B8B  }
0xa2: {  	_ =	swait.ge [sflag:s23], $0x1  }
0xa3: {  	[sflag:s23] =	ssyncset.done $0x0  }
0xa4: {  	s25 =	simm.s32 $0x1B8E;
	s24 =	sld [smem:$0x3FFE];
	[sflag:s23] =	ssyncadd.s32 $0xFFFFFFFF  }
0xa5: {  	s26 =	simm.s32 $execute0_lowered;
	[smem:$0x3FD2] =	sst s25  }
0xa6: {  	s4 =	sshll.u32 s26, $0x1;
	_ =	strace $0x8000004C;
	[dreg:$0x1] =	wrdreg $0xFFFFFFFF  }
0xa7: {  	s28 =	simm.s32 $_size_execute0_lowered;
	s2 =	sadd.s32 s2, s4;
	[dreg:$0x0] =	wrdreg $0x0  }
0xa8: {  	s4 =	sshll.u32 s28, $0x1;
	[dreg:$0x2] =	wrdreg s2  }
0xa9: {  	[dreg:$0x3] =	wrdreg s4  }
0xaa: {  	[dreg:$0x4] =	wrdreg $0xC0  }
0xab: {  	_ =	task [dreg:s6], $0x5FFFF  }
0xac: {  	[dreg:$0x1] =	wrdreg $0xFFFFFFFF  }
0xad: {  	[dreg:$0x0] =	wrdreg $0x60  }
0xae: {  	[dreg:$0x2] =	wrdreg s24  }
0xaf: {  	[dreg:$0x3] =	wrdreg $0x84000  }
0xb0: {  	[dreg:$0x4] =	wrdreg $0x9  }
0xb1: {  	_ =	task.clear_ibuf [dreg:s6], $0x5FFFF;
	_ =	strace $0x9000004C  }
0xb2: {  	s29 =	simm.s32 $0x9;
	_ =	strace $0x8000004E  }
0xb3: {  	_ =	swait.ge [sflag:s29], $0x1  }
0xb4: {  	[sflag:s29] =	ssyncadd.s32 $0xFFFFFFFF  }
0xb5: {  	_ =	strace $0x9000004E  }
0xb6: {  	_ =	sfence  }
0xb7: {  	s30 =	sld [smem:$0x0];
	_ =	sdelay $0x2  }
0xb8: {  	s31 =	sshll.u32 s1, $0xD;
	s1 =	sshrl.u32 s1, $0x2  }
0xb9: {  	s3 =	sand.u32 $0x4000, s31;
	s1 =	sadd.s32 s1, s30  }
0xba: {  	s0 =	sor.u32 s3, s0;
	s1 =	sshll.u32 s1, $0x11  }
0xbb: {  	s0 =	sor.u32 s1, s0  }
0xbc: {  	s0 =	sadd.s32 $0x8F2B, s0  }
0xbd: {  	[sflag:s0] =	ssyncadd.remote.s32 $0x1  }
0xbe: {  	_ =	sfence.sel $0xFFFF  }
0xbf: {  	[dreg:$0x0] =	wrdreg $0xFFFFFFFF;
	(pc) =	sbr.abs _section_cstart, $3  }
0xc0: {  	[dreg:$0x1] =	wrdreg $0xFFFFFFFF  }
0xc1: {  	_ =	task.clear_ibuf [dreg:s6], $0x2FFFF;
	_ =	strace $0x9FFFFFFF  }
0xc2: {  	(tm) =	ssettm $0x7FFFFFFF  }
0xc3: {  	_ =	shalt  }
tec
execute0_lowered:
.L_overlay_start_1:
0x0: {  	(tag) =	ssettag $0x1  }
0x1: {  	s0 =	rddreg [dreg:$0x0]  }
0x2: {  	s2 =	rddreg [dreg:$0x1];
	s1 =	srdreg.scid  }
0x3: {  	s12 =	stileid.u32;
	s3 =	simm.s32 $0x0;
	s28 =	simm.s32 $0x8  }
0x4: {  	s29 =	simm.s32 $0x4400;
	s30 =	simm.s32 $0x1;
	s5 =	smul.u32 $0x2800, s12  }
0x5: {  	s31 =	simm.s32 $0x180;
	s1 =	sand.u32 $0x1, s1;
	s8 =	smul.u32 $0x50000, s12  }
0x6: {  	[smem:$0x7FF] =	sst s3;
	s7 =	sadd.s32 $0x5DC00, s0;
	s11 =	smul.u32 $0x5000, s12  }
0x7: {  	s9 =	sadd.s32 $0x3C00, s0;
	s4 =	sadd.s32 $0xDC00, s0;
	s20 =	smul.u32 $0xA00, s12  }
0x8: {  	s12 =	simm.s32 $0x0;
	s6 =	smul.u32 $0x28000, s1;
	_ =	strace $0x8000004D  }
0x9: {  	s10 =	ssub.s32 $0x2, s1;
	s1 =	smul.u32 $0x50000, s1;
	s24 =	sshrl.u32 s8, $0x2  }
0xa: {  	s25 =	sshrl.u32 s10, $0x1;
	s16 =	sshrl.u32 s11, $0x3;
	s6 =	sadd.s32 s5, s6  }
0xb: {  	s13 =	sadd.s32 s24, s2;
	s26 =	ssub.s32 s10, s25;
	s1 =	sadd.s32 s11, s1  }
0xc: {  	s0 =	sadd.s32 s6, s0;
	s5 =	sadd.s32 $0x4000, s13;
	s8 =	sadd.s32 $0x8000, s13  }
0xd: {  	s10 =	sadd.s32 $0xC000, s13;
	s14 =	sadd.s32 $0x10000, s13;
	[dreg:$0x7] =	wrdreg s13  }
0xe: {  	s15 =	sshrl.u32 s1, $0x3;
	s18 =	sor.u32 $0x200, s1;
	[dreg:$0x8] =	wrdreg s5  }
0xf: {  	s21 =	sor.u32 $0x180, s1;
	s23 =	sor.u32 $0x100, s1;
	[dreg:$0x9] =	wrdreg s8  }
0x10: {  	s1 =	sor.u32 $0x280, s1;
	s26 =	smax.u32 s26, $0x1;
	[dreg:$0xa] =	wrdreg s10  }
0x11: {  	s6 =	simm.s32 $0x9;
	[dreg:$0xb] =	wrdreg s14;
	s17 =	sadd.s32 s7, s15  }
0x12: {  	s10 =	sadd.s32 s9, s16;
	s8 =	sshrl.u32 s18, $0x3;
	s22 =	sshrl.u32 s21, $0x3  }
0x13: {  	s11 =	sshrl.u32 s23, $0x3;
	s1 =	sshrl.u32 s1, $0x3;
	[dreg:$0x11] =	wrdreg s26  }
0x14: {  	s0 =	sadd.s32 $0x71C00, s0;
	s16 =	sadd.s32 s20, s9;
	[dreg:$0xc] =	wrdreg s17  }
0x15: {  	s18 =	simm.s32 $0xB;
	s23 =	simm.s32 $0x280;
	[dreg:$0xd] =	wrdreg s10  }
0x16: {  	s26 =	simm.s32 $0x4;
	s5 =	sadd.s32 $0x10, s17;
	[dreg:$0x10] =	wrdreg s0  }
0x17: {  	s9 =	simm.s32 $0xA;
	s19 =	sadd.s32 $0x10, s10;
	[dreg:$0xe] =	wrdreg s5  }
0x18: {  	s8 =	sadd.s32 s8, s7;
	s24 =	sadd.s32 s11, s7;
	[dreg:$0xf] =	wrdreg s19  }
0x19: {  	s25 =	sadd.s32 s1, s7;
	s17 =	simm.s32 $0x400;
	[dreg:$0x3] =	wrdreg s8  }
0x1a: {  	s0 =	simm.s32 $0x380;
	s1 =	simm.s32 $0x5;
	[dreg:$0x5] =	wrdreg s24  }
0x1b: {  	s8 =	sadd.s32 s22, s7;
	[dreg:$0x6] =	wrdreg s25;
	s19 =	simm.s32 $0x200  }
0x1c: {  	s22 =	simm.s32 $0x80;
	s24 =	simm.s32 $0x100;
	s25 =	simm.s32 $0x300  }
0x1d: {  	v0 =	vimm.f32 $0.0e+00;
	s7 =	simm.s32 $0x2;
	[dreg:$0x4] =	wrdreg s8;
	s8 =	simm.s32 $0x6  }
.LBB2_1:
0x1e: {  	s10 =	simm.s32 $0x0;
	s11 =	simm.s32 $0x200  }
.LBB2_2:
0x1f: {  	p0 =	sne.s32 s11, $0xFE00;
	[tilespmem:s10+$0x470] =	vst v0  }
0x20: {  	[tilespmem:s10+$0x400] =	vst v0  }
0x21: {  	[tilespmem:s10+$0x410] =	vst v0  }
.Ltmp0:
0x22: {  	[tilespmem:s10+$0x420] =	vst v0;
	(pc) =	sbr.rel @p0 .LBB2_2-.Ltmp0, $4  }
0x23: {  	[tilespmem:s10+$0x430] =	vst v0  }
0x24: {  	[tilespmem:s10+$0x440] =	vst v0  }
0x25: {  	[tilespmem:s10+$0x450] =	vst v0  }
0x26: {  	[tilespmem:s10+$0x460] =	vst v0;
	s10 =	sshra.s32 s11, $0x2;
	s11 =	sadd.s32 $0x200, s11  }
0x27: {  	[tilespmem:s10+$0x470] =	vst v0  }
0x28: {  	[tilespmem:s10+$0x400] =	vst v0  }
0x29: {  	[tilespmem:s10+$0x410] =	vst v0  }
0x2a: {  	[tilespmem:s10+$0x420] =	vst v0  }
0x2b: {  	[tilespmem:s10+$0x430] =	vst v0  }
0x2c: {  	[tilespmem:s10+$0x440] =	vst v0  }
0x2d: {  	[tilespmem:s10+$0x450] =	vst v0  }
0x2e: {  	[tilespmem:s10+$0x460] =	vst v0  }
0x2f: {  	[spmem:s13] =	stream.linear.scatter [tilespmem:s17], [sflag:$0xB], $0x4000, $0x38;
	[tilespmem:$0x1C400] =	vst v63  }
0x30: {  	_ =	swait.ge [sflag:s18], $0x4000  }
0x31: {  	[sflag:s18] =	ssyncset.done $0x0  }
0x32: {  	s5 =	rddreg [dreg:$0x8];
	[sflag:s18] =	ssyncadd.s32 $0xFFFFC000  }
0x33: {  	[spmem:s5] =	stream.linear.scatter [tilespmem:s17], [sflag:$0xB], $0x4000, $0x38;
	[tilespmem:$0x1C400] =	vst v63  }
0x34: {  	_ =	swait.ge [sflag:s18], $0x4000  }
0x35: {  	[sflag:s18] =	ssyncset.done $0x0  }
0x36: {  	s11 =	rddreg [dreg:$0x9];
	[sflag:s18] =	ssyncadd.s32 $0xFFFFC000  }
0x37: {  	[spmem:s11] =	stream.linear.scatter [tilespmem:s17], [sflag:$0xB], $0x4000, $0x38;
	[tilespmem:$0x1C400] =	vst v63  }
0x38: {  	_ =	swait.ge [sflag:s18], $0x4000  }
0x39: {  	[sflag:s18] =	ssyncset.done $0x0  }
0x3a: {  	s13 =	rddreg [dreg:$0xa];
	[sflag:s18] =	ssyncadd.s32 $0xFFFFC000  }
0x3b: {  	[spmem:s13] =	stream.linear.scatter [tilespmem:s17], [sflag:$0xB], $0x4000, $0x38;
	[tilespmem:$0x1C400] =	vst v63  }
0x3c: {  	_ =	swait.ge [sflag:s18], $0x4000  }
0x3d: {  	[sflag:s18] =	ssyncset.done $0x0  }
0x3e: {  	s14 =	rddreg [dreg:$0xb];
	[sflag:s18] =	ssyncadd.s32 $0xFFFFC000  }
0x3f: {  	[spmem:s14] =	stream.linear.scatter [tilespmem:s17], [sflag:$0xB], $0x4000, $0x38;
	[tilespmem:$0x1C400] =	vst v63  }
0x40: {  	_ =	swait.ge [sflag:s18], $0x4000  }
0x41: {  	[sflag:s18] =	ssyncset.done $0x0  }
0x42: {  	[sflag:s18] =	ssyncadd.s32 $0xFFFFC000  }
0x43: {  	[bflag:$0x0] =	sbarrier.arrive $0xFFFF  }
0x44: {  	s10 =	simm.s32 $0x0;
	s15 =	rddreg [dreg:$0xc]  }
0x45: {  	[tilespmem:s10], [sflag:$0x3] =	stream.linear.gather [hbm4b:s15+s10], $0x80, $0x38;
	[tilespmem:$0x1C400] =	vst v63  }
0x46: {  	s21 =	simm.s32 $0x3;
	s20 =	rddreg [dreg:$0xd]  }
0x47: {  	[tilespmem:s19], [sflag:$0x7] =	stream.linear.gather [hbm4b:s20+s10], $0x80, $0x38;
	[tilespmem:$0x1C400] =	vst v63  }
0x48: {  	_ =	swait.ge [sflag:s21], $0x80  }
0x49: {  	[sflag:s21] =	ssyncset.done $0x0  }
0x4a: {  	s11 =	simm.s32 $0x7;
	[sflag:s21] =	ssyncadd.s32 $0xFFFFFF80  }
0x4b: {  	_ =	swait.ge [sflag:s11], $0x80  }
0x4c: {  	[sflag:s11] =	ssyncset.done $0x0  }
0x4d: {  	s13 =	rddreg [dreg:$0xe];
	[sflag:s11] =	ssyncadd.s32 $0xFFFFFF80  }
0x4e: {  	[tilespmem:s17], [sflag:$0x1] =	stream.indirect.gather [hbm4b:s4+s22], $0x80, s10, s22, $0xb8;
	[tilespmem:$0x1C400] =	vst v63  }
0x4f: {  	s14 =	rddreg [dreg:$0xf]  }
0x50: {  	[tilespmem:s22], [sflag:$0x4] =	stream.linear.gather [hbm4b:s13+s10], $0x80, $0x38;
	[tilespmem:$0x1C400] =	vst v63  }
0x51: {  	s11 =	rddreg [dreg:$0x5]  }
0x52: {  	[tilespmem:s23], [sflag:$0x8] =	stream.linear.gather [hbm4b:s14+s10], $0x80, $0x38;
	[tilespmem:$0x1C400] =	vst v63  }
0x53: {  	s15 =	sadd.s32 $0x0, s16;
	s11 =	sadd.s32 $0x0, s11  }
0x54: {  	[tilespmem:s24], [sflag:$0x5] =	stream.linear.gather [hbm4b:s11+s3], $0x80, $0x38;
	[tilespmem:$0x1C400] =	vst v63  }
0x55: {  	s20 =	sadd.s32 $0x20, s15  }
0x56: {  	[tilespmem:s25], [sflag:$0x9] =	stream.linear.gather [hbm4b:s20+s3], $0x80, $0x38;
	[tilespmem:$0x1C400] =	vst v63  }
0x57: {  	_ =	swait.ge [sflag:s26], $0x80  }
0x58: {  	[sflag:s26] =	ssyncset.done $0x0  }
0x59: {  	[sflag:s26] =	ssyncadd.s32 $0xFFFFFF80  }
0x5a: {  	_ =	swait.ge [sflag:s28], $0x80  }
0x5b: {  	[sflag:s28] =	ssyncset.done $0x0  }
0x5c: {  	[sflag:s28] =	ssyncadd.s32 $0xFFFFFF80  }
0x5d: {  	[tilespmem:s29], [sflag:$0x2] =	stream.indirect.gather [hbm4b:s4+s22], $0x80, s22, s22, $0xb8;
	[tilespmem:$0x1C400] =	vst v63  }
0x5e: {  	_ =	swait.ge [sflag:s30], $0x4000  }
0x5f: {  	[sflag:s30] =	ssyncset.done $0x0  }
0x60: {  	[sflag:s30] =	ssyncadd.s32 $0xFFFFC000  }
0x61: {  	[spmem:s2] =	stream.indirect.scatter.add.f32 [tilespmem:s17], [sflag:$0xB], $0x80, s19, s22, $0xb8;
	[tilespmem:$0x1C400] =	vst v63  }
0x62: {  	_ =	swait.ge [sflag:s18], $0x4000  }
0x63: {  	s21 =	rddreg [dreg:$0x4];
	[sflag:s18] =	ssyncset.done $0x0  }
0x64: {  	[sflag:s18] =	ssyncadd.s32 $0xFFFFC000;
	s11 =	sadd.s32 $0x0, s21  }
0x65: {  	[tilespmem:s31], [sflag:$0x6] =	stream.linear.gather [hbm4b:s11+s3], $0x80, $0x38;
	[tilespmem:$0x1C400] =	vst v63  }
0x66: {  	s10 =	sadd.s32 $0x30, s15  }
0x67: {  	[tilespmem:s0], [sflag:$0xA] =	stream.linear.gather [hbm4b:s10+s3], $0x80, $0x38;
	[tilespmem:$0x1C400] =	vst v63  }
0x68: {  	_ =	swait.ge [sflag:s1], $0x80  }
0x69: {  	[sflag:s1] =	ssyncset.done $0x0  }
0x6a: {  	[sflag:s1] =	ssyncadd.s32 $0xFFFFFF80  }
0x6b: {  	_ =	swait.ge [sflag:s6], $0x80  }
0x6c: {  	[sflag:s6] =	ssyncset.done $0x0  }
0x6d: {  	[sflag:s6] =	ssyncadd.s32 $0xFFFFFF80  }
0x6e: {  	[tilespmem:s17], [sflag:$0x1] =	stream.indirect.gather [hbm4b:s4+s22], $0x80, s24, s22, $0xb8;
	[tilespmem:$0x1C400] =	vst v63  }
0x6f: {  	_ =	swait.ge [sflag:s7], $0x4000  }
0x70: {  	[sflag:s7] =	ssyncset.done $0x0  }
0x71: {  	[sflag:s7] =	ssyncadd.s32 $0xFFFFC000  }
0x72: {  	[spmem:s2] =	stream.indirect.scatter.add.f32 [tilespmem:s29], [sflag:$0xB], $0x80, s23, s22, $0xb8;
	[tilespmem:$0x1C400] =	vst v63  }
0x73: {  	p0 =	por $0x0, $0x0;
	_ =	swait.ge [sflag:s18], $0x4000  }
0x74: {  	s13 =	sadd.s32 @!p0 $0x0, s16;
	s10 =	rddreg [dreg:$0x3];
	[sflag:s18] =	ssyncset.done $0x0  }
0x75: {  	s11 =	simm.s32 @!p0 $0x0;
	[sflag:s18] =	ssyncadd.s32 $0xFFFFC000;
	s10 =	sadd.s32 @!p0 $0x0, s10  }
0x76: {  	[tilespmem:s11], [sflag:$0x3] =	stream.linear.gather @!p0 [hbm4b:s10+s11], $0x80, $0x38;
	[tilespmem:$0x1C400] =	vst v63  }
0x77: {  	s14 =	simm.s32 @!p0 $0x200;
	s10 =	sadd.s32 @!p0 $0x40, s13  }
0x78: {  	[tilespmem:s14], [sflag:$0x7] =	stream.linear.gather @!p0 [hbm4b:s10+s11], $0x80, $0x38;
	[tilespmem:$0x1C400] =	vst v63  }
0x79: {  	_ =	swait.ge [sflag:s8], $0x80  }
0x7a: {  	[sflag:s8] =	ssyncset.done $0x0  }
0x7b: {  	[sflag:s8] =	ssyncadd.s32 $0xFFFFFF80  }
0x7c: {  	_ =	swait.ge [sflag:s9], $0x80  }
0x7d: {  	[sflag:s9] =	ssyncset.done $0x0  }
0x7e: {  	[sflag:s9] =	ssyncadd.s32 $0xFFFFFF80  }
0x7f: {  	[tilespmem:s29], [sflag:$0x2] =	stream.indirect.gather [hbm4b:s4+s22], $0x80, s31, s22, $0xb8;
	[tilespmem:$0x1C400] =	vst v63  }
0x80: {  	_ =	swait.ge [sflag:s30], $0x4000  }
0x81: {  	[sflag:s30] =	ssyncset.done $0x0  }
0x82: {  	[sflag:s30] =	ssyncadd.s32 $0xFFFFC000  }
0x83: {  	[spmem:s2] =	stream.indirect.scatter.add.f32 [tilespmem:s17], [sflag:$0xB], $0x80, s25, s22, $0xb8;
	[tilespmem:$0x1C400] =	vst v63  }
0x84: {  	_ =	swait.ge [sflag:s18], $0x4000  }
0x85: {  	s10 =	rddreg [dreg:$0x6];
	[sflag:s18] =	ssyncset.done $0x0  }
0x86: {  	s14 =	simm.s32 @!p0 $0x80;
	[sflag:s18] =	ssyncadd.s32 $0xFFFFC000;
	s10 =	sadd.s32 @!p0 $0x0, s10  }
0x87: {  	[tilespmem:s14], [sflag:$0x4] =	stream.linear.gather @!p0 [hbm4b:s10+s11], $0x80, $0x38;
	[tilespmem:$0x1C400] =	vst v63  }
0x88: {  	s10 =	sadd.s32 @!p0 $0x50, s13;
	s13 =	simm.s32 @!p0 $0x280  }
0x89: {  	[tilespmem:s13], [sflag:$0x8] =	stream.linear.gather @!p0 [hbm4b:s10+s11], $0x80, $0x38;
	[tilespmem:$0x1C400] =	vst v63  }
0x8a: {  	s10 =	simm.s32 @!p0 $0x3  }
0x8b: {  	_ =	swait.ge @!p0 [sflag:s10], $0x80  }
0x8c: {  	[sflag:s10] =	ssyncset.done @!p0 $0x0  }
0x8d: {  	[sflag:s10] =	ssyncadd.s32 @!p0 $0xFFFFFF80;
	s10 =	simm.s32 @!p0 $0x7  }
0x8e: {  	_ =	swait.ge @!p0 [sflag:s10], $0x80  }
0x8f: {  	[sflag:s10] =	ssyncset.done @!p0 $0x0  }
0x90: {  	[sflag:s10] =	ssyncadd.s32 @!p0 $0xFFFFFF80;
	s10 =	simm.s32 @!p0 $0x400  }
0x91: {  	[tilespmem:s10], [sflag:$0x1] =	stream.indirect.gather @!p0 [hbm4b:s4+s14], $0x80, s11, s14, $0xb8;
	[tilespmem:$0x1C400] =	vst v63  }
0x92: {  	_ =	swait.ge [sflag:s7], $0x4000  }
0x93: {  	[sflag:s7] =	ssyncset.done $0x0  }
0x94: {  	[sflag:s7] =	ssyncadd.s32 $0xFFFFC000  }
0x95: {  	[spmem:s2] =	stream.indirect.scatter.add.f32 [tilespmem:s29], [sflag:$0xB], $0x80, s0, s22, $0xb8;
	[tilespmem:$0x1C400] =	vst v63  }
0x96: {  	s13 =	simm.s32 $0x40;
	s10 =	simm.s32 $0x80;
	_ =	swait.ge [sflag:s18], $0x4000  }
.LBB2_4:
0x97: {  	s14 =	rddreg [dreg:$0x5];
	[sflag:s18] =	ssyncset.done $0x0  }
0x98: {  	s15 =	sadd.s32 s13, s16;
	[sflag:s18] =	ssyncadd.s32 $0xFFFFC000;
	s14 =	sadd.s32 s13, s14  }
0x99: {  	[tilespmem:s24], [sflag:$0x5] =	stream.linear.gather [hbm4b:s14+s3], $0x80, $0x38;
	[tilespmem:$0x1C400] =	vst v63  }
0x9a: {  	s5 =	sadd.s32 $0x20, s15  }
0x9b: {  	[tilespmem:s25], [sflag:$0x9] =	stream.linear.gather [hbm4b:s5+s3], $0x80, $0x38;
	[tilespmem:$0x1C400] =	vst v63  }
0x9c: {  	_ =	swait.ge [sflag:s26], $0x80  }
0x9d: {  	[sflag:s26] =	ssyncset.done $0x0  }
0x9e: {  	[sflag:s26] =	ssyncadd.s32 $0xFFFFFF80  }
0x9f: {  	_ =	swait.ge [sflag:s28], $0x80  }
0xa0: {  	[sflag:s28] =	ssyncset.done $0x0  }
0xa1: {  	[sflag:s28] =	ssyncadd.s32 $0xFFFFFF80  }
0xa2: {  	[tilespmem:s29], [sflag:$0x2] =	stream.indirect.gather [hbm4b:s4+s22], $0x80, s22, s22, $0xb8;
	[tilespmem:$0x1C400] =	vst v63  }
0xa3: {  	_ =	swait.ge [sflag:s30], $0x4000  }
0xa4: {  	[sflag:s30] =	ssyncset.done $0x0  }
0xa5: {  	[sflag:s30] =	ssyncadd.s32 $0xFFFFC000  }
0xa6: {  	[spmem:s2] =	stream.indirect.scatter.add.f32 [tilespmem:s17], [sflag:$0xB], $0x80, s19, s22, $0xb8;
	[tilespmem:$0x1C400] =	vst v63  }
0xa7: {  	_ =	swait.ge [sflag:s18], $0x4000  }
0xa8: {  	s20 =	rddreg [dreg:$0x4];
	[sflag:s18] =	ssyncset.done $0x0  }
0xa9: {  	[sflag:s18] =	ssyncadd.s32 $0xFFFFC000;
	s14 =	sadd.s32 s13, s20  }
0xaa: {  	[tilespmem:s31], [sflag:$0x6] =	stream.linear.gather [hbm4b:s14+s3], $0x80, $0x38;
	[tilespmem:$0x1C400] =	vst v63  }
0xab: {  	s21 =	sadd.s32 $0x30, s15  }
0xac: {  	[tilespmem:s0], [sflag:$0xA] =	stream.linear.gather [hbm4b:s21+s3], $0x80, $0x38;
	[tilespmem:$0x1C400] =	vst v63  }
0xad: {  	_ =	swait.ge [sflag:s1], $0x80  }
0xae: {  	[sflag:s1] =	ssyncset.done $0x0  }
0xaf: {  	[sflag:s1] =	ssyncadd.s32 $0xFFFFFF80  }
0xb0: {  	_ =	swait.ge [sflag:s6], $0x80  }
0xb1: {  	[sflag:s6] =	ssyncset.done $0x0  }
0xb2: {  	[sflag:s6] =	ssyncadd.s32 $0xFFFFFF80  }
0xb3: {  	[tilespmem:s17], [sflag:$0x1] =	stream.indirect.gather [hbm4b:s4+s22], $0x80, s24, s22, $0xb8;
	[tilespmem:$0x1C400] =	vst v63  }
0xb4: {  	_ =	swait.ge [sflag:s7], $0x4000  }
0xb5: {  	[sflag:s7] =	ssyncset.done $0x0  }
0xb6: {  	[sflag:s7] =	ssyncadd.s32 $0xFFFFC000  }
0xb7: {  	[spmem:s2] =	stream.indirect.scatter.add.f32 [tilespmem:s29], [sflag:$0xB], $0x80, s23, s22, $0xb8;
	[tilespmem:$0x1C400] =	vst v63  }
0xb8: {  	p1 =	seq.s32 s13, $0x9C0;
	_ =	swait.ge [sflag:s18], $0x4000  }
0xb9: {  	s20 =	sadd.s32 @!p1 s13, s16;
	s15 =	rddreg [dreg:$0x3];
	[sflag:s18] =	ssyncset.done $0x0  }
0xba: {  	s14 =	simm.s32 @!p1 $0x0;
	[sflag:s18] =	ssyncadd.s32 $0xFFFFC000;
	s15 =	sadd.s32 @!p1 s13, s15  }
0xbb: {  	[tilespmem:s14], [sflag:$0x3] =	stream.linear.gather @!p1 [hbm4b:s15+s14], $0x80, $0x38;
	[tilespmem:$0x1C400] =	vst v63  }
0xbc: {  	s5 =	simm.s32 @!p1 $0x200;
	s21 =	sadd.s32 @!p1 $0x40, s20  }
0xbd: {  	[tilespmem:s5], [sflag:$0x7] =	stream.linear.gather @!p1 [hbm4b:s21+s14], $0x80, $0x38;
	[tilespmem:$0x1C400] =	vst v63  }
0xbe: {  	_ =	swait.ge [sflag:s8], $0x80  }
0xbf: {  	[sflag:s8] =	ssyncset.done $0x0  }
0xc0: {  	[sflag:s8] =	ssyncadd.s32 $0xFFFFFF80  }
0xc1: {  	_ =	swait.ge [sflag:s9], $0x80  }
0xc2: {  	[sflag:s9] =	ssyncset.done $0x0  }
0xc3: {  	[sflag:s9] =	ssyncadd.s32 $0xFFFFFF80  }
0xc4: {  	[tilespmem:s29], [sflag:$0x2] =	stream.indirect.gather [hbm4b:s4+s22], $0x80, s31, s22, $0xb8;
	[tilespmem:$0x1C400] =	vst v63  }
0xc5: {  	_ =	swait.ge [sflag:s30], $0x4000  }
0xc6: {  	[sflag:s30] =	ssyncset.done $0x0  }
0xc7: {  	[sflag:s30] =	ssyncadd.s32 $0xFFFFC000  }
0xc8: {  	[spmem:s2] =	stream.indirect.scatter.add.f32 [tilespmem:s17], [sflag:$0xB], $0x80, s25, s22, $0xb8;
	[tilespmem:$0x1C400] =	vst v63  }
0xc9: {  	_ =	swait.ge [sflag:s18], $0x4000  }
0xca: {  	s15 =	sadd.s32 @!p1 $0x50, s20;
	s5 =	rddreg [dreg:$0x6];
	[sflag:s18] =	ssyncset.done $0x0  }
0xcb: {  	s20 =	simm.s32 @!p1 $0x80;
	[sflag:s18] =	ssyncadd.s32 $0xFFFFC000;
	s5 =	sadd.s32 @!p1 s13, s5  }
0xcc: {  	[tilespmem:s20], [sflag:$0x4] =	stream.linear.gather @!p1 [hbm4b:s5+s14], $0x80, $0x38;
	[tilespmem:$0x1C400] =	vst v63  }
0xcd: {  	s21 =	simm.s32 @!p1 $0x280;
	s5 =	simm.s32 @!p1 $0x3  }
0xce: {  	[tilespmem:s21], [sflag:$0x8] =	stream.linear.gather @!p1 [hbm4b:s15+s14], $0x80, $0x38;
	[tilespmem:$0x1C400] =	vst v63  }
0xcf: {  	_ =	swait.ge @!p1 [sflag:s5], $0x80  }
0xd0: {  	s11 =	smov.u32 s10;
	[sflag:s5] =	ssyncset.done @!p1 $0x0  }
0xd1: {  	s13 =	smov.u32 s11;
	s11 =	simm.s32 @!p1 $0x7;
	[sflag:s5] =	ssyncadd.s32 @!p1 $0xFFFFFF80  }
0xd2: {  	_ =	swait.ge @!p1 [sflag:s11], $0x80  }
0xd3: {  	s10 =	sadd.s32 $0x40, s10;
	[sflag:s11] =	ssyncset.done @!p1 $0x0  }
0xd4: {  	p0 =	sne.s32 s10, $0xA00;
	s5 =	simm.s32 @!p1 $0x400;
	[sflag:s11] =	ssyncadd.s32 @!p1 $0xFFFFFF80  }
0xd5: {  	[tilespmem:s5], [sflag:$0x1] =	stream.indirect.gather @!p1 [hbm4b:s4+s20], $0x80, s14, s20, $0xb8;
	[tilespmem:$0x1C400] =	vst v63  }
.Ltmp1:
0xd6: {  	_ =	swait.ge [sflag:s7], $0x4000;
	(pc) =	sbr.rel @p0 .LBB2_4-.Ltmp1, $4  }
0xd7: {  	[sflag:s7] =	ssyncset.done $0x0  }
0xd8: {  	[sflag:s7] =	ssyncadd.s32 $0xFFFFC000  }
0xd9: {  	[spmem:s2] =	stream.indirect.scatter.add.f32 [tilespmem:s29], [sflag:$0xB], $0x80, s0, s22, $0xb8;
	[tilespmem:$0x1C400] =	vst v63  }
0xda: {  	_ =	swait.ge [sflag:s18], $0x4000  }
0xdb: {  	s5 =	rddreg [dreg:$0x5];
	[sflag:s18] =	ssyncset.done $0x0  }
0xdc: {  	s10 =	sadd.s32 s13, s16;
	[sflag:s18] =	ssyncadd.s32 $0xFFFFC000;
	s5 =	sadd.s32 s13, s5  }
0xdd: {  	[tilespmem:s24], [sflag:$0x5] =	stream.linear.gather [hbm4b:s5+s3], $0x80, $0x38;
	[tilespmem:$0x1C400] =	vst v63  }
0xde: {  	s20 =	sadd.s32 $0x20, s10  }
0xdf: {  	[tilespmem:s25], [sflag:$0x9] =	stream.linear.gather [hbm4b:s20+s3], $0x80, $0x38;
	[tilespmem:$0x1C400] =	vst v63  }
0xe0: {  	_ =	swait.ge [sflag:s26], $0x80  }
0xe1: {  	[sflag:s26] =	ssyncset.done $0x0  }
0xe2: {  	[sflag:s26] =	ssyncadd.s32 $0xFFFFFF80  }
0xe3: {  	_ =	swait.ge [sflag:s28], $0x80  }
0xe4: {  	[sflag:s28] =	ssyncset.done $0x0  }
0xe5: {  	[sflag:s28] =	ssyncadd.s32 $0xFFFFFF80  }
0xe6: {  	[tilespmem:s29], [sflag:$0x2] =	stream.indirect.gather [hbm4b:s4+s22], $0x80, s22, s22, $0xb8;
	[tilespmem:$0x1C400] =	vst v63  }
0xe7: {  	_ =	swait.ge [sflag:s30], $0x4000  }
0xe8: {  	[sflag:s30] =	ssyncset.done $0x0  }
0xe9: {  	[sflag:s30] =	ssyncadd.s32 $0xFFFFC000  }
0xea: {  	[spmem:s2] =	stream.indirect.scatter.add.f32 [tilespmem:s17], [sflag:$0xB], $0x80, s19, s22, $0xb8;
	[tilespmem:$0x1C400] =	vst v63  }
0xeb: {  	_ =	swait.ge [sflag:s18], $0x4000  }
0xec: {  	s21 =	rddreg [dreg:$0x4];
	[sflag:s18] =	ssyncset.done $0x0  }
0xed: {  	[sflag:s18] =	ssyncadd.s32 $0xFFFFC000;
	s5 =	sadd.s32 s13, s21  }
0xee: {  	[tilespmem:s31], [sflag:$0x6] =	stream.linear.gather [hbm4b:s5+s3], $0x80, $0x38;
	[tilespmem:$0x1C400] =	vst v63  }
0xef: {  	s11 =	sadd.s32 $0x30, s10  }
0xf0: {  	[tilespmem:s0], [sflag:$0xA] =	stream.linear.gather [hbm4b:s11+s3], $0x80, $0x38;
	[tilespmem:$0x1C400] =	vst v63  }
0xf1: {  	_ =	swait.ge [sflag:s1], $0x80  }
0xf2: {  	[sflag:s1] =	ssyncset.done $0x0  }
0xf3: {  	[sflag:s1] =	ssyncadd.s32 $0xFFFFFF80  }
0xf4: {  	_ =	swait.ge [sflag:s6], $0x80  }
0xf5: {  	[sflag:s6] =	ssyncset.done $0x0  }
0xf6: {  	[sflag:s6] =	ssyncadd.s32 $0xFFFFFF80  }
0xf7: {  	[tilespmem:s17], [sflag:$0x1] =	stream.indirect.gather [hbm4b:s4+s22], $0x80, s24, s22, $0xb8;
	[tilespmem:$0x1C400] =	vst v63  }
0xf8: {  	_ =	swait.ge [sflag:s7], $0x4000  }
0xf9: {  	[sflag:s7] =	ssyncset.done $0x0  }
0xfa: {  	[sflag:s7] =	ssyncadd.s32 $0xFFFFC000  }
0xfb: {  	[spmem:s2] =	stream.indirect.scatter.add.f32 [tilespmem:s29], [sflag:$0xB], $0x80, s23, s22, $0xb8;
	[tilespmem:$0x1C400] =	vst v63  }
0xfc: {  	p0 =	seq.s32 s13, $0x9C0;
	_ =	swait.ge [sflag:s18], $0x4000  }
0xfd: {  	s10 =	simm.s32 @!p0 $0x0;
	s5 =	rddreg [dreg:$0x3];
	[sflag:s18] =	ssyncset.done $0x0  }
0xfe: {  	s11 =	sadd.s32 @!p0 s13, s16;
	[sflag:s18] =	ssyncadd.s32 $0xFFFFC000;
	s5 =	sadd.s32 @!p0 s13, s5  }
0xff: {  	[tilespmem:s10], [sflag:$0x3] =	stream.linear.gather @!p0 [hbm4b:s5+s10], $0x80, $0x38;
	[tilespmem:$0x1C400] =	vst v63  }
0x100: {  	s14 =	simm.s32 @!p0 $0x200;
	s5 =	sadd.s32 @!p0 $0x40, s11  }
0x101: {  	[tilespmem:s14], [sflag:$0x7] =	stream.linear.gather @!p0 [hbm4b:s5+s10], $0x80, $0x38;
	[tilespmem:$0x1C400] =	vst v63  }
0x102: {  	_ =	swait.ge [sflag:s8], $0x80  }
0x103: {  	[sflag:s8] =	ssyncset.done $0x0  }
0x104: {  	[sflag:s8] =	ssyncadd.s32 $0xFFFFFF80  }
0x105: {  	_ =	swait.ge [sflag:s9], $0x80  }
0x106: {  	[sflag:s9] =	ssyncset.done $0x0  }
0x107: {  	[sflag:s9] =	ssyncadd.s32 $0xFFFFFF80  }
0x108: {  	[tilespmem:s29], [sflag:$0x2] =	stream.indirect.gather [hbm4b:s4+s22], $0x80, s31, s22, $0xb8;
	[tilespmem:$0x1C400] =	vst v63  }
0x109: {  	_ =	swait.ge [sflag:s30], $0x4000  }
0x10a: {  	[sflag:s30] =	ssyncset.done $0x0  }
0x10b: {  	[sflag:s30] =	ssyncadd.s32 $0xFFFFC000  }
0x10c: {  	[spmem:s2] =	stream.indirect.scatter.add.f32 [tilespmem:s17], [sflag:$0xB], $0x80, s25, s22, $0xb8;
	[tilespmem:$0x1C400] =	vst v63  }
0x10d: {  	_ =	swait.ge [sflag:s18], $0x4000  }
0x10e: {  	s5 =	rddreg [dreg:$0x6];
	[sflag:s18] =	ssyncset.done $0x0  }
0x10f: {  	[sflag:s18] =	ssyncadd.s32 $0xFFFFC000;
	s5 =	sadd.s32 @!p0 s13, s5;
	s13 =	simm.s32 @!p0 $0x80  }
0x110: {  	[tilespmem:s13], [sflag:$0x4] =	stream.linear.gather @!p0 [hbm4b:s5+s10], $0x80, $0x38;
	[tilespmem:$0x1C400] =	vst v63  }
0x111: {  	s5 =	sadd.s32 @!p0 $0x50, s11;
	s11 =	simm.s32 @!p0 $0x280  }
0x112: {  	[tilespmem:s11], [sflag:$0x8] =	stream.linear.gather @!p0 [hbm4b:s5+s10], $0x80, $0x38;
	[tilespmem:$0x1C400] =	vst v63  }
0x113: {  	s5 =	simm.s32 @!p0 $0x3  }
0x114: {  	_ =	swait.ge @!p0 [sflag:s5], $0x80  }
0x115: {  	[sflag:s5] =	ssyncset.done @!p0 $0x0  }
0x116: {  	[sflag:s5] =	ssyncadd.s32 @!p0 $0xFFFFFF80;
	s5 =	simm.s32 @!p0 $0x7  }
0x117: {  	_ =	swait.ge @!p0 [sflag:s5], $0x80  }
0x118: {  	[sflag:s5] =	ssyncset.done @!p0 $0x0  }
0x119: {  	[sflag:s5] =	ssyncadd.s32 @!p0 $0xFFFFFF80;
	s5 =	simm.s32 @!p0 $0x400  }
0x11a: {  	[tilespmem:s5], [sflag:$0x1] =	stream.indirect.gather @!p0 [hbm4b:s4+s13], $0x80, s10, s13, $0xb8;
	[tilespmem:$0x1C400] =	vst v63  }
0x11b: {  	_ =	swait.ge [sflag:s7], $0x4000  }
0x11c: {  	[sflag:s7] =	ssyncset.done $0x0  }
0x11d: {  	[sflag:s7] =	ssyncadd.s32 $0xFFFFC000  }
0x11e: {  	[spmem:s2] =	stream.indirect.scatter.add.f32 [tilespmem:s29], [sflag:$0xB], $0x80, s0, s22, $0xb8;
	[tilespmem:$0x1C400] =	vst v63  }
0x11f: {  	_ =	swait.ge [sflag:s18], $0x4000  }
0x120: {  	[sflag:s18] =	ssyncset.done $0x0  }
0x121: {  	[sflag:s18] =	ssyncadd.s32 $0xFFFFC000  }
0x122: {  	s14 =	stileid.u32;
	[bflag:$0x0] =	sbarrier.arrive $0xFFFF  }
0x123: {  	s5 =	sshll.u32 s14, $0x6;
	s13 =	rddreg [dreg:$0x7]  }
0x124: {  	s5 =	sor.u32 $0x1C0B, s5;
	s20 =	rddreg [dreg:$0x10];
	s15 =	sshrl.u32 s13, $0x3  }
0x125: {  	[hbm:s20], [sflag:s5] =	dma.local [spmem:s15], $0x2800  }
0x126: {  	_ =	swait.ge [sflag:s18], $0x2800  }
0x127: {  	s12 =	sadd.s32 $0x1, s12;
	s21 =	rddreg [dreg:$0x11]  }
0x128: {  	p0 =	sne.s32 s12, s21  }
.Ltmp2:
0x129: {  	_ = 	snop;
	(pc) =	sbr.rel @p0 .LBB2_1-.Ltmp2, $3  }
0x12a: {  	_ =	sdelay $0x1  }
0x12b: {  	[sflag:s18] =	ssyncset.done $0x0  }
0x12c: {  	[sflag:s18] =	ssyncadd.s32 $0xFFFFD800  }
0x12d: {  	_ =	sfence.sel $0x180000  }
0x12e: {  	[bflag:$0x0] =	sbarrier.arrive $0xFFFF  }
0x12f: {  	_ =	strace $0x9000004D  }
0x130: {  	s0 =	stileid.u32;
	[bflag:$0x2] =	sbarrier.arrive $0xFFFF  }
0x131: {  	p0 =	sne.s32 s0, $0x0;
	s0 =	rddreg [dreg:$0x2]  }
0x132: {  	s0 =	sadd.s32 @!p0 $0x100000, s0  }
0x133: {  	[sflag:s0] =	ssyncadd.tile.s32 @!p0 $0x1;
	_ =	shalt  }
.Lfunc_end2:
_tile_overlayer_lowered:
.L_overlay_start_2:
0x134: {  	(tag) =	ssettag $0x2  }
0x135: {  	s0 =	rddreg [dreg:$0x0];
	s2 =	stileid.u32  }
0x136: {  	s1 =	rddreg [dreg:$0x1];
	p0 =	sne.s32 s2, $0x0  }
0x137: {  	s3 =	rddreg [dreg:$0x2];
	[bflag:$0x3] =	sbarrier.arrive $0xFFFF;
	s2 =	simm.s32 @!p0 $0x1C0B  }
0x138: {  	[timem:s3], [sflag:s2] =	dma.local @!p0 [hbm:s0], s1  }
0x139: {  	s0 =	simm.s32 @!p0 $0xB  }
0x13a: {  	_ =	swait.ge @!p0 [sflag:s0], s1  }
0x13b: {  	s1 =	ssub.s32 @!p0 $0x0, s1;
	[sflag:s0] =	ssyncset.done @!p0 $0x0  }
0x13c: {  	[sflag:s0] =	ssyncadd.s32 @!p0 s1  }
0x13d: {  	[bflag:$0x3] =	sbarrier.arrive $0xFFFF  }
0x13e: {  	_ =	shalt  }

// kernel: kernel.19.cloned.1.call-start
scs
__scs_entry_jumppad:
0x0: {  	(pc) =	sbr.rel $0x88, $3  }
0x1: {  	(tag) =	ssettag $0x0;
	lr =	simm.s32 $0x1  }
0x2: {  	[smem:$0x3F93] =	sst lr;
	_ =	strace $0xD0000000  }
0x3: {  	_ = 	snop  }
0x4: {  	_ = 	snop  }
0x5: {  	_ = 	snop  }
0x6: {  	_ = 	snop  }
0x7: {  	_ = 	snop  }
__scs_overlays_trampoline_lowered:
0x8: {  	[smem:$0x3FA2] =	sst s0  }
0x9: {  	[smem:$0x3FA3] =	sst s1  }
0xa: {  	[smem:$0x3FA4] =	sst s2  }
0xb: {  	[smem:$0x3FA5] =	sst s3  }
0xc: {  	[smem:$0x3FA6] =	sst s4  }
0xd: {  	[smem:$0x3FA7] =	sst s5  }
0xe: {  	[smem:$0x3FA8] =	sst s6  }
0xf: {  	[smem:$0x3FA9] =	sst s7  }
0x10: {  	[smem:$0x3FAA] =	sst s8  }
0x11: {  	[smem:$0x3FAB] =	sst s9;
	s0 =	simm.s32 @!p0 $0x0  }
0x12: {  	s1 =	sld [smem:$0x3F91];
	s0 =	simm.s32 @p0 $0x1  }
0x13: {  	[smem:$0x3FAC] =	sst s0;
	s0 =	simm.s32 @!p1 $0x0  }
0x14: {  	s2 =	sld [smem:$0x3F90];
	s0 =	simm.s32 @p1 $0x1  }
0x15: {  	[smem:$0x3FAD] =	sst s0;
	s0 =	simm.s32 @!p2 $0x0  }
0x16: {  	s3 =	sld [smem:$0x3FDB];
	s0 =	simm.s32 @p2 $0x1  }
0x17: {  	s4 =	simm.s32 $0x1BF5;
	[smem:$0x3FAF] =	sst s0  }
0x18: {  	s0 =	sld [smem:$0x3F92];
	_ =	swait.ge [sflag:s4], $0x0  }
0x19: {  	s7 =	sld [smem:$0x3F93]  }
0x1a: {  	s8 =	sadd.s32 $0xFFFFE003, lr  }
0x1b: {  	s9 =	sadd.s32 $0xFFFFFEF7, lr;
	s5 =	simm.s32 $0xFFFFFFFF;
	p2 =	slt.u32 s8, $0xFFFFF086  }
0x1c: {  	p1 =	slt.u32 s9, $0xF7A;
	s5 =	simm.s32 @!p2 $0x0  }
0x1d: {  	s5 =	simm.s32 @p1 $0x1;
	p0 =	seq.s32 s7, s2  }
0x1e: {  	s7 =	smul.u32 @!p0 $0xF7A, s2;
	p2 =	seq.s32 @!p0 s5, $0x0  }
0x1f: {  	s9 =	smul.u32 $0xF7A, s1;
	s8 =	simm.s32 @!p0 $0x1BF5;
	p2 =	por !p2, p0  }
0x20: {  	[sflag:s8] =	ssyncset.s32 @!p0 $0xFFFFF086;
	s6 =	sadd.s32 @!p0 s3, s7;
	s7 =	simm.s32 @!p0 $0x108  }
0x21: {  	s3 =	sadd.s32 s3, s9;
	s6 =	sadd.s32 @!p0 $0x88, s6;
	s7 =	simm.s32 @p2 $0x1082  }
0x22: {  	[simem:s7], [sflag:s8] =	dma.local @!p0 [hbm:s6], $0xF7A  }
0x23: {  	s9 =	sor.u32 $0xD0000000, s2;
	s6 =	simm.s32 $0x108;
	_ =	swait.ge @!p0 [sflag:s8], $0x0  }
0x24: {  	s3 =	sadd.s32 $0x88, s3;
	s6 =	simm.s32 @!p1 $0x1082;
	[sflag:s4] =	ssyncset.s32 $0xFFFFF086  }
0x25: {  	[simem:s6], [sflag:s4] =	dma.local [hbm:s3], $0xF7A  }
0x26: {  	[smem:$0x3F93] =	sst s1;
	(tag) =	ssettag s2;
	_ =	strace s9  }
0x27: {  	s1 =	sld [smem:$0x3FA3]  }
0x28: {  	s2 =	sld [smem:$0x3FA4]  }
0x29: {  	s4 =	sld [smem:$0x3FA6]  }
0x2a: {  	p0 =	seq.s32 s5, $0x0;
	s5 =	sld [smem:$0x3FA7]  }
0x2b: {  	s6 =	sld [smem:$0x3FA8]  }
0x2c: {  	s7 =	sld [smem:$0x3FA9]  }
0x2d: {  	s3 =	simm.s32 $0x108;
	s8 =	sld [smem:$0x3FAA]  }
0x2e: {  	s3 =	simm.s32 @!p0 $0x1082;
	s9 =	sld [smem:$0x3FAB]  }
0x2f: {  	lr =	sadd.s32 s0, s3;
	s0 =	sld [smem:$0x3FA2]  }
0x30: {  	s3 =	sld [smem:$0x3FA5]  }
0x31: {  	[smem:$0x3FAE] =	sst s10  }
0x32: {  	s10 =	sld [smem:$0x3FAC];
	_ =	sdelay $0x3  }
0x33: {  	p0 =	seq.s32 s10, $0x1;
	s10 =	sld [smem:$0x3FAE];
	_ =	sdelay $0x3  }
0x34: {  	[smem:$0x3FAE] =	sst s10  }
0x35: {  	s10 =	sld [smem:$0x3FAD];
	_ =	sdelay $0x3  }
0x36: {  	p1 =	seq.s32 s10, $0x1;
	s10 =	sld [smem:$0x3FAE];
	_ =	sdelay $0x3  }
0x37: {  	[smem:$0x3FAE] =	sst s10  }
0x38: {  	s10 =	sld [smem:$0x3FAF]  }
0x39: {  	_ = 	snop;
	(pc) =	sbr.ind lr, $3  }
0x3a: {  	_ = 	snop  }
0x3b: {  	_ = 	snop  }
0x3c: {  	p2 =	seq.s32 s10, $0x1;
	s10 =	sld [smem:$0x3FAE]  }
0x3d: {  	_ =	shalt  }
0x3e: {  	_ =	shalt  }
0x3f: {  	_ =	shalt  }
0x40: {  	_ =	shalt  }
0x41: {  	_ =	shalt  }
0x42: {  	_ =	shalt  }
0x43: {  	_ =	shalt  }
0x44: {  	_ =	shalt  }
0x45: {  	_ =	shalt  }
0x46: {  	_ =	shalt  }
0x47: {  	_ =	shalt  }
0x48: {  	_ =	shalt  }
0x49: {  	_ =	shalt  }
0x4a: {  	_ =	shalt  }
0x4b: {  	_ =	shalt  }
0x4c: {  	_ =	shalt  }
0x4d: {  	_ =	shalt  }
0x4e: {  	_ =	shalt  }
0x4f: {  	_ =	shalt  }
0x50: {  	_ =	shalt  }
0x51: {  	_ =	shalt  }
0x52: {  	_ =	shalt  }
0x53: {  	_ =	shalt  }
0x54: {  	_ =	shalt  }
0x55: {  	_ =	shalt  }
0x56: {  	_ =	shalt  }
0x57: {  	_ =	shalt  }
0x58: {  	_ =	shalt  }
0x59: {  	_ =	shalt  }
0x5a: {  	_ =	shalt  }
0x5b: {  	_ =	shalt  }
0x5c: {  	_ =	shalt  }
0x5d: {  	_ =	shalt  }
0x5e: {  	_ =	shalt  }
0x5f: {  	_ =	shalt  }
0x60: {  	_ =	shalt  }
0x61: {  	_ =	shalt  }
0x62: {  	_ =	shalt  }
0x63: {  	_ =	shalt  }
0x64: {  	_ =	shalt  }
0x65: {  	_ =	shalt  }
0x66: {  	_ =	shalt  }
0x67: {  	_ =	shalt  }
0x68: {  	_ =	shalt  }
0x69: {  	_ =	shalt  }
0x6a: {  	_ =	shalt  }
0x6b: {  	_ =	shalt  }
0x6c: {  	_ =	shalt  }
0x6d: {  	_ =	shalt  }
0x6e: {  	_ =	shalt  }
0x6f: {  	_ =	shalt  }
0x70: {  	_ =	shalt  }
0x71: {  	_ =	shalt  }
0x72: {  	_ =	shalt  }
0x73: {  	_ =	shalt  }
0x74: {  	_ =	shalt  }
0x75: {  	_ =	shalt  }
0x76: {  	_ =	shalt  }
0x77: {  	_ =	shalt  }
0x78: {  	_ =	shalt  }
0x79: {  	_ =	shalt  }
0x7a: {  	_ =	shalt  }
0x7b: {  	_ =	shalt  }
0x7c: {  	_ =	shalt  }
0x7d: {  	_ =	shalt  }
0x7e: {  	_ =	shalt  }
0x7f: {  	_ =	shalt  }
0x80: {  	_ =	shalt  }
0x81: {  	_ =	shalt  }
0x82: {  	_ =	shalt  }
0x83: {  	_ =	shalt  }
0x84: {  	_ =	shalt  }
0x85: {  	_ =	shalt  }
0x86: {  	_ =	shalt  }
0x87: {  	_ =	shalt  }
.Lfunc_end0:
.L_simem_size_0:
called_computation.3_lowered:
.L_overlay_start_0:
0x88: {  	s2 =	sld [smem:$0x3FD9]  }
0x89: {  	s3 =	sld [smem:$0x3FFE];
	_ =	sdelay $0x1  }
0x8a: {  	s1 =	srdreg.scid  }
0x8b: {  	s0 =	sand.u32 $0x1, s1  }
0x8c: {  	s16 =	sshll.u32 s0, $0xA;
	s2 =	sadd.s32 s3, s2  }
0x8d: {  	s2 =	sadd.s32 s2, s16  }
0x8e: {  	[smem:$0x3FBA] =	sst s2  }
0x8f: {  	_ = 	snop  }
0x90: {  	(tm) =	ssettm $0x1  }
0x91: {  	s17 =	sld [smem:$0x3FFB];
	_ =	sdelay $0x3  }
0x92: {  	_ =	strace s17  }
0x93: {  	s2 =	sld [smem:$0x3FFC];
	_ =	sdelay $0x3  }
0x94: {  	_ =	strace s2  }
0x95: {  	s2 =	sld [smem:$0x3FFD];
	_ =	sdelay $0x3  }
0x96: {  	_ =	strace s2  }
0x97: {  	_ =	strace $0x8FFFFFFF  }
0x98: {  	s18 =	sld [smem:$0x3FDB];
	_ =	sdelay $0x1  }
0x99: {  	s19 =	simm.s32 $_scs_section_size  }
0x9a: {  	s4 =	simm.s32 $_size__tile_overlayer_lowered;
	s5 =	simm.s32 $_tile_overlayer_lowered  }
0x9b: {  	s22 =	simm.s32 $0x1BFF;
	s21 =	sshll.u32 s5, $0x1;
	s2 =	sadd.s32 s19, s18  }
0x9c: {  	s6 =	simm.s32 $0x0;
	s20 =	sshll.u32 s4, $0x1;
	s4 =	sadd.s32 s21, s2  }
0x9d: {  	[timem:s6], [sflag:s22] =	dma.local [hbm:s4], s20  }
0x9e: {  	_ =	swait.ge [sflag:s22], s20  }
0x9f: {  	s3 =	ssub.s32 $0x0, s20;
	[sflag:s22] =	ssyncset.done $0x0  }
0xa0: {  	[sflag:s22] =	ssyncadd.s32 s3;
	_ =	sdelay $0x1  }
0xa1: {  	s23 =	simm.s32 $0x1B8B  }
0xa2: {  	_ =	swait.ge [sflag:s23], $0x1  }
0xa3: {  	[sflag:s23] =	ssyncset.done $0x0  }
0xa4: {  	s25 =	simm.s32 $0x1B8E;
	s24 =	sld [smem:$0x3FFE];
	[sflag:s23] =	ssyncadd.s32 $0xFFFFFFFF  }
0xa5: {  	s26 =	simm.s32 $execute0_lowered;
	[smem:$0x3FD2] =	sst s25  }
0xa6: {  	s4 =	sshll.u32 s26, $0x1;
	_ =	strace $0x8000004F;
	[dreg:$0x1] =	wrdreg $0xFFFFFFFF  }
0xa7: {  	s28 =	simm.s32 $_size_execute0_lowered;
	s2 =	sadd.s32 s2, s4;
	[dreg:$0x0] =	wrdreg $0x0  }
0xa8: {  	s4 =	sshll.u32 s28, $0x1;
	[dreg:$0x2] =	wrdreg s2  }
0xa9: {  	[dreg:$0x3] =	wrdreg s4  }
0xaa: {  	[dreg:$0x4] =	wrdreg $0xC0  }
0xab: {  	_ =	task [dreg:s6], $0x5FFFF  }
0xac: {  	[dreg:$0x1] =	wrdreg $0xFFFFFFFF  }
0xad: {  	[dreg:$0x0] =	wrdreg $0x60  }
0xae: {  	[dreg:$0x2] =	wrdreg s24  }
0xaf: {  	[dreg:$0x3] =	wrdreg $0x84000  }
0xb0: {  	[dreg:$0x4] =	wrdreg $0x9  }
0xb1: {  	_ =	task.clear_ibuf [dreg:s6], $0x5FFFF;
	_ =	strace $0x9000004F  }
0xb2: {  	s29 =	simm.s32 $0x9;
	_ =	strace $0x80000051  }
0xb3: {  	_ =	swait.ge [sflag:s29], $0x1  }
0xb4: {  	[sflag:s29] =	ssyncadd.s32 $0xFFFFFFFF  }
0xb5: {  	_ =	strace $0x90000051  }
0xb6: {  	_ =	sfence  }
0xb7: {  	s30 =	sld [smem:$0x0];
	_ =	sdelay $0x2  }
0xb8: {  	s31 =	sshll.u32 s1, $0xD;
	s1 =	sshrl.u32 s1, $0x2  }
0xb9: {  	s3 =	sand.u32 $0x4000, s31;
	s1 =	sadd.s32 s1, s30  }
0xba: {  	s0 =	sor.u32 s3, s0;
	s1 =	sshll.u32 s1, $0x11  }
0xbb: {  	s0 =	sor.u32 s1, s0  }
0xbc: {  	s0 =	sadd.s32 $0x8F2B, s0  }
0xbd: {  	[sflag:s0] =	ssyncadd.remote.s32 $0x1  }
0xbe: {  	_ =	sfence.sel $0xFFFF  }
0xbf: {  	[dreg:$0x0] =	wrdreg $0xFFFFFFFF;
	(pc) =	sbr.abs _section_cstart, $3  }
0xc0: {  	[dreg:$0x1] =	wrdreg $0xFFFFFFFF  }
0xc1: {  	_ =	task.clear_ibuf [dreg:s6], $0x2FFFF;
	_ =	strace $0x9FFFFFFF  }
0xc2: {  	(tm) =	ssettm $0x7FFFFFFF  }
0xc3: {  	_ =	shalt  }
tec
execute0_lowered:
.L_overlay_start_1:
0x0: {  	(tag) =	ssettag $0x1  }
0x1: {  	s0 =	rddreg [dreg:$0x0]  }
0x2: {  	s2 =	rddreg [dreg:$0x1];
	s1 =	srdreg.scid  }
0x3: {  	s12 =	stileid.u32;
	s3 =	simm.s32 $0x0;
	s28 =	simm.s32 $0x8  }
0x4: {  	s29 =	simm.s32 $0x4400;
	s30 =	simm.s32 $0x1;
	s5 =	smul.u32 $0x2800, s12  }
0x5: {  	s31 =	simm.s32 $0x180;
	s1 =	sand.u32 $0x1, s1;
	s8 =	smul.u32 $0x50000, s12  }
0x6: {  	[smem:$0x7FF] =	sst s3;
	s7 =	sadd.s32 $0x5DC00, s0;
	s11 =	smul.u32 $0x5000, s12  }
0x7: {  	s9 =	sadd.s32 $0x3C00, s0;
	s4 =	sadd.s32 $0xC1C00, s0;
	s20 =	smul.u32 $0xA00, s12  }
0x8: {  	s12 =	simm.s32 $0x0;
	s6 =	smul.u32 $0x28000, s1;
	_ =	strace $0x80000050  }
0x9: {  	s10 =	ssub.s32 $0x2, s1;
	s1 =	smul.u32 $0x50000, s1;
	s24 =	sshrl.u32 s8, $0x2  }
0xa: {  	s25 =	sshrl.u32 s10, $0x1;
	s16 =	sshrl.u32 s11, $0x3;
	s6 =	sadd.s32 s5, s6  }
0xb: {  	s13 =	sadd.s32 s24, s2;
	s26 =	ssub.s32 s10, s25;
	s1 =	sadd.s32 s11, s1  }
0xc: {  	s0 =	sadd.s32 s6, s0;
	s5 =	sadd.s32 $0x4000, s13;
	s8 =	sadd.s32 $0x8000, s13  }
0xd: {  	s10 =	sadd.s32 $0xC000, s13;
	s14 =	sadd.s32 $0x10000, s13;
	[dreg:$0x7] =	wrdreg s13  }
0xe: {  	s15 =	sshrl.u32 s1, $0x3;
	s18 =	sor.u32 $0x200, s1;
	[dreg:$0x8] =	wrdreg s5  }
0xf: {  	s21 =	sor.u32 $0x180, s1;
	s23 =	sor.u32 $0x100, s1;
	[dreg:$0x9] =	wrdreg s8  }
0x10: {  	s1 =	sor.u32 $0x280, s1;
	s26 =	smax.u32 s26, $0x1;
	[dreg:$0xa] =	wrdreg s10  }
0x11: {  	s6 =	simm.s32 $0x9;
	[dreg:$0xb] =	wrdreg s14;
	s17 =	sadd.s32 s7, s15  }
0x12: {  	s10 =	sadd.s32 s9, s16;
	s8 =	sshrl.u32 s18, $0x3;
	s22 =	sshrl.u32 s21, $0x3  }
0x13: {  	s11 =	sshrl.u32 s23, $0x3;
	s1 =	sshrl.u32 s1, $0x3;
	[dreg:$0x11] =	wrdreg s26  }
0x14: {  	s0 =	sadd.s32 $0xDC00, s0;
	s16 =	sadd.s32 s20, s9;
	[dreg:$0xc] =	wrdreg s17  }
0x15: {  	s18 =	simm.s32 $0xB;
	s23 =	simm.s32 $0x280;
	[dreg:$0xd] =	wrdreg s10  }
0x16: {  	s26 =	simm.s32 $0x4;
	s5 =	sadd.s32 $0x10, s17;
	[dreg:$0x10] =	wrdreg s0  }
0x17: {  	s9 =	simm.s32 $0xA;
	s19 =	sadd.s32 $0x10, s10;
	[dreg:$0xe] =	wrdreg s5  }
0x18: {  	s8 =	sadd.s32 s8, s7;
	s24 =	sadd.s32 s11, s7;
	[dreg:$0xf] =	wrdreg s19  }
0x19: {  	s25 =	sadd.s32 s1, s7;
	s17 =	simm.s32 $0x400;
	[dreg:$0x3] =	wrdreg s8  }
0x1a: {  	s0 =	simm.s32 $0x380;
	s1 =	simm.s32 $0x5;
	[dreg:$0x5] =	wrdreg s24  }
0x1b: {  	s8 =	sadd.s32 s22, s7;
	[dreg:$0x6] =	wrdreg s25;
	s19 =	simm.s32 $0x200  }
0x1c: {  	s22 =	simm.s32 $0x80;
	s24 =	simm.s32 $0x100;
	s25 =	simm.s32 $0x300  }
0x1d: {  	v0 =	vimm.f32 $0.0e+00;
	s7 =	simm.s32 $0x2;
	[dreg:$0x4] =	wrdreg s8;
	s8 =	simm.s32 $0x6  }
.LBB2_1:
0x1e: {  	s10 =	simm.s32 $0x0;
	s11 =	simm.s32 $0x200  }
.LBB2_2:
0x1f: {  	p0 =	sne.s32 s11, $0xFE00;
	[tilespmem:s10+$0x470] =	vst v0  }
0x20: {  	[tilespmem:s10+$0x400] =	vst v0  }
0x21: {  	[tilespmem:s10+$0x410] =	vst v0  }
.Ltmp0:
0x22: {  	[tilespmem:s10+$0x420] =	vst v0;
	(pc) =	sbr.rel @p0 .LBB2_2-.Ltmp0, $4  }
0x23: {  	[tilespmem:s10+$0x430] =	vst v0  }
0x24: {  	[tilespmem:s10+$0x440] =	vst v0  }
0x25: {  	[tilespmem:s10+$0x450] =	vst v0  }
0x26: {  	[tilespmem:s10+$0x460] =	vst v0;
	s10 =	sshra.s32 s11, $0x2;
	s11 =	sadd.s32 $0x200, s11  }
0x27: {  	[tilespmem:s10+$0x470] =	vst v0  }
0x28: {  	[tilespmem:s10+$0x400] =	vst v0  }
0x29: {  	[tilespmem:s10+$0x410] =	vst v0  }
0x2a: {  	[tilespmem:s10+$0x420] =	vst v0  }
0x2b: {  	[tilespmem:s10+$0x430] =	vst v0  }
0x2c: {  	[tilespmem:s10+$0x440] =	vst v0  }
0x2d: {  	[tilespmem:s10+$0x450] =	vst v0  }
0x2e: {  	[tilespmem:s10+$0x460] =	vst v0  }
0x2f: {  	[spmem:s13] =	stream.linear.scatter [tilespmem:s17], [sflag:$0xB], $0x4000, $0x38;
	[tilespmem:$0x1C400] =	vst v63  }
0x30: {  	_ =	swait.ge [sflag:s18], $0x4000  }
0x31: {  	[sflag:s18] =	ssyncset.done $0x0  }
0x32: {  	s5 =	rddreg [dreg:$0x8];
	[sflag:s18] =	ssyncadd.s32 $0xFFFFC000  }
0x33: {  	[spmem:s5] =	stream.linear.scatter [tilespmem:s17], [sflag:$0xB], $0x4000, $0x38;
	[tilespmem:$0x1C400] =	vst v63  }
0x34: {  	_ =	swait.ge [sflag:s18], $0x4000  }
0x35: {  	[sflag:s18] =	ssyncset.done $0x0  }
0x36: {  	s11 =	rddreg [dreg:$0x9];
	[sflag:s18] =	ssyncadd.s32 $0xFFFFC000  }
0x37: {  	[spmem:s11] =	stream.linear.scatter [tilespmem:s17], [sflag:$0xB], $0x4000, $0x38;
	[tilespmem:$0x1C400] =	vst v63  }
0x38: {  	_ =	swait.ge [sflag:s18], $0x4000  }
0x39: {  	[sflag:s18] =	ssyncset.done $0x0  }
0x3a: {  	s13 =	rddreg [dreg:$0xa];
	[sflag:s18] =	ssyncadd.s32 $0xFFFFC000  }
0x3b: {  	[spmem:s13] =	stream.linear.scatter [tilespmem:s17], [sflag:$0xB], $0x4000, $0x38;
	[tilespmem:$0x1C400] =	vst v63  }
0x3c: {  	_ =	swait.ge [sflag:s18], $0x4000  }
0x3d: {  	[sflag:s18] =	ssyncset.done $0x0  }
0x3e: {  	s14 =	rddreg [dreg:$0xb];
	[sflag:s18] =	ssyncadd.s32 $0xFFFFC000  }
0x3f: {  	[spmem:s14] =	stream.linear.scatter [tilespmem:s17], [sflag:$0xB], $0x4000, $0x38;
	[tilespmem:$0x1C400] =	vst v63  }
0x40: {  	_ =	swait.ge [sflag:s18], $0x4000  }
0x41: {  	[sflag:s18] =	ssyncset.done $0x0  }
0x42: {  	[sflag:s18] =	ssyncadd.s32 $0xFFFFC000  }
0x43: {  	[bflag:$0x0] =	sbarrier.arrive $0xFFFF  }
0x44: {  	s10 =	simm.s32 $0x0;
	s15 =	rddreg [dreg:$0xc]  }
0x45: {  	[tilespmem:s10], [sflag:$0x3] =	stream.linear.gather [hbm4b:s15+s10], $0x80, $0x38;
	[tilespmem:$0x1C400] =	vst v63  }
0x46: {  	s21 =	simm.s32 $0x3;
	s20 =	rddreg [dreg:$0xd]  }
0x47: {  	[tilespmem:s19], [sflag:$0x7] =	stream.linear.gather [hbm4b:s20+s10], $0x80, $0x38;
	[tilespmem:$0x1C400] =	vst v63  }
0x48: {  	_ =	swait.ge [sflag:s21], $0x80  }
0x49: {  	[sflag:s21] =	ssyncset.done $0x0  }
0x4a: {  	s11 =	simm.s32 $0x7;
	[sflag:s21] =	ssyncadd.s32 $0xFFFFFF80  }
0x4b: {  	_ =	swait.ge [sflag:s11], $0x80  }
0x4c: {  	[sflag:s11] =	ssyncset.done $0x0  }
0x4d: {  	s13 =	rddreg [dreg:$0xe];
	[sflag:s11] =	ssyncadd.s32 $0xFFFFFF80  }
0x4e: {  	[tilespmem:s17], [sflag:$0x1] =	stream.indirect.gather [hbm4b:s4+s22], $0x80, s10, s22, $0xb8;
	[tilespmem:$0x1C400] =	vst v63  }
0x4f: {  	s14 =	rddreg [dreg:$0xf]  }
0x50: {  	[tilespmem:s22], [sflag:$0x4] =	stream.linear.gather [hbm4b:s13+s10], $0x80, $0x38;
	[tilespmem:$0x1C400] =	vst v63  }
0x51: {  	s11 =	rddreg [dreg:$0x5]  }
0x52: {  	[tilespmem:s23], [sflag:$0x8] =	stream.linear.gather [hbm4b:s14+s10], $0x80, $0x38;
	[tilespmem:$0x1C400] =	vst v63  }
0x53: {  	s15 =	sadd.s32 $0x0, s16;
	s11 =	sadd.s32 $0x0, s11  }
0x54: {  	[tilespmem:s24], [sflag:$0x5] =	stream.linear.gather [hbm4b:s11+s3], $0x80, $0x38;
	[tilespmem:$0x1C400] =	vst v63  }
0x55: {  	s20 =	sadd.s32 $0x20, s15  }
0x56: {  	[tilespmem:s25], [sflag:$0x9] =	stream.linear.gather [hbm4b:s20+s3], $0x80, $0x38;
	[tilespmem:$0x1C400] =	vst v63  }
0x57: {  	_ =	swait.ge [sflag:s26], $0x80  }
0x58: {  	[sflag:s26] =	ssyncset.done $0x0  }
0x59: {  	[sflag:s26] =	ssyncadd.s32 $0xFFFFFF80  }
0x5a: {  	_ =	swait.ge [sflag:s28], $0x80  }
0x5b: {  	[sflag:s28] =	ssyncset.done $0x0  }
0x5c: {  	[sflag:s28] =	ssyncadd.s32 $0xFFFFFF80  }
0x5d: {  	[tilespmem:s29], [sflag:$0x2] =	stream.indirect.gather [hbm4b:s4+s22], $0x80, s22, s22, $0xb8;
	[tilespmem:$0x1C400] =	vst v63  }
0x5e: {  	_ =	swait.ge [sflag:s30], $0x4000  }
0x5f: {  	[sflag:s30] =	ssyncset.done $0x0  }
0x60: {  	[sflag:s30] =	ssyncadd.s32 $0xFFFFC000  }
0x61: {  	[spmem:s2] =	stream.indirect.scatter.add.f32 [tilespmem:s17], [sflag:$0xB], $0x80, s19, s22, $0xb8;
	[tilespmem:$0x1C400] =	vst v63  }
0x62: {  	_ =	swait.ge [sflag:s18], $0x4000  }
0x63: {  	s21 =	rddreg [dreg:$0x4];
	[sflag:s18] =	ssyncset.done $0x0  }
0x64: {  	[sflag:s18] =	ssyncadd.s32 $0xFFFFC000;
	s11 =	sadd.s32 $0x0, s21  }
0x65: {  	[tilespmem:s31], [sflag:$0x6] =	stream.linear.gather [hbm4b:s11+s3], $0x80, $0x38;
	[tilespmem:$0x1C400] =	vst v63  }
0x66: {  	s10 =	sadd.s32 $0x30, s15  }
0x67: {  	[tilespmem:s0], [sflag:$0xA] =	stream.linear.gather [hbm4b:s10+s3], $0x80, $0x38;
	[tilespmem:$0x1C400] =	vst v63  }
0x68: {  	_ =	swait.ge [sflag:s1], $0x80  }
0x69: {  	[sflag:s1] =	ssyncset.done $0x0  }
0x6a: {  	[sflag:s1] =	ssyncadd.s32 $0xFFFFFF80  }
0x6b: {  	_ =	swait.ge [sflag:s6], $0x80  }
0x6c: {  	[sflag:s6] =	ssyncset.done $0x0  }
0x6d: {  	[sflag:s6] =	ssyncadd.s32 $0xFFFFFF80  }
0x6e: {  	[tilespmem:s17], [sflag:$0x1] =	stream.indirect.gather [hbm4b:s4+s22], $0x80, s24, s22, $0xb8;
	[tilespmem:$0x1C400] =	vst v63  }
0x6f: {  	_ =	swait.ge [sflag:s7], $0x4000  }
0x70: {  	[sflag:s7] =	ssyncset.done $0x0  }
0x71: {  	[sflag:s7] =	ssyncadd.s32 $0xFFFFC000  }
0x72: {  	[spmem:s2] =	stream.indirect.scatter.add.f32 [tilespmem:s29], [sflag:$0xB], $0x80, s23, s22, $0xb8;
	[tilespmem:$0x1C400] =	vst v63  }
0x73: {  	p0 =	por $0x0, $0x0;
	_ =	swait.ge [sflag:s18], $0x4000  }
0x74: {  	s13 =	sadd.s32 @!p0 $0x0, s16;
	s10 =	rddreg [dreg:$0x3];
	[sflag:s18] =	ssyncset.done $0x0  }
0x75: {  	s11 =	simm.s32 @!p0 $0x0;
	[sflag:s18] =	ssyncadd.s32 $0xFFFFC000;
	s10 =	sadd.s32 @!p0 $0x0, s10  }
0x76: {  	[tilespmem:s11], [sflag:$0x3] =	stream.linear.gather @!p0 [hbm4b:s10+s11], $0x80, $0x38;
	[tilespmem:$0x1C400] =	vst v63  }
0x77: {  	s14 =	simm.s32 @!p0 $0x200;
	s10 =	sadd.s32 @!p0 $0x40, s13  }
0x78: {  	[tilespmem:s14], [sflag:$0x7] =	stream.linear.gather @!p0 [hbm4b:s10+s11], $0x80, $0x38;
	[tilespmem:$0x1C400] =	vst v63  }
0x79: {  	_ =	swait.ge [sflag:s8], $0x80  }
0x7a: {  	[sflag:s8] =	ssyncset.done $0x0  }
0x7b: {  	[sflag:s8] =	ssyncadd.s32 $0xFFFFFF80  }
0x7c: {  	_ =	swait.ge [sflag:s9], $0x80  }
0x7d: {  	[sflag:s9] =	ssyncset.done $0x0  }
0x7e: {  	[sflag:s9] =	ssyncadd.s32 $0xFFFFFF80  }
0x7f: {  	[tilespmem:s29], [sflag:$0x2] =	stream.indirect.gather [hbm4b:s4+s22], $0x80, s31, s22, $0xb8;
	[tilespmem:$0x1C400] =	vst v63  }
0x80: {  	_ =	swait.ge [sflag:s30], $0x4000  }
0x81: {  	[sflag:s30] =	ssyncset.done $0x0  }
0x82: {  	[sflag:s30] =	ssyncadd.s32 $0xFFFFC000  }
0x83: {  	[spmem:s2] =	stream.indirect.scatter.add.f32 [tilespmem:s17], [sflag:$0xB], $0x80, s25, s22, $0xb8;
	[tilespmem:$0x1C400] =	vst v63  }
0x84: {  	_ =	swait.ge [sflag:s18], $0x4000  }
0x85: {  	s10 =	rddreg [dreg:$0x6];
	[sflag:s18] =	ssyncset.done $0x0  }
0x86: {  	s14 =	simm.s32 @!p0 $0x80;
	[sflag:s18] =	ssyncadd.s32 $0xFFFFC000;
	s10 =	sadd.s32 @!p0 $0x0, s10  }
0x87: {  	[tilespmem:s14], [sflag:$0x4] =	stream.linear.gather @!p0 [hbm4b:s10+s11], $0x80, $0x38;
	[tilespmem:$0x1C400] =	vst v63  }
0x88: {  	s10 =	sadd.s32 @!p0 $0x50, s13;
	s13 =	simm.s32 @!p0 $0x280  }
0x89: {  	[tilespmem:s13], [sflag:$0x8] =	stream.linear.gather @!p0 [hbm4b:s10+s11], $0x80, $0x38;
	[tilespmem:$0x1C400] =	vst v63  }
0x8a: {  	s10 =	simm.s32 @!p0 $0x3  }
0x8b: {  	_ =	swait.ge @!p0 [sflag:s10], $0x80  }
0x8c: {  	[sflag:s10] =	ssyncset.done @!p0 $0x0  }
0x8d: {  	[sflag:s10] =	ssyncadd.s32 @!p0 $0xFFFFFF80;
	s10 =	simm.s32 @!p0 $0x7  }
0x8e: {  	_ =	swait.ge @!p0 [sflag:s10], $0x80  }
0x8f: {  	[sflag:s10] =	ssyncset.done @!p0 $0x0  }
0x90: {  	[sflag:s10] =	ssyncadd.s32 @!p0 $0xFFFFFF80;
	s10 =	simm.s32 @!p0 $0x400  }
0x91: {  	[tilespmem:s10], [sflag:$0x1] =	stream.indirect.gather @!p0 [hbm4b:s4+s14], $0x80, s11, s14, $0xb8;
	[tilespmem:$0x1C400] =	vst v63  }
0x92: {  	_ =	swait.ge [sflag:s7], $0x4000  }
0x93: {  	[sflag:s7] =	ssyncset.done $0x0  }
0x94: {  	[sflag:s7] =	ssyncadd.s32 $0xFFFFC000  }
0x95: {  	[spmem:s2] =	stream.indirect.scatter.add.f32 [tilespmem:s29], [sflag:$0xB], $0x80, s0, s22, $0xb8;
	[tilespmem:$0x1C400] =	vst v63  }
0x96: {  	s13 =	simm.s32 $0x40;
	s10 =	simm.s32 $0x80;
	_ =	swait.ge [sflag:s18], $0x4000  }
.LBB2_4:
0x97: {  	s14 =	rddreg [dreg:$0x5];
	[sflag:s18] =	ssyncset.done $0x0  }
0x98: {  	s15 =	sadd.s32 s13, s16;
	[sflag:s18] =	ssyncadd.s32 $0xFFFFC000;
	s14 =	sadd.s32 s13, s14  }
0x99: {  	[tilespmem:s24], [sflag:$0x5] =	stream.linear.gather [hbm4b:s14+s3], $0x80, $0x38;
	[tilespmem:$0x1C400] =	vst v63  }
0x9a: {  	s5 =	sadd.s32 $0x20, s15  }
0x9b: {  	[tilespmem:s25], [sflag:$0x9] =	stream.linear.gather [hbm4b:s5+s3], $0x80, $0x38;
	[tilespmem:$0x1C400] =	vst v63  }
0x9c: {  	_ =	swait.ge [sflag:s26], $0x80  }
0x9d: {  	[sflag:s26] =	ssyncset.done $0x0  }
0x9e: {  	[sflag:s26] =	ssyncadd.s32 $0xFFFFFF80  }
0x9f: {  	_ =	swait.ge [sflag:s28], $0x80  }
0xa0: {  	[sflag:s28] =	ssyncset.done $0x0  }
0xa1: {  	[sflag:s28] =	ssyncadd.s32 $0xFFFFFF80  }
0xa2: {  	[tilespmem:s29], [sflag:$0x2] =	stream.indirect.gather [hbm4b:s4+s22], $0x80, s22, s22, $0xb8;
	[tilespmem:$0x1C400] =	vst v63  }
0xa3: {  	_ =	swait.ge [sflag:s30], $0x4000  }
0xa4: {  	[sflag:s30] =	ssyncset.done $0x0  }
0xa5: {  	[sflag:s30] =	ssyncadd.s32 $0xFFFFC000  }
0xa6: {  	[spmem:s2] =	stream.indirect.scatter.add.f32 [tilespmem:s17], [sflag:$0xB], $0x80, s19, s22, $0xb8;
	[tilespmem:$0x1C400] =	vst v63  }
0xa7: {  	_ =	swait.ge [sflag:s18], $0x4000  }
0xa8: {  	s20 =	rddreg [dreg:$0x4];
	[sflag:s18] =	ssyncset.done $0x0  }
0xa9: {  	[sflag:s18] =	ssyncadd.s32 $0xFFFFC000;
	s14 =	sadd.s32 s13, s20  }
0xaa: {  	[tilespmem:s31], [sflag:$0x6] =	stream.linear.gather [hbm4b:s14+s3], $0x80, $0x38;
	[tilespmem:$0x1C400] =	vst v63  }
0xab: {  	s21 =	sadd.s32 $0x30, s15  }
0xac: {  	[tilespmem:s0], [sflag:$0xA] =	stream.linear.gather [hbm4b:s21+s3], $0x80, $0x38;
	[tilespmem:$0x1C400] =	vst v63  }
0xad: {  	_ =	swait.ge [sflag:s1], $0x80  }
0xae: {  	[sflag:s1] =	ssyncset.done $0x0  }
0xaf: {  	[sflag:s1] =	ssyncadd.s32 $0xFFFFFF80  }
0xb0: {  	_ =	swait.ge [sflag:s6], $0x80  }
0xb1: {  	[sflag:s6] =	ssyncset.done $0x0  }
0xb2: {  	[sflag:s6] =	ssyncadd.s32 $0xFFFFFF80  }
0xb3: {  	[tilespmem:s17], [sflag:$0x1] =	stream.indirect.gather [hbm4b:s4+s22], $0x80, s24, s22, $0xb8;
	[tilespmem:$0x1C400] =	vst v63  }
0xb4: {  	_ =	swait.ge [sflag:s7], $0x4000  }
0xb5: {  	[sflag:s7] =	ssyncset.done $0x0  }
0xb6: {  	[sflag:s7] =	ssyncadd.s32 $0xFFFFC000  }
0xb7: {  	[spmem:s2] =	stream.indirect.scatter.add.f32 [tilespmem:s29], [sflag:$0xB], $0x80, s23, s22, $0xb8;
	[tilespmem:$0x1C400] =	vst v63  }
0xb8: {  	p1 =	seq.s32 s13, $0x9C0;
	_ =	swait.ge [sflag:s18], $0x4000  }
0xb9: {  	s20 =	sadd.s32 @!p1 s13, s16;
	s15 =	rddreg [dreg:$0x3];
	[sflag:s18] =	ssyncset.done $0x0  }
0xba: {  	s14 =	simm.s32 @!p1 $0x0;
	[sflag:s18] =	ssyncadd.s32 $0xFFFFC000;
	s15 =	sadd.s32 @!p1 s13, s15  }
0xbb: {  	[tilespmem:s14], [sflag:$0x3] =	stream.linear.gather @!p1 [hbm4b:s15+s14], $0x80, $0x38;
	[tilespmem:$0x1C400] =	vst v63  }
0xbc: {  	s5 =	simm.s32 @!p1 $0x200;
	s21 =	sadd.s32 @!p1 $0x40, s20  }
0xbd: {  	[tilespmem:s5], [sflag:$0x7] =	stream.linear.gather @!p1 [hbm4b:s21+s14], $0x80, $0x38;
	[tilespmem:$0x1C400] =	vst v63  }
0xbe: {  	_ =	swait.ge [sflag:s8], $0x80  }
0xbf: {  	[sflag:s8] =	ssyncset.done $0x0  }
0xc0: {  	[sflag:s8] =	ssyncadd.s32 $0xFFFFFF80  }
0xc1: {  	_ =	swait.ge [sflag:s9], $0x80  }
0xc2: {  	[sflag:s9] =	ssyncset.done $0x0  }
0xc3: {  	[sflag:s9] =	ssyncadd.s32 $0xFFFFFF80  }
0xc4: {  	[tilespmem:s29], [sflag:$0x2] =	stream.indirect.gather [hbm4b:s4+s22], $0x80, s31, s22, $0xb8;
	[tilespmem:$0x1C400] =	vst v63  }
0xc5: {  	_ =	swait.ge [sflag:s30], $0x4000  }
0xc6: {  	[sflag:s30] =	ssyncset.done $0x0  }
0xc7: {  	[sflag:s30] =	ssyncadd.s32 $0xFFFFC000  }
0xc8: {  	[spmem:s2] =	stream.indirect.scatter.add.f32 [tilespmem:s17], [sflag:$0xB], $0x80, s25, s22, $0xb8;
	[tilespmem:$0x1C400] =	vst v63  }
0xc9: {  	_ =	swait.ge [sflag:s18], $0x4000  }
0xca: {  	s15 =	sadd.s32 @!p1 $0x50, s20;
	s5 =	rddreg [dreg:$0x6];
	[sflag:s18] =	ssyncset.done $0x0  }
0xcb: {  	s20 =	simm.s32 @!p1 $0x80;
	[sflag:s18] =	ssyncadd.s32 $0xFFFFC000;
	s5 =	sadd.s32 @!p1 s13, s5  }
0xcc: {  	[tilespmem:s20], [sflag:$0x4] =	stream.linear.gather @!p1 [hbm4b:s5+s14], $0x80, $0x38;
	[tilespmem:$0x1C400] =	vst v63  }
0xcd: {  	s21 =	simm.s32 @!p1 $0x280;
	s5 =	simm.s32 @!p1 $0x3  }
0xce: {  	[tilespmem:s21], [sflag:$0x8] =	stream.linear.gather @!p1 [hbm4b:s15+s14], $0x80, $0x38;
	[tilespmem:$0x1C400] =	vst v63  }
0xcf: {  	_ =	swait.ge @!p1 [sflag:s5], $0x80  }
0xd0: {  	s11 =	smov.u32 s10;
	[sflag:s5] =	ssyncset.done @!p1 $0x0  }
0xd1: {  	s13 =	smov.u32 s11;
	s11 =	simm.s32 @!p1 $0x7;
	[sflag:s5] =	ssyncadd.s32 @!p1 $0xFFFFFF80  }
0xd2: {  	_ =	swait.ge @!p1 [sflag:s11], $0x80  }
0xd3: {  	s10 =	sadd.s32 $0x40, s10;
	[sflag:s11] =	ssyncset.done @!p1 $0x0  }
0xd4: {  	p0 =	sne.s32 s10, $0xA00;
	s5 =	simm.s32 @!p1 $0x400;
	[sflag:s11] =	ssyncadd.s32 @!p1 $0xFFFFFF80  }
0xd5: {  	[tilespmem:s5], [sflag:$0x1] =	stream.indirect.gather @!p1 [hbm4b:s4+s20], $0x80, s14, s20, $0xb8;
	[tilespmem:$0x1C400] =	vst v63  }
.Ltmp1:
0xd6: {  	_ =	swait.ge [sflag:s7], $0x4000;
	(pc) =	sbr.rel @p0 .LBB2_4-.Ltmp1, $4  }
0xd7: {  	[sflag:s7] =	ssyncset.done $0x0  }
0xd8: {  	[sflag:s7] =	ssyncadd.s32 $0xFFFFC000  }
0xd9: {  	[spmem:s2] =	stream.indirect.scatter.add.f32 [tilespmem:s29], [sflag:$0xB], $0x80, s0, s22, $0xb8;
	[tilespmem:$0x1C400] =	vst v63  }
0xda: {  	_ =	swait.ge [sflag:s18], $0x4000  }
0xdb: {  	s5 =	rddreg [dreg:$0x5];
	[sflag:s18] =	ssyncset.done $0x0  }
0xdc: {  	s10 =	sadd.s32 s13, s16;
	[sflag:s18] =	ssyncadd.s32 $0xFFFFC000;
	s5 =	sadd.s32 s13, s5  }
0xdd: {  	[tilespmem:s24], [sflag:$0x5] =	stream.linear.gather [hbm4b:s5+s3], $0x80, $0x38;
	[tilespmem:$0x1C400] =	vst v63  }
0xde: {  	s20 =	sadd.s32 $0x20, s10  }
0xdf: {  	[tilespmem:s25], [sflag:$0x9] =	stream.linear.gather [hbm4b:s20+s3], $0x80, $0x38;
	[tilespmem:$0x1C400] =	vst v63  }
0xe0: {  	_ =	swait.ge [sflag:s26], $0x80  }
0xe1: {  	[sflag:s26] =	ssyncset.done $0x0  }
0xe2: {  	[sflag:s26] =	ssyncadd.s32 $0xFFFFFF80  }
0xe3: {  	_ =	swait.ge [sflag:s28], $0x80  }
0xe4: {  	[sflag:s28] =	ssyncset.done $0x0  }
0xe5: {  	[sflag:s28] =	ssyncadd.s32 $0xFFFFFF80  }
0xe6: {  	[tilespmem:s29], [sflag:$0x2] =	stream.indirect.gather [hbm4b:s4+s22], $0x80, s22, s22, $0xb8;
	[tilespmem:$0x1C400] =	vst v63  }
0xe7: {  	_ =	swait.ge [sflag:s30], $0x4000  }
0xe8: {  	[sflag:s30] =	ssyncset.done $0x0  }
0xe9: {  	[sflag:s30] =	ssyncadd.s32 $0xFFFFC000  }
0xea: {  	[spmem:s2] =	stream.indirect.scatter.add.f32 [tilespmem:s17], [sflag:$0xB], $0x80, s19, s22, $0xb8;
	[tilespmem:$0x1C400] =	vst v63  }
0xeb: {  	_ =	swait.ge [sflag:s18], $0x4000  }
0xec: {  	s21 =	rddreg [dreg:$0x4];
	[sflag:s18] =	ssyncset.done $0x0  }
0xed: {  	[sflag:s18] =	ssyncadd.s32 $0xFFFFC000;
	s5 =	sadd.s32 s13, s21  }
0xee: {  	[tilespmem:s31], [sflag:$0x6] =	stream.linear.gather [hbm4b:s5+s3], $0x80, $0x38;
	[tilespmem:$0x1C400] =	vst v63  }
0xef: {  	s11 =	sadd.s32 $0x30, s10  }
0xf0: {  	[tilespmem:s0], [sflag:$0xA] =	stream.linear.gather [hbm4b:s11+s3], $0x80, $0x38;
	[tilespmem:$0x1C400] =	vst v63  }
0xf1: {  	_ =	swait.ge [sflag:s1], $0x80  }
0xf2: {  	[sflag:s1] =	ssyncset.done $0x0  }
0xf3: {  	[sflag:s1] =	ssyncadd.s32 $0xFFFFFF80  }
0xf4: {  	_ =	swait.ge [sflag:s6], $0x80  }
0xf5: {  	[sflag:s6] =	ssyncset.done $0x0  }
0xf6: {  	[sflag:s6] =	ssyncadd.s32 $0xFFFFFF80  }
0xf7: {  	[tilespmem:s17], [sflag:$0x1] =	stream.indirect.gather [hbm4b:s4+s22], $0x80, s24, s22, $0xb8;
	[tilespmem:$0x1C400] =	vst v63  }
0xf8: {  	_ =	swait.ge [sflag:s7], $0x4000  }
0xf9: {  	[sflag:s7] =	ssyncset.done $0x0  }
0xfa: {  	[sflag:s7] =	ssyncadd.s32 $0xFFFFC000  }
0xfb: {  	[spmem:s2] =	stream.indirect.scatter.add.f32 [tilespmem:s29], [sflag:$0xB], $0x80, s23, s22, $0xb8;
	[tilespmem:$0x1C400] =	vst v63  }
0xfc: {  	p0 =	seq.s32 s13, $0x9C0;
	_ =	swait.ge [sflag:s18], $0x4000  }
0xfd: {  	s10 =	simm.s32 @!p0 $0x0;
	s5 =	rddreg [dreg:$0x3];
	[sflag:s18] =	ssyncset.done $0x0  }
0xfe: {  	s11 =	sadd.s32 @!p0 s13, s16;
	[sflag:s18] =	ssyncadd.s32 $0xFFFFC000;
	s5 =	sadd.s32 @!p0 s13, s5  }
0xff: {  	[tilespmem:s10], [sflag:$0x3] =	stream.linear.gather @!p0 [hbm4b:s5+s10], $0x80, $0x38;
	[tilespmem:$0x1C400] =	vst v63  }
0x100: {  	s14 =	simm.s32 @!p0 $0x200;
	s5 =	sadd.s32 @!p0 $0x40, s11  }
0x101: {  	[tilespmem:s14], [sflag:$0x7] =	stream.linear.gather @!p0 [hbm4b:s5+s10], $0x80, $0x38;
	[tilespmem:$0x1C400] =	vst v63  }
0x102: {  	_ =	swait.ge [sflag:s8], $0x80  }
0x103: {  	[sflag:s8] =	ssyncset.done $0x0  }
0x104: {  	[sflag:s8] =	ssyncadd.s32 $0xFFFFFF80  }
0x105: {  	_ =	swait.ge [sflag:s9], $0x80  }
0x106: {  	[sflag:s9] =	ssyncset.done $0x0  }
0x107: {  	[sflag:s9] =	ssyncadd.s32 $0xFFFFFF80  }
0x108: {  	[tilespmem:s29], [sflag:$0x2] =	stream.indirect.gather [hbm4b:s4+s22], $0x80, s31, s22, $0xb8;
	[tilespmem:$0x1C400] =	vst v63  }
0x109: {  	_ =	swait.ge [sflag:s30], $0x4000  }
0x10a: {  	[sflag:s30] =	ssyncset.done $0x0  }
0x10b: {  	[sflag:s30] =	ssyncadd.s32 $0xFFFFC000  }
0x10c: {  	[spmem:s2] =	stream.indirect.scatter.add.f32 [tilespmem:s17], [sflag:$0xB], $0x80, s25, s22, $0xb8;
	[tilespmem:$0x1C400] =	vst v63  }
0x10d: {  	_ =	swait.ge [sflag:s18], $0x4000  }
0x10e: {  	s5 =	rddreg [dreg:$0x6];
	[sflag:s18] =	ssyncset.done $0x0  }
0x10f: {  	[sflag:s18] =	ssyncadd.s32 $0xFFFFC000;
	s5 =	sadd.s32 @!p0 s13, s5;
	s13 =	simm.s32 @!p0 $0x80  }
0x110: {  	[tilespmem:s13], [sflag:$0x4] =	stream.linear.gather @!p0 [hbm4b:s5+s10], $0x80, $0x38;
	[tilespmem:$0x1C400] =	vst v63  }
0x111: {  	s5 =	sadd.s32 @!p0 $0x50, s11;
	s11 =	simm.s32 @!p0 $0x280  }
0x112: {  	[tilespmem:s11], [sflag:$0x8] =	stream.linear.gather @!p0 [hbm4b:s5+s10], $0x80, $0x38;
	[tilespmem:$0x1C400] =	vst v63  }
0x113: {  	s5 =	simm.s32 @!p0 $0x3  }
0x114: {  	_ =	swait.ge @!p0 [sflag:s5], $0x80  }
0x115: {  	[sflag:s5] =	ssyncset.done @!p0 $0x0  }
0x116: {  	[sflag:s5] =	ssyncadd.s32 @!p0 $0xFFFFFF80;
	s5 =	simm.s32 @!p0 $0x7  }
0x117: {  	_ =	swait.ge @!p0 [sflag:s5], $0x80  }
0x118: {  	[sflag:s5] =	ssyncset.done @!p0 $0x0  }
0x119: {  	[sflag:s5] =	ssyncadd.s32 @!p0 $0xFFFFFF80;
	s5 =	simm.s32 @!p0 $0x400  }
0x11a: {  	[tilespmem:s5], [sflag:$0x1] =	stream.indirect.gather @!p0 [hbm4b:s4+s13], $0x80, s10, s13, $0xb8;
	[tilespmem:$0x1C400] =	vst v63  }
0x11b: {  	_ =	swait.ge [sflag:s7], $0x4000  }
0x11c: {  	[sflag:s7] =	ssyncset.done $0x0  }
0x11d: {  	[sflag:s7] =	ssyncadd.s32 $0xFFFFC000  }
0x11e: {  	[spmem:s2] =	stream.indirect.scatter.add.f32 [tilespmem:s29], [sflag:$0xB], $0x80, s0, s22, $0xb8;
	[tilespmem:$0x1C400] =	vst v63  }
0x11f: {  	_ =	swait.ge [sflag:s18], $0x4000  }
0x120: {  	[sflag:s18] =	ssyncset.done $0x0  }
0x121: {  	[sflag:s18] =	ssyncadd.s32 $0xFFFFC000  }
0x122: {  	s14 =	stileid.u32;
	[bflag:$0x0] =	sbarrier.arrive $0xFFFF  }
0x123: {  	s5 =	sshll.u32 s14, $0x6;
	s13 =	rddreg [dreg:$0x7]  }
0x124: {  	s5 =	sor.u32 $0x1C0B, s5;
	s20 =	rddreg [dreg:$0x10];
	s15 =	sshrl.u32 s13, $0x3  }
0x125: {  	[hbm:s20], [sflag:s5] =	dma.local [spmem:s15], $0x2800  }
0x126: {  	_ =	swait.ge [sflag:s18], $0x2800  }
0x127: {  	s12 =	sadd.s32 $0x1, s12;
	s21 =	rddreg [dreg:$0x11]  }
0x128: {  	p0 =	sne.s32 s12, s21  }
.Ltmp2:
0x129: {  	_ = 	snop;
	(pc) =	sbr.rel @p0 .LBB2_1-.Ltmp2, $3  }
0x12a: {  	_ =	sdelay $0x1  }
0x12b: {  	[sflag:s18] =	ssyncset.done $0x0  }
0x12c: {  	[sflag:s18] =	ssyncadd.s32 $0xFFFFD800  }
0x12d: {  	_ =	sfence.sel $0x180000  }
0x12e: {  	[bflag:$0x0] =	sbarrier.arrive $0xFFFF  }
0x12f: {  	_ =	strace $0x90000050  }
0x130: {  	s0 =	stileid.u32;
	[bflag:$0x2] =	sbarrier.arrive $0xFFFF  }
0x131: {  	p0 =	sne.s32 s0, $0x0;
	s0 =	rddreg [dreg:$0x2]  }
0x132: {  	s0 =	sadd.s32 @!p0 $0x100000, s0  }
0x133: {  	[sflag:s0] =	ssyncadd.tile.s32 @!p0 $0x1;
	_ =	shalt  }
.Lfunc_end2:
_tile_overlayer_lowered:
.L_overlay_start_2:
0x134: {  	(tag) =	ssettag $0x2  }
0x135: {  	s0 =	rddreg [dreg:$0x0];
	s2 =	stileid.u32  }
0x136: {  	s1 =	rddreg [dreg:$0x1];
	p0 =	sne.s32 s2, $0x0  }
0x137: {  	s3 =	rddreg [dreg:$0x2];
	[bflag:$0x3] =	sbarrier.arrive $0xFFFF;
	s2 =	simm.s32 @!p0 $0x1C0B  }
0x138: {  	[timem:s3], [sflag:s2] =	dma.local @!p0 [hbm:s0], s1  }
0x139: {  	s0 =	simm.s32 @!p0 $0xB  }
0x13a: {  	_ =	swait.ge @!p0 [sflag:s0], s1  }
0x13b: {  	s1 =	ssub.s32 @!p0 $0x0, s1;
	[sflag:s0] =	ssyncset.done @!p0 $0x0  }
0x13c: {  	[sflag:s0] =	ssyncadd.s32 @!p0 s1  }
0x13d: {  	[bflag:$0x3] =	sbarrier.arrive $0xFFFF  }
0x13e: {  	_ =	shalt  }

</sc_bundles>
